<compile_context>
chip_gen: v7x
topology: tpu7x:2x2x1
jax: 0.10.2.dev20260603
libtpu: 0.0.44.dev20260713+nightly
codegen_flags: <defaults>
</compile_context>

<pallas_src>
import functools

import jax
import jax.numpy as jnp
from jax import lax
from jax.experimental import pallas as pl
from jax.experimental.pallas import tpu as pltpu
from jax.experimental.pallas import tpu_sc as plsc

_MAXP = 15000
_D = 64
_T = 200
_BATCH = 16384
_B = _BATCH * _T

_info = plsc.get_sparse_core_info()
_NC, _NS = _info.num_cores, _info.num_subcores
_NW = _NC * _NS
_CB = 256
_UPW = _T * 2

_OUT_ELEMS = _B * _D

_mesh = plsc.VectorSubcoreMesh(core_axis_name="c", subcore_axis_name="s")


@functools.partial(
    pl.kernel,
    mesh=_mesh,
    out_type=jax.ShapeDtypeStruct((_OUT_ELEMS,), jnp.float32),
    scratch_types=(
        [pltpu.VMEM((_CB,), jnp.int32) for _ in range(2)]
        + [pltpu.VMEM((_CB, _D), jnp.float32) for _ in range(2)]
        + [pltpu.VMEM((_CB * _D,), jnp.float32) for _ in range(2)]
        + [pltpu.SemaphoreType.DMA for _ in range(6)]
    ),
    compiler_params=pltpu.CompilerParams(
        use_tc_tiling_on_sc=False, needs_layout_passes=False
    ),
)
def _sc_gather(ids_t_hbm, table_hbm, out_hbm, *scratch):
    idx_v = scratch[0:2]
    g_v = scratch[2:4]
    tr_v = scratch[4:6]
    sem_i = scratch[6:8]
    sem_g = scratch[8:10]
    sem_st = scratch[10:12]

    wid = lax.axis_index("s") * _NC + lax.axis_index("c")
    b0 = wid * (2 * _CB)
    bB0 = wid * 4

    iota16 = lax.iota(jnp.int32, 16)

    def unit_t(u):
        return lax.shift_right_logical(u, 1)

    def unit_b(u):
        return b0 + (u & 1) * _CB

    def unit_bB(u):
        return bB0 + (u & 1) * 2

    def start_idx(u, p):
        pltpu.async_copy(
            ids_t_hbm.at[unit_t(u), pl.ds(unit_b(u), _CB)], idx_v[p], sem_i[p]
        )

    def wait_idx(p):
        pltpu.make_async_copy(
            ids_t_hbm.at[0, pl.ds(0, _CB)], idx_v[p], sem_i[p]
        ).wait()

    def start_gather(p):
        pltpu.async_copy(table_hbm.at[idx_v[p]], g_v[p], sem_g[p])

    def wait_gather(p):
        pltpu.make_async_copy(table_hbm.at[idx_v[p]], g_v[p], sem_g[p]).wait()

    def start_store(u, p):
        base = unit_t(u) * 1048576 + unit_bB(u) * 1024
        for dblk in range(8):
            pltpu.async_copy(
                tr_v[p].at[pl.ds(dblk * 2048, 2048)],
                out_hbm.at[pl.ds(base + dblk * 131072, 2048)],
                sem_st[p],
            )

    def wait_store(p):
        for _ in range(8):
            pltpu.make_async_copy(
                tr_v[p].at[pl.ds(0, 2048)],
                out_hbm.at[pl.ds(0, 2048)],
                sem_st[p],
            ).wait()

    def transpose(p):
        g = g_v[p]
        tr = tr_v[p]

        def s_body(s, carry):
            tvec = (iota16 + s) & 15
            trvec = (
                lax.shift_left(lax.shift_right_logical(tvec, 3), 11)
                + lax.shift_left(tvec & 7, 7)
                + iota16
            )
            cols = [tvec + 16 * cc for cc in range(4)]
            for jj2 in range(8):
                vals, addrs = [], []
                for i in range(2):
                    jj = jj2 * 2 + i
                    row = iota16 + jj * 16
                    for cc in range(4):
                        dstoff = (
                            4096 * cc + (jj // 8) * 1024 + ((jj * 16) & 127)
                        )
                        vals.append(plsc.load_gather(g, [row, cols[cc]]))
                        addrs.append(trvec + dstoff)
                for val, addr in zip(vals, addrs):
                    plsc.store_scatter(tr, [addr], val)
            return carry

        lax.fori_loop(0, 16, s_body, 0)

    start_idx(0, 0)
    wait_idx(0)
    start_gather(0)
    start_idx(1, 1)

    def unit_steps(u, p, q, *, prefetch=True, store_wait=True):
        wait_idx(p)
        if store_wait:
            wait_store(p)
        start_gather(p)
        wait_gather(q)
        if prefetch:
            start_idx(u + 1, q)
        transpose(q)
        start_store(u - 1, q)

    unit_steps(1, 1, 0, store_wait=False)

    def round_body(r, carry):
        u = 2 * r
        unit_steps(u, 0, 1)
        unit_steps(u + 1, 1, 0)
        return carry

    lax.fori_loop(1, _UPW // 2 - 1, round_body, 0)

    unit_steps(398, 0, 1)
    unit_steps(399, 1, 0, prefetch=False)

    wait_gather(1)
    transpose(1)
    start_store(399, 1)
    wait_store(0)
    wait_store(1)


def kernel(position_ids, pe):
    ids_t = position_ids.T
    out_flat = _sc_gather(ids_t, pe)
    out_phys = out_flat.reshape(_T, 8, _BATCH // 128, 8, 128)
    return out_phys.transpose((2, 4, 0, 1, 3)).reshape(_BATCH, _T, _D)

# --- scband reference (transcript-rebuilt; emitter-appended) ---
"""Pipeline reference for scband-position-embedding-6751688589511 (READ-ONLY COPY).

The authoritative reference and input builder live on the scoring server;
editing this copy changes nothing except your own understanding.
"""

import jax, jax.numpy as jnp
import numpy as np

MAX_POSITION = 15000
HIDDEN_DIM = 64
BATCH = 16384
HIST = 200


def _sin_cos_table():
    position = jnp.arange(MAX_POSITION, dtype=jnp.float32)[:, None]
    div_term = jnp.exp(jnp.arange(0, HIDDEN_DIM, 2, dtype=jnp.float32) * (-np.log(10000.0) / HIDDEN_DIM))
    gain = 2.0 / (HIDDEN_DIM + 4.0 * HIDDEN_DIM)
    pe = jnp.zeros((MAX_POSITION, HIDDEN_DIM), dtype=jnp.float32)
    pe = pe.at[:, 0::2].set(jnp.sin(position * div_term) * gain)
    pe = pe.at[:, 1::2].set(jnp.cos(position * div_term) * gain)
    return pe


def setup_inputs(seed: int = 0) -> dict:
    key = jax.random.key(seed)
    position_ids = jax.random.randint(key, (BATCH, HIST), 0, MAX_POSITION, dtype=jnp.int32)
    pe = _sin_cos_table()
    return {"position_ids": position_ids, "pe": pe}


def reference(position_ids, pe):
    # forward: clamp_max(max_position - 1) then embedding gather
    ids = jnp.minimum(position_ids, MAX_POSITION - 1)
    return jnp.take(pe, ids, axis=0)

if __name__ == "__main__":
    import jax
    _d = setup_inputs()
    print(jax.jit(kernel)(*tuple(_d.values())))

</pallas_src>

<mosaic_0001>
#map = affine_map<(d0, d1) -> (0, 0)>
#map1 = affine_map<(d0, d1) -> (0)>
module attributes {stable_mosaic.version = 14 : i64} {
  func.func @_sc_gather(%arg0: i32, %arg1: i32, %arg2: memref<200x16384xi32, #tpu.memory_space<hbm>>, %arg3: memref<15000x64xf32, #tpu.memory_space<hbm>>, %arg4: memref<209715200xf32, #tpu.memory_space<hbm>>, %arg5: memref<256xi32, #tpu.memory_space<vmem>>, %arg6: memref<256xi32, #tpu.memory_space<vmem>>, %arg7: memref<256x64xf32, #tpu.memory_space<vmem>>, %arg8: memref<256x64xf32, #tpu.memory_space<vmem>>, %arg9: memref<16384xf32, #tpu.memory_space<vmem>>, %arg10: memref<16384xf32, #tpu.memory_space<vmem>>, %arg11: memref<!tpu.dma_semaphore, #tpu.memory_space<semaphore_mem>>, %arg12: memref<!tpu.dma_semaphore, #tpu.memory_space<semaphore_mem>>, %arg13: memref<!tpu.dma_semaphore, #tpu.memory_space<semaphore_mem>>, %arg14: memref<!tpu.dma_semaphore, #tpu.memory_space<semaphore_mem>>, %arg15: memref<!tpu.dma_semaphore, #tpu.memory_space<semaphore_mem>>, %arg16: memref<!tpu.dma_semaphore, #tpu.memory_space<semaphore_mem>>) attributes {dimension_semantics = [#tpu.dimension_semantics<core_parallel>, #tpu.dimension_semantics<subcore_parallel>], iteration_bounds = array<i64: 2, 16>, scalar_prefetch = 0 : i64, scratch_operands = 12 : i64, tpu.core_type = #tpu.core_type<sc_vector_subcore>, window_params = [{transform_indices = #map}, {transform_indices = #map}, {transform_indices = #map1}]} {
    %mul3A = arith.constant 2 : i32
    %mul3A_0 = arith.muli %arg1, %mul3A : i32
    %add3A = arith.addi %mul3A_0, %arg0 : i32
    %mul3A_1 = arith.constant 512 : i32
    %mul3A_2 = arith.muli %add3A, %mul3A_1 : i32
    %mul3A_3 = arith.constant 4 : i32
    %mul3A_4 = arith.muli %add3A, %mul3A_3 : i32
    %iota3A = tpu.iota {dimensions = array<i32: 0>} : vector<16xi32>
    %shift_right_logical3A = arith.constant 0 : i32
    %shift_right_logical3A_5 = arith.constant 1 : i32
    %shift_right_logical3A_6 = arith.shrui %shift_right_logical3A, %shift_right_logical3A_5 : i32
    %add3A_7 = arith.constant 0 : i32
    %add3A_8 = arith.addi %mul3A_2, %add3A_7 : i32
    %dma_start3A = tpu.memref_slice %arg2[%shift_right_logical3A_6, %add3A_8] : memref<200x16384xi32, #tpu.memory_space<hbm>> -> memref<1x256xi32, #tpu.memory_space<hbm>>
    %dma_start3A_9 = tpu.memref_squeeze %dma_start3A : memref<1x256xi32, #tpu.memory_space<hbm>> -> memref<256xi32, #tpu.memory_space<hbm>>
    %dma_start3A_10 = tpu.memref_slice %arg2[%shift_right_logical3A_6, %add3A_8] : memref<200x16384xi32, #tpu.memory_space<hbm>> -> memref<1x256xi32, #tpu.memory_space<hbm>>
    %dma_start3A_11 = tpu.memref_squeeze %dma_start3A_10 : memref<1x256xi32, #tpu.memory_space<hbm>> -> memref<256xi32, #tpu.memory_space<hbm>>
    tpu.enqueue_dma source(%dma_start3A_11 : memref<256xi32, #tpu.memory_space<hbm>>) target(%arg5 : memref<256xi32, #tpu.memory_space<vmem>>) target_semaphore(%arg11 : memref<!tpu.dma_semaphore, #tpu.memory_space<semaphore_mem>>)
    %dma_wait3A = arith.constant 0 : i32
    %dma_wait3A_12 = arith.constant 0 : i32
    %dma_wait3A_13 = tpu.memref_slice %arg2[%dma_wait3A, %dma_wait3A_12] : memref<200x16384xi32, #tpu.memory_space<hbm>> -> memref<1x256xi32, #tpu.memory_space<hbm>>
    %dma_wait3A_14 = tpu.memref_squeeze %dma_wait3A_13 : memref<1x256xi32, #tpu.memory_space<hbm>> -> memref<256xi32, #tpu.memory_space<hbm>>
    %dma_wait3A_15 = arith.constant 0 : i32
    %dma_wait3A_16 = tpu.memref_slice %arg2[%dma_wait3A, %dma_wait3A_15] : memref<200x16384xi32, #tpu.memory_space<hbm>> -> memref<1x256xi32, #tpu.memory_space<hbm>>
    %dma_wait3A_17 = tpu.memref_squeeze %dma_wait3A_16 : memref<1x256xi32, #tpu.memory_space<hbm>> -> memref<256xi32, #tpu.memory_space<hbm>>
    tpu.wait_dma2 semaphore(%arg11 : memref<!tpu.dma_semaphore, #tpu.memory_space<semaphore_mem>>) src(%dma_wait3A_17 : memref<256xi32, #tpu.memory_space<hbm>>) dst(%arg5 : memref<256xi32, #tpu.memory_space<vmem>>)
    %dma_start3A_18 = arith.constant 0 : i32
    %dma_start3A_19 = arith.constant 0 : i32
    %dma_start3A_20 = tpu.memref_slice %arg3[%dma_start3A_18, %dma_start3A_19] : memref<15000x64xf32, #tpu.memory_space<hbm>> -> memref<15000x64xf32, #tpu.memory_space<hbm>>
    tpu.enqueue_indirect_dma source(%dma_start3A_20 : memref<15000x64xf32, #tpu.memory_space<hbm>>) target(%arg7 : memref<256x64xf32, #tpu.memory_space<vmem>>) offsets(%arg5 : memref<256xi32, #tpu.memory_space<vmem>>) semaphore(%arg13 : memref<!tpu.dma_semaphore, #tpu.memory_space<semaphore_mem>>)
    %shift_right_logical3A_21 = arith.constant 1 : i32
    %shift_right_logical3A_22 = arith.constant 1 : i32
    %shift_right_logical3A_23 = arith.shrui %shift_right_logical3A_21, %shift_right_logical3A_22 : i32
    %add3A_24 = arith.constant 256 : i32
    %add3A_25 = arith.addi %mul3A_2, %add3A_24 : i32
    %dma_start3A_26 = tpu.memref_slice %arg2[%shift_right_logical3A_23, %add3A_25] : memref<200x16384xi32, #tpu.memory_space<hbm>> -> memref<1x256xi32, #tpu.memory_space<hbm>>
    %dma_start3A_27 = tpu.memref_squeeze %dma_start3A_26 : memref<1x256xi32, #tpu.memory_space<hbm>> -> memref<256xi32, #tpu.memory_space<hbm>>
    %dma_start3A_28 = tpu.memref_slice %arg2[%shift_right_logical3A_23, %add3A_25] : memref<200x16384xi32, #tpu.memory_space<hbm>> -> memref<1x256xi32, #tpu.memory_space<hbm>>
    %dma_start3A_29 = tpu.memref_squeeze %dma_start3A_28 : memref<1x256xi32, #tpu.memory_space<hbm>> -> memref<256xi32, #tpu.memory_space<hbm>>
    tpu.enqueue_dma source(%dma_start3A_29 : memref<256xi32, #tpu.memory_space<hbm>>) target(%arg6 : memref<256xi32, #tpu.memory_space<vmem>>) target_semaphore(%arg12 : memref<!tpu.dma_semaphore, #tpu.memory_space<semaphore_mem>>)
    %dma_wait3A_30 = arith.constant 0 : i32
    %dma_wait3A_31 = arith.constant 0 : i32
    %dma_wait3A_32 = tpu.memref_slice %arg2[%dma_wait3A_30, %dma_wait3A_31] : memref<200x16384xi32, #tpu.memory_space<hbm>> -> memref<1x256xi32, #tpu.memory_space<hbm>>
    %dma_wait3A_33 = tpu.memref_squeeze %dma_wait3A_32 : memref<1x256xi32, #tpu.memory_space<hbm>> -> memref<256xi32, #tpu.memory_space<hbm>>
    %dma_wait3A_34 = arith.constant 0 : i32
    %dma_wait3A_35 = tpu.memref_slice %arg2[%dma_wait3A_30, %dma_wait3A_34] : memref<200x16384xi32, #tpu.memory_space<hbm>> -> memref<1x256xi32, #tpu.memory_space<hbm>>
    %dma_wait3A_36 = tpu.memref_squeeze %dma_wait3A_35 : memref<1x256xi32, #tpu.memory_space<hbm>> -> memref<256xi32, #tpu.memory_space<hbm>>
    tpu.wait_dma2 semaphore(%arg12 : memref<!tpu.dma_semaphore, #tpu.memory_space<semaphore_mem>>) src(%dma_wait3A_36 : memref<256xi32, #tpu.memory_space<hbm>>) dst(%arg6 : memref<256xi32, #tpu.memory_space<vmem>>)
    %dma_start3A_37 = arith.constant 0 : i32
    %dma_start3A_38 = arith.constant 0 : i32
    %dma_start3A_39 = tpu.memref_slice %arg3[%dma_start3A_37, %dma_start3A_38] : memref<15000x64xf32, #tpu.memory_space<hbm>> -> memref<15000x64xf32, #tpu.memory_space<hbm>>
    tpu.enqueue_indirect_dma source(%dma_start3A_39 : memref<15000x64xf32, #tpu.memory_space<hbm>>) target(%arg8 : memref<256x64xf32, #tpu.memory_space<vmem>>) offsets(%arg6 : memref<256xi32, #tpu.memory_space<vmem>>) semaphore(%arg14 : memref<!tpu.dma_semaphore, #tpu.memory_space<semaphore_mem>>)
    %dma_wait3A_40 = arith.constant 0 : i32
    %dma_wait3A_41 = arith.constant 0 : i32
    %dma_wait3A_42 = tpu.memref_slice %arg3[%dma_wait3A_40, %dma_wait3A_41] : memref<15000x64xf32, #tpu.memory_space<hbm>> -> memref<15000x64xf32, #tpu.memory_space<hbm>>
    tpu.wait_indirect_dma semaphore(%arg13 : memref<!tpu.dma_semaphore, #tpu.memory_space<semaphore_mem>>) src(%dma_wait3A_42 : memref<15000x64xf32, #tpu.memory_space<hbm>>) dst(%arg7 : memref<256x64xf32, #tpu.memory_space<vmem>>)
    %shift_right_logical3A_43 = arith.constant 2 : i32
    %shift_right_logical3A_44 = arith.constant 1 : i32
    %shift_right_logical3A_45 = arith.shrui %shift_right_logical3A_43, %shift_right_logical3A_44 : i32
    %add3A_46 = arith.constant 0 : i32
    %add3A_47 = arith.addi %mul3A_2, %add3A_46 : i32
    %dma_start3A_48 = tpu.memref_slice %arg2[%shift_right_logical3A_45, %add3A_47] : memref<200x16384xi32, #tpu.memory_space<hbm>> -> memref<1x256xi32, #tpu.memory_space<hbm>>
    %dma_start3A_49 = tpu.memref_squeeze %dma_start3A_48 : memref<1x256xi32, #tpu.memory_space<hbm>> -> memref<256xi32, #tpu.memory_space<hbm>>
    %dma_start3A_50 = tpu.memref_slice %arg2[%shift_right_logical3A_45, %add3A_47] : memref<200x16384xi32, #tpu.memory_space<hbm>> -> memref<1x256xi32, #tpu.memory_space<hbm>>
    %dma_start3A_51 = tpu.memref_squeeze %dma_start3A_50 : memref<1x256xi32, #tpu.memory_space<hbm>> -> memref<256xi32, #tpu.memory_space<hbm>>
    tpu.enqueue_dma source(%dma_start3A_51 : memref<256xi32, #tpu.memory_space<hbm>>) target(%arg5 : memref<256xi32, #tpu.memory_space<vmem>>) target_semaphore(%arg11 : memref<!tpu.dma_semaphore, #tpu.memory_space<semaphore_mem>>)
    %scan3A = arith.constant 0 : i32
    %scan3A_52 = arith.constant 0 : i32
    %scan3A_53 = arith.constant 16 : i32
    %scan3A_54 = arith.addi %scan3A_52, %scan3A_53 : i32
    %scan3A_55 = arith.constant 1 : i32
    scf.for %scan3A_671 = %scan3A_52 to %scan3A_54 step %scan3A_55  : i32 {
      %add3A_672 = vector.broadcast %scan3A_671 : i32 to vector<16xi32>
      %add3A_673 = arith.addi %iota3A, %add3A_672 : vector<16xi32>
      %and3A = arith.constant 15 : i32
      %and3A_674 = vector.broadcast %and3A : i32 to vector<16xi32>
      %and3A_675 = arith.andi %add3A_673, %and3A_674 : vector<16xi32>
      %shift_right_logical3A_676 = arith.constant 3 : i32
      %shift_right_logical3A_677 = vector.broadcast %shift_right_logical3A_676 : i32 to vector<16xi32>
      %shift_right_logical3A_678 = arith.shrui %and3A_675, %shift_right_logical3A_677 : vector<16xi32>
      %shift_left3A = arith.constant 11 : i32
      %shift_left3A_679 = vector.broadcast %shift_left3A : i32 to vector<16xi32>
      %shift_left3A_680 = arith.shli %shift_right_logical3A_678, %shift_left3A_679 : vector<16xi32>
      %and3A_681 = arith.constant 7 : i32
      %and3A_682 = vector.broadcast %and3A_681 : i32 to vector<16xi32>
      %and3A_683 = arith.andi %and3A_675, %and3A_682 : vector<16xi32>
      %shift_left3A_684 = arith.constant 7 : i32
      %shift_left3A_685 = vector.broadcast %shift_left3A_684 : i32 to vector<16xi32>
      %shift_left3A_686 = arith.shli %and3A_683, %shift_left3A_685 : vector<16xi32>
      %add3A_687 = arith.addi %shift_left3A_680, %shift_left3A_686 : vector<16xi32>
      %add3A_688 = arith.addi %add3A_687, %iota3A : vector<16xi32>
      %add3A_689 = arith.constant 0 : i32
      %add3A_690 = vector.broadcast %add3A_689 : i32 to vector<16xi32>
      %add3A_691 = arith.addi %and3A_675, %add3A_690 : vector<16xi32>
      %add3A_692 = arith.constant 16 : i32
      %add3A_693 = vector.broadcast %add3A_692 : i32 to vector<16xi32>
      %add3A_694 = arith.addi %and3A_675, %add3A_693 : vector<16xi32>
      %add3A_695 = arith.constant 32 : i32
      %add3A_696 = vector.broadcast %add3A_695 : i32 to vector<16xi32>
      %add3A_697 = arith.addi %and3A_675, %add3A_696 : vector<16xi32>
      %add3A_698 = arith.constant 48 : i32
      %add3A_699 = vector.broadcast %add3A_698 : i32 to vector<16xi32>
      %add3A_700 = arith.addi %and3A_675, %add3A_699 : vector<16xi32>
      %add3A_701 = arith.constant 0 : i32
      %add3A_702 = vector.broadcast %add3A_701 : i32 to vector<16xi32>
      %add3A_703 = arith.addi %iota3A, %add3A_702 : vector<16xi32>
      %gather3A = tpu.vector_load_idx %arg7[%add3A_703, %add3A_691] : memref<256x64xf32, #tpu.memory_space<vmem>>[vector<16xi32>, vector<16xi32>], vector<16xf32>,
      %add3A_704 = arith.constant 0 : i32
      %add3A_705 = vector.broadcast %add3A_704 : i32 to vector<16xi32>
      %add3A_706 = arith.addi %add3A_688, %add3A_705 : vector<16xi32>
      %gather3A_707 = tpu.vector_load_idx %arg7[%add3A_703, %add3A_694] : memref<256x64xf32, #tpu.memory_space<vmem>>[vector<16xi32>, vector<16xi32>], vector<16xf32>,
      %add3A_708 = arith.constant 4096 : i32
      %add3A_709 = vector.broadcast %add3A_708 : i32 to vector<16xi32>
      %add3A_710 = arith.addi %add3A_688, %add3A_709 : vector<16xi32>
      %gather3A_711 = tpu.vector_load_idx %arg7[%add3A_703, %add3A_697] : memref<256x64xf32, #tpu.memory_space<vmem>>[vector<16xi32>, vector<16xi32>], vector<16xf32>,
      %add3A_712 = arith.constant 8192 : i32
      %add3A_713 = vector.broadcast %add3A_712 : i32 to vector<16xi32>
      %add3A_714 = arith.addi %add3A_688, %add3A_713 : vector<16xi32>
      %gather3A_715 = tpu.vector_load_idx %arg7[%add3A_703, %add3A_700] : memref<256x64xf32, #tpu.memory_space<vmem>>[vector<16xi32>, vector<16xi32>], vector<16xf32>,
      %add3A_716 = arith.constant 12288 : i32
      %add3A_717 = vector.broadcast %add3A_716 : i32 to vector<16xi32>
      %add3A_718 = arith.addi %add3A_688, %add3A_717 : vector<16xi32>
      %add3A_719 = arith.constant 16 : i32
      %add3A_720 = vector.broadcast %add3A_719 : i32 to vector<16xi32>
      %add3A_721 = arith.addi %iota3A, %add3A_720 : vector<16xi32>
      %gather3A_722 = tpu.vector_load_idx %arg7[%add3A_721, %add3A_691] : memref<256x64xf32, #tpu.memory_space<vmem>>[vector<16xi32>, vector<16xi32>], vector<16xf32>,
      %add3A_723 = arith.constant 16 : i32
      %add3A_724 = vector.broadcast %add3A_723 : i32 to vector<16xi32>
      %add3A_725 = arith.addi %add3A_688, %add3A_724 : vector<16xi32>
      %gather3A_726 = tpu.vector_load_idx %arg7[%add3A_721, %add3A_694] : memref<256x64xf32, #tpu.memory_space<vmem>>[vector<16xi32>, vector<16xi32>], vector<16xf32>,
      %add3A_727 = arith.constant 4112 : i32
      %add3A_728 = vector.broadcast %add3A_727 : i32 to vector<16xi32>
      %add3A_729 = arith.addi %add3A_688, %add3A_728 : vector<16xi32>
      %gather3A_730 = tpu.vector_load_idx %arg7[%add3A_721, %add3A_697] : memref<256x64xf32, #tpu.memory_space<vmem>>[vector<16xi32>, vector<16xi32>], vector<16xf32>,
      %add3A_731 = arith.constant 8208 : i32
      %add3A_732 = vector.broadcast %add3A_731 : i32 to vector<16xi32>
      %add3A_733 = arith.addi %add3A_688, %add3A_732 : vector<16xi32>
      %gather3A_734 = tpu.vector_load_idx %arg7[%add3A_721, %add3A_700] : memref<256x64xf32, #tpu.memory_space<vmem>>[vector<16xi32>, vector<16xi32>], vector<16xf32>,
      %add3A_735 = arith.constant 12304 : i32
      %add3A_736 = vector.broadcast %add3A_735 : i32 to vector<16xi32>
      %add3A_737 = arith.addi %add3A_688, %add3A_736 : vector<16xi32>
      tpu.vector_store_idx %arg9[%add3A_706], %gather3A : memref<16384xf32, #tpu.memory_space<vmem>>[vector<16xi32>], vector<16xf32>,
      tpu.vector_store_idx %arg9[%add3A_710], %gather3A_707 : memref<16384xf32, #tpu.memory_space<vmem>>[vector<16xi32>], vector<16xf32>,
      tpu.vector_store_idx %arg9[%add3A_714], %gather3A_711 : memref<16384xf32, #tpu.memory_space<vmem>>[vector<16xi32>], vector<16xf32>,
      tpu.vector_store_idx %arg9[%add3A_718], %gather3A_715 : memref<16384xf32, #tpu.memory_space<vmem>>[vector<16xi32>], vector<16xf32>,
      tpu.vector_store_idx %arg9[%add3A_725], %gather3A_722 : memref<16384xf32, #tpu.memory_space<vmem>>[vector<16xi32>], vector<16xf32>,
      tpu.vector_store_idx %arg9[%add3A_729], %gather3A_726 : memref<16384xf32, #tpu.memory_space<vmem>>[vector<16xi32>], vector<16xf32>,
      tpu.vector_store_idx %arg9[%add3A_733], %gather3A_730 : memref<16384xf32, #tpu.memory_space<vmem>>[vector<16xi32>], vector<16xf32>,
      tpu.vector_store_idx %arg9[%add3A_737], %gather3A_734 : memref<16384xf32, #tpu.memory_space<vmem>>[vector<16xi32>], vector<16xf32>,
      %add3A_738 = arith.constant 32 : i32
      %add3A_739 = vector.broadcast %add3A_738 : i32 to vector<16xi32>
      %add3A_740 = arith.addi %iota3A, %add3A_739 : vector<16xi32>
      %gather3A_741 = tpu.vector_load_idx %arg7[%add3A_740, %add3A_691] : memref<256x64xf32, #tpu.memory_space<vmem>>[vector<16xi32>, vector<16xi32>], vector<16xf32>,
      %add3A_742 = arith.constant 32 : i32
      %add3A_743 = vector.broadcast %add3A_742 : i32 to vector<16xi32>
      %add3A_744 = arith.addi %add3A_688, %add3A_743 : vector<16xi32>
      %gather3A_745 = tpu.vector_load_idx %arg7[%add3A_740, %add3A_694] : memref<256x64xf32, #tpu.memory_space<vmem>>[vector<16xi32>, vector<16xi32>], vector<16xf32>,
      %add3A_746 = arith.constant 4128 : i32
      %add3A_747 = vector.broadcast %add3A_746 : i32 to vector<16xi32>
      %add3A_748 = arith.addi %add3A_688, %add3A_747 : vector<16xi32>
      %gather3A_749 = tpu.vector_load_idx %arg7[%add3A_740, %add3A_697] : memref<256x64xf32, #tpu.memory_space<vmem>>[vector<16xi32>, vector<16xi32>], vector<16xf32>,
      %add3A_750 = arith.constant 8224 : i32
      %add3A_751 = vector.broadcast %add3A_750 : i32 to vector<16xi32>
      %add3A_752 = arith.addi %add3A_688, %add3A_751 : vector<16xi32>
      %gather3A_753 = tpu.vector_load_idx %arg7[%add3A_740, %add3A_700] : memref<256x64xf32, #tpu.memory_space<vmem>>[vector<16xi32>, vector<16xi32>], vector<16xf32>,
      %add3A_754 = arith.constant 12320 : i32
      %add3A_755 = vector.broadcast %add3A_754 : i32 to vector<16xi32>
      %add3A_756 = arith.addi %add3A_688, %add3A_755 : vector<16xi32>
      %add3A_757 = arith.constant 48 : i32
      %add3A_758 = vector.broadcast %add3A_757 : i32 to vector<16xi32>
      %add3A_759 = arith.addi %iota3A, %add3A_758 : vector<16xi32>
      %gather3A_760 = tpu.vector_load_idx %arg7[%add3A_759, %add3A_691] : memref<256x64xf32, #tpu.memory_space<vmem>>[vector<16xi32>, vector<16xi32>], vector<16xf32>,
      %add3A_761 = arith.constant 48 : i32
      %add3A_762 = vector.broadcast %add3A_761 : i32 to vector<16xi32>
      %add3A_763 = arith.addi %add3A_688, %add3A_762 : vector<16xi32>
      %gather3A_764 = tpu.vector_load_idx %arg7[%add3A_759, %add3A_694] : memref<256x64xf32, #tpu.memory_space<vmem>>[vector<16xi32>, vector<16xi32>], vector<16xf32>,
      %add3A_765 = arith.constant 4144 : i32
      %add3A_766 = vector.broadcast %add3A_765 : i32 to vector<16xi32>
      %add3A_767 = arith.addi %add3A_688, %add3A_766 : vector<16xi32>
      %gather3A_768 = tpu.vector_load_idx %arg7[%add3A_759, %add3A_697] : memref<256x64xf32, #tpu.memory_space<vmem>>[vector<16xi32>, vector<16xi32>], vector<16xf32>,
      %add3A_769 = arith.constant 8240 : i32
      %add3A_770 = vector.broadcast %add3A_769 : i32 to vector<16xi32>
      %add3A_771 = arith.addi %add3A_688, %add3A_770 : vector<16xi32>
      %gather3A_772 = tpu.vector_load_idx %arg7[%add3A_759, %add3A_700] : memref<256x64xf32, #tpu.memory_space<vmem>>[vector<16xi32>, vector<16xi32>], vector<16xf32>,
      %add3A_773 = arith.constant 12336 : i32
      %add3A_774 = vector.broadcast %add3A_773 : i32 to vector<16xi32>
      %add3A_775 = arith.addi %add3A_688, %add3A_774 : vector<16xi32>
      tpu.vector_store_idx %arg9[%add3A_744], %gather3A_741 : memref<16384xf32, #tpu.memory_space<vmem>>[vector<16xi32>], vector<16xf32>,
      tpu.vector_store_idx %arg9[%add3A_748], %gather3A_745 : memref<16384xf32, #tpu.memory_space<vmem>>[vector<16xi32>], vector<16xf32>,
      tpu.vector_store_idx %arg9[%add3A_752], %gather3A_749 : memref<16384xf32, #tpu.memory_space<vmem>>[vector<16xi32>], vector<16xf32>,
      tpu.vector_store_idx %arg9[%add3A_756], %gather3A_753 : memref<16384xf32, #tpu.memory_space<vmem>>[vector<16xi32>], vector<16xf32>,
      tpu.vector_store_idx %arg9[%add3A_763], %gather3A_760 : memref<16384xf32, #tpu.memory_space<vmem>>[vector<16xi32>], vector<16xf32>,
      tpu.vector_store_idx %arg9[%add3A_767], %gather3A_764 : memref<16384xf32, #tpu.memory_space<vmem>>[vector<16xi32>], vector<16xf32>,
      tpu.vector_store_idx %arg9[%add3A_771], %gather3A_768 : memref<16384xf32, #tpu.memory_space<vmem>>[vector<16xi32>], vector<16xf32>,
      tpu.vector_store_idx %arg9[%add3A_775], %gather3A_772 : memref<16384xf32, #tpu.memory_space<vmem>>[vector<16xi32>], vector<16xf32>,
      %add3A_776 = arith.constant 64 : i32
      %add3A_777 = vector.broadcast %add3A_776 : i32 to vector<16xi32>
      %add3A_778 = arith.addi %iota3A, %add3A_777 : vector<16xi32>
      %gather3A_779 = tpu.vector_load_idx %arg7[%add3A_778, %add3A_691] : memref<256x64xf32, #tpu.memory_space<vmem>>[vector<16xi32>, vector<16xi32>], vector<16xf32>,
      %add3A_780 = arith.constant 64 : i32
      %add3A_781 = vector.broadcast %add3A_780 : i32 to vector<16xi32>
      %add3A_782 = arith.addi %add3A_688, %add3A_781 : vector<16xi32>
      %gather3A_783 = tpu.vector_load_idx %arg7[%add3A_778, %add3A_694] : memref<256x64xf32, #tpu.memory_space<vmem>>[vector<16xi32>, vector<16xi32>], vector<16xf32>,
      %add3A_784 = arith.constant 4160 : i32
      %add3A_785 = vector.broadcast %add3A_784 : i32 to vector<16xi32>
      %add3A_786 = arith.addi %add3A_688, %add3A_785 : vector<16xi32>
      %gather3A_787 = tpu.vector_load_idx %arg7[%add3A_778, %add3A_697] : memref<256x64xf32, #tpu.memory_space<vmem>>[vector<16xi32>, vector<16xi32>], vector<16xf32>,
      %add3A_788 = arith.constant 8256 : i32
      %add3A_789 = vector.broadcast %add3A_788 : i32 to vector<16xi32>
      %add3A_790 = arith.addi %add3A_688, %add3A_789 : vector<16xi32>
      %gather3A_791 = tpu.vector_load_idx %arg7[%add3A_778, %add3A_700] : memref<256x64xf32, #tpu.memory_space<vmem>>[vector<16xi32>, vector<16xi32>], vector<16xf32>,
      %add3A_792 = arith.constant 12352 : i32
      %add3A_793 = vector.broadcast %add3A_792 : i32 to vector<16xi32>
      %add3A_794 = arith.addi %add3A_688, %add3A_793 : vector<16xi32>
      %add3A_795 = arith.constant 80 : i32
      %add3A_796 = vector.broadcast %add3A_795 : i32 to vector<16xi32>
      %add3A_797 = arith.addi %iota3A, %add3A_796 : vector<16xi32>
      %gather3A_798 = tpu.vector_load_idx %arg7[%add3A_797, %add3A_691] : memref<256x64xf32, #tpu.memory_space<vmem>>[vector<16xi32>, vector<16xi32>], vector<16xf32>,
      %add3A_799 = arith.constant 80 : i32
      %add3A_800 = vector.broadcast %add3A_799 : i32 to vector<16xi32>
      %add3A_801 = arith.addi %add3A_688, %add3A_800 : vector<16xi32>
      %gather3A_802 = tpu.vector_load_idx %arg7[%add3A_797, %add3A_694] : memref<256x64xf32, #tpu.memory_space<vmem>>[vector<16xi32>, vector<16xi32>], vector<16xf32>,
      %add3A_803 = arith.constant 4176 : i32
      %add3A_804 = vector.broadcast %add3A_803 : i32 to vector<16xi32>
      %add3A_805 = arith.addi %add3A_688, %add3A_804 : vector<16xi32>
      %gather3A_806 = tpu.vector_load_idx %arg7[%add3A_797, %add3A_697] : memref<256x64xf32, #tpu.memory_space<vmem>>[vector<16xi32>, vector<16xi32>], vector<16xf32>,
      %add3A_807 = arith.constant 8272 : i32
      %add3A_808 = vector.broadcast %add3A_807 : i32 to vector<16xi32>
      %add3A_809 = arith.addi %add3A_688, %add3A_808 : vector<16xi32>
      %gather3A_810 = tpu.vector_load_idx %arg7[%add3A_797, %add3A_700] : memref<256x64xf32, #tpu.memory_space<vmem>>[vector<16xi32>, vector<16xi32>], vector<16xf32>,
      %add3A_811 = arith.constant 12368 : i32
      %add3A_812 = vector.broadcast %add3A_811 : i32 to vector<16xi32>
      %add3A_813 = arith.addi %add3A_688, %add3A_812 : vector<16xi32>
      tpu.vector_store_idx %arg9[%add3A_782], %gather3A_779 : memref<16384xf32, #tpu.memory_space<vmem>>[vector<16xi32>], vector<16xf32>,
      tpu.vector_store_idx %arg9[%add3A_786], %gather3A_783 : memref<16384xf32, #tpu.memory_space<vmem>>[vector<16xi32>], vector<16xf32>,
      tpu.vector_store_idx %arg9[%add3A_790], %gather3A_787 : memref<16384xf32, #tpu.memory_space<vmem>>[vector<16xi32>], vector<16xf32>,
      tpu.vector_store_idx %arg9[%add3A_794], %gather3A_791 : memref<16384xf32, #tpu.memory_space<vmem>>[vector<16xi32>], vector<16xf32>,
      tpu.vector_store_idx %arg9[%add3A_801], %gather3A_798 : memref<16384xf32, #tpu.memory_space<vmem>>[vector<16xi32>], vector<16xf32>,
      tpu.vector_store_idx %arg9[%add3A_805], %gather3A_802 : memref<16384xf32, #tpu.memory_space<vmem>>[vector<16xi32>], vector<16xf32>,
      tpu.vector_store_idx %arg9[%add3A_809], %gather3A_806 : memref<16384xf32, #tpu.memory_space<vmem>>[vector<16xi32>], vector<16xf32>,
      tpu.vector_store_idx %arg9[%add3A_813], %gather3A_810 : memref<16384xf32, #tpu.memory_space<vmem>>[vector<16xi32>], vector<16xf32>,
      %add3A_814 = arith.constant 96 : i32
      %add3A_815 = vector.broadcast %add3A_814 : i32 to vector<16xi32>
      %add3A_816 = arith.addi %iota3A, %add3A_815 : vector<16xi32>
      %gather3A_817 = tpu.vector_load_idx %arg7[%add3A_816, %add3A_691] : memref<256x64xf32, #tpu.memory_space<vmem>>[vector<16xi32>, vector<16xi32>], vector<16xf32>,
      %add3A_818 = arith.constant 96 : i32
      %add3A_819 = vector.broadcast %add3A_818 : i32 to vector<16xi32>
      %add3A_820 = arith.addi %add3A_688, %add3A_819 : vector<16xi32>
      %gather3A_821 = tpu.vector_load_idx %arg7[%add3A_816, %add3A_694] : memref<256x64xf32, #tpu.memory_space<vmem>>[vector<16xi32>, vector<16xi32>], vector<16xf32>,
      %add3A_822 = arith.constant 4192 : i32
      %add3A_823 = vector.broadcast %add3A_822 : i32 to vector<16xi32>
      %add3A_824 = arith.addi %add3A_688, %add3A_823 : vector<16xi32>
      %gather3A_825 = tpu.vector_load_idx %arg7[%add3A_816, %add3A_697] : memref<256x64xf32, #tpu.memory_space<vmem>>[vector<16xi32>, vector<16xi32>], vector<16xf32>,
      %add3A_826 = arith.constant 8288 : i32
      %add3A_827 = vector.broadcast %add3A_826 : i32 to vector<16xi32>
      %add3A_828 = arith.addi %add3A_688, %add3A_827 : vector<16xi32>
      %gather3A_829 = tpu.vector_load_idx %arg7[%add3A_816, %add3A_700] : memref<256x64xf32, #tpu.memory_space<vmem>>[vector<16xi32>, vector<16xi32>], vector<16xf32>,
      %add3A_830 = arith.constant 12384 : i32
      %add3A_831 = vector.broadcast %add3A_830 : i32 to vector<16xi32>
      %add3A_832 = arith.addi %add3A_688, %add3A_831 : vector<16xi32>
      %add3A_833 = arith.constant 112 : i32
      %add3A_834 = vector.broadcast %add3A_833 : i32 to vector<16xi32>
      %add3A_835 = arith.addi %iota3A, %add3A_834 : vector<16xi32>
      %gather3A_836 = tpu.vector_load_idx %arg7[%add3A_835, %add3A_691] : memref<256x64xf32, #tpu.memory_space<vmem>>[vector<16xi32>, vector<16xi32>], vector<16xf32>,
      %add3A_837 = arith.constant 112 : i32
      %add3A_838 = vector.broadcast %add3A_837 : i32 to vector<16xi32>
      %add3A_839 = arith.addi %add3A_688, %add3A_838 : vector<16xi32>
      %gather3A_840 = tpu.vector_load_idx %arg7[%add3A_835, %add3A_694] : memref<256x64xf32, #tpu.memory_space<vmem>>[vector<16xi32>, vector<16xi32>], vector<16xf32>,
      %add3A_841 = arith.constant 4208 : i32
      %add3A_842 = vector.broadcast %add3A_841 : i32 to vector<16xi32>
      %add3A_843 = arith.addi %add3A_688, %add3A_842 : vector<16xi32>
      %gather3A_844 = tpu.vector_load_idx %arg7[%add3A_835, %add3A_697] : memref<256x64xf32, #tpu.memory_space<vmem>>[vector<16xi32>, vector<16xi32>], vector<16xf32>,
      %add3A_845 = arith.constant 8304 : i32
      %add3A_846 = vector.broadcast %add3A_845 : i32 to vector<16xi32>
      %add3A_847 = arith.addi %add3A_688, %add3A_846 : vector<16xi32>
      %gather3A_848 = tpu.vector_load_idx %arg7[%add3A_835, %add3A_700] : memref<256x64xf32, #tpu.memory_space<vmem>>[vector<16xi32>, vector<16xi32>], vector<16xf32>,
      %add3A_849 = arith.constant 12400 : i32
      %add3A_850 = vector.broadcast %add3A_849 : i32 to vector<16xi32>
      %add3A_851 = arith.addi %add3A_688, %add3A_850 : vector<16xi32>
      tpu.vector_store_idx %arg9[%add3A_820], %gather3A_817 : memref<16384xf32, #tpu.memory_space<vmem>>[vector<16xi32>], vector<16xf32>,
      tpu.vector_store_idx %arg9[%add3A_824], %gather3A_821 : memref<16384xf32, #tpu.memory_space<vmem>>[vector<16xi32>], vector<16xf32>,
      tpu.vector_store_idx %arg9[%add3A_828], %gather3A_825 : memref<16384xf32, #tpu.memory_space<vmem>>[vector<16xi32>], vector<16xf32>,
      tpu.vector_store_idx %arg9[%add3A_832], %gather3A_829 : memref<16384xf32, #tpu.memory_space<vmem>>[vector<16xi32>], vector<16xf32>,
      tpu.vector_store_idx %arg9[%add3A_839], %gather3A_836 : memref<16384xf32, #tpu.memory_space<vmem>>[vector<16xi32>], vector<16xf32>,
      tpu.vector_store_idx %arg9[%add3A_843], %gather3A_840 : memref<16384xf32, #tpu.memory_space<vmem>>[vector<16xi32>], vector<16xf32>,
      tpu.vector_store_idx %arg9[%add3A_847], %gather3A_844 : memref<16384xf32, #tpu.memory_space<vmem>>[vector<16xi32>], vector<16xf32>,
      tpu.vector_store_idx %arg9[%add3A_851], %gather3A_848 : memref<16384xf32, #tpu.memory_space<vmem>>[vector<16xi32>], vector<16xf32>,
      %add3A_852 = arith.constant 128 : i32
      %add3A_853 = vector.broadcast %add3A_852 : i32 to vector<16xi32>
      %add3A_854 = arith.addi %iota3A, %add3A_853 : vector<16xi32>
      %gather3A_855 = tpu.vector_load_idx %arg7[%add3A_854, %add3A_691] : memref<256x64xf32, #tpu.memory_space<vmem>>[vector<16xi32>, vector<16xi32>], vector<16xf32>,
      %add3A_856 = arith.constant 1024 : i32
      %add3A_857 = vector.broadcast %add3A_856 : i32 to vector<16xi32>
      %add3A_858 = arith.addi %add3A_688, %add3A_857 : vector<16xi32>
      %gather3A_859 = tpu.vector_load_idx %arg7[%add3A_854, %add3A_694] : memref<256x64xf32, #tpu.memory_space<vmem>>[vector<16xi32>, vector<16xi32>], vector<16xf32>,
      %add3A_860 = arith.constant 5120 : i32
      %add3A_861 = vector.broadcast %add3A_860 : i32 to vector<16xi32>
      %add3A_862 = arith.addi %add3A_688, %add3A_861 : vector<16xi32>
      %gather3A_863 = tpu.vector_load_idx %arg7[%add3A_854, %add3A_697] : memref<256x64xf32, #tpu.memory_space<vmem>>[vector<16xi32>, vector<16xi32>], vector<16xf32>,
      %add3A_864 = arith.constant 9216 : i32
      %add3A_865 = vector.broadcast %add3A_864 : i32 to vector<16xi32>
      %add3A_866 = arith.addi %add3A_688, %add3A_865 : vector<16xi32>
      %gather3A_867 = tpu.vector_load_idx %arg7[%add3A_854, %add3A_700] : memref<256x64xf32, #tpu.memory_space<vmem>>[vector<16xi32>, vector<16xi32>], vector<16xf32>,
      %add3A_868 = arith.constant 13312 : i32
      %add3A_869 = vector.broadcast %add3A_868 : i32 to vector<16xi32>
      %add3A_870 = arith.addi %add3A_688, %add3A_869 : vector<16xi32>
      %add3A_871 = arith.constant 144 : i32
      %add3A_872 = vector.broadcast %add3A_871 : i32 to vector<16xi32>
      %add3A_873 = arith.addi %iota3A, %add3A_872 : vector<16xi32>
      %gather3A_874 = tpu.vector_load_idx %arg7[%add3A_873, %add3A_691] : memref<256x64xf32, #tpu.memory_space<vmem>>[vector<16xi32>, vector<16xi32>], vector<16xf32>,
      %add3A_875 = arith.constant 1040 : i32
      %add3A_876 = vector.broadcast %add3A_875 : i32 to vector<16xi32>
      %add3A_877 = arith.addi %add3A_688, %add3A_876 : vector<16xi32>
      %gather3A_878 = tpu.vector_load_idx %arg7[%add3A_873, %add3A_694] : memref<256x64xf32, #tpu.memory_space<vmem>>[vector<16xi32>, vector<16xi32>], vector<16xf32>,
      %add3A_879 = arith.constant 5136 : i32
      %add3A_880 = vector.broadcast %add3A_879 : i32 to vector<16xi32>
      %add3A_881 = arith.addi %add3A_688, %add3A_880 : vector<16xi32>
      %gather3A_882 = tpu.vector_load_idx %arg7[%add3A_873, %add3A_697] : memref<256x64xf32, #tpu.memory_space<vmem>>[vector<16xi32>, vector<16xi32>], vector<16xf32>,
      %add3A_883 = arith.constant 9232 : i32
      %add3A_884 = vector.broadcast %add3A_883 : i32 to vector<16xi32>
      %add3A_885 = arith.addi %add3A_688, %add3A_884 : vector<16xi32>
      %gather3A_886 = tpu.vector_load_idx %arg7[%add3A_873, %add3A_700] : memref<256x64xf32, #tpu.memory_space<vmem>>[vector<16xi32>, vector<16xi32>], vector<16xf32>,
      %add3A_887 = arith.constant 13328 : i32
      %add3A_888 = vector.broadcast %add3A_887 : i32 to vector<16xi32>
      %add3A_889 = arith.addi %add3A_688, %add3A_888 : vector<16xi32>
      tpu.vector_store_idx %arg9[%add3A_858], %gather3A_855 : memref<16384xf32, #tpu.memory_space<vmem>>[vector<16xi32>], vector<16xf32>,
      tpu.vector_store_idx %arg9[%add3A_862], %gather3A_859 : memref<16384xf32, #tpu.memory_space<vmem>>[vector<16xi32>], vector<16xf32>,
      tpu.vector_store_idx %arg9[%add3A_866], %gather3A_863 : memref<16384xf32, #tpu.memory_space<vmem>>[vector<16xi32>], vector<16xf32>,
      tpu.vector_store_idx %arg9[%add3A_870], %gather3A_867 : memref<16384xf32, #tpu.memory_space<vmem>>[vector<16xi32>], vector<16xf32>,
      tpu.vector_store_idx %arg9[%add3A_877], %gather3A_874 : memref<16384xf32, #tpu.memory_space<vmem>>[vector<16xi32>], vector<16xf32>,
      tpu.vector_store_idx %arg9[%add3A_881], %gather3A_878 : memref<16384xf32, #tpu.memory_space<vmem>>[vector<16xi32>], vector<16xf32>,
      tpu.vector_store_idx %arg9[%add3A_885], %gather3A_882 : memref<16384xf32, #tpu.memory_space<vmem>>[vector<16xi32>], vector<16xf32>,
      tpu.vector_store_idx %arg9[%add3A_889], %gather3A_886 : memref<16384xf32, #tpu.memory_space<vmem>>[vector<16xi32>], vector<16xf32>,
      %add3A_890 = arith.constant 160 : i32
      %add3A_891 = vector.broadcast %add3A_890 : i32 to vector<16xi32>
      %add3A_892 = arith.addi %iota3A, %add3A_891 : vector<16xi32>
      %gather3A_893 = tpu.vector_load_idx %arg7[%add3A_892, %add3A_691] : memref<256x64xf32, #tpu.memory_space<vmem>>[vector<16xi32>, vector<16xi32>], vector<16xf32>,
      %add3A_894 = arith.constant 1056 : i32
      %add3A_895 = vector.broadcast %add3A_894 : i32 to vector<16xi32>
      %add3A_896 = arith.addi %add3A_688, %add3A_895 : vector<16xi32>
      %gather3A_897 = tpu.vector_load_idx %arg7[%add3A_892, %add3A_694] : memref<256x64xf32, #tpu.memory_space<vmem>>[vector<16xi32>, vector<16xi32>], vector<16xf32>,
      %add3A_898 = arith.constant 5152 : i32
      %add3A_899 = vector.broadcast %add3A_898 : i32 to vector<16xi32>
      %add3A_900 = arith.addi %add3A_688, %add3A_899 : vector<16xi32>
      %gather3A_901 = tpu.vector_load_idx %arg7[%add3A_892, %add3A_697] : memref<256x64xf32, #tpu.memory_space<vmem>>[vector<16xi32>, vector<16xi32>], vector<16xf32>,
      %add3A_902 = arith.constant 9248 : i32
      %add3A_903 = vector.broadcast %add3A_902 : i32 to vector<16xi32>
      %add3A_904 = arith.addi %add3A_688, %add3A_903 : vector<16xi32>
      %gather3A_905 = tpu.vector_load_idx %arg7[%add3A_892, %add3A_700] : memref<256x64xf32, #tpu.memory_space<vmem>>[vector<16xi32>, vector<16xi32>], vector<16xf32>,
      %add3A_906 = arith.constant 13344 : i32
      %add3A_907 = vector.broadcast %add3A_906 : i32 to vector<16xi32>
      %add3A_908 = arith.addi %add3A_688, %add3A_907 : vector<16xi32>
      %add3A_909 = arith.constant 176 : i32
      %add3A_910 = vector.broadcast %add3A_909 : i32 to vector<16xi32>
      %add3A_911 = arith.addi %iota3A, %add3A_910 : vector<16xi32>
      %gather3A_912 = tpu.vector_load_idx %arg7[%add3A_911, %add3A_691] : memref<256x64xf32, #tpu.memory_space<vmem>>[vector<16xi32>, vector<16xi32>], vector<16xf32>,
      %add3A_913 = arith.constant 1072 : i32
      %add3A_914 = vector.broadcast %add3A_913 : i32 to vector<16xi32>
      %add3A_915 = arith.addi %add3A_688, %add3A_914 : vector<16xi32>
      %gather3A_916 = tpu.vector_load_idx %arg7[%add3A_911, %add3A_694] : memref<256x64xf32, #tpu.memory_space<vmem>>[vector<16xi32>, vector<16xi32>], vector<16xf32>,
      %add3A_917 = arith.constant 5168 : i32
      %add3A_918 = vector.broadcast %add3A_917 : i32 to vector<16xi32>
      %add3A_919 = arith.addi %add3A_688, %add3A_918 : vector<16xi32>
      %gather3A_920 = tpu.vector_load_idx %arg7[%add3A_911, %add3A_697] : memref<256x64xf32, #tpu.memory_space<vmem>>[vector<16xi32>, vector<16xi32>], vector<16xf32>,
      %add3A_921 = arith.constant 9264 : i32
      %add3A_922 = vector.broadcast %add3A_921 : i32 to vector<16xi32>
      %add3A_923 = arith.addi %add3A_688, %add3A_922 : vector<16xi32>
      %gather3A_924 = tpu.vector_load_idx %arg7[%add3A_911, %add3A_700] : memref<256x64xf32, #tpu.memory_space<vmem>>[vector<16xi32>, vector<16xi32>], vector<16xf32>,
      %add3A_925 = arith.constant 13360 : i32
      %add3A_926 = vector.broadcast %add3A_925 : i32 to vector<16xi32>
      %add3A_927 = arith.addi %add3A_688, %add3A_926 : vector<16xi32>
      tpu.vector_store_idx %arg9[%add3A_896], %gather3A_893 : memref<16384xf32, #tpu.memory_space<vmem>>[vector<16xi32>], vector<16xf32>,
      tpu.vector_store_idx %arg9[%add3A_900], %gather3A_897 : memref<16384xf32, #tpu.memory_space<vmem>>[vector<16xi32>], vector<16xf32>,
      tpu.vector_store_idx %arg9[%add3A_904], %gather3A_901 : memref<16384xf32, #tpu.memory_space<vmem>>[vector<16xi32>], vector<16xf32>,
      tpu.vector_store_idx %arg9[%add3A_908], %gather3A_905 : memref<16384xf32, #tpu.memory_space<vmem>>[vector<16xi32>], vector<16xf32>,
      tpu.vector_store_idx %arg9[%add3A_915], %gather3A_912 : memref<16384xf32, #tpu.memory_space<vmem>>[vector<16xi32>], vector<16xf32>,
      tpu.vector_store_idx %arg9[%add3A_919], %gather3A_916 : memref<16384xf32, #tpu.memory_space<vmem>>[vector<16xi32>], vector<16xf32>,
      tpu.vector_store_idx %arg9[%add3A_923], %gather3A_920 : memref<16384xf32, #tpu.memory_space<vmem>>[vector<16xi32>], vector<16xf32>,
      tpu.vector_store_idx %arg9[%add3A_927], %gather3A_924 : memref<16384xf32, #tpu.memory_space<vmem>>[vector<16xi32>], vector<16xf32>,
      %add3A_928 = arith.constant 192 : i32
      %add3A_929 = vector.broadcast %add3A_928 : i32 to vector<16xi32>
      %add3A_930 = arith.addi %iota3A, %add3A_929 : vector<16xi32>
      %gather3A_931 = tpu.vector_load_idx %arg7[%add3A_930, %add3A_691] : memref<256x64xf32, #tpu.memory_space<vmem>>[vector<16xi32>, vector<16xi32>], vector<16xf32>,
      %add3A_932 = arith.constant 1088 : i32
      %add3A_933 = vector.broadcast %add3A_932 : i32 to vector<16xi32>
      %add3A_934 = arith.addi %add3A_688, %add3A_933 : vector<16xi32>
      %gather3A_935 = tpu.vector_load_idx %arg7[%add3A_930, %add3A_694] : memref<256x64xf32, #tpu.memory_space<vmem>>[vector<16xi32>, vector<16xi32>], vector<16xf32>,
      %add3A_936 = arith.constant 5184 : i32
      %add3A_937 = vector.broadcast %add3A_936 : i32 to vector<16xi32>
      %add3A_938 = arith.addi %add3A_688, %add3A_937 : vector<16xi32>
      %gather3A_939 = tpu.vector_load_idx %arg7[%add3A_930, %add3A_697] : memref<256x64xf32, #tpu.memory_space<vmem>>[vector<16xi32>, vector<16xi32>], vector<16xf32>,
      %add3A_940 = arith.constant 9280 : i32
      %add3A_941 = vector.broadcast %add3A_940 : i32 to vector<16xi32>
      %add3A_942 = arith.addi %add3A_688, %add3A_941 : vector<16xi32>
      %gather3A_943 = tpu.vector_load_idx %arg7[%add3A_930, %add3A_700] : memref<256x64xf32, #tpu.memory_space<vmem>>[vector<16xi32>, vector<16xi32>], vector<16xf32>,
      %add3A_944 = arith.constant 13376 : i32
      %add3A_945 = vector.broadcast %add3A_944 : i32 to vector<16xi32>
      %add3A_946 = arith.addi %add3A_688, %add3A_945 : vector<16xi32>
      %add3A_947 = arith.constant 208 : i32
      %add3A_948 = vector.broadcast %add3A_947 : i32 to vector<16xi32>
      %add3A_949 = arith.addi %iota3A, %add3A_948 : vector<16xi32>
      %gather3A_950 = tpu.vector_load_idx %arg7[%add3A_949, %add3A_691] : memref<256x64xf32, #tpu.memory_space<vmem>>[vector<16xi32>, vector<16xi32>], vector<16xf32>,
      %add3A_951 = arith.constant 1104 : i32
      %add3A_952 = vector.broadcast %add3A_951 : i32 to vector<16xi32>
      %add3A_953 = arith.addi %add3A_688, %add3A_952 : vector<16xi32>
      %gather3A_954 = tpu.vector_load_idx %arg7[%add3A_949, %add3A_694] : memref<256x64xf32, #tpu.memory_space<vmem>>[vector<16xi32>, vector<16xi32>], vector<16xf32>,
      %add3A_955 = arith.constant 5200 : i32
      %add3A_956 = vector.broadcast %add3A_955 : i32 to vector<16xi32>
      %add3A_957 = arith.addi %add3A_688, %add3A_956 : vector<16xi32>
      %gather3A_958 = tpu.vector_load_idx %arg7[%add3A_949, %add3A_697] : memref<256x64xf32, #tpu.memory_space<vmem>>[vector<16xi32>, vector<16xi32>], vector<16xf32>,
      %add3A_959 = arith.constant 9296 : i32
      %add3A_960 = vector.broadcast %add3A_959 : i32 to vector<16xi32>
      %add3A_961 = arith.addi %add3A_688, %add3A_960 : vector<16xi32>
      %gather3A_962 = tpu.vector_load_idx %arg7[%add3A_949, %add3A_700] : memref<256x64xf32, #tpu.memory_space<vmem>>[vector<16xi32>, vector<16xi32>], vector<16xf32>,
      %add3A_963 = arith.constant 13392 : i32
      %add3A_964 = vector.broadcast %add3A_963 : i32 to vector<16xi32>
      %add3A_965 = arith.addi %add3A_688, %add3A_964 : vector<16xi32>
      tpu.vector_store_idx %arg9[%add3A_934], %gather3A_931 : memref<16384xf32, #tpu.memory_space<vmem>>[vector<16xi32>], vector<16xf32>,
      tpu.vector_store_idx %arg9[%add3A_938], %gather3A_935 : memref<16384xf32, #tpu.memory_space<vmem>>[vector<16xi32>], vector<16xf32>,
      tpu.vector_store_idx %arg9[%add3A_942], %gather3A_939 : memref<16384xf32, #tpu.memory_space<vmem>>[vector<16xi32>], vector<16xf32>,
      tpu.vector_store_idx %arg9[%add3A_946], %gather3A_943 : memref<16384xf32, #tpu.memory_space<vmem>>[vector<16xi32>], vector<16xf32>,
      tpu.vector_store_idx %arg9[%add3A_953], %gather3A_950 : memref<16384xf32, #tpu.memory_space<vmem>>[vector<16xi32>], vector<16xf32>,
      tpu.vector_store_idx %arg9[%add3A_957], %gather3A_954 : memref<16384xf32, #tpu.memory_space<vmem>>[vector<16xi32>], vector<16xf32>,
      tpu.vector_store_idx %arg9[%add3A_961], %gather3A_958 : memref<16384xf32, #tpu.memory_space<vmem>>[vector<16xi32>], vector<16xf32>,
      tpu.vector_store_idx %arg9[%add3A_965], %gather3A_962 : memref<16384xf32, #tpu.memory_space<vmem>>[vector<16xi32>], vector<16xf32>,
      %add3A_966 = arith.constant 224 : i32
      %add3A_967 = vector.broadcast %add3A_966 : i32 to vector<16xi32>
      %add3A_968 = arith.addi %iota3A, %add3A_967 : vector<16xi32>
      %gather3A_969 = tpu.vector_load_idx %arg7[%add3A_968, %add3A_691] : memref<256x64xf32, #tpu.memory_space<vmem>>[vector<16xi32>, vector<16xi32>], vector<16xf32>,
      %add3A_970 = arith.constant 1120 : i32
      %add3A_971 = vector.broadcast %add3A_970 : i32 to vector<16xi32>
      %add3A_972 = arith.addi %add3A_688, %add3A_971 : vector<16xi32>
      %gather3A_973 = tpu.vector_load_idx %arg7[%add3A_968, %add3A_694] : memref<256x64xf32, #tpu.memory_space<vmem>>[vector<16xi32>, vector<16xi32>], vector<16xf32>,
      %add3A_974 = arith.constant 5216 : i32
      %add3A_975 = vector.broadcast %add3A_974 : i32 to vector<16xi32>
      %add3A_976 = arith.addi %add3A_688, %add3A_975 : vector<16xi32>
      %gather3A_977 = tpu.vector_load_idx %arg7[%add3A_968, %add3A_697] : memref<256x64xf32, #tpu.memory_space<vmem>>[vector<16xi32>, vector<16xi32>], vector<16xf32>,
      %add3A_978 = arith.constant 9312 : i32
      %add3A_979 = vector.broadcast %add3A_978 : i32 to vector<16xi32>
      %add3A_980 = arith.addi %add3A_688, %add3A_979 : vector<16xi32>
      %gather3A_981 = tpu.vector_load_idx %arg7[%add3A_968, %add3A_700] : memref<256x64xf32, #tpu.memory_space<vmem>>[vector<16xi32>, vector<16xi32>], vector<16xf32>,
      %add3A_982 = arith.constant 13408 : i32
      %add3A_983 = vector.broadcast %add3A_982 : i32 to vector<16xi32>
      %add3A_984 = arith.addi %add3A_688, %add3A_983 : vector<16xi32>
      %add3A_985 = arith.constant 240 : i32
      %add3A_986 = vector.broadcast %add3A_985 : i32 to vector<16xi32>
      %add3A_987 = arith.addi %iota3A, %add3A_986 : vector<16xi32>
      %gather3A_988 = tpu.vector_load_idx %arg7[%add3A_987, %add3A_691] : memref<256x64xf32, #tpu.memory_space<vmem>>[vector<16xi32>, vector<16xi32>], vector<16xf32>,
      %add3A_989 = arith.constant 1136 : i32
      %add3A_990 = vector.broadcast %add3A_989 : i32 to vector<16xi32>
      %add3A_991 = arith.addi %add3A_688, %add3A_990 : vector<16xi32>
      %gather3A_992 = tpu.vector_load_idx %arg7[%add3A_987, %add3A_694] : memref<256x64xf32, #tpu.memory_space<vmem>>[vector<16xi32>, vector<16xi32>], vector<16xf32>,
      %add3A_993 = arith.constant 5232 : i32
      %add3A_994 = vector.broadcast %add3A_993 : i32 to vector<16xi32>
      %add3A_995 = arith.addi %add3A_688, %add3A_994 : vector<16xi32>
      %gather3A_996 = tpu.vector_load_idx %arg7[%add3A_987, %add3A_697] : memref<256x64xf32, #tpu.memory_space<vmem>>[vector<16xi32>, vector<16xi32>], vector<16xf32>,
      %add3A_997 = arith.constant 9328 : i32
      %add3A_998 = vector.broadcast %add3A_997 : i32 to vector<16xi32>
      %add3A_999 = arith.addi %add3A_688, %add3A_998 : vector<16xi32>
      %gather3A_1000 = tpu.vector_load_idx %arg7[%add3A_987, %add3A_700] : memref<256x64xf32, #tpu.memory_space<vmem>>[vector<16xi32>, vector<16xi32>], vector<16xf32>,
      %add3A_1001 = arith.constant 13424 : i32
      %add3A_1002 = vector.broadcast %add3A_1001 : i32 to vector<16xi32>
      %add3A_1003 = arith.addi %add3A_688, %add3A_1002 : vector<16xi32>
      tpu.vector_store_idx %arg9[%add3A_972], %gather3A_969 : memref<16384xf32, #tpu.memory_space<vmem>>[vector<16xi32>], vector<16xf32>,
      tpu.vector_store_idx %arg9[%add3A_976], %gather3A_973 : memref<16384xf32, #tpu.memory_space<vmem>>[vector<16xi32>], vector<16xf32>,
      tpu.vector_store_idx %arg9[%add3A_980], %gather3A_977 : memref<16384xf32, #tpu.memory_space<vmem>>[vector<16xi32>], vector<16xf32>,
      tpu.vector_store_idx %arg9[%add3A_984], %gather3A_981 : memref<16384xf32, #tpu.memory_space<vmem>>[vector<16xi32>], vector<16xf32>,
      tpu.vector_store_idx %arg9[%add3A_991], %gather3A_988 : memref<16384xf32, #tpu.memory_space<vmem>>[vector<16xi32>], vector<16xf32>,
      tpu.vector_store_idx %arg9[%add3A_995], %gather3A_992 : memref<16384xf32, #tpu.memory_space<vmem>>[vector<16xi32>], vector<16xf32>,
      tpu.vector_store_idx %arg9[%add3A_999], %gather3A_996 : memref<16384xf32, #tpu.memory_space<vmem>>[vector<16xi32>], vector<16xf32>,
      tpu.vector_store_idx %arg9[%add3A_1003], %gather3A_1000 : memref<16384xf32, #tpu.memory_space<vmem>>[vector<16xi32>], vector<16xf32>,
    }
    %scan3A_56 = arith.constant 16 : i32
    %shift_right_logical3A_57 = arith.constant 0 : i32
    %shift_right_logical3A_58 = arith.constant 1 : i32
    %shift_right_logical3A_59 = arith.shrui %shift_right_logical3A_57, %shift_right_logical3A_58 : i32
    %mul3A_60 = arith.constant 1048576 : i32
    %mul3A_61 = arith.muli %shift_right_logical3A_59, %mul3A_60 : i32
    %add3A_62 = arith.constant 0 : i32
    %add3A_63 = arith.addi %mul3A_4, %add3A_62 : i32
    %mul3A_64 = arith.constant 1024 : i32
    %mul3A_65 = arith.muli %add3A_63, %mul3A_64 : i32
    %add3A_66 = arith.addi %mul3A_61, %mul3A_65 : i32
    %add3A_67 = arith.constant 0 : i32
    %add3A_68 = arith.addi %add3A_66, %add3A_67 : i32
    %dma_start3A_69 = arith.constant 0 : i32
    %dma_start3A_70 = tpu.memref_slice %arg9[%dma_start3A_69] : memref<16384xf32, #tpu.memory_space<vmem>> -> memref<2048xf32, #tpu.memory_space<vmem>>
    %dma_start3A_71 = tpu.memref_slice %arg4[%add3A_68] : memref<209715200xf32, #tpu.memory_space<hbm>> -> memref<2048xf32, #tpu.memory_space<hbm>>
    %dma_start3A_72 = tpu.memref_slice %arg4[%add3A_68] : memref<209715200xf32, #tpu.memory_space<hbm>> -> memref<2048xf32, #tpu.memory_space<hbm>>
    %dma_start3A_73 = arith.constant 0 : i32
    %dma_start3A_74 = tpu.memref_slice %arg9[%dma_start3A_73] : memref<16384xf32, #tpu.memory_space<vmem>> -> memref<2048xf32, #tpu.memory_space<vmem>>
    tpu.enqueue_dma source(%dma_start3A_74 : memref<2048xf32, #tpu.memory_space<vmem>>) target(%dma_start3A_72 : memref<2048xf32, #tpu.memory_space<hbm>>) target_semaphore(%arg15 : memref<!tpu.dma_semaphore, #tpu.memory_space<semaphore_mem>>)
    %add3A_75 = arith.constant 131072 : i32
    %add3A_76 = arith.addi %add3A_66, %add3A_75 : i32
    %dma_start3A_77 = arith.constant 2048 : i32
    %dma_start3A_78 = tpu.memref_slice %arg9[%dma_start3A_77] : memref<16384xf32, #tpu.memory_space<vmem>> -> memref<2048xf32, #tpu.memory_space<vmem>>
    %dma_start3A_79 = tpu.memref_slice %arg4[%add3A_76] : memref<209715200xf32, #tpu.memory_space<hbm>> -> memref<2048xf32, #tpu.memory_space<hbm>>
    %dma_start3A_80 = tpu.memref_slice %arg4[%add3A_76] : memref<209715200xf32, #tpu.memory_space<hbm>> -> memref<2048xf32, #tpu.memory_space<hbm>>
    %dma_start3A_81 = arith.constant 2048 : i32
    %dma_start3A_82 = tpu.memref_slice %arg9[%dma_start3A_81] : memref<16384xf32, #tpu.memory_space<vmem>> -> memref<2048xf32, #tpu.memory_space<vmem>>
    tpu.enqueue_dma source(%dma_start3A_82 : memref<2048xf32, #tpu.memory_space<vmem>>) target(%dma_start3A_80 : memref<2048xf32, #tpu.memory_space<hbm>>) target_semaphore(%arg15 : memref<!tpu.dma_semaphore, #tpu.memory_space<semaphore_mem>>)
    %add3A_83 = arith.constant 262144 : i32
    %add3A_84 = arith.addi %add3A_66, %add3A_83 : i32
    %dma_start3A_85 = arith.constant 4096 : i32
    %dma_start3A_86 = tpu.memref_slice %arg9[%dma_start3A_85] : memref<16384xf32, #tpu.memory_space<vmem>> -> memref<2048xf32, #tpu.memory_space<vmem>>
    %dma_start3A_87 = tpu.memref_slice %arg4[%add3A_84] : memref<209715200xf32, #tpu.memory_space<hbm>> -> memref<2048xf32, #tpu.memory_space<hbm>>
    %dma_start3A_88 = tpu.memref_slice %arg4[%add3A_84] : memref<209715200xf32, #tpu.memory_space<hbm>> -> memref<2048xf32, #tpu.memory_space<hbm>>
    %dma_start3A_89 = arith.constant 4096 : i32
    %dma_start3A_90 = tpu.memref_slice %arg9[%dma_start3A_89] : memref<16384xf32, #tpu.memory_space<vmem>> -> memref<2048xf32, #tpu.memory_space<vmem>>
    tpu.enqueue_dma source(%dma_start3A_90 : memref<2048xf32, #tpu.memory_space<vmem>>) target(%dma_start3A_88 : memref<2048xf32, #tpu.memory_space<hbm>>) target_semaphore(%arg15 : memref<!tpu.dma_semaphore, #tpu.memory_space<semaphore_mem>>)
    %add3A_91 = arith.constant 393216 : i32
    %add3A_92 = arith.addi %add3A_66, %add3A_91 : i32
    %dma_start3A_93 = arith.constant 6144 : i32
    %dma_start3A_94 = tpu.memref_slice %arg9[%dma_start3A_93] : memref<16384xf32, #tpu.memory_space<vmem>> -> memref<2048xf32, #tpu.memory_space<vmem>>
    %dma_start3A_95 = tpu.memref_slice %arg4[%add3A_92] : memref<209715200xf32, #tpu.memory_space<hbm>> -> memref<2048xf32, #tpu.memory_space<hbm>>
    %dma_start3A_96 = tpu.memref_slice %arg4[%add3A_92] : memref<209715200xf32, #tpu.memory_space<hbm>> -> memref<2048xf32, #tpu.memory_space<hbm>>
    %dma_start3A_97 = arith.constant 6144 : i32
    %dma_start3A_98 = tpu.memref_slice %arg9[%dma_start3A_97] : memref<16384xf32, #tpu.memory_space<vmem>> -> memref<2048xf32, #tpu.memory_space<vmem>>
    tpu.enqueue_dma source(%dma_start3A_98 : memref<2048xf32, #tpu.memory_space<vmem>>) target(%dma_start3A_96 : memref<2048xf32, #tpu.memory_space<hbm>>) target_semaphore(%arg15 : memref<!tpu.dma_semaphore, #tpu.memory_space<semaphore_mem>>)
    %add3A_99 = arith.constant 524288 : i32
    %add3A_100 = arith.addi %add3A_66, %add3A_99 : i32
    %dma_start3A_101 = arith.constant 8192 : i32
    %dma_start3A_102 = tpu.memref_slice %arg9[%dma_start3A_101] : memref<16384xf32, #tpu.memory_space<vmem>> -> memref<2048xf32, #tpu.memory_space<vmem>>
    %dma_start3A_103 = tpu.memref_slice %arg4[%add3A_100] : memref<209715200xf32, #tpu.memory_space<hbm>> -> memref<2048xf32, #tpu.memory_space<hbm>>
    %dma_start3A_104 = tpu.memref_slice %arg4[%add3A_100] : memref<209715200xf32, #tpu.memory_space<hbm>> -> memref<2048xf32, #tpu.memory_space<hbm>>
    %dma_start3A_105 = arith.constant 8192 : i32
    %dma_start3A_106 = tpu.memref_slice %arg9[%dma_start3A_105] : memref<16384xf32, #tpu.memory_space<vmem>> -> memref<2048xf32, #tpu.memory_space<vmem>>
    tpu.enqueue_dma source(%dma_start3A_106 : memref<2048xf32, #tpu.memory_space<vmem>>) target(%dma_start3A_104 : memref<2048xf32, #tpu.memory_space<hbm>>) target_semaphore(%arg15 : memref<!tpu.dma_semaphore, #tpu.memory_space<semaphore_mem>>)
    %add3A_107 = arith.constant 655360 : i32
    %add3A_108 = arith.addi %add3A_66, %add3A_107 : i32
    %dma_start3A_109 = arith.constant 10240 : i32
    %dma_start3A_110 = tpu.memref_slice %arg9[%dma_start3A_109] : memref<16384xf32, #tpu.memory_space<vmem>> -> memref<2048xf32, #tpu.memory_space<vmem>>
    %dma_start3A_111 = tpu.memref_slice %arg4[%add3A_108] : memref<209715200xf32, #tpu.memory_space<hbm>> -> memref<2048xf32, #tpu.memory_space<hbm>>
    %dma_start3A_112 = tpu.memref_slice %arg4[%add3A_108] : memref<209715200xf32, #tpu.memory_space<hbm>> -> memref<2048xf32, #tpu.memory_space<hbm>>
    %dma_start3A_113 = arith.constant 10240 : i32
    %dma_start3A_114 = tpu.memref_slice %arg9[%dma_start3A_113] : memref<16384xf32, #tpu.memory_space<vmem>> -> memref<2048xf32, #tpu.memory_space<vmem>>
    tpu.enqueue_dma source(%dma_start3A_114 : memref<2048xf32, #tpu.memory_space<vmem>>) target(%dma_start3A_112 : memref<2048xf32, #tpu.memory_space<hbm>>) target_semaphore(%arg15 : memref<!tpu.dma_semaphore, #tpu.memory_space<semaphore_mem>>)
    %add3A_115 = arith.constant 786432 : i32
    %add3A_116 = arith.addi %add3A_66, %add3A_115 : i32
    %dma_start3A_117 = arith.constant 12288 : i32
    %dma_start3A_118 = tpu.memref_slice %arg9[%dma_start3A_117] : memref<16384xf32, #tpu.memory_space<vmem>> -> memref<2048xf32, #tpu.memory_space<vmem>>
    %dma_start3A_119 = tpu.memref_slice %arg4[%add3A_116] : memref<209715200xf32, #tpu.memory_space<hbm>> -> memref<2048xf32, #tpu.memory_space<hbm>>
    %dma_start3A_120 = tpu.memref_slice %arg4[%add3A_116] : memref<209715200xf32, #tpu.memory_space<hbm>> -> memref<2048xf32, #tpu.memory_space<hbm>>
    %dma_start3A_121 = arith.constant 12288 : i32
    %dma_start3A_122 = tpu.memref_slice %arg9[%dma_start3A_121] : memref<16384xf32, #tpu.memory_space<vmem>> -> memref<2048xf32, #tpu.memory_space<vmem>>
    tpu.enqueue_dma source(%dma_start3A_122 : memref<2048xf32, #tpu.memory_space<vmem>>) target(%dma_start3A_120 : memref<2048xf32, #tpu.memory_space<hbm>>) target_semaphore(%arg15 : memref<!tpu.dma_semaphore, #tpu.memory_space<semaphore_mem>>)
    %add3A_123 = arith.constant 917504 : i32
    %add3A_124 = arith.addi %add3A_66, %add3A_123 : i32
    %dma_start3A_125 = arith.constant 14336 : i32
    %dma_start3A_126 = tpu.memref_slice %arg9[%dma_start3A_125] : memref<16384xf32, #tpu.memory_space<vmem>> -> memref<2048xf32, #tpu.memory_space<vmem>>
    %dma_start3A_127 = tpu.memref_slice %arg4[%add3A_124] : memref<209715200xf32, #tpu.memory_space<hbm>> -> memref<2048xf32, #tpu.memory_space<hbm>>
    %dma_start3A_128 = tpu.memref_slice %arg4[%add3A_124] : memref<209715200xf32, #tpu.memory_space<hbm>> -> memref<2048xf32, #tpu.memory_space<hbm>>
    %dma_start3A_129 = arith.constant 14336 : i32
    %dma_start3A_130 = tpu.memref_slice %arg9[%dma_start3A_129] : memref<16384xf32, #tpu.memory_space<vmem>> -> memref<2048xf32, #tpu.memory_space<vmem>>
    tpu.enqueue_dma source(%dma_start3A_130 : memref<2048xf32, #tpu.memory_space<vmem>>) target(%dma_start3A_128 : memref<2048xf32, #tpu.memory_space<hbm>>) target_semaphore(%arg15 : memref<!tpu.dma_semaphore, #tpu.memory_space<semaphore_mem>>)
    %scan3A_131 = arith.constant 0 : i32
    %scan3A_132 = arith.constant 1 : i32
    %scan3A_133 = arith.constant 198 : i32
    %scan3A_134 = arith.addi %scan3A_132, %scan3A_133 : i32
    %scan3A_135 = arith.constant 1 : i32
    scf.for %scan3A_671 = %scan3A_132 to %scan3A_134 step %scan3A_135  : i32 {
      %mul3A_672 = arith.constant 2 : i32
      %mul3A_673 = arith.muli %mul3A_672, %scan3A_671 : i32
      %dma_wait3A_674 = arith.constant 0 : i32
      %dma_wait3A_675 = arith.constant 0 : i32
      %dma_wait3A_676 = tpu.memref_slice %arg2[%dma_wait3A_674, %dma_wait3A_675] : memref<200x16384xi32, #tpu.memory_space<hbm>> -> memref<1x256xi32, #tpu.memory_space<hbm>>
      %dma_wait3A_677 = tpu.memref_squeeze %dma_wait3A_676 : memref<1x256xi32, #tpu.memory_space<hbm>> -> memref<256xi32, #tpu.memory_space<hbm>>
      %dma_wait3A_678 = arith.constant 0 : i32
      %dma_wait3A_679 = tpu.memref_slice %arg2[%dma_wait3A_674, %dma_wait3A_678] : memref<200x16384xi32, #tpu.memory_space<hbm>> -> memref<1x256xi32, #tpu.memory_space<hbm>>
      %dma_wait3A_680 = tpu.memref_squeeze %dma_wait3A_679 : memref<1x256xi32, #tpu.memory_space<hbm>> -> memref<256xi32, #tpu.memory_space<hbm>>
      tpu.wait_dma2 semaphore(%arg11 : memref<!tpu.dma_semaphore, #tpu.memory_space<semaphore_mem>>) src(%dma_wait3A_680 : memref<256xi32, #tpu.memory_space<hbm>>) dst(%arg5 : memref<256xi32, #tpu.memory_space<vmem>>)
      %dma_wait3A_681 = arith.constant 0 : i32
      %dma_wait3A_682 = tpu.memref_slice %arg9[%dma_wait3A_681] : memref<16384xf32, #tpu.memory_space<vmem>> -> memref<2048xf32, #tpu.memory_space<vmem>>
      %dma_wait3A_683 = arith.constant 0 : i32
      %dma_wait3A_684 = tpu.memref_slice %arg4[%dma_wait3A_683] : memref<209715200xf32, #tpu.memory_space<hbm>> -> memref<2048xf32, #tpu.memory_space<hbm>>
      %dma_wait3A_685 = arith.constant 0 : i32
      %dma_wait3A_686 = tpu.memref_slice %arg4[%dma_wait3A_685] : memref<209715200xf32, #tpu.memory_space<hbm>> -> memref<2048xf32, #tpu.memory_space<hbm>>
      %dma_wait3A_687 = arith.constant 0 : i32
      %dma_wait3A_688 = tpu.memref_slice %arg9[%dma_wait3A_687] : memref<16384xf32, #tpu.memory_space<vmem>> -> memref<2048xf32, #tpu.memory_space<vmem>>
      tpu.wait_dma2 semaphore(%arg15 : memref<!tpu.dma_semaphore, #tpu.memory_space<semaphore_mem>>) src(%dma_wait3A_688 : memref<2048xf32, #tpu.memory_space<vmem>>) dst(%dma_wait3A_686 : memref<2048xf32, #tpu.memory_space<hbm>>)
      %dma_wait3A_689 = arith.constant 0 : i32
      %dma_wait3A_690 = tpu.memref_slice %arg9[%dma_wait3A_689] : memref<16384xf32, #tpu.memory_space<vmem>> -> memref<2048xf32, #tpu.memory_space<vmem>>
      %dma_wait3A_691 = arith.constant 0 : i32
      %dma_wait3A_692 = tpu.memref_slice %arg4[%dma_wait3A_691] : memref<209715200xf32, #tpu.memory_space<hbm>> -> memref<2048xf32, #tpu.memory_space<hbm>>
      %dma_wait3A_693 = arith.constant 0 : i32
      %dma_wait3A_694 = tpu.memref_slice %arg4[%dma_wait3A_693] : memref<209715200xf32, #tpu.memory_space<hbm>> -> memref<2048xf32, #tpu.memory_space<hbm>>
      %dma_wait3A_695 = arith.constant 0 : i32
      %dma_wait3A_696 = tpu.memref_slice %arg9[%dma_wait3A_695] : memref<16384xf32, #tpu.memory_space<vmem>> -> memref<2048xf32, #tpu.memory_space<vmem>>
      tpu.wait_dma2 semaphore(%arg15 : memref<!tpu.dma_semaphore, #tpu.memory_space<semaphore_mem>>) src(%dma_wait3A_696 : memref<2048xf32, #tpu.memory_space<vmem>>) dst(%dma_wait3A_694 : memref<2048xf32, #tpu.memory_space<hbm>>)
      %dma_wait3A_697 = arith.constant 0 : i32
      %dma_wait3A_698 = tpu.memref_slice %arg9[%dma_wait3A_697] : memref<16384xf32, #tpu.memory_space<vmem>> -> memref<2048xf32, #tpu.memory_space<vmem>>
      %dma_wait3A_699 = arith.constant 0 : i32
      %dma_wait3A_700 = tpu.memref_slice %arg4[%dma_wait3A_699] : memref<209715200xf32, #tpu.memory_space<hbm>> -> memref<2048xf32, #tpu.memory_space<hbm>>
      %dma_wait3A_701 = arith.constant 0 : i32
      %dma_wait3A_702 = tpu.memref_slice %arg4[%dma_wait3A_701] : memref<209715200xf32, #tpu.memory_space<hbm>> -> memref<2048xf32, #tpu.memory_space<hbm>>
      %dma_wait3A_703 = arith.constant 0 : i32
      %dma_wait3A_704 = tpu.memref_slice %arg9[%dma_wait3A_703] : memref<16384xf32, #tpu.memory_space<vmem>> -> memref<2048xf32, #tpu.memory_space<vmem>>
      tpu.wait_dma2 semaphore(%arg15 : memref<!tpu.dma_semaphore, #tpu.memory_space<semaphore_mem>>) src(%dma_wait3A_704 : memref<2048xf32, #tpu.memory_space<vmem>>) dst(%dma_wait3A_702 : memref<2048xf32, #tpu.memory_space<hbm>>)
      %dma_wait3A_705 = arith.constant 0 : i32
      %dma_wait3A_706 = tpu.memref_slice %arg9[%dma_wait3A_705] : memref<16384xf32, #tpu.memory_space<vmem>> -> memref<2048xf32, #tpu.memory_space<vmem>>
      %dma_wait3A_707 = arith.constant 0 : i32
      %dma_wait3A_708 = tpu.memref_slice %arg4[%dma_wait3A_707] : memref<209715200xf32, #tpu.memory_space<hbm>> -> memref<2048xf32, #tpu.memory_space<hbm>>
      %dma_wait3A_709 = arith.constant 0 : i32
      %dma_wait3A_710 = tpu.memref_slice %arg4[%dma_wait3A_709] : memref<209715200xf32, #tpu.memory_space<hbm>> -> memref<2048xf32, #tpu.memory_space<hbm>>
      %dma_wait3A_711 = arith.constant 0 : i32
      %dma_wait3A_712 = tpu.memref_slice %arg9[%dma_wait3A_711] : memref<16384xf32, #tpu.memory_space<vmem>> -> memref<2048xf32, #tpu.memory_space<vmem>>
      tpu.wait_dma2 semaphore(%arg15 : memref<!tpu.dma_semaphore, #tpu.memory_space<semaphore_mem>>) src(%dma_wait3A_712 : memref<2048xf32, #tpu.memory_space<vmem>>) dst(%dma_wait3A_710 : memref<2048xf32, #tpu.memory_space<hbm>>)
      %dma_wait3A_713 = arith.constant 0 : i32
      %dma_wait3A_714 = tpu.memref_slice %arg9[%dma_wait3A_713] : memref<16384xf32, #tpu.memory_space<vmem>> -> memref<2048xf32, #tpu.memory_space<vmem>>
      %dma_wait3A_715 = arith.constant 0 : i32
      %dma_wait3A_716 = tpu.memref_slice %arg4[%dma_wait3A_715] : memref<209715200xf32, #tpu.memory_space<hbm>> -> memref<2048xf32, #tpu.memory_space<hbm>>
      %dma_wait3A_717 = arith.constant 0 : i32
      %dma_wait3A_718 = tpu.memref_slice %arg4[%dma_wait3A_717] : memref<209715200xf32, #tpu.memory_space<hbm>> -> memref<2048xf32, #tpu.memory_space<hbm>>
      %dma_wait3A_719 = arith.constant 0 : i32
      %dma_wait3A_720 = tpu.memref_slice %arg9[%dma_wait3A_719] : memref<16384xf32, #tpu.memory_space<vmem>> -> memref<2048xf32, #tpu.memory_space<vmem>>
      tpu.wait_dma2 semaphore(%arg15 : memref<!tpu.dma_semaphore, #tpu.memory_space<semaphore_mem>>) src(%dma_wait3A_720 : memref<2048xf32, #tpu.memory_space<vmem>>) dst(%dma_wait3A_718 : memref<2048xf32, #tpu.memory_space<hbm>>)
      %dma_wait3A_721 = arith.constant 0 : i32
      %dma_wait3A_722 = tpu.memref_slice %arg9[%dma_wait3A_721] : memref<16384xf32, #tpu.memory_space<vmem>> -> memref<2048xf32, #tpu.memory_space<vmem>>
      %dma_wait3A_723 = arith.constant 0 : i32
      %dma_wait3A_724 = tpu.memref_slice %arg4[%dma_wait3A_723] : memref<209715200xf32, #tpu.memory_space<hbm>> -> memref<2048xf32, #tpu.memory_space<hbm>>
      %dma_wait3A_725 = arith.constant 0 : i32
      %dma_wait3A_726 = tpu.memref_slice %arg4[%dma_wait3A_725] : memref<209715200xf32, #tpu.memory_space<hbm>> -> memref<2048xf32, #tpu.memory_space<hbm>>
      %dma_wait3A_727 = arith.constant 0 : i32
      %dma_wait3A_728 = tpu.memref_slice %arg9[%dma_wait3A_727] : memref<16384xf32, #tpu.memory_space<vmem>> -> memref<2048xf32, #tpu.memory_space<vmem>>
      tpu.wait_dma2 semaphore(%arg15 : memref<!tpu.dma_semaphore, #tpu.memory_space<semaphore_mem>>) src(%dma_wait3A_728 : memref<2048xf32, #tpu.memory_space<vmem>>) dst(%dma_wait3A_726 : memref<2048xf32, #tpu.memory_space<hbm>>)
      %dma_wait3A_729 = arith.constant 0 : i32
      %dma_wait3A_730 = tpu.memref_slice %arg9[%dma_wait3A_729] : memref<16384xf32, #tpu.memory_space<vmem>> -> memref<2048xf32, #tpu.memory_space<vmem>>
      %dma_wait3A_731 = arith.constant 0 : i32
      %dma_wait3A_732 = tpu.memref_slice %arg4[%dma_wait3A_731] : memref<209715200xf32, #tpu.memory_space<hbm>> -> memref<2048xf32, #tpu.memory_space<hbm>>
      %dma_wait3A_733 = arith.constant 0 : i32
      %dma_wait3A_734 = tpu.memref_slice %arg4[%dma_wait3A_733] : memref<209715200xf32, #tpu.memory_space<hbm>> -> memref<2048xf32, #tpu.memory_space<hbm>>
      %dma_wait3A_735 = arith.constant 0 : i32
      %dma_wait3A_736 = tpu.memref_slice %arg9[%dma_wait3A_735] : memref<16384xf32, #tpu.memory_space<vmem>> -> memref<2048xf32, #tpu.memory_space<vmem>>
      tpu.wait_dma2 semaphore(%arg15 : memref<!tpu.dma_semaphore, #tpu.memory_space<semaphore_mem>>) src(%dma_wait3A_736 : memref<2048xf32, #tpu.memory_space<vmem>>) dst(%dma_wait3A_734 : memref<2048xf32, #tpu.memory_space<hbm>>)
      %dma_wait3A_737 = arith.constant 0 : i32
      %dma_wait3A_738 = tpu.memref_slice %arg9[%dma_wait3A_737] : memref<16384xf32, #tpu.memory_space<vmem>> -> memref<2048xf32, #tpu.memory_space<vmem>>
      %dma_wait3A_739 = arith.constant 0 : i32
      %dma_wait3A_740 = tpu.memref_slice %arg4[%dma_wait3A_739] : memref<209715200xf32, #tpu.memory_space<hbm>> -> memref<2048xf32, #tpu.memory_space<hbm>>
      %dma_wait3A_741 = arith.constant 0 : i32
      %dma_wait3A_742 = tpu.memref_slice %arg4[%dma_wait3A_741] : memref<209715200xf32, #tpu.memory_space<hbm>> -> memref<2048xf32, #tpu.memory_space<hbm>>
      %dma_wait3A_743 = arith.constant 0 : i32
      %dma_wait3A_744 = tpu.memref_slice %arg9[%dma_wait3A_743] : memref<16384xf32, #tpu.memory_space<vmem>> -> memref<2048xf32, #tpu.memory_space<vmem>>
      tpu.wait_dma2 semaphore(%arg15 : memref<!tpu.dma_semaphore, #tpu.memory_space<semaphore_mem>>) src(%dma_wait3A_744 : memref<2048xf32, #tpu.memory_space<vmem>>) dst(%dma_wait3A_742 : memref<2048xf32, #tpu.memory_space<hbm>>)
      %dma_start3A_745 = arith.constant 0 : i32
      %dma_start3A_746 = arith.constant 0 : i32
      %dma_start3A_747 = tpu.memref_slice %arg3[%dma_start3A_745, %dma_start3A_746] : memref<15000x64xf32, #tpu.memory_space<hbm>> -> memref<15000x64xf32, #tpu.memory_space<hbm>>
      tpu.enqueue_indirect_dma source(%dma_start3A_747 : memref<15000x64xf32, #tpu.memory_space<hbm>>) target(%arg7 : memref<256x64xf32, #tpu.memory_space<vmem>>) offsets(%arg5 : memref<256xi32, #tpu.memory_space<vmem>>) semaphore(%arg13 : memref<!tpu.dma_semaphore, #tpu.memory_space<semaphore_mem>>)
      %dma_wait3A_748 = arith.constant 0 : i32
      %dma_wait3A_749 = arith.constant 0 : i32
      %dma_wait3A_750 = tpu.memref_slice %arg3[%dma_wait3A_748, %dma_wait3A_749] : memref<15000x64xf32, #tpu.memory_space<hbm>> -> memref<15000x64xf32, #tpu.memory_space<hbm>>
      tpu.wait_indirect_dma semaphore(%arg14 : memref<!tpu.dma_semaphore, #tpu.memory_space<semaphore_mem>>) src(%dma_wait3A_750 : memref<15000x64xf32, #tpu.memory_space<hbm>>) dst(%arg8 : memref<256x64xf32, #tpu.memory_space<vmem>>)
      %add3A_751 = arith.constant 1 : i32
      %add3A_752 = arith.addi %mul3A_673, %add3A_751 : i32
      %shift_right_logical3A_753 = arith.constant 1 : i32
      %shift_right_logical3A_754 = arith.shrui %add3A_752, %shift_right_logical3A_753 : i32
      %and3A = arith.constant 1 : i32
      %and3A_755 = arith.andi %add3A_752, %and3A : i32
      %mul3A_756 = arith.constant 256 : i32
      %mul3A_757 = arith.muli %and3A_755, %mul3A_756 : i32
      %add3A_758 = arith.addi %mul3A_2, %mul3A_757 : i32
      %dma_start3A_759 = tpu.memref_slice %arg2[%shift_right_logical3A_754, %add3A_758] : memref<200x16384xi32, #tpu.memory_space<hbm>> -> memref<1x256xi32, #tpu.memory_space<hbm>>
      %dma_start3A_760 = tpu.memref_squeeze %dma_start3A_759 : memref<1x256xi32, #tpu.memory_space<hbm>> -> memref<256xi32, #tpu.memory_space<hbm>>
      %dma_start3A_761 = tpu.memref_slice %arg2[%shift_right_logical3A_754, %add3A_758] : memref<200x16384xi32, #tpu.memory_space<hbm>> -> memref<1x256xi32, #tpu.memory_space<hbm>>
      %dma_start3A_762 = tpu.memref_squeeze %dma_start3A_761 : memref<1x256xi32, #tpu.memory_space<hbm>> -> memref<256xi32, #tpu.memory_space<hbm>>
      tpu.enqueue_dma source(%dma_start3A_762 : memref<256xi32, #tpu.memory_space<hbm>>) target(%arg6 : memref<256xi32, #tpu.memory_space<vmem>>) target_semaphore(%arg12 : memref<!tpu.dma_semaphore, #tpu.memory_space<semaphore_mem>>)
      %scan3A_763 = arith.constant 0 : i32
      %scan3A_764 = arith.constant 0 : i32
      %scan3A_765 = arith.constant 16 : i32
      %scan3A_766 = arith.addi %scan3A_764, %scan3A_765 : i32
      %scan3A_767 = arith.constant 1 : i32
      scf.for %scan3A_1022 = %scan3A_764 to %scan3A_766 step %scan3A_767  : i32 {
        %add3A_1023 = vector.broadcast %scan3A_1022 : i32 to vector<16xi32>
        %add3A_1024 = arith.addi %iota3A, %add3A_1023 : vector<16xi32>
        %and3A_1025 = arith.constant 15 : i32
        %and3A_1026 = vector.broadcast %and3A_1025 : i32 to vector<16xi32>
        %and3A_1027 = arith.andi %add3A_1024, %and3A_1026 : vector<16xi32>
        %shift_right_logical3A_1028 = arith.constant 3 : i32
        %shift_right_logical3A_1029 = vector.broadcast %shift_right_logical3A_1028 : i32 to vector<16xi32>
        %shift_right_logical3A_1030 = arith.shrui %and3A_1027, %shift_right_logical3A_1029 : vector<16xi32>
        %shift_left3A = arith.constant 11 : i32
        %shift_left3A_1031 = vector.broadcast %shift_left3A : i32 to vector<16xi32>
        %shift_left3A_1032 = arith.shli %shift_right_logical3A_1030, %shift_left3A_1031 : vector<16xi32>
        %and3A_1033 = arith.constant 7 : i32
        %and3A_1034 = vector.broadcast %and3A_1033 : i32 to vector<16xi32>
        %and3A_1035 = arith.andi %and3A_1027, %and3A_1034 : vector<16xi32>
        %shift_left3A_1036 = arith.constant 7 : i32
        %shift_left3A_1037 = vector.broadcast %shift_left3A_1036 : i32 to vector<16xi32>
        %shift_left3A_1038 = arith.shli %and3A_1035, %shift_left3A_1037 : vector<16xi32>
        %add3A_1039 = arith.addi %shift_left3A_1032, %shift_left3A_1038 : vector<16xi32>
        %add3A_1040 = arith.addi %add3A_1039, %iota3A : vector<16xi32>
        %add3A_1041 = arith.constant 0 : i32
        %add3A_1042 = vector.broadcast %add3A_1041 : i32 to vector<16xi32>
        %add3A_1043 = arith.addi %and3A_1027, %add3A_1042 : vector<16xi32>
        %add3A_1044 = arith.constant 16 : i32
        %add3A_1045 = vector.broadcast %add3A_1044 : i32 to vector<16xi32>
        %add3A_1046 = arith.addi %and3A_1027, %add3A_1045 : vector<16xi32>
        %add3A_1047 = arith.constant 32 : i32
        %add3A_1048 = vector.broadcast %add3A_1047 : i32 to vector<16xi32>
        %add3A_1049 = arith.addi %and3A_1027, %add3A_1048 : vector<16xi32>
        %add3A_1050 = arith.constant 48 : i32
        %add3A_1051 = vector.broadcast %add3A_1050 : i32 to vector<16xi32>
        %add3A_1052 = arith.addi %and3A_1027, %add3A_1051 : vector<16xi32>
        %add3A_1053 = arith.constant 0 : i32
        %add3A_1054 = vector.broadcast %add3A_1053 : i32 to vector<16xi32>
        %add3A_1055 = arith.addi %iota3A, %add3A_1054 : vector<16xi32>
        %gather3A = tpu.vector_load_idx %arg8[%add3A_1055, %add3A_1043] : memref<256x64xf32, #tpu.memory_space<vmem>>[vector<16xi32>, vector<16xi32>], vector<16xf32>,
        %add3A_1056 = arith.constant 0 : i32
        %add3A_1057 = vector.broadcast %add3A_1056 : i32 to vector<16xi32>
        %add3A_1058 = arith.addi %add3A_1040, %add3A_1057 : vector<16xi32>
        %gather3A_1059 = tpu.vector_load_idx %arg8[%add3A_1055, %add3A_1046] : memref<256x64xf32, #tpu.memory_space<vmem>>[vector<16xi32>, vector<16xi32>], vector<16xf32>,
        %add3A_1060 = arith.constant 4096 : i32
        %add3A_1061 = vector.broadcast %add3A_1060 : i32 to vector<16xi32>
        %add3A_1062 = arith.addi %add3A_1040, %add3A_1061 : vector<16xi32>
        %gather3A_1063 = tpu.vector_load_idx %arg8[%add3A_1055, %add3A_1049] : memref<256x64xf32, #tpu.memory_space<vmem>>[vector<16xi32>, vector<16xi32>], vector<16xf32>,
        %add3A_1064 = arith.constant 8192 : i32
        %add3A_1065 = vector.broadcast %add3A_1064 : i32 to vector<16xi32>
        %add3A_1066 = arith.addi %add3A_1040, %add3A_1065 : vector<16xi32>
        %gather3A_1067 = tpu.vector_load_idx %arg8[%add3A_1055, %add3A_1052] : memref<256x64xf32, #tpu.memory_space<vmem>>[vector<16xi32>, vector<16xi32>], vector<16xf32>,
        %add3A_1068 = arith.constant 12288 : i32
        %add3A_1069 = vector.broadcast %add3A_1068 : i32 to vector<16xi32>
        %add3A_1070 = arith.addi %add3A_1040, %add3A_1069 : vector<16xi32>
        %add3A_1071 = arith.constant 16 : i32
        %add3A_1072 = vector.broadcast %add3A_1071 : i32 to vector<16xi32>
        %add3A_1073 = arith.addi %iota3A, %add3A_1072 : vector<16xi32>
        %gather3A_1074 = tpu.vector_load_idx %arg8[%add3A_1073, %add3A_1043] : memref<256x64xf32, #tpu.memory_space<vmem>>[vector<16xi32>, vector<16xi32>], vector<16xf32>,
        %add3A_1075 = arith.constant 16 : i32
        %add3A_1076 = vector.broadcast %add3A_1075 : i32 to vector<16xi32>
        %add3A_1077 = arith.addi %add3A_1040, %add3A_1076 : vector<16xi32>
        %gather3A_1078 = tpu.vector_load_idx %arg8[%add3A_1073, %add3A_1046] : memref<256x64xf32, #tpu.memory_space<vmem>>[vector<16xi32>, vector<16xi32>], vector<16xf32>,
        %add3A_1079 = arith.constant 4112 : i32
        %add3A_1080 = vector.broadcast %add3A_1079 : i32 to vector<16xi32>
        %add3A_1081 = arith.addi %add3A_1040, %add3A_1080 : vector<16xi32>
        %gather3A_1082 = tpu.vector_load_idx %arg8[%add3A_1073, %add3A_1049] : memref<256x64xf32, #tpu.memory_space<vmem>>[vector<16xi32>, vector<16xi32>], vector<16xf32>,
        %add3A_1083 = arith.constant 8208 : i32
        %add3A_1084 = vector.broadcast %add3A_1083 : i32 to vector<16xi32>
        %add3A_1085 = arith.addi %add3A_1040, %add3A_1084 : vector<16xi32>
        %gather3A_1086 = tpu.vector_load_idx %arg8[%add3A_1073, %add3A_1052] : memref<256x64xf32, #tpu.memory_space<vmem>>[vector<16xi32>, vector<16xi32>], vector<16xf32>,
        %add3A_1087 = arith.constant 12304 : i32
        %add3A_1088 = vector.broadcast %add3A_1087 : i32 to vector<16xi32>
        %add3A_1089 = arith.addi %add3A_1040, %add3A_1088 : vector<16xi32>
        tpu.vector_store_idx %arg10[%add3A_1058], %gather3A : memref<16384xf32, #tpu.memory_space<vmem>>[vector<16xi32>], vector<16xf32>,
        tpu.vector_store_idx %arg10[%add3A_1062], %gather3A_1059 : memref<16384xf32, #tpu.memory_space<vmem>>[vector<16xi32>], vector<16xf32>,
        tpu.vector_store_idx %arg10[%add3A_1066], %gather3A_1063 : memref<16384xf32, #tpu.memory_space<vmem>>[vector<16xi32>], vector<16xf32>,
        tpu.vector_store_idx %arg10[%add3A_1070], %gather3A_1067 : memref<16384xf32, #tpu.memory_space<vmem>>[vector<16xi32>], vector<16xf32>,
        tpu.vector_store_idx %arg10[%add3A_1077], %gather3A_1074 : memref<16384xf32, #tpu.memory_space<vmem>>[vector<16xi32>], vector<16xf32>,
        tpu.vector_store_idx %arg10[%add3A_1081], %gather3A_1078 : memref<16384xf32, #tpu.memory_space<vmem>>[vector<16xi32>], vector<16xf32>,
        tpu.vector_store_idx %arg10[%add3A_1085], %gather3A_1082 : memref<16384xf32, #tpu.memory_space<vmem>>[vector<16xi32>], vector<16xf32>,
        tpu.vector_store_idx %arg10[%add3A_1089], %gather3A_1086 : memref<16384xf32, #tpu.memory_space<vmem>>[vector<16xi32>], vector<16xf32>,
        %add3A_1090 = arith.constant 32 : i32
        %add3A_1091 = vector.broadcast %add3A_1090 : i32 to vector<16xi32>
        %add3A_1092 = arith.addi %iota3A, %add3A_1091 : vector<16xi32>
        %gather3A_1093 = tpu.vector_load_idx %arg8[%add3A_1092, %add3A_1043] : memref<256x64xf32, #tpu.memory_space<vmem>>[vector<16xi32>, vector<16xi32>], vector<16xf32>,
        %add3A_1094 = arith.constant 32 : i32
        %add3A_1095 = vector.broadcast %add3A_1094 : i32 to vector<16xi32>
        %add3A_1096 = arith.addi %add3A_1040, %add3A_1095 : vector<16xi32>
        %gather3A_1097 = tpu.vector_load_idx %arg8[%add3A_1092, %add3A_1046] : memref<256x64xf32, #tpu.memory_space<vmem>>[vector<16xi32>, vector<16xi32>], vector<16xf32>,
        %add3A_1098 = arith.constant 4128 : i32
        %add3A_1099 = vector.broadcast %add3A_1098 : i32 to vector<16xi32>
        %add3A_1100 = arith.addi %add3A_1040, %add3A_1099 : vector<16xi32>
        %gather3A_1101 = tpu.vector_load_idx %arg8[%add3A_1092, %add3A_1049] : memref<256x64xf32, #tpu.memory_space<vmem>>[vector<16xi32>, vector<16xi32>], vector<16xf32>,
        %add3A_1102 = arith.constant 8224 : i32
        %add3A_1103 = vector.broadcast %add3A_1102 : i32 to vector<16xi32>
        %add3A_1104 = arith.addi %add3A_1040, %add3A_1103 : vector<16xi32>
        %gather3A_1105 = tpu.vector_load_idx %arg8[%add3A_1092, %add3A_1052] : memref<256x64xf32, #tpu.memory_space<vmem>>[vector<16xi32>, vector<16xi32>], vector<16xf32>,
        %add3A_1106 = arith.constant 12320 : i32
        %add3A_1107 = vector.broadcast %add3A_1106 : i32 to vector<16xi32>
        %add3A_1108 = arith.addi %add3A_1040, %add3A_1107 : vector<16xi32>
        %add3A_1109 = arith.constant 48 : i32
        %add3A_1110 = vector.broadcast %add3A_1109 : i32 to vector<16xi32>
        %add3A_1111 = arith.addi %iota3A, %add3A_1110 : vector<16xi32>
        %gather3A_1112 = tpu.vector_load_idx %arg8[%add3A_1111, %add3A_1043] : memref<256x64xf32, #tpu.memory_space<vmem>>[vector<16xi32>, vector<16xi32>], vector<16xf32>,
        %add3A_1113 = arith.constant 48 : i32
        %add3A_1114 = vector.broadcast %add3A_1113 : i32 to vector<16xi32>
        %add3A_1115 = arith.addi %add3A_1040, %add3A_1114 : vector<16xi32>
        %gather3A_1116 = tpu.vector_load_idx %arg8[%add3A_1111, %add3A_1046] : memref<256x64xf32, #tpu.memory_space<vmem>>[vector<16xi32>, vector<16xi32>], vector<16xf32>,
        %add3A_1117 = arith.constant 4144 : i32
        %add3A_1118 = vector.broadcast %add3A_1117 : i32 to vector<16xi32>
        %add3A_1119 = arith.addi %add3A_1040, %add3A_1118 : vector<16xi32>
        %gather3A_1120 = tpu.vector_load_idx %arg8[%add3A_1111, %add3A_1049] : memref<256x64xf32, #tpu.memory_space<vmem>>[vector<16xi32>, vector<16xi32>], vector<16xf32>,
        %add3A_1121 = arith.constant 8240 : i32
        %add3A_1122 = vector.broadcast %add3A_1121 : i32 to vector<16xi32>
        %add3A_1123 = arith.addi %add3A_1040, %add3A_1122 : vector<16xi32>
        %gather3A_1124 = tpu.vector_load_idx %arg8[%add3A_1111, %add3A_1052] : memref<256x64xf32, #tpu.memory_space<vmem>>[vector<16xi32>, vector<16xi32>], vector<16xf32>,
        %add3A_1125 = arith.constant 12336 : i32
        %add3A_1126 = vector.broadcast %add3A_1125 : i32 to vector<16xi32>
        %add3A_1127 = arith.addi %add3A_1040, %add3A_1126 : vector<16xi32>
        tpu.vector_store_idx %arg10[%add3A_1096], %gather3A_1093 : memref<16384xf32, #tpu.memory_space<vmem>>[vector<16xi32>], vector<16xf32>,
        tpu.vector_store_idx %arg10[%add3A_1100], %gather3A_1097 : memref<16384xf32, #tpu.memory_space<vmem>>[vector<16xi32>], vector<16xf32>,
        tpu.vector_store_idx %arg10[%add3A_1104], %gather3A_1101 : memref<16384xf32, #tpu.memory_space<vmem>>[vector<16xi32>], vector<16xf32>,
        tpu.vector_store_idx %arg10[%add3A_1108], %gather3A_1105 : memref<16384xf32, #tpu.memory_space<vmem>>[vector<16xi32>], vector<16xf32>,
        tpu.vector_store_idx %arg10[%add3A_1115], %gather3A_1112 : memref<16384xf32, #tpu.memory_space<vmem>>[vector<16xi32>], vector<16xf32>,
        tpu.vector_store_idx %arg10[%add3A_1119], %gather3A_1116 : memref<16384xf32, #tpu.memory_space<vmem>>[vector<16xi32>], vector<16xf32>,
        tpu.vector_store_idx %arg10[%add3A_1123], %gather3A_1120 : memref<16384xf32, #tpu.memory_space<vmem>>[vector<16xi32>], vector<16xf32>,
        tpu.vector_store_idx %arg10[%add3A_1127], %gather3A_1124 : memref<16384xf32, #tpu.memory_space<vmem>>[vector<16xi32>], vector<16xf32>,
        %add3A_1128 = arith.constant 64 : i32
        %add3A_1129 = vector.broadcast %add3A_1128 : i32 to vector<16xi32>
        %add3A_1130 = arith.addi %iota3A, %add3A_1129 : vector<16xi32>
        %gather3A_1131 = tpu.vector_load_idx %arg8[%add3A_1130, %add3A_1043] : memref<256x64xf32, #tpu.memory_space<vmem>>[vector<16xi32>, vector<16xi32>], vector<16xf32>,
        %add3A_1132 = arith.constant 64 : i32
        %add3A_1133 = vector.broadcast %add3A_1132 : i32 to vector<16xi32>
        %add3A_1134 = arith.addi %add3A_1040, %add3A_1133 : vector<16xi32>
        %gather3A_1135 = tpu.vector_load_idx %arg8[%add3A_1130, %add3A_1046] : memref<256x64xf32, #tpu.memory_space<vmem>>[vector<16xi32>, vector<16xi32>], vector<16xf32>,
        %add3A_1136 = arith.constant 4160 : i32
        %add3A_1137 = vector.broadcast %add3A_1136 : i32 to vector<16xi32>
        %add3A_1138 = arith.addi %add3A_1040, %add3A_1137 : vector<16xi32>
        %gather3A_1139 = tpu.vector_load_idx %arg8[%add3A_1130, %add3A_1049] : memref<256x64xf32, #tpu.memory_space<vmem>>[vector<16xi32>, vector<16xi32>], vector<16xf32>,
        %add3A_1140 = arith.constant 8256 : i32
        %add3A_1141 = vector.broadcast %add3A_1140 : i32 to vector<16xi32>
        %add3A_1142 = arith.addi %add3A_1040, %add3A_1141 : vector<16xi32>
        %gather3A_1143 = tpu.vector_load_idx %arg8[%add3A_1130, %add3A_1052] : memref<256x64xf32, #tpu.memory_space<vmem>>[vector<16xi32>, vector<16xi32>], vector<16xf32>,
        %add3A_1144 = arith.constant 12352 : i32
        %add3A_1145 = vector.broadcast %add3A_1144 : i32 to vector<16xi32>
        %add3A_1146 = arith.addi %add3A_1040, %add3A_1145 : vector<16xi32>
        %add3A_1147 = arith.constant 80 : i32
        %add3A_1148 = vector.broadcast %add3A_1147 : i32 to vector<16xi32>
        %add3A_1149 = arith.addi %iota3A, %add3A_1148 : vector<16xi32>
        %gather3A_1150 = tpu.vector_load_idx %arg8[%add3A_1149, %add3A_1043] : memref<256x64xf32, #tpu.memory_space<vmem>>[vector<16xi32>, vector<16xi32>], vector<16xf32>,
        %add3A_1151 = arith.constant 80 : i32
        %add3A_1152 = vector.broadcast %add3A_1151 : i32 to vector<16xi32>
        %add3A_1153 = arith.addi %add3A_1040, %add3A_1152 : vector<16xi32>
        %gather3A_1154 = tpu.vector_load_idx %arg8[%add3A_1149, %add3A_1046] : memref<256x64xf32, #tpu.memory_space<vmem>>[vector<16xi32>, vector<16xi32>], vector<16xf32>,
        %add3A_1155 = arith.constant 4176 : i32
        %add3A_1156 = vector.broadcast %add3A_1155 : i32 to vector<16xi32>
        %add3A_1157 = arith.addi %add3A_1040, %add3A_1156 : vector<16xi32>
        %gather3A_1158 = tpu.vector_load_idx %arg8[%add3A_1149, %add3A_1049] : memref<256x64xf32, #tpu.memory_space<vmem>>[vector<16xi32>, vector<16xi32>], vector<16xf32>,
        %add3A_1159 = arith.constant 8272 : i32
        %add3A_1160 = vector.broadcast %add3A_1159 : i32 to vector<16xi32>
        %add3A_1161 = arith.addi %add3A_1040, %add3A_1160 : vector<16xi32>
        %gather3A_1162 = tpu.vector_load_idx %arg8[%add3A_1149, %add3A_1052] : memref<256x64xf32, #tpu.memory_space<vmem>>[vector<16xi32>, vector<16xi32>], vector<16xf32>,
        %add3A_1163 = arith.constant 12368 : i32
        %add3A_1164 = vector.broadcast %add3A_1163 : i32 to vector<16xi32>
        %add3A_1165 = arith.addi %add3A_1040, %add3A_1164 : vector<16xi32>
        tpu.vector_store_idx %arg10[%add3A_1134], %gather3A_1131 : memref<16384xf32, #tpu.memory_space<vmem>>[vector<16xi32>], vector<16xf32>,
        tpu.vector_store_idx %arg10[%add3A_1138], %gather3A_1135 : memref<16384xf32, #tpu.memory_space<vmem>>[vector<16xi32>], vector<16xf32>,
        tpu.vector_store_idx %arg10[%add3A_1142], %gather3A_1139 : memref<16384xf32, #tpu.memory_space<vmem>>[vector<16xi32>], vector<16xf32>,
        tpu.vector_store_idx %arg10[%add3A_1146], %gather3A_1143 : memref<16384xf32, #tpu.memory_space<vmem>>[vector<16xi32>], vector<16xf32>,
        tpu.vector_store_idx %arg10[%add3A_1153], %gather3A_1150 : memref<16384xf32, #tpu.memory_space<vmem>>[vector<16xi32>], vector<16xf32>,
        tpu.vector_store_idx %arg10[%add3A_1157], %gather3A_1154 : memref<16384xf32, #tpu.memory_space<vmem>>[vector<16xi32>], vector<16xf32>,
        tpu.vector_store_idx %arg10[%add3A_1161], %gather3A_1158 : memref<16384xf32, #tpu.memory_space<vmem>>[vector<16xi32>], vector<16xf32>,
        tpu.vector_store_idx %arg10[%add3A_1165], %gather3A_1162 : memref<16384xf32, #tpu.memory_space<vmem>>[vector<16xi32>], vector<16xf32>,
        %add3A_1166 = arith.constant 96 : i32
        %add3A_1167 = vector.broadcast %add3A_1166 : i32 to vector<16xi32>
        %add3A_1168 = arith.addi %iota3A, %add3A_1167 : vector<16xi32>
        %gather3A_1169 = tpu.vector_load_idx %arg8[%add3A_1168, %add3A_1043] : memref<256x64xf32, #tpu.memory_space<vmem>>[vector<16xi32>, vector<16xi32>], vector<16xf32>,
        %add3A_1170 = arith.constant 96 : i32
        %add3A_1171 = vector.broadcast %add3A_1170 : i32 to vector<16xi32>
        %add3A_1172 = arith.addi %add3A_1040, %add3A_1171 : vector<16xi32>
        %gather3A_1173 = tpu.vector_load_idx %arg8[%add3A_1168, %add3A_1046] : memref<256x64xf32, #tpu.memory_space<vmem>>[vector<16xi32>, vector<16xi32>], vector<16xf32>,
        %add3A_1174 = arith.constant 4192 : i32
        %add3A_1175 = vector.broadcast %add3A_1174 : i32 to vector<16xi32>
        %add3A_1176 = arith.addi %add3A_1040, %add3A_1175 : vector<16xi32>
        %gather3A_1177 = tpu.vector_load_idx %arg8[%add3A_1168, %add3A_1049] : memref<256x64xf32, #tpu.memory_space<vmem>>[vector<16xi32>, vector<16xi32>], vector<16xf32>,
        %add3A_1178 = arith.constant 8288 : i32
        %add3A_1179 = vector.broadcast %add3A_1178 : i32 to vector<16xi32>
        %add3A_1180 = arith.addi %add3A_1040, %add3A_1179 : vector<16xi32>
        %gather3A_1181 = tpu.vector_load_idx %arg8[%add3A_1168, %add3A_1052] : memref<256x64xf32, #tpu.memory_space<vmem>>[vector<16xi32>, vector<16xi32>], vector<16xf32>,
        %add3A_1182 = arith.constant 12384 : i32
        %add3A_1183 = vector.broadcast %add3A_1182 : i32 to vector<16xi32>
        %add3A_1184 = arith.addi %add3A_1040, %add3A_1183 : vector<16xi32>
        %add3A_1185 = arith.constant 112 : i32
        %add3A_1186 = vector.broadcast %add3A_1185 : i32 to vector<16xi32>
        %add3A_1187 = arith.addi %iota3A, %add3A_1186 : vector<16xi32>
        %gather3A_1188 = tpu.vector_load_idx %arg8[%add3A_1187, %add3A_1043] : memref<256x64xf32, #tpu.memory_space<vmem>>[vector<16xi32>, vector<16xi32>], vector<16xf32>,
        %add3A_1189 = arith.constant 112 : i32
        %add3A_1190 = vector.broadcast %add3A_1189 : i32 to vector<16xi32>
        %add3A_1191 = arith.addi %add3A_1040, %add3A_1190 : vector<16xi32>
        %gather3A_1192 = tpu.vector_load_idx %arg8[%add3A_1187, %add3A_1046] : memref<256x64xf32, #tpu.memory_space<vmem>>[vector<16xi32>, vector<16xi32>], vector<16xf32>,
        %add3A_1193 = arith.constant 4208 : i32
        %add3A_1194 = vector.broadcast %add3A_1193 : i32 to vector<16xi32>
        %add3A_1195 = arith.addi %add3A_1040, %add3A_1194 : vector<16xi32>
        %gather3A_1196 = tpu.vector_load_idx %arg8[%add3A_1187, %add3A_1049] : memref<256x64xf32, #tpu.memory_space<vmem>>[vector<16xi32>, vector<16xi32>], vector<16xf32>,
        %add3A_1197 = arith.constant 8304 : i32
        %add3A_1198 = vector.broadcast %add3A_1197 : i32 to vector<16xi32>
        %add3A_1199 = arith.addi %add3A_1040, %add3A_1198 : vector<16xi32>
        %gather3A_1200 = tpu.vector_load_idx %arg8[%add3A_1187, %add3A_1052] : memref<256x64xf32, #tpu.memory_space<vmem>>[vector<16xi32>, vector<16xi32>], vector<16xf32>,
        %add3A_1201 = arith.constant 12400 : i32
        %add3A_1202 = vector.broadcast %add3A_1201 : i32 to vector<16xi32>
        %add3A_1203 = arith.addi %add3A_1040, %add3A_1202 : vector<16xi32>
        tpu.vector_store_idx %arg10[%add3A_1172], %gather3A_1169 : memref<16384xf32, #tpu.memory_space<vmem>>[vector<16xi32>], vector<16xf32>,
        tpu.vector_store_idx %arg10[%add3A_1176], %gather3A_1173 : memref<16384xf32, #tpu.memory_space<vmem>>[vector<16xi32>], vector<16xf32>,
        tpu.vector_store_idx %arg10[%add3A_1180], %gather3A_1177 : memref<16384xf32, #tpu.memory_space<vmem>>[vector<16xi32>], vector<16xf32>,
        tpu.vector_store_idx %arg10[%add3A_1184], %gather3A_1181 : memref<16384xf32, #tpu.memory_space<vmem>>[vector<16xi32>], vector<16xf32>,
        tpu.vector_store_idx %arg10[%add3A_1191], %gather3A_1188 : memref<16384xf32, #tpu.memory_space<vmem>>[vector<16xi32>], vector<16xf32>,
        tpu.vector_store_idx %arg10[%add3A_1195], %gather3A_1192 : memref<16384xf32, #tpu.memory_space<vmem>>[vector<16xi32>], vector<16xf32>,
        tpu.vector_store_idx %arg10[%add3A_1199], %gather3A_1196 : memref<16384xf32, #tpu.memory_space<vmem>>[vector<16xi32>], vector<16xf32>,
        tpu.vector_store_idx %arg10[%add3A_1203], %gather3A_1200 : memref<16384xf32, #tpu.memory_space<vmem>>[vector<16xi32>], vector<16xf32>,
        %add3A_1204 = arith.constant 128 : i32
        %add3A_1205 = vector.broadcast %add3A_1204 : i32 to vector<16xi32>
        %add3A_1206 = arith.addi %iota3A, %add3A_1205 : vector<16xi32>
        %gather3A_1207 = tpu.vector_load_idx %arg8[%add3A_1206, %add3A_1043] : memref<256x64xf32, #tpu.memory_space<vmem>>[vector<16xi32>, vector<16xi32>], vector<16xf32>,
        %add3A_1208 = arith.constant 1024 : i32
        %add3A_1209 = vector.broadcast %add3A_1208 : i32 to vector<16xi32>
        %add3A_1210 = arith.addi %add3A_1040, %add3A_1209 : vector<16xi32>
        %gather3A_1211 = tpu.vector_load_idx %arg8[%add3A_1206, %add3A_1046] : memref<256x64xf32, #tpu.memory_space<vmem>>[vector<16xi32>, vector<16xi32>], vector<16xf32>,
        %add3A_1212 = arith.constant 5120 : i32
        %add3A_1213 = vector.broadcast %add3A_1212 : i32 to vector<16xi32>
        %add3A_1214 = arith.addi %add3A_1040, %add3A_1213 : vector<16xi32>
        %gather3A_1215 = tpu.vector_load_idx %arg8[%add3A_1206, %add3A_1049] : memref<256x64xf32, #tpu.memory_space<vmem>>[vector<16xi32>, vector<16xi32>], vector<16xf32>,
        %add3A_1216 = arith.constant 9216 : i32
        %add3A_1217 = vector.broadcast %add3A_1216 : i32 to vector<16xi32>
        %add3A_1218 = arith.addi %add3A_1040, %add3A_1217 : vector<16xi32>
        %gather3A_1219 = tpu.vector_load_idx %arg8[%add3A_1206, %add3A_1052] : memref<256x64xf32, #tpu.memory_space<vmem>>[vector<16xi32>, vector<16xi32>], vector<16xf32>,
        %add3A_1220 = arith.constant 13312 : i32
        %add3A_1221 = vector.broadcast %add3A_1220 : i32 to vector<16xi32>
        %add3A_1222 = arith.addi %add3A_1040, %add3A_1221 : vector<16xi32>
        %add3A_1223 = arith.constant 144 : i32
        %add3A_1224 = vector.broadcast %add3A_1223 : i32 to vector<16xi32>
        %add3A_1225 = arith.addi %iota3A, %add3A_1224 : vector<16xi32>
        %gather3A_1226 = tpu.vector_load_idx %arg8[%add3A_1225, %add3A_1043] : memref<256x64xf32, #tpu.memory_space<vmem>>[vector<16xi32>, vector<16xi32>], vector<16xf32>,
        %add3A_1227 = arith.constant 1040 : i32
        %add3A_1228 = vector.broadcast %add3A_1227 : i32 to vector<16xi32>
        %add3A_1229 = arith.addi %add3A_1040, %add3A_1228 : vector<16xi32>
        %gather3A_1230 = tpu.vector_load_idx %arg8[%add3A_1225, %add3A_1046] : memref<256x64xf32, #tpu.memory_space<vmem>>[vector<16xi32>, vector<16xi32>], vector<16xf32>,
        %add3A_1231 = arith.constant 5136 : i32
        %add3A_1232 = vector.broadcast %add3A_1231 : i32 to vector<16xi32>
        %add3A_1233 = arith.addi %add3A_1040, %add3A_1232 : vector<16xi32>
        %gather3A_1234 = tpu.vector_load_idx %arg8[%add3A_1225, %add3A_1049] : memref<256x64xf32, #tpu.memory_space<vmem>>[vector<16xi32>, vector<16xi32>], vector<16xf32>,
        %add3A_1235 = arith.constant 9232 : i32
        %add3A_1236 = vector.broadcast %add3A_1235 : i32 to vector<16xi32>
        %add3A_1237 = arith.addi %add3A_1040, %add3A_1236 : vector<16xi32>
        %gather3A_1238 = tpu.vector_load_idx %arg8[%add3A_1225, %add3A_1052] : memref<256x64xf32, #tpu.memory_space<vmem>>[vector<16xi32>, vector<16xi32>], vector<16xf32>,
        %add3A_1239 = arith.constant 13328 : i32
        %add3A_1240 = vector.broadcast %add3A_1239 : i32 to vector<16xi32>
        %add3A_1241 = arith.addi %add3A_1040, %add3A_1240 : vector<16xi32>
        tpu.vector_store_idx %arg10[%add3A_1210], %gather3A_1207 : memref<16384xf32, #tpu.memory_space<vmem>>[vector<16xi32>], vector<16xf32>,
        tpu.vector_store_idx %arg10[%add3A_1214], %gather3A_1211 : memref<16384xf32, #tpu.memory_space<vmem>>[vector<16xi32>], vector<16xf32>,
        tpu.vector_store_idx %arg10[%add3A_1218], %gather3A_1215 : memref<16384xf32, #tpu.memory_space<vmem>>[vector<16xi32>], vector<16xf32>,
        tpu.vector_store_idx %arg10[%add3A_1222], %gather3A_1219 : memref<16384xf32, #tpu.memory_space<vmem>>[vector<16xi32>], vector<16xf32>,
        tpu.vector_store_idx %arg10[%add3A_1229], %gather3A_1226 : memref<16384xf32, #tpu.memory_space<vmem>>[vector<16xi32>], vector<16xf32>,
        tpu.vector_store_idx %arg10[%add3A_1233], %gather3A_1230 : memref<16384xf32, #tpu.memory_space<vmem>>[vector<16xi32>], vector<16xf32>,
        tpu.vector_store_idx %arg10[%add3A_1237], %gather3A_1234 : memref<16384xf32, #tpu.memory_space<vmem>>[vector<16xi32>], vector<16xf32>,
        tpu.vector_store_idx %arg10[%add3A_1241], %gather3A_1238 : memref<16384xf32, #tpu.memory_space<vmem>>[vector<16xi32>], vector<16xf32>,
        %add3A_1242 = arith.constant 160 : i32
        %add3A_1243 = vector.broadcast %add3A_1242 : i32 to vector<16xi32>
        %add3A_1244 = arith.addi %iota3A, %add3A_1243 : vector<16xi32>
        %gather3A_1245 = tpu.vector_load_idx %arg8[%add3A_1244, %add3A_1043] : memref<256x64xf32, #tpu.memory_space<vmem>>[vector<16xi32>, vector<16xi32>], vector<16xf32>,
        %add3A_1246 = arith.constant 1056 : i32
        %add3A_1247 = vector.broadcast %add3A_1246 : i32 to vector<16xi32>
        %add3A_1248 = arith.addi %add3A_1040, %add3A_1247 : vector<16xi32>
        %gather3A_1249 = tpu.vector_load_idx %arg8[%add3A_1244, %add3A_1046] : memref<256x64xf32, #tpu.memory_space<vmem>>[vector<16xi32>, vector<16xi32>], vector<16xf32>,
        %add3A_1250 = arith.constant 5152 : i32
        %add3A_1251 = vector.broadcast %add3A_1250 : i32 to vector<16xi32>
        %add3A_1252 = arith.addi %add3A_1040, %add3A_1251 : vector<16xi32>
        %gather3A_1253 = tpu.vector_load_idx %arg8[%add3A_1244, %add3A_1049] : memref<256x64xf32, #tpu.memory_space<vmem>>[vector<16xi32>, vector<16xi32>], vector<16xf32>,
        %add3A_1254 = arith.constant 9248 : i32
        %add3A_1255 = vector.broadcast %add3A_1254 : i32 to vector<16xi32>
        %add3A_1256 = arith.addi %add3A_1040, %add3A_1255 : vector<16xi32>
        %gather3A_1257 = tpu.vector_load_idx %arg8[%add3A_1244, %add3A_1052] : memref<256x64xf32, #tpu.memory_space<vmem>>[vector<16xi32>, vector<16xi32>], vector<16xf32>,
        %add3A_1258 = arith.constant 13344 : i32
        %add3A_1259 = vector.broadcast %add3A_1258 : i32 to vector<16xi32>
        %add3A_1260 = arith.addi %add3A_1040, %add3A_1259 : vector<16xi32>
        %add3A_1261 = arith.constant 176 : i32
        %add3A_1262 = vector.broadcast %add3A_1261 : i32 to vector<16xi32>
        %add3A_1263 = arith.addi %iota3A, %add3A_1262 : vector<16xi32>
        %gather3A_1264 = tpu.vector_load_idx %arg8[%add3A_1263, %add3A_1043] : memref<256x64xf32, #tpu.memory_space<vmem>>[vector<16xi32>, vector<16xi32>], vector<16xf32>,
        %add3A_1265 = arith.constant 1072 : i32
        %add3A_1266 = vector.broadcast %add3A_1265 : i32 to vector<16xi32>
        %add3A_1267 = arith.addi %add3A_1040, %add3A_1266 : vector<16xi32>
        %gather3A_1268 = tpu.vector_load_idx %arg8[%add3A_1263, %add3A_1046] : memref<256x64xf32, #tpu.memory_space<vmem>>[vector<16xi32>, vector<16xi32>], vector<16xf32>,
        %add3A_1269 = arith.constant 5168 : i32
        %add3A_1270 = vector.broadcast %add3A_1269 : i32 to vector<16xi32>
        %add3A_1271 = arith.addi %add3A_1040, %add3A_1270 : vector<16xi32>
        %gather3A_1272 = tpu.vector_load_idx %arg8[%add3A_1263, %add3A_1049] : memref<256x64xf32, #tpu.memory_space<vmem>>[vector<16xi32>, vector<16xi32>], vector<16xf32>,
        %add3A_1273 = arith.constant 9264 : i32
        %add3A_1274 = vector.broadcast %add3A_1273 : i32 to vector<16xi32>
        %add3A_1275 = arith.addi %add3A_1040, %add3A_1274 : vector<16xi32>
        %gather3A_1276 = tpu.vector_load_idx %arg8[%add3A_1263, %add3A_1052] : memref<256x64xf32, #tpu.memory_space<vmem>>[vector<16xi32>, vector<16xi32>], vector<16xf32>,
        %add3A_1277 = arith.constant 13360 : i32
        %add3A_1278 = vector.broadcast %add3A_1277 : i32 to vector<16xi32>
        %add3A_1279 = arith.addi %add3A_1040, %add3A_1278 : vector<16xi32>
        tpu.vector_store_idx %arg10[%add3A_1248], %gather3A_1245 : memref<16384xf32, #tpu.memory_space<vmem>>[vector<16xi32>], vector<16xf32>,
        tpu.vector_store_idx %arg10[%add3A_1252], %gather3A_1249 : memref<16384xf32, #tpu.memory_space<vmem>>[vector<16xi32>], vector<16xf32>,
        tpu.vector_store_idx %arg10[%add3A_1256], %gather3A_1253 : memref<16384xf32, #tpu.memory_space<vmem>>[vector<16xi32>], vector<16xf32>,
        tpu.vector_store_idx %arg10[%add3A_1260], %gather3A_1257 : memref<16384xf32, #tpu.memory_space<vmem>>[vector<16xi32>], vector<16xf32>,
        tpu.vector_store_idx %arg10[%add3A_1267], %gather3A_1264 : memref<16384xf32, #tpu.memory_space<vmem>>[vector<16xi32>], vector<16xf32>,
        tpu.vector_store_idx %arg10[%add3A_1271], %gather3A_1268 : memref<16384xf32, #tpu.memory_space<vmem>>[vector<16xi32>], vector<16xf32>,
        tpu.vector_store_idx %arg10[%add3A_1275], %gather3A_1272 : memref<16384xf32, #tpu.memory_space<vmem>>[vector<16xi32>], vector<16xf32>,
        tpu.vector_store_idx %arg10[%add3A_1279], %gather3A_1276 : memref<16384xf32, #tpu.memory_space<vmem>>[vector<16xi32>], vector<16xf32>,
        %add3A_1280 = arith.constant 192 : i32
        %add3A_1281 = vector.broadcast %add3A_1280 : i32 to vector<16xi32>
        %add3A_1282 = arith.addi %iota3A, %add3A_1281 : vector<16xi32>
        %gather3A_1283 = tpu.vector_load_idx %arg8[%add3A_1282, %add3A_1043] : memref<256x64xf32, #tpu.memory_space<vmem>>[vector<16xi32>, vector<16xi32>], vector<16xf32>,
        %add3A_1284 = arith.constant 1088 : i32
        %add3A_1285 = vector.broadcast %add3A_1284 : i32 to vector<16xi32>
        %add3A_1286 = arith.addi %add3A_1040, %add3A_1285 : vector<16xi32>
        %gather3A_1287 = tpu.vector_load_idx %arg8[%add3A_1282, %add3A_1046] : memref<256x64xf32, #tpu.memory_space<vmem>>[vector<16xi32>, vector<16xi32>], vector<16xf32>,
        %add3A_1288 = arith.constant 5184 : i32
        %add3A_1289 = vector.broadcast %add3A_1288 : i32 to vector<16xi32>
        %add3A_1290 = arith.addi %add3A_1040, %add3A_1289 : vector<16xi32>
        %gather3A_1291 = tpu.vector_load_idx %arg8[%add3A_1282, %add3A_1049] : memref<256x64xf32, #tpu.memory_space<vmem>>[vector<16xi32>, vector<16xi32>], vector<16xf32>,
        %add3A_1292 = arith.constant 9280 : i32
        %add3A_1293 = vector.broadcast %add3A_1292 : i32 to vector<16xi32>
        %add3A_1294 = arith.addi %add3A_1040, %add3A_1293 : vector<16xi32>
        %gather3A_1295 = tpu.vector_load_idx %arg8[%add3A_1282, %add3A_1052] : memref<256x64xf32, #tpu.memory_space<vmem>>[vector<16xi32>, vector<16xi32>], vector<16xf32>,
        %add3A_1296 = arith.constant 13376 : i32
        %add3A_1297 = vector.broadcast %add3A_1296 : i32 to vector<16xi32>
        %add3A_1298 = arith.addi %add3A_1040, %add3A_1297 : vector<16xi32>
        %add3A_1299 = arith.constant 208 : i32
        %add3A_1300 = vector.broadcast %add3A_1299 : i32 to vector<16xi32>
        %add3A_1301 = arith.addi %iota3A, %add3A_1300 : vector<16xi32>
        %gather3A_1302 = tpu.vector_load_idx %arg8[%add3A_1301, %add3A_1043] : memref<256x64xf32, #tpu.memory_space<vmem>>[vector<16xi32>, vector<16xi32>], vector<16xf32>,
        %add3A_1303 = arith.constant 1104 : i32
        %add3A_1304 = vector.broadcast %add3A_1303 : i32 to vector<16xi32>
        %add3A_1305 = arith.addi %add3A_1040, %add3A_1304 : vector<16xi32>
        %gather3A_1306 = tpu.vector_load_idx %arg8[%add3A_1301, %add3A_1046] : memref<256x64xf32, #tpu.memory_space<vmem>>[vector<16xi32>, vector<16xi32>], vector<16xf32>,
        %add3A_1307 = arith.constant 5200 : i32
        %add3A_1308 = vector.broadcast %add3A_1307 : i32 to vector<16xi32>
        %add3A_1309 = arith.addi %add3A_1040, %add3A_1308 : vector<16xi32>
        %gather3A_1310 = tpu.vector_load_idx %arg8[%add3A_1301, %add3A_1049] : memref<256x64xf32, #tpu.memory_space<vmem>>[vector<16xi32>, vector<16xi32>], vector<16xf32>,
        %add3A_1311 = arith.constant 9296 : i32
        %add3A_1312 = vector.broadcast %add3A_1311 : i32 to vector<16xi32>
        %add3A_1313 = arith.addi %add3A_1040, %add3A_1312 : vector<16xi32>
        %gather3A_1314 = tpu.vector_load_idx %arg8[%add3A_1301, %add3A_1052] : memref<256x64xf32, #tpu.memory_space<vmem>>[vector<16xi32>, vector<16xi32>], vector<16xf32>,
        %add3A_1315 = arith.constant 13392 : i32
        %add3A_1316 = vector.broadcast %add3A_1315 : i32 to vector<16xi32>
        %add3A_1317 = arith.addi %add3A_1040, %add3A_1316 : vector<16xi32>
        tpu.vector_store_idx %arg10[%add3A_1286], %gather3A_1283 : memref<16384xf32, #tpu.memory_space<vmem>>[vector<16xi32>], vector<16xf32>,
        tpu.vector_store_idx %arg10[%add3A_1290], %gather3A_1287 : memref<16384xf32, #tpu.memory_space<vmem>>[vector<16xi32>], vector<16xf32>,
        tpu.vector_store_idx %arg10[%add3A_1294], %gather3A_1291 : memref<16384xf32, #tpu.memory_space<vmem>>[vector<16xi32>], vector<16xf32>,
        tpu.vector_store_idx %arg10[%add3A_1298], %gather3A_1295 : memref<16384xf32, #tpu.memory_space<vmem>>[vector<16xi32>], vector<16xf32>,
        tpu.vector_store_idx %arg10[%add3A_1305], %gather3A_1302 : memref<16384xf32, #tpu.memory_space<vmem>>[vector<16xi32>], vector<16xf32>,
        tpu.vector_store_idx %arg10[%add3A_1309], %gather3A_1306 : memref<16384xf32, #tpu.memory_space<vmem>>[vector<16xi32>], vector<16xf32>,
        tpu.vector_store_idx %arg10[%add3A_1313], %gather3A_1310 : memref<16384xf32, #tpu.memory_space<vmem>>[vector<16xi32>], vector<16xf32>,
        tpu.vector_store_idx %arg10[%add3A_1317], %gather3A_1314 : memref<16384xf32, #tpu.memory_space<vmem>>[vector<16xi32>], vector<16xf32>,
        %add3A_1318 = arith.constant 224 : i32
        %add3A_1319 = vector.broadcast %add3A_1318 : i32 to vector<16xi32>
        %add3A_1320 = arith.addi %iota3A, %add3A_1319 : vector<16xi32>
        %gather3A_1321 = tpu.vector_load_idx %arg8[%add3A_1320, %add3A_1043] : memref<256x64xf32, #tpu.memory_space<vmem>>[vector<16xi32>, vector<16xi32>], vector<16xf32>,
        %add3A_1322 = arith.constant 1120 : i32
        %add3A_1323 = vector.broadcast %add3A_1322 : i32 to vector<16xi32>
        %add3A_1324 = arith.addi %add3A_1040, %add3A_1323 : vector<16xi32>
        %gather3A_1325 = tpu.vector_load_idx %arg8[%add3A_1320, %add3A_1046] : memref<256x64xf32, #tpu.memory_space<vmem>>[vector<16xi32>, vector<16xi32>], vector<16xf32>,
        %add3A_1326 = arith.constant 5216 : i32
        %add3A_1327 = vector.broadcast %add3A_1326 : i32 to vector<16xi32>
        %add3A_1328 = arith.addi %add3A_1040, %add3A_1327 : vector<16xi32>
        %gather3A_1329 = tpu.vector_load_idx %arg8[%add3A_1320, %add3A_1049] : memref<256x64xf32, #tpu.memory_space<vmem>>[vector<16xi32>, vector<16xi32>], vector<16xf32>,
        %add3A_1330 = arith.constant 9312 : i32
        %add3A_1331 = vector.broadcast %add3A_1330 : i32 to vector<16xi32>
        %add3A_1332 = arith.addi %add3A_1040, %add3A_1331 : vector<16xi32>
        %gather3A_1333 = tpu.vector_load_idx %arg8[%add3A_1320, %add3A_1052] : memref<256x64xf32, #tpu.memory_space<vmem>>[vector<16xi32>, vector<16xi32>], vector<16xf32>,
        %add3A_1334 = arith.constant 13408 : i32
        %add3A_1335 = vector.broadcast %add3A_1334 : i32 to vector<16xi32>
        %add3A_1336 = arith.addi %add3A_1040, %add3A_1335 : vector<16xi32>
        %add3A_1337 = arith.constant 240 : i32
        %add3A_1338 = vector.broadcast %add3A_1337 : i32 to vector<16xi32>
        %add3A_1339 = arith.addi %iota3A, %add3A_1338 : vector<16xi32>
        %gather3A_1340 = tpu.vector_load_idx %arg8[%add3A_1339, %add3A_1043] : memref<256x64xf32, #tpu.memory_space<vmem>>[vector<16xi32>, vector<16xi32>], vector<16xf32>,
        %add3A_1341 = arith.constant 1136 : i32
        %add3A_1342 = vector.broadcast %add3A_1341 : i32 to vector<16xi32>
        %add3A_1343 = arith.addi %add3A_1040, %add3A_1342 : vector<16xi32>
        %gather3A_1344 = tpu.vector_load_idx %arg8[%add3A_1339, %add3A_1046] : memref<256x64xf32, #tpu.memory_space<vmem>>[vector<16xi32>, vector<16xi32>], vector<16xf32>,
        %add3A_1345 = arith.constant 5232 : i32
        %add3A_1346 = vector.broadcast %add3A_1345 : i32 to vector<16xi32>
        %add3A_1347 = arith.addi %add3A_1040, %add3A_1346 : vector<16xi32>
        %gather3A_1348 = tpu.vector_load_idx %arg8[%add3A_1339, %add3A_1049] : memref<256x64xf32, #tpu.memory_space<vmem>>[vector<16xi32>, vector<16xi32>], vector<16xf32>,
        %add3A_1349 = arith.constant 9328 : i32
        %add3A_1350 = vector.broadcast %add3A_1349 : i32 to vector<16xi32>
        %add3A_1351 = arith.addi %add3A_1040, %add3A_1350 : vector<16xi32>
        %gather3A_1352 = tpu.vector_load_idx %arg8[%add3A_1339, %add3A_1052] : memref<256x64xf32, #tpu.memory_space<vmem>>[vector<16xi32>, vector<16xi32>], vector<16xf32>,
        %add3A_1353 = arith.constant 13424 : i32
        %add3A_1354 = vector.broadcast %add3A_1353 : i32 to vector<16xi32>
        %add3A_1355 = arith.addi %add3A_1040, %add3A_1354 : vector<16xi32>
        tpu.vector_store_idx %arg10[%add3A_1324], %gather3A_1321 : memref<16384xf32, #tpu.memory_space<vmem>>[vector<16xi32>], vector<16xf32>,
        tpu.vector_store_idx %arg10[%add3A_1328], %gather3A_1325 : memref<16384xf32, #tpu.memory_space<vmem>>[vector<16xi32>], vector<16xf32>,
        tpu.vector_store_idx %arg10[%add3A_1332], %gather3A_1329 : memref<16384xf32, #tpu.memory_space<vmem>>[vector<16xi32>], vector<16xf32>,
        tpu.vector_store_idx %arg10[%add3A_1336], %gather3A_1333 : memref<16384xf32, #tpu.memory_space<vmem>>[vector<16xi32>], vector<16xf32>,
        tpu.vector_store_idx %arg10[%add3A_1343], %gather3A_1340 : memref<16384xf32, #tpu.memory_space<vmem>>[vector<16xi32>], vector<16xf32>,
        tpu.vector_store_idx %arg10[%add3A_1347], %gather3A_1344 : memref<16384xf32, #tpu.memory_space<vmem>>[vector<16xi32>], vector<16xf32>,
        tpu.vector_store_idx %arg10[%add3A_1351], %gather3A_1348 : memref<16384xf32, #tpu.memory_space<vmem>>[vector<16xi32>], vector<16xf32>,
        tpu.vector_store_idx %arg10[%add3A_1355], %gather3A_1352 : memref<16384xf32, #tpu.memory_space<vmem>>[vector<16xi32>], vector<16xf32>,
      }
      %scan3A_768 = arith.constant 16 : i32
      %sub3A = arith.constant 1 : i32
      %sub3A_769 = arith.subi %mul3A_673, %sub3A : i32
      %shift_right_logical3A_770 = arith.constant 1 : i32
      %shift_right_logical3A_771 = arith.shrui %sub3A_769, %shift_right_logical3A_770 : i32
      %mul3A_772 = arith.constant 1048576 : i32
      %mul3A_773 = arith.muli %shift_right_logical3A_771, %mul3A_772 : i32
      %and3A_774 = arith.constant 1 : i32
      %and3A_775 = arith.andi %sub3A_769, %and3A_774 : i32
      %mul3A_776 = arith.constant 2 : i32
      %mul3A_777 = arith.muli %and3A_775, %mul3A_776 : i32
      %add3A_778 = arith.addi %mul3A_4, %mul3A_777 : i32
      %mul3A_779 = arith.constant 1024 : i32
      %mul3A_780 = arith.muli %add3A_778, %mul3A_779 : i32
      %add3A_781 = arith.addi %mul3A_773, %mul3A_780 : i32
      %add3A_782 = arith.constant 0 : i32
      %add3A_783 = arith.addi %add3A_781, %add3A_782 : i32
      %dma_start3A_784 = arith.constant 0 : i32
      %dma_start3A_785 = tpu.memref_slice %arg10[%dma_start3A_784] : memref<16384xf32, #tpu.memory_space<vmem>> -> memref<2048xf32, #tpu.memory_space<vmem>>
      %dma_start3A_786 = tpu.memref_slice %arg4[%add3A_783] : memref<209715200xf32, #tpu.memory_space<hbm>> -> memref<2048xf32, #tpu.memory_space<hbm>>
      %dma_start3A_787 = tpu.memref_slice %arg4[%add3A_783] : memref<209715200xf32, #tpu.memory_space<hbm>> -> memref<2048xf32, #tpu.memory_space<hbm>>
      %dma_start3A_788 = arith.constant 0 : i32
      %dma_start3A_789 = tpu.memref_slice %arg10[%dma_start3A_788] : memref<16384xf32, #tpu.memory_space<vmem>> -> memref<2048xf32, #tpu.memory_space<vmem>>
      tpu.enqueue_dma source(%dma_start3A_789 : memref<2048xf32, #tpu.memory_space<vmem>>) target(%dma_start3A_787 : memref<2048xf32, #tpu.memory_space<hbm>>) target_semaphore(%arg16 : memref<!tpu.dma_semaphore, #tpu.memory_space<semaphore_mem>>)
      %add3A_790 = arith.constant 131072 : i32
      %add3A_791 = arith.addi %add3A_781, %add3A_790 : i32
      %dma_start3A_792 = arith.constant 2048 : i32
      %dma_start3A_793 = tpu.memref_slice %arg10[%dma_start3A_792] : memref<16384xf32, #tpu.memory_space<vmem>> -> memref<2048xf32, #tpu.memory_space<vmem>>
      %dma_start3A_794 = tpu.memref_slice %arg4[%add3A_791] : memref<209715200xf32, #tpu.memory_space<hbm>> -> memref<2048xf32, #tpu.memory_space<hbm>>
      %dma_start3A_795 = tpu.memref_slice %arg4[%add3A_791] : memref<209715200xf32, #tpu.memory_space<hbm>> -> memref<2048xf32, #tpu.memory_space<hbm>>
      %dma_start3A_796 = arith.constant 2048 : i32
      %dma_start3A_797 = tpu.memref_slice %arg10[%dma_start3A_796] : memref<16384xf32, #tpu.memory_space<vmem>> -> memref<2048xf32, #tpu.memory_space<vmem>>
      tpu.enqueue_dma source(%dma_start3A_797 : memref<2048xf32, #tpu.memory_space<vmem>>) target(%dma_start3A_795 : memref<2048xf32, #tpu.memory_space<hbm>>) target_semaphore(%arg16 : memref<!tpu.dma_semaphore, #tpu.memory_space<semaphore_mem>>)
      %add3A_798 = arith.constant 262144 : i32
      %add3A_799 = arith.addi %add3A_781, %add3A_798 : i32
      %dma_start3A_800 = arith.constant 4096 : i32
      %dma_start3A_801 = tpu.memref_slice %arg10[%dma_start3A_800] : memref<16384xf32, #tpu.memory_space<vmem>> -> memref<2048xf32, #tpu.memory_space<vmem>>
      %dma_start3A_802 = tpu.memref_slice %arg4[%add3A_799] : memref<209715200xf32, #tpu.memory_space<hbm>> -> memref<2048xf32, #tpu.memory_space<hbm>>
      %dma_start3A_803 = tpu.memref_slice %arg4[%add3A_799] : memref<209715200xf32, #tpu.memory_space<hbm>> -> memref<2048xf32, #tpu.memory_space<hbm>>
      %dma_start3A_804 = arith.constant 4096 : i32
      %dma_start3A_805 = tpu.memref_slice %arg10[%dma_start3A_804] : memref<16384xf32, #tpu.memory_space<vmem>> -> memref<2048xf32, #tpu.memory_space<vmem>>
      tpu.enqueue_dma source(%dma_start3A_805 : memref<2048xf32, #tpu.memory_space<vmem>>) target(%dma_start3A_803 : memref<2048xf32, #tpu.memory_space<hbm>>) target_semaphore(%arg16 : memref<!tpu.dma_semaphore, #tpu.memory_space<semaphore_mem>>)
      %add3A_806 = arith.constant 393216 : i32
      %add3A_807 = arith.addi %add3A_781, %add3A_806 : i32
      %dma_start3A_808 = arith.constant 6144 : i32
      %dma_start3A_809 = tpu.memref_slice %arg10[%dma_start3A_808] : memref<16384xf32, #tpu.memory_space<vmem>> -> memref<2048xf32, #tpu.memory_space<vmem>>
      %dma_start3A_810 = tpu.memref_slice %arg4[%add3A_807] : memref<209715200xf32, #tpu.memory_space<hbm>> -> memref<2048xf32, #tpu.memory_space<hbm>>
      %dma_start3A_811 = tpu.memref_slice %arg4[%add3A_807] : memref<209715200xf32, #tpu.memory_space<hbm>> -> memref<2048xf32, #tpu.memory_space<hbm>>
      %dma_start3A_812 = arith.constant 6144 : i32
      %dma_start3A_813 = tpu.memref_slice %arg10[%dma_start3A_812] : memref<16384xf32, #tpu.memory_space<vmem>> -> memref<2048xf32, #tpu.memory_space<vmem>>
      tpu.enqueue_dma source(%dma_start3A_813 : memref<2048xf32, #tpu.memory_space<vmem>>) target(%dma_start3A_811 : memref<2048xf32, #tpu.memory_space<hbm>>) target_semaphore(%arg16 : memref<!tpu.dma_semaphore, #tpu.memory_space<semaphore_mem>>)
      %add3A_814 = arith.constant 524288 : i32
      %add3A_815 = arith.addi %add3A_781, %add3A_814 : i32
      %dma_start3A_816 = arith.constant 8192 : i32
      %dma_start3A_817 = tpu.memref_slice %arg10[%dma_start3A_816] : memref<16384xf32, #tpu.memory_space<vmem>> -> memref<2048xf32, #tpu.memory_space<vmem>>
      %dma_start3A_818 = tpu.memref_slice %arg4[%add3A_815] : memref<209715200xf32, #tpu.memory_space<hbm>> -> memref<2048xf32, #tpu.memory_space<hbm>>
      %dma_start3A_819 = tpu.memref_slice %arg4[%add3A_815] : memref<209715200xf32, #tpu.memory_space<hbm>> -> memref<2048xf32, #tpu.memory_space<hbm>>
      %dma_start3A_820 = arith.constant 8192 : i32
      %dma_start3A_821 = tpu.memref_slice %arg10[%dma_start3A_820] : memref<16384xf32, #tpu.memory_space<vmem>> -> memref<2048xf32, #tpu.memory_space<vmem>>
      tpu.enqueue_dma source(%dma_start3A_821 : memref<2048xf32, #tpu.memory_space<vmem>>) target(%dma_start3A_819 : memref<2048xf32, #tpu.memory_space<hbm>>) target_semaphore(%arg16 : memref<!tpu.dma_semaphore, #tpu.memory_space<semaphore_mem>>)
      %add3A_822 = arith.constant 655360 : i32
      %add3A_823 = arith.addi %add3A_781, %add3A_822 : i32
      %dma_start3A_824 = arith.constant 10240 : i32
      %dma_start3A_825 = tpu.memref_slice %arg10[%dma_start3A_824] : memref<16384xf32, #tpu.memory_space<vmem>> -> memref<2048xf32, #tpu.memory_space<vmem>>
      %dma_start3A_826 = tpu.memref_slice %arg4[%add3A_823] : memref<209715200xf32, #tpu.memory_space<hbm>> -> memref<2048xf32, #tpu.memory_space<hbm>>
      %dma_start3A_827 = tpu.memref_slice %arg4[%add3A_823] : memref<209715200xf32, #tpu.memory_space<hbm>> -> memref<2048xf32, #tpu.memory_space<hbm>>
      %dma_start3A_828 = arith.constant 10240 : i32
      %dma_start3A_829 = tpu.memref_slice %arg10[%dma_start3A_828] : memref<16384xf32, #tpu.memory_space<vmem>> -> memref<2048xf32, #tpu.memory_space<vmem>>
      tpu.enqueue_dma source(%dma_start3A_829 : memref<2048xf32, #tpu.memory_space<vmem>>) target(%dma_start3A_827 : memref<2048xf32, #tpu.memory_space<hbm>>) target_semaphore(%arg16 : memref<!tpu.dma_semaphore, #tpu.memory_space<semaphore_mem>>)
      %add3A_830 = arith.constant 786432 : i32
      %add3A_831 = arith.addi %add3A_781, %add3A_830 : i32
      %dma_start3A_832 = arith.constant 12288 : i32
      %dma_start3A_833 = tpu.memref_slice %arg10[%dma_start3A_832] : memref<16384xf32, #tpu.memory_space<vmem>> -> memref<2048xf32, #tpu.memory_space<vmem>>
      %dma_start3A_834 = tpu.memref_slice %arg4[%add3A_831] : memref<209715200xf32, #tpu.memory_space<hbm>> -> memref<2048xf32, #tpu.memory_space<hbm>>
      %dma_start3A_835 = tpu.memref_slice %arg4[%add3A_831] : memref<209715200xf32, #tpu.memory_space<hbm>> -> memref<2048xf32, #tpu.memory_space<hbm>>
      %dma_start3A_836 = arith.constant 12288 : i32
      %dma_start3A_837 = tpu.memref_slice %arg10[%dma_start3A_836] : memref<16384xf32, #tpu.memory_space<vmem>> -> memref<2048xf32, #tpu.memory_space<vmem>>
      tpu.enqueue_dma source(%dma_start3A_837 : memref<2048xf32, #tpu.memory_space<vmem>>) target(%dma_start3A_835 : memref<2048xf32, #tpu.memory_space<hbm>>) target_semaphore(%arg16 : memref<!tpu.dma_semaphore, #tpu.memory_space<semaphore_mem>>)
      %add3A_838 = arith.constant 917504 : i32
      %add3A_839 = arith.addi %add3A_781, %add3A_838 : i32
      %dma_start3A_840 = arith.constant 14336 : i32
      %dma_start3A_841 = tpu.memref_slice %arg10[%dma_start3A_840] : memref<16384xf32, #tpu.memory_space<vmem>> -> memref<2048xf32, #tpu.memory_space<vmem>>
      %dma_start3A_842 = tpu.memref_slice %arg4[%add3A_839] : memref<209715200xf32, #tpu.memory_space<hbm>> -> memref<2048xf32, #tpu.memory_space<hbm>>
      %dma_start3A_843 = tpu.memref_slice %arg4[%add3A_839] : memref<209715200xf32, #tpu.memory_space<hbm>> -> memref<2048xf32, #tpu.memory_space<hbm>>
      %dma_start3A_844 = arith.constant 14336 : i32
      %dma_start3A_845 = tpu.memref_slice %arg10[%dma_start3A_844] : memref<16384xf32, #tpu.memory_space<vmem>> -> memref<2048xf32, #tpu.memory_space<vmem>>
      tpu.enqueue_dma source(%dma_start3A_845 : memref<2048xf32, #tpu.memory_space<vmem>>) target(%dma_start3A_843 : memref<2048xf32, #tpu.memory_space<hbm>>) target_semaphore(%arg16 : memref<!tpu.dma_semaphore, #tpu.memory_space<semaphore_mem>>)
      %add3A_846 = arith.constant 1 : i32
      %add3A_847 = arith.addi %mul3A_673, %add3A_846 : i32
      %dma_wait3A_848 = arith.constant 0 : i32
      %dma_wait3A_849 = arith.constant 0 : i32
      %dma_wait3A_850 = tpu.memref_slice %arg2[%dma_wait3A_848, %dma_wait3A_849] : memref<200x16384xi32, #tpu.memory_space<hbm>> -> memref<1x256xi32, #tpu.memory_space<hbm>>
      %dma_wait3A_851 = tpu.memref_squeeze %dma_wait3A_850 : memref<1x256xi32, #tpu.memory_space<hbm>> -> memref<256xi32, #tpu.memory_space<hbm>>
      %dma_wait3A_852 = arith.constant 0 : i32
      %dma_wait3A_853 = tpu.memref_slice %arg2[%dma_wait3A_848, %dma_wait3A_852] : memref<200x16384xi32, #tpu.memory_space<hbm>> -> memref<1x256xi32, #tpu.memory_space<hbm>>
      %dma_wait3A_854 = tpu.memref_squeeze %dma_wait3A_853 : memref<1x256xi32, #tpu.memory_space<hbm>> -> memref<256xi32, #tpu.memory_space<hbm>>
      tpu.wait_dma2 semaphore(%arg12 : memref<!tpu.dma_semaphore, #tpu.memory_space<semaphore_mem>>) src(%dma_wait3A_854 : memref<256xi32, #tpu.memory_space<hbm>>) dst(%arg6 : memref<256xi32, #tpu.memory_space<vmem>>)
      %dma_wait3A_855 = arith.constant 0 : i32
      %dma_wait3A_856 = tpu.memref_slice %arg10[%dma_wait3A_855] : memref<16384xf32, #tpu.memory_space<vmem>> -> memref<2048xf32, #tpu.memory_space<vmem>>
      %dma_wait3A_857 = arith.constant 0 : i32
      %dma_wait3A_858 = tpu.memref_slice %arg4[%dma_wait3A_857] : memref<209715200xf32, #tpu.memory_space<hbm>> -> memref<2048xf32, #tpu.memory_space<hbm>>
      %dma_wait3A_859 = arith.constant 0 : i32
      %dma_wait3A_860 = tpu.memref_slice %arg4[%dma_wait3A_859] : memref<209715200xf32, #tpu.memory_space<hbm>> -> memref<2048xf32, #tpu.memory_space<hbm>>
      %dma_wait3A_861 = arith.constant 0 : i32
      %dma_wait3A_862 = tpu.memref_slice %arg10[%dma_wait3A_861] : memref<16384xf32, #tpu.memory_space<vmem>> -> memref<2048xf32, #tpu.memory_space<vmem>>
      tpu.wait_dma2 semaphore(%arg16 : memref<!tpu.dma_semaphore, #tpu.memory_space<semaphore_mem>>) src(%dma_wait3A_862 : memref<2048xf32, #tpu.memory_space<vmem>>) dst(%dma_wait3A_860 : memref<2048xf32, #tpu.memory_space<hbm>>)
      %dma_wait3A_863 = arith.constant 0 : i32
      %dma_wait3A_864 = tpu.memref_slice %arg10[%dma_wait3A_863] : memref<16384xf32, #tpu.memory_space<vmem>> -> memref<2048xf32, #tpu.memory_space<vmem>>
      %dma_wait3A_865 = arith.constant 0 : i32
      %dma_wait3A_866 = tpu.memref_slice %arg4[%dma_wait3A_865] : memref<209715200xf32, #tpu.memory_space<hbm>> -> memref<2048xf32, #tpu.memory_space<hbm>>
      %dma_wait3A_867 = arith.constant 0 : i32
      %dma_wait3A_868 = tpu.memref_slice %arg4[%dma_wait3A_867] : memref<209715200xf32, #tpu.memory_space<hbm>> -> memref<2048xf32, #tpu.memory_space<hbm>>
      %dma_wait3A_869 = arith.constant 0 : i32
      %dma_wait3A_870 = tpu.memref_slice %arg10[%dma_wait3A_869] : memref<16384xf32, #tpu.memory_space<vmem>> -> memref<2048xf32, #tpu.memory_space<vmem>>
      tpu.wait_dma2 semaphore(%arg16 : memref<!tpu.dma_semaphore, #tpu.memory_space<semaphore_mem>>) src(%dma_wait3A_870 : memref<2048xf32, #tpu.memory_space<vmem>>) dst(%dma_wait3A_868 : memref<2048xf32, #tpu.memory_space<hbm>>)
      %dma_wait3A_871 = arith.constant 0 : i32
      %dma_wait3A_872 = tpu.memref_slice %arg10[%dma_wait3A_871] : memref<16384xf32, #tpu.memory_space<vmem>> -> memref<2048xf32, #tpu.memory_space<vmem>>
      %dma_wait3A_873 = arith.constant 0 : i32
      %dma_wait3A_874 = tpu.memref_slice %arg4[%dma_wait3A_873] : memref<209715200xf32, #tpu.memory_space<hbm>> -> memref<2048xf32, #tpu.memory_space<hbm>>
      %dma_wait3A_875 = arith.constant 0 : i32
      %dma_wait3A_876 = tpu.memref_slice %arg4[%dma_wait3A_875] : memref<209715200xf32, #tpu.memory_space<hbm>> -> memref<2048xf32, #tpu.memory_space<hbm>>
      %dma_wait3A_877 = arith.constant 0 : i32
      %dma_wait3A_878 = tpu.memref_slice %arg10[%dma_wait3A_877] : memref<16384xf32, #tpu.memory_space<vmem>> -> memref<2048xf32, #tpu.memory_space<vmem>>
      tpu.wait_dma2 semaphore(%arg16 : memref<!tpu.dma_semaphore, #tpu.memory_space<semaphore_mem>>) src(%dma_wait3A_878 : memref<2048xf32, #tpu.memory_space<vmem>>) dst(%dma_wait3A_876 : memref<2048xf32, #tpu.memory_space<hbm>>)
      %dma_wait3A_879 = arith.constant 0 : i32
      %dma_wait3A_880 = tpu.memref_slice %arg10[%dma_wait3A_879] : memref<16384xf32, #tpu.memory_space<vmem>> -> memref<2048xf32, #tpu.memory_space<vmem>>
      %dma_wait3A_881 = arith.constant 0 : i32
      %dma_wait3A_882 = tpu.memref_slice %arg4[%dma_wait3A_881] : memref<209715200xf32, #tpu.memory_space<hbm>> -> memref<2048xf32, #tpu.memory_space<hbm>>
      %dma_wait3A_883 = arith.constant 0 : i32
      %dma_wait3A_884 = tpu.memref_slice %arg4[%dma_wait3A_883] : memref<209715200xf32, #tpu.memory_space<hbm>> -> memref<2048xf32, #tpu.memory_space<hbm>>
      %dma_wait3A_885 = arith.constant 0 : i32
      %dma_wait3A_886 = tpu.memref_slice %arg10[%dma_wait3A_885] : memref<16384xf32, #tpu.memory_space<vmem>> -> memref<2048xf32, #tpu.memory_space<vmem>>
      tpu.wait_dma2 semaphore(%arg16 : memref<!tpu.dma_semaphore, #tpu.memory_space<semaphore_mem>>) src(%dma_wait3A_886 : memref<2048xf32, #tpu.memory_space<vmem>>) dst(%dma_wait3A_884 : memref<2048xf32, #tpu.memory_space<hbm>>)
      %dma_wait3A_887 = arith.constant 0 : i32
      %dma_wait3A_888 = tpu.memref_slice %arg10[%dma_wait3A_887] : memref<16384xf32, #tpu.memory_space<vmem>> -> memref<2048xf32, #tpu.memory_space<vmem>>
      %dma_wait3A_889 = arith.constant 0 : i32
      %dma_wait3A_890 = tpu.memref_slice %arg4[%dma_wait3A_889] : memref<209715200xf32, #tpu.memory_space<hbm>> -> memref<2048xf32, #tpu.memory_space<hbm>>
      %dma_wait3A_891 = arith.constant 0 : i32
      %dma_wait3A_892 = tpu.memref_slice %arg4[%dma_wait3A_891] : memref<209715200xf32, #tpu.memory_space<hbm>> -> memref<2048xf32, #tpu.memory_space<hbm>>
      %dma_wait3A_893 = arith.constant 0 : i32
      %dma_wait3A_894 = tpu.memref_slice %arg10[%dma_wait3A_893] : memref<16384xf32, #tpu.memory_space<vmem>> -> memref<2048xf32, #tpu.memory_space<vmem>>
      tpu.wait_dma2 semaphore(%arg16 : memref<!tpu.dma_semaphore, #tpu.memory_space<semaphore_mem>>) src(%dma_wait3A_894 : memref<2048xf32, #tpu.memory_space<vmem>>) dst(%dma_wait3A_892 : memref<2048xf32, #tpu.memory_space<hbm>>)
      %dma_wait3A_895 = arith.constant 0 : i32
      %dma_wait3A_896 = tpu.memref_slice %arg10[%dma_wait3A_895] : memref<16384xf32, #tpu.memory_space<vmem>> -> memref<2048xf32, #tpu.memory_space<vmem>>
      %dma_wait3A_897 = arith.constant 0 : i32
      %dma_wait3A_898 = tpu.memref_slice %arg4[%dma_wait3A_897] : memref<209715200xf32, #tpu.memory_space<hbm>> -> memref<2048xf32, #tpu.memory_space<hbm>>
      %dma_wait3A_899 = arith.constant 0 : i32
      %dma_wait3A_900 = tpu.memref_slice %arg4[%dma_wait3A_899] : memref<209715200xf32, #tpu.memory_space<hbm>> -> memref<2048xf32, #tpu.memory_space<hbm>>
      %dma_wait3A_901 = arith.constant 0 : i32
      %dma_wait3A_902 = tpu.memref_slice %arg10[%dma_wait3A_901] : memref<16384xf32, #tpu.memory_space<vmem>> -> memref<2048xf32, #tpu.memory_space<vmem>>
      tpu.wait_dma2 semaphore(%arg16 : memref<!tpu.dma_semaphore, #tpu.memory_space<semaphore_mem>>) src(%dma_wait3A_902 : memref<2048xf32, #tpu.memory_space<vmem>>) dst(%dma_wait3A_900 : memref<2048xf32, #tpu.memory_space<hbm>>)
      %dma_wait3A_903 = arith.constant 0 : i32
      %dma_wait3A_904 = tpu.memref_slice %arg10[%dma_wait3A_903] : memref<16384xf32, #tpu.memory_space<vmem>> -> memref<2048xf32, #tpu.memory_space<vmem>>
      %dma_wait3A_905 = arith.constant 0 : i32
      %dma_wait3A_906 = tpu.memref_slice %arg4[%dma_wait3A_905] : memref<209715200xf32, #tpu.memory_space<hbm>> -> memref<2048xf32, #tpu.memory_space<hbm>>
      %dma_wait3A_907 = arith.constant 0 : i32
      %dma_wait3A_908 = tpu.memref_slice %arg4[%dma_wait3A_907] : memref<209715200xf32, #tpu.memory_space<hbm>> -> memref<2048xf32, #tpu.memory_space<hbm>>
      %dma_wait3A_909 = arith.constant 0 : i32
      %dma_wait3A_910 = tpu.memref_slice %arg10[%dma_wait3A_909] : memref<16384xf32, #tpu.memory_space<vmem>> -> memref<2048xf32, #tpu.memory_space<vmem>>
      tpu.wait_dma2 semaphore(%arg16 : memref<!tpu.dma_semaphore, #tpu.memory_space<semaphore_mem>>) src(%dma_wait3A_910 : memref<2048xf32, #tpu.memory_space<vmem>>) dst(%dma_wait3A_908 : memref<2048xf32, #tpu.memory_space<hbm>>)
      %dma_wait3A_911 = arith.constant 0 : i32
      %dma_wait3A_912 = tpu.memref_slice %arg10[%dma_wait3A_911] : memref<16384xf32, #tpu.memory_space<vmem>> -> memref<2048xf32, #tpu.memory_space<vmem>>
      %dma_wait3A_913 = arith.constant 0 : i32
      %dma_wait3A_914 = tpu.memref_slice %arg4[%dma_wait3A_913] : memref<209715200xf32, #tpu.memory_space<hbm>> -> memref<2048xf32, #tpu.memory_space<hbm>>
      %dma_wait3A_915 = arith.constant 0 : i32
      %dma_wait3A_916 = tpu.memref_slice %arg4[%dma_wait3A_915] : memref<209715200xf32, #tpu.memory_space<hbm>> -> memref<2048xf32, #tpu.memory_space<hbm>>
      %dma_wait3A_917 = arith.constant 0 : i32
      %dma_wait3A_918 = tpu.memref_slice %arg10[%dma_wait3A_917] : memref<16384xf32, #tpu.memory_space<vmem>> -> memref<2048xf32, #tpu.memory_space<vmem>>
      tpu.wait_dma2 semaphore(%arg16 : memref<!tpu.dma_semaphore, #tpu.memory_space<semaphore_mem>>) src(%dma_wait3A_918 : memref<2048xf32, #tpu.memory_space<vmem>>) dst(%dma_wait3A_916 : memref<2048xf32, #tpu.memory_space<hbm>>)
      %dma_start3A_919 = arith.constant 0 : i32
      %dma_start3A_920 = arith.constant 0 : i32
      %dma_start3A_921 = tpu.memref_slice %arg3[%dma_start3A_919, %dma_start3A_920] : memref<15000x64xf32, #tpu.memory_space<hbm>> -> memref<15000x64xf32, #tpu.memory_space<hbm>>
      tpu.enqueue_indirect_dma source(%dma_start3A_921 : memref<15000x64xf32, #tpu.memory_space<hbm>>) target(%arg8 : memref<256x64xf32, #tpu.memory_space<vmem>>) offsets(%arg6 : memref<256xi32, #tpu.memory_space<vmem>>) semaphore(%arg14 : memref<!tpu.dma_semaphore, #tpu.memory_space<semaphore_mem>>)
      %dma_wait3A_922 = arith.constant 0 : i32
      %dma_wait3A_923 = arith.constant 0 : i32
      %dma_wait3A_924 = tpu.memref_slice %arg3[%dma_wait3A_922, %dma_wait3A_923] : memref<15000x64xf32, #tpu.memory_space<hbm>> -> memref<15000x64xf32, #tpu.memory_space<hbm>>
      tpu.wait_indirect_dma semaphore(%arg13 : memref<!tpu.dma_semaphore, #tpu.memory_space<semaphore_mem>>) src(%dma_wait3A_924 : memref<15000x64xf32, #tpu.memory_space<hbm>>) dst(%arg7 : memref<256x64xf32, #tpu.memory_space<vmem>>)
      %add3A_925 = arith.constant 1 : i32
      %add3A_926 = arith.addi %add3A_847, %add3A_925 : i32
      %shift_right_logical3A_927 = arith.constant 1 : i32
      %shift_right_logical3A_928 = arith.shrui %add3A_926, %shift_right_logical3A_927 : i32
      %and3A_929 = arith.constant 1 : i32
      %and3A_930 = arith.andi %add3A_926, %and3A_929 : i32
      %mul3A_931 = arith.constant 256 : i32
      %mul3A_932 = arith.muli %and3A_930, %mul3A_931 : i32
      %add3A_933 = arith.addi %mul3A_2, %mul3A_932 : i32
      %dma_start3A_934 = tpu.memref_slice %arg2[%shift_right_logical3A_928, %add3A_933] : memref<200x16384xi32, #tpu.memory_space<hbm>> -> memref<1x256xi32, #tpu.memory_space<hbm>>
      %dma_start3A_935 = tpu.memref_squeeze %dma_start3A_934 : memref<1x256xi32, #tpu.memory_space<hbm>> -> memref<256xi32, #tpu.memory_space<hbm>>
      %dma_start3A_936 = tpu.memref_slice %arg2[%shift_right_logical3A_928, %add3A_933] : memref<200x16384xi32, #tpu.memory_space<hbm>> -> memref<1x256xi32, #tpu.memory_space<hbm>>
      %dma_start3A_937 = tpu.memref_squeeze %dma_start3A_936 : memref<1x256xi32, #tpu.memory_space<hbm>> -> memref<256xi32, #tpu.memory_space<hbm>>
      tpu.enqueue_dma source(%dma_start3A_937 : memref<256xi32, #tpu.memory_space<hbm>>) target(%arg5 : memref<256xi32, #tpu.memory_space<vmem>>) target_semaphore(%arg11 : memref<!tpu.dma_semaphore, #tpu.memory_space<semaphore_mem>>)
      %scan3A_938 = arith.constant 0 : i32
      %scan3A_939 = arith.constant 0 : i32
      %scan3A_940 = arith.constant 16 : i32
      %scan3A_941 = arith.addi %scan3A_939, %scan3A_940 : i32
      %scan3A_942 = arith.constant 1 : i32
      scf.for %scan3A_1022 = %scan3A_939 to %scan3A_941 step %scan3A_942  : i32 {
        %add3A_1023 = vector.broadcast %scan3A_1022 : i32 to vector<16xi32>
        %add3A_1024 = arith.addi %iota3A, %add3A_1023 : vector<16xi32>
        %and3A_1025 = arith.constant 15 : i32
        %and3A_1026 = vector.broadcast %and3A_1025 : i32 to vector<16xi32>
        %and3A_1027 = arith.andi %add3A_1024, %and3A_1026 : vector<16xi32>
        %shift_right_logical3A_1028 = arith.constant 3 : i32
        %shift_right_logical3A_1029 = vector.broadcast %shift_right_logical3A_1028 : i32 to vector<16xi32>
        %shift_right_logical3A_1030 = arith.shrui %and3A_1027, %shift_right_logical3A_1029 : vector<16xi32>
        %shift_left3A = arith.constant 11 : i32
        %shift_left3A_1031 = vector.broadcast %shift_left3A : i32 to vector<16xi32>
        %shift_left3A_1032 = arith.shli %shift_right_logical3A_1030, %shift_left3A_1031 : vector<16xi32>
        %and3A_1033 = arith.constant 7 : i32
        %and3A_1034 = vector.broadcast %and3A_1033 : i32 to vector<16xi32>
        %and3A_1035 = arith.andi %and3A_1027, %and3A_1034 : vector<16xi32>
        %shift_left3A_1036 = arith.constant 7 : i32
        %shift_left3A_1037 = vector.broadcast %shift_left3A_1036 : i32 to vector<16xi32>
        %shift_left3A_1038 = arith.shli %and3A_1035, %shift_left3A_1037 : vector<16xi32>
        %add3A_1039 = arith.addi %shift_left3A_1032, %shift_left3A_1038 : vector<16xi32>
        %add3A_1040 = arith.addi %add3A_1039, %iota3A : vector<16xi32>
        %add3A_1041 = arith.constant 0 : i32
        %add3A_1042 = vector.broadcast %add3A_1041 : i32 to vector<16xi32>
        %add3A_1043 = arith.addi %and3A_1027, %add3A_1042 : vector<16xi32>
        %add3A_1044 = arith.constant 16 : i32
        %add3A_1045 = vector.broadcast %add3A_1044 : i32 to vector<16xi32>
        %add3A_1046 = arith.addi %and3A_1027, %add3A_1045 : vector<16xi32>
        %add3A_1047 = arith.constant 32 : i32
        %add3A_1048 = vector.broadcast %add3A_1047 : i32 to vector<16xi32>
        %add3A_1049 = arith.addi %and3A_1027, %add3A_1048 : vector<16xi32>
        %add3A_1050 = arith.constant 48 : i32
        %add3A_1051 = vector.broadcast %add3A_1050 : i32 to vector<16xi32>
        %add3A_1052 = arith.addi %and3A_1027, %add3A_1051 : vector<16xi32>
        %add3A_1053 = arith.constant 0 : i32
        %add3A_1054 = vector.broadcast %add3A_1053 : i32 to vector<16xi32>
        %add3A_1055 = arith.addi %iota3A, %add3A_1054 : vector<16xi32>
        %gather3A = tpu.vector_load_idx %arg7[%add3A_1055, %add3A_1043] : memref<256x64xf32, #tpu.memory_space<vmem>>[vector<16xi32>, vector<16xi32>], vector<16xf32>,
        %add3A_1056 = arith.constant 0 : i32
        %add3A_1057 = vector.broadcast %add3A_1056 : i32 to vector<16xi32>
        %add3A_1058 = arith.addi %add3A_1040, %add3A_1057 : vector<16xi32>
        %gather3A_1059 = tpu.vector_load_idx %arg7[%add3A_1055, %add3A_1046] : memref<256x64xf32, #tpu.memory_space<vmem>>[vector<16xi32>, vector<16xi32>], vector<16xf32>,
        %add3A_1060 = arith.constant 4096 : i32
        %add3A_1061 = vector.broadcast %add3A_1060 : i32 to vector<16xi32>
        %add3A_1062 = arith.addi %add3A_1040, %add3A_1061 : vector<16xi32>
        %gather3A_1063 = tpu.vector_load_idx %arg7[%add3A_1055, %add3A_1049] : memref<256x64xf32, #tpu.memory_space<vmem>>[vector<16xi32>, vector<16xi32>], vector<16xf32>,
        %add3A_1064 = arith.constant 8192 : i32
        %add3A_1065 = vector.broadcast %add3A_1064 : i32 to vector<16xi32>
        %add3A_1066 = arith.addi %add3A_1040, %add3A_1065 : vector<16xi32>
        %gather3A_1067 = tpu.vector_load_idx %arg7[%add3A_1055, %add3A_1052] : memref<256x64xf32, #tpu.memory_space<vmem>>[vector<16xi32>, vector<16xi32>], vector<16xf32>,
        %add3A_1068 = arith.constant 12288 : i32
        %add3A_1069 = vector.broadcast %add3A_1068 : i32 to vector<16xi32>
        %add3A_1070 = arith.addi %add3A_1040, %add3A_1069 : vector<16xi32>
        %add3A_1071 = arith.constant 16 : i32
        %add3A_1072 = vector.broadcast %add3A_1071 : i32 to vector<16xi32>
        %add3A_1073 = arith.addi %iota3A, %add3A_1072 : vector<16xi32>
        %gather3A_1074 = tpu.vector_load_idx %arg7[%add3A_1073, %add3A_1043] : memref<256x64xf32, #tpu.memory_space<vmem>>[vector<16xi32>, vector<16xi32>], vector<16xf32>,
        %add3A_1075 = arith.constant 16 : i32
        %add3A_1076 = vector.broadcast %add3A_1075 : i32 to vector<16xi32>
        %add3A_1077 = arith.addi %add3A_1040, %add3A_1076 : vector<16xi32>
        %gather3A_1078 = tpu.vector_load_idx %arg7[%add3A_1073, %add3A_1046] : memref<256x64xf32, #tpu.memory_space<vmem>>[vector<16xi32>, vector<16xi32>], vector<16xf32>,
        %add3A_1079 = arith.constant 4112 : i32
        %add3A_1080 = vector.broadcast %add3A_1079 : i32 to vector<16xi32>
        %add3A_1081 = arith.addi %add3A_1040, %add3A_1080 : vector<16xi32>
        %gather3A_1082 = tpu.vector_load_idx %arg7[%add3A_1073, %add3A_1049] : memref<256x64xf32, #tpu.memory_space<vmem>>[vector<16xi32>, vector<16xi32>], vector<16xf32>,
        %add3A_1083 = arith.constant 8208 : i32
        %add3A_1084 = vector.broadcast %add3A_1083 : i32 to vector<16xi32>
        %add3A_1085 = arith.addi %add3A_1040, %add3A_1084 : vector<16xi32>
        %gather3A_1086 = tpu.vector_load_idx %arg7[%add3A_1073, %add3A_1052] : memref<256x64xf32, #tpu.memory_space<vmem>>[vector<16xi32>, vector<16xi32>], vector<16xf32>,
        %add3A_1087 = arith.constant 12304 : i32
        %add3A_1088 = vector.broadcast %add3A_1087 : i32 to vector<16xi32>
        %add3A_1089 = arith.addi %add3A_1040, %add3A_1088 : vector<16xi32>
        tpu.vector_store_idx %arg9[%add3A_1058], %gather3A : memref<16384xf32, #tpu.memory_space<vmem>>[vector<16xi32>], vector<16xf32>,
        tpu.vector_store_idx %arg9[%add3A_1062], %gather3A_1059 : memref<16384xf32, #tpu.memory_space<vmem>>[vector<16xi32>], vector<16xf32>,
        tpu.vector_store_idx %arg9[%add3A_1066], %gather3A_1063 : memref<16384xf32, #tpu.memory_space<vmem>>[vector<16xi32>], vector<16xf32>,
        tpu.vector_store_idx %arg9[%add3A_1070], %gather3A_1067 : memref<16384xf32, #tpu.memory_space<vmem>>[vector<16xi32>], vector<16xf32>,
        tpu.vector_store_idx %arg9[%add3A_1077], %gather3A_1074 : memref<16384xf32, #tpu.memory_space<vmem>>[vector<16xi32>], vector<16xf32>,
        tpu.vector_store_idx %arg9[%add3A_1081], %gather3A_1078 : memref<16384xf32, #tpu.memory_space<vmem>>[vector<16xi32>], vector<16xf32>,
        tpu.vector_store_idx %arg9[%add3A_1085], %gather3A_1082 : memref<16384xf32, #tpu.memory_space<vmem>>[vector<16xi32>], vector<16xf32>,
        tpu.vector_store_idx %arg9[%add3A_1089], %gather3A_1086 : memref<16384xf32, #tpu.memory_space<vmem>>[vector<16xi32>], vector<16xf32>,
        %add3A_1090 = arith.constant 32 : i32
        %add3A_1091 = vector.broadcast %add3A_1090 : i32 to vector<16xi32>
        %add3A_1092 = arith.addi %iota3A, %add3A_1091 : vector<16xi32>
        %gather3A_1093 = tpu.vector_load_idx %arg7[%add3A_1092, %add3A_1043] : memref<256x64xf32, #tpu.memory_space<vmem>>[vector<16xi32>, vector<16xi32>], vector<16xf32>,
        %add3A_1094 = arith.constant 32 : i32
        %add3A_1095 = vector.broadcast %add3A_1094 : i32 to vector<16xi32>
        %add3A_1096 = arith.addi %add3A_1040, %add3A_1095 : vector<16xi32>
        %gather3A_1097 = tpu.vector_load_idx %arg7[%add3A_1092, %add3A_1046] : memref<256x64xf32, #tpu.memory_space<vmem>>[vector<16xi32>, vector<16xi32>], vector<16xf32>,
        %add3A_1098 = arith.constant 4128 : i32
        %add3A_1099 = vector.broadcast %add3A_1098 : i32 to vector<16xi32>
        %add3A_1100 = arith.addi %add3A_1040, %add3A_1099 : vector<16xi32>
        %gather3A_1101 = tpu.vector_load_idx %arg7[%add3A_1092, %add3A_1049] : memref<256x64xf32, #tpu.memory_space<vmem>>[vector<16xi32>, vector<16xi32>], vector<16xf32>,
        %add3A_1102 = arith.constant 8224 : i32
        %add3A_1103 = vector.broadcast %add3A_1102 : i32 to vector<16xi32>
        %add3A_1104 = arith.addi %add3A_1040, %add3A_1103 : vector<16xi32>
        %gather3A_1105 = tpu.vector_load_idx %arg7[%add3A_1092, %add3A_1052] : memref<256x64xf32, #tpu.memory_space<vmem>>[vector<16xi32>, vector<16xi32>], vector<16xf32>,
        %add3A_1106 = arith.constant 12320 : i32
        %add3A_1107 = vector.broadcast %add3A_1106 : i32 to vector<16xi32>
        %add3A_1108 = arith.addi %add3A_1040, %add3A_1107 : vector<16xi32>
        %add3A_1109 = arith.constant 48 : i32
        %add3A_1110 = vector.broadcast %add3A_1109 : i32 to vector<16xi32>
        %add3A_1111 = arith.addi %iota3A, %add3A_1110 : vector<16xi32>
        %gather3A_1112 = tpu.vector_load_idx %arg7[%add3A_1111, %add3A_1043] : memref<256x64xf32, #tpu.memory_space<vmem>>[vector<16xi32>, vector<16xi32>], vector<16xf32>,
        %add3A_1113 = arith.constant 48 : i32
        %add3A_1114 = vector.broadcast %add3A_1113 : i32 to vector<16xi32>
        %add3A_1115 = arith.addi %add3A_1040, %add3A_1114 : vector<16xi32>
        %gather3A_1116 = tpu.vector_load_idx %arg7[%add3A_1111, %add3A_1046] : memref<256x64xf32, #tpu.memory_space<vmem>>[vector<16xi32>, vector<16xi32>], vector<16xf32>,
        %add3A_1117 = arith.constant 4144 : i32
        %add3A_1118 = vector.broadcast %add3A_1117 : i32 to vector<16xi32>
        %add3A_1119 = arith.addi %add3A_1040, %add3A_1118 : vector<16xi32>
        %gather3A_1120 = tpu.vector_load_idx %arg7[%add3A_1111, %add3A_1049] : memref<256x64xf32, #tpu.memory_space<vmem>>[vector<16xi32>, vector<16xi32>], vector<16xf32>,
        %add3A_1121 = arith.constant 8240 : i32
        %add3A_1122 = vector.broadcast %add3A_1121 : i32 to vector<16xi32>
        %add3A_1123 = arith.addi %add3A_1040, %add3A_1122 : vector<16xi32>
        %gather3A_1124 = tpu.vector_load_idx %arg7[%add3A_1111, %add3A_1052] : memref<256x64xf32, #tpu.memory_space<vmem>>[vector<16xi32>, vector<16xi32>], vector<16xf32>,
        %add3A_1125 = arith.constant 12336 : i32
        %add3A_1126 = vector.broadcast %add3A_1125 : i32 to vector<16xi32>
        %add3A_1127 = arith.addi %add3A_1040, %add3A_1126 : vector<16xi32>
        tpu.vector_store_idx %arg9[%add3A_1096], %gather3A_1093 : memref<16384xf32, #tpu.memory_space<vmem>>[vector<16xi32>], vector<16xf32>,
        tpu.vector_store_idx %arg9[%add3A_1100], %gather3A_1097 : memref<16384xf32, #tpu.memory_space<vmem>>[vector<16xi32>], vector<16xf32>,
        tpu.vector_store_idx %arg9[%add3A_1104], %gather3A_1101 : memref<16384xf32, #tpu.memory_space<vmem>>[vector<16xi32>], vector<16xf32>,
        tpu.vector_store_idx %arg9[%add3A_1108], %gather3A_1105 : memref<16384xf32, #tpu.memory_space<vmem>>[vector<16xi32>], vector<16xf32>,
        tpu.vector_store_idx %arg9[%add3A_1115], %gather3A_1112 : memref<16384xf32, #tpu.memory_space<vmem>>[vector<16xi32>], vector<16xf32>,
        tpu.vector_store_idx %arg9[%add3A_1119], %gather3A_1116 : memref<16384xf32, #tpu.memory_space<vmem>>[vector<16xi32>], vector<16xf32>,
        tpu.vector_store_idx %arg9[%add3A_1123], %gather3A_1120 : memref<16384xf32, #tpu.memory_space<vmem>>[vector<16xi32>], vector<16xf32>,
        tpu.vector_store_idx %arg9[%add3A_1127], %gather3A_1124 : memref<16384xf32, #tpu.memory_space<vmem>>[vector<16xi32>], vector<16xf32>,
        %add3A_1128 = arith.constant 64 : i32
        %add3A_1129 = vector.broadcast %add3A_1128 : i32 to vector<16xi32>
        %add3A_1130 = arith.addi %iota3A, %add3A_1129 : vector<16xi32>
        %gather3A_1131 = tpu.vector_load_idx %arg7[%add3A_1130, %add3A_1043] : memref<256x64xf32, #tpu.memory_space<vmem>>[vector<16xi32>, vector<16xi32>], vector<16xf32>,
        %add3A_1132 = arith.constant 64 : i32
        %add3A_1133 = vector.broadcast %add3A_1132 : i32 to vector<16xi32>
        %add3A_1134 = arith.addi %add3A_1040, %add3A_1133 : vector<16xi32>
        %gather3A_1135 = tpu.vector_load_idx %arg7[%add3A_1130, %add3A_1046] : memref<256x64xf32, #tpu.memory_space<vmem>>[vector<16xi32>, vector<16xi32>], vector<16xf32>,
        %add3A_1136 = arith.constant 4160 : i32
        %add3A_1137 = vector.broadcast %add3A_1136 : i32 to vector<16xi32>
        %add3A_1138 = arith.addi %add3A_1040, %add3A_1137 : vector<16xi32>
        %gather3A_1139 = tpu.vector_load_idx %arg7[%add3A_1130, %add3A_1049] : memref<256x64xf32, #tpu.memory_space<vmem>>[vector<16xi32>, vector<16xi32>], vector<16xf32>,
        %add3A_1140 = arith.constant 8256 : i32
        %add3A_1141 = vector.broadcast %add3A_1140 : i32 to vector<16xi32>
        %add3A_1142 = arith.addi %add3A_1040, %add3A_1141 : vector<16xi32>
        %gather3A_1143 = tpu.vector_load_idx %arg7[%add3A_1130, %add3A_1052] : memref<256x64xf32, #tpu.memory_space<vmem>>[vector<16xi32>, vector<16xi32>], vector<16xf32>,
        %add3A_1144 = arith.constant 12352 : i32
        %add3A_1145 = vector.broadcast %add3A_1144 : i32 to vector<16xi32>
        %add3A_1146 = arith.addi %add3A_1040, %add3A_1145 : vector<16xi32>
        %add3A_1147 = arith.constant 80 : i32
        %add3A_1148 = vector.broadcast %add3A_1147 : i32 to vector<16xi32>
        %add3A_1149 = arith.addi %iota3A, %add3A_1148 : vector<16xi32>
        %gather3A_1150 = tpu.vector_load_idx %arg7[%add3A_1149, %add3A_1043] : memref<256x64xf32, #tpu.memory_space<vmem>>[vector<16xi32>, vector<16xi32>], vector<16xf32>,
        %add3A_1151 = arith.constant 80 : i32
        %add3A_1152 = vector.broadcast %add3A_1151 : i32 to vector<16xi32>
        %add3A_1153 = arith.addi %add3A_1040, %add3A_1152 : vector<16xi32>
        %gather3A_1154 = tpu.vector_load_idx %arg7[%add3A_1149, %add3A_1046] : memref<256x64xf32, #tpu.memory_space<vmem>>[vector<16xi32>, vector<16xi32>], vector<16xf32>,
        %add3A_1155 = arith.constant 4176 : i32
        %add3A_1156 = vector.broadcast %add3A_1155 : i32 to vector<16xi32>
        %add3A_1157 = arith.addi %add3A_1040, %add3A_1156 : vector<16xi32>
        %gather3A_1158 = tpu.vector_load_idx %arg7[%add3A_1149, %add3A_1049] : memref<256x64xf32, #tpu.memory_space<vmem>>[vector<16xi32>, vector<16xi32>], vector<16xf32>,
        %add3A_1159 = arith.constant 8272 : i32
        %add3A_1160 = vector.broadcast %add3A_1159 : i32 to vector<16xi32>
        %add3A_1161 = arith.addi %add3A_1040, %add3A_1160 : vector<16xi32>
        %gather3A_1162 = tpu.vector_load_idx %arg7[%add3A_1149, %add3A_1052] : memref<256x64xf32, #tpu.memory_space<vmem>>[vector<16xi32>, vector<16xi32>], vector<16xf32>,
        %add3A_1163 = arith.constant 12368 : i32
        %add3A_1164 = vector.broadcast %add3A_1163 : i32 to vector<16xi32>
        %add3A_1165 = arith.addi %add3A_1040, %add3A_1164 : vector<16xi32>
        tpu.vector_store_idx %arg9[%add3A_1134], %gather3A_1131 : memref<16384xf32, #tpu.memory_space<vmem>>[vector<16xi32>], vector<16xf32>,
        tpu.vector_store_idx %arg9[%add3A_1138], %gather3A_1135 : memref<16384xf32, #tpu.memory_space<vmem>>[vector<16xi32>], vector<16xf32>,
        tpu.vector_store_idx %arg9[%add3A_1142], %gather3A_1139 : memref<16384xf32, #tpu.memory_space<vmem>>[vector<16xi32>], vector<16xf32>,
        tpu.vector_store_idx %arg9[%add3A_1146], %gather3A_1143 : memref<16384xf32, #tpu.memory_space<vmem>>[vector<16xi32>], vector<16xf32>,
        tpu.vector_store_idx %arg9[%add3A_1153], %gather3A_1150 : memref<16384xf32, #tpu.memory_space<vmem>>[vector<16xi32>], vector<16xf32>,
        tpu.vector_store_idx %arg9[%add3A_1157], %gather3A_1154 : memref<16384xf32, #tpu.memory_space<vmem>>[vector<16xi32>], vector<16xf32>,
        tpu.vector_store_idx %arg9[%add3A_1161], %gather3A_1158 : memref<16384xf32, #tpu.memory_space<vmem>>[vector<16xi32>], vector<16xf32>,
        tpu.vector_store_idx %arg9[%add3A_1165], %gather3A_1162 : memref<16384xf32, #tpu.memory_space<vmem>>[vector<16xi32>], vector<16xf32>,
        %add3A_1166 = arith.constant 96 : i32
        %add3A_1167 = vector.broadcast %add3A_1166 : i32 to vector<16xi32>
        %add3A_1168 = arith.addi %iota3A, %add3A_1167 : vector<16xi32>
        %gather3A_1169 = tpu.vector_load_idx %arg7[%add3A_1168, %add3A_1043] : memref<256x64xf32, #tpu.memory_space<vmem>>[vector<16xi32>, vector<16xi32>], vector<16xf32>,
        %add3A_1170 = arith.constant 96 : i32
        %add3A_1171 = vector.broadcast %add3A_1170 : i32 to vector<16xi32>
        %add3A_1172 = arith.addi %add3A_1040, %add3A_1171 : vector<16xi32>
        %gather3A_1173 = tpu.vector_load_idx %arg7[%add3A_1168, %add3A_1046] : memref<256x64xf32, #tpu.memory_space<vmem>>[vector<16xi32>, vector<16xi32>], vector<16xf32>,
        %add3A_1174 = arith.constant 4192 : i32
        %add3A_1175 = vector.broadcast %add3A_1174 : i32 to vector<16xi32>
        %add3A_1176 = arith.addi %add3A_1040, %add3A_1175 : vector<16xi32>
        %gather3A_1177 = tpu.vector_load_idx %arg7[%add3A_1168, %add3A_1049] : memref<256x64xf32, #tpu.memory_space<vmem>>[vector<16xi32>, vector<16xi32>], vector<16xf32>,
        %add3A_1178 = arith.constant 8288 : i32
        %add3A_1179 = vector.broadcast %add3A_1178 : i32 to vector<16xi32>
        %add3A_1180 = arith.addi %add3A_1040, %add3A_1179 : vector<16xi32>
        %gather3A_1181 = tpu.vector_load_idx %arg7[%add3A_1168, %add3A_1052] : memref<256x64xf32, #tpu.memory_space<vmem>>[vector<16xi32>, vector<16xi32>], vector<16xf32>,
        %add3A_1182 = arith.constant 12384 : i32
        %add3A_1183 = vector.broadcast %add3A_1182 : i32 to vector<16xi32>
        %add3A_1184 = arith.addi %add3A_1040, %add3A_1183 : vector<16xi32>
        %add3A_1185 = arith.constant 112 : i32
        %add3A_1186 = vector.broadcast %add3A_1185 : i32 to vector<16xi32>
        %add3A_1187 = arith.addi %iota3A, %add3A_1186 : vector<16xi32>
        %gather3A_1188 = tpu.vector_load_idx %arg7[%add3A_1187, %add3A_1043] : memref<256x64xf32, #tpu.memory_space<vmem>>[vector<16xi32>, vector<16xi32>], vector<16xf32>,
        %add3A_1189 = arith.constant 112 : i32
        %add3A_1190 = vector.broadcast %add3A_1189 : i32 to vector<16xi32>
        %add3A_1191 = arith.addi %add3A_1040, %add3A_1190 : vector<16xi32>
        %gather3A_1192 = tpu.vector_load_idx %arg7[%add3A_1187, %add3A_1046] : memref<256x64xf32, #tpu.memory_space<vmem>>[vector<16xi32>, vector<16xi32>], vector<16xf32>,
        %add3A_1193 = arith.constant 4208 : i32
        %add3A_1194 = vector.broadcast %add3A_1193 : i32 to vector<16xi32>
        %add3A_1195 = arith.addi %add3A_1040, %add3A_1194 : vector<16xi32>
        %gather3A_1196 = tpu.vector_load_idx %arg7[%add3A_1187, %add3A_1049] : memref<256x64xf32, #tpu.memory_space<vmem>>[vector<16xi32>, vector<16xi32>], vector<16xf32>,
        %add3A_1197 = arith.constant 8304 : i32
        %add3A_1198 = vector.broadcast %add3A_1197 : i32 to vector<16xi32>
        %add3A_1199 = arith.addi %add3A_1040, %add3A_1198 : vector<16xi32>
        %gather3A_1200 = tpu.vector_load_idx %arg7[%add3A_1187, %add3A_1052] : memref<256x64xf32, #tpu.memory_space<vmem>>[vector<16xi32>, vector<16xi32>], vector<16xf32>,
        %add3A_1201 = arith.constant 12400 : i32
        %add3A_1202 = vector.broadcast %add3A_1201 : i32 to vector<16xi32>
        %add3A_1203 = arith.addi %add3A_1040, %add3A_1202 : vector<16xi32>
        tpu.vector_store_idx %arg9[%add3A_1172], %gather3A_1169 : memref<16384xf32, #tpu.memory_space<vmem>>[vector<16xi32>], vector<16xf32>,
        tpu.vector_store_idx %arg9[%add3A_1176], %gather3A_1173 : memref<16384xf32, #tpu.memory_space<vmem>>[vector<16xi32>], vector<16xf32>,
        tpu.vector_store_idx %arg9[%add3A_1180], %gather3A_1177 : memref<16384xf32, #tpu.memory_space<vmem>>[vector<16xi32>], vector<16xf32>,
        tpu.vector_store_idx %arg9[%add3A_1184], %gather3A_1181 : memref<16384xf32, #tpu.memory_space<vmem>>[vector<16xi32>], vector<16xf32>,
        tpu.vector_store_idx %arg9[%add3A_1191], %gather3A_1188 : memref<16384xf32, #tpu.memory_space<vmem>>[vector<16xi32>], vector<16xf32>,
        tpu.vector_store_idx %arg9[%add3A_1195], %gather3A_1192 : memref<16384xf32, #tpu.memory_space<vmem>>[vector<16xi32>], vector<16xf32>,
        tpu.vector_store_idx %arg9[%add3A_1199], %gather3A_1196 : memref<16384xf32, #tpu.memory_space<vmem>>[vector<16xi32>], vector<16xf32>,
        tpu.vector_store_idx %arg9[%add3A_1203], %gather3A_1200 : memref<16384xf32, #tpu.memory_space<vmem>>[vector<16xi32>], vector<16xf32>,
        %add3A_1204 = arith.constant 128 : i32
        %add3A_1205 = vector.broadcast %add3A_1204 : i32 to vector<16xi32>
        %add3A_1206 = arith.addi %iota3A, %add3A_1205 : vector<16xi32>
        %gather3A_1207 = tpu.vector_load_idx %arg7[%add3A_1206, %add3A_1043] : memref<256x64xf32, #tpu.memory_space<vmem>>[vector<16xi32>, vector<16xi32>], vector<16xf32>,
        %add3A_1208 = arith.constant 1024 : i32
        %add3A_1209 = vector.broadcast %add3A_1208 : i32 to vector<16xi32>
        %add3A_1210 = arith.addi %add3A_1040, %add3A_1209 : vector<16xi32>
        %gather3A_1211 = tpu.vector_load_idx %arg7[%add3A_1206, %add3A_1046] : memref<256x64xf32, #tpu.memory_space<vmem>>[vector<16xi32>, vector<16xi32>], vector<16xf32>,
        %add3A_1212 = arith.constant 5120 : i32
        %add3A_1213 = vector.broadcast %add3A_1212 : i32 to vector<16xi32>
        %add3A_1214 = arith.addi %add3A_1040, %add3A_1213 : vector<16xi32>
        %gather3A_1215 = tpu.vector_load_idx %arg7[%add3A_1206, %add3A_1049] : memref<256x64xf32, #tpu.memory_space<vmem>>[vector<16xi32>, vector<16xi32>], vector<16xf32>,
        %add3A_1216 = arith.constant 9216 : i32
        %add3A_1217 = vector.broadcast %add3A_1216 : i32 to vector<16xi32>
        %add3A_1218 = arith.addi %add3A_1040, %add3A_1217 : vector<16xi32>
        %gather3A_1219 = tpu.vector_load_idx %arg7[%add3A_1206, %add3A_1052] : memref<256x64xf32, #tpu.memory_space<vmem>>[vector<16xi32>, vector<16xi32>], vector<16xf32>,
        %add3A_1220 = arith.constant 13312 : i32
        %add3A_1221 = vector.broadcast %add3A_1220 : i32 to vector<16xi32>
        %add3A_1222 = arith.addi %add3A_1040, %add3A_1221 : vector<16xi32>
        %add3A_1223 = arith.constant 144 : i32
        %add3A_1224 = vector.broadcast %add3A_1223 : i32 to vector<16xi32>
        %add3A_1225 = arith.addi %iota3A, %add3A_1224 : vector<16xi32>
        %gather3A_1226 = tpu.vector_load_idx %arg7[%add3A_1225, %add3A_1043] : memref<256x64xf32, #tpu.memory_space<vmem>>[vector<16xi32>, vector<16xi32>], vector<16xf32>,
        %add3A_1227 = arith.constant 1040 : i32
        %add3A_1228 = vector.broadcast %add3A_1227 : i32 to vector<16xi32>
        %add3A_1229 = arith.addi %add3A_1040, %add3A_1228 : vector<16xi32>
        %gather3A_1230 = tpu.vector_load_idx %arg7[%add3A_1225, %add3A_1046] : memref<256x64xf32, #tpu.memory_space<vmem>>[vector<16xi32>, vector<16xi32>], vector<16xf32>,
        %add3A_1231 = arith.constant 5136 : i32
        %add3A_1232 = vector.broadcast %add3A_1231 : i32 to vector<16xi32>
        %add3A_1233 = arith.addi %add3A_1040, %add3A_1232 : vector<16xi32>
        %gather3A_1234 = tpu.vector_load_idx %arg7[%add3A_1225, %add3A_1049] : memref<256x64xf32, #tpu.memory_space<vmem>>[vector<16xi32>, vector<16xi32>], vector<16xf32>,
        %add3A_1235 = arith.constant 9232 : i32
        %add3A_1236 = vector.broadcast %add3A_1235 : i32 to vector<16xi32>
        %add3A_1237 = arith.addi %add3A_1040, %add3A_1236 : vector<16xi32>
        %gather3A_1238 = tpu.vector_load_idx %arg7[%add3A_1225, %add3A_1052] : memref<256x64xf32, #tpu.memory_space<vmem>>[vector<16xi32>, vector<16xi32>], vector<16xf32>,
        %add3A_1239 = arith.constant 13328 : i32
        %add3A_1240 = vector.broadcast %add3A_1239 : i32 to vector<16xi32>
        %add3A_1241 = arith.addi %add3A_1040, %add3A_1240 : vector<16xi32>
        tpu.vector_store_idx %arg9[%add3A_1210], %gather3A_1207 : memref<16384xf32, #tpu.memory_space<vmem>>[vector<16xi32>], vector<16xf32>,
        tpu.vector_store_idx %arg9[%add3A_1214], %gather3A_1211 : memref<16384xf32, #tpu.memory_space<vmem>>[vector<16xi32>], vector<16xf32>,
        tpu.vector_store_idx %arg9[%add3A_1218], %gather3A_1215 : memref<16384xf32, #tpu.memory_space<vmem>>[vector<16xi32>], vector<16xf32>,
        tpu.vector_store_idx %arg9[%add3A_1222], %gather3A_1219 : memref<16384xf32, #tpu.memory_space<vmem>>[vector<16xi32>], vector<16xf32>,
        tpu.vector_store_idx %arg9[%add3A_1229], %gather3A_1226 : memref<16384xf32, #tpu.memory_space<vmem>>[vector<16xi32>], vector<16xf32>,
        tpu.vector_store_idx %arg9[%add3A_1233], %gather3A_1230 : memref<16384xf32, #tpu.memory_space<vmem>>[vector<16xi32>], vector<16xf32>,
        tpu.vector_store_idx %arg9[%add3A_1237], %gather3A_1234 : memref<16384xf32, #tpu.memory_space<vmem>>[vector<16xi32>], vector<16xf32>,
        tpu.vector_store_idx %arg9[%add3A_1241], %gather3A_1238 : memref<16384xf32, #tpu.memory_space<vmem>>[vector<16xi32>], vector<16xf32>,
        %add3A_1242 = arith.constant 160 : i32
        %add3A_1243 = vector.broadcast %add3A_1242 : i32 to vector<16xi32>
        %add3A_1244 = arith.addi %iota3A, %add3A_1243 : vector<16xi32>
        %gather3A_1245 = tpu.vector_load_idx %arg7[%add3A_1244, %add3A_1043] : memref<256x64xf32, #tpu.memory_space<vmem>>[vector<16xi32>, vector<16xi32>], vector<16xf32>,
        %add3A_1246 = arith.constant 1056 : i32
        %add3A_1247 = vector.broadcast %add3A_1246 : i32 to vector<16xi32>
        %add3A_1248 = arith.addi %add3A_1040, %add3A_1247 : vector<16xi32>
        %gather3A_1249 = tpu.vector_load_idx %arg7[%add3A_1244, %add3A_1046] : memref<256x64xf32, #tpu.memory_space<vmem>>[vector<16xi32>, vector<16xi32>], vector<16xf32>,
        %add3A_1250 = arith.constant 5152 : i32
        %add3A_1251 = vector.broadcast %add3A_1250 : i32 to vector<16xi32>
        %add3A_1252 = arith.addi %add3A_1040, %add3A_1251 : vector<16xi32>
        %gather3A_1253 = tpu.vector_load_idx %arg7[%add3A_1244, %add3A_1049] : memref<256x64xf32, #tpu.memory_space<vmem>>[vector<16xi32>, vector<16xi32>], vector<16xf32>,
        %add3A_1254 = arith.constant 9248 : i32
        %add3A_1255 = vector.broadcast %add3A_1254 : i32 to vector<16xi32>
        %add3A_1256 = arith.addi %add3A_1040, %add3A_1255 : vector<16xi32>
        %gather3A_1257 = tpu.vector_load_idx %arg7[%add3A_1244, %add3A_1052] : memref<256x64xf32, #tpu.memory_space<vmem>>[vector<16xi32>, vector<16xi32>], vector<16xf32>,
        %add3A_1258 = arith.constant 13344 : i32
        %add3A_1259 = vector.broadcast %add3A_1258 : i32 to vector<16xi32>
        %add3A_1260 = arith.addi %add3A_1040, %add3A_1259 : vector<16xi32>
        %add3A_1261 = arith.constant 176 : i32
        %add3A_1262 = vector.broadcast %add3A_1261 : i32 to vector<16xi32>
        %add3A_1263 = arith.addi %iota3A, %add3A_1262 : vector<16xi32>
        %gather3A_1264 = tpu.vector_load_idx %arg7[%add3A_1263, %add3A_1043] : memref<256x64xf32, #tpu.memory_space<vmem>>[vector<16xi32>, vector<16xi32>], vector<16xf32>,
        %add3A_1265 = arith.constant 1072 : i32
        %add3A_1266 = vector.broadcast %add3A_1265 : i32 to vector<16xi32>
        %add3A_1267 = arith.addi %add3A_1040, %add3A_1266 : vector<16xi32>
        %gather3A_1268 = tpu.vector_load_idx %arg7[%add3A_1263, %add3A_1046] : memref<256x64xf32, #tpu.memory_space<vmem>>[vector<16xi32>, vector<16xi32>], vector<16xf32>,
        %add3A_1269 = arith.constant 5168 : i32
        %add3A_1270 = vector.broadcast %add3A_1269 : i32 to vector<16xi32>
        %add3A_1271 = arith.addi %add3A_1040, %add3A_1270 : vector<16xi32>
        %gather3A_1272 = tpu.vector_load_idx %arg7[%add3A_1263, %add3A_1049] : memref<256x64xf32, #tpu.memory_space<vmem>>[vector<16xi32>, vector<16xi32>], vector<16xf32>,
        %add3A_1273 = arith.constant 9264 : i32
        %add3A_1274 = vector.broadcast %add3A_1273 : i32 to vector<16xi32>
        %add3A_1275 = arith.addi %add3A_1040, %add3A_1274 : vector<16xi32>
        %gather3A_1276 = tpu.vector_load_idx %arg7[%add3A_1263, %add3A_1052] : memref<256x64xf32, #tpu.memory_space<vmem>>[vector<16xi32>, vector<16xi32>], vector<16xf32>,
        %add3A_1277 = arith.constant 13360 : i32
        %add3A_1278 = vector.broadcast %add3A_1277 : i32 to vector<16xi32>
        %add3A_1279 = arith.addi %add3A_1040, %add3A_1278 : vector<16xi32>
        tpu.vector_store_idx %arg9[%add3A_1248], %gather3A_1245 : memref<16384xf32, #tpu.memory_space<vmem>>[vector<16xi32>], vector<16xf32>,
        tpu.vector_store_idx %arg9[%add3A_1252], %gather3A_1249 : memref<16384xf32, #tpu.memory_space<vmem>>[vector<16xi32>], vector<16xf32>,
        tpu.vector_store_idx %arg9[%add3A_1256], %gather3A_1253 : memref<16384xf32, #tpu.memory_space<vmem>>[vector<16xi32>], vector<16xf32>,
        tpu.vector_store_idx %arg9[%add3A_1260], %gather3A_1257 : memref<16384xf32, #tpu.memory_space<vmem>>[vector<16xi32>], vector<16xf32>,
        tpu.vector_store_idx %arg9[%add3A_1267], %gather3A_1264 : memref<16384xf32, #tpu.memory_space<vmem>>[vector<16xi32>], vector<16xf32>,
        tpu.vector_store_idx %arg9[%add3A_1271], %gather3A_1268 : memref<16384xf32, #tpu.memory_space<vmem>>[vector<16xi32>], vector<16xf32>,
        tpu.vector_store_idx %arg9[%add3A_1275], %gather3A_1272 : memref<16384xf32, #tpu.memory_space<vmem>>[vector<16xi32>], vector<16xf32>,
        tpu.vector_store_idx %arg9[%add3A_1279], %gather3A_1276 : memref<16384xf32, #tpu.memory_space<vmem>>[vector<16xi32>], vector<16xf32>,
        %add3A_1280 = arith.constant 192 : i32
        %add3A_1281 = vector.broadcast %add3A_1280 : i32 to vector<16xi32>
        %add3A_1282 = arith.addi %iota3A, %add3A_1281 : vector<16xi32>
        %gather3A_1283 = tpu.vector_load_idx %arg7[%add3A_1282, %add3A_1043] : memref<256x64xf32, #tpu.memory_space<vmem>>[vector<16xi32>, vector<16xi32>], vector<16xf32>,
        %add3A_1284 = arith.constant 1088 : i32
        %add3A_1285 = vector.broadcast %add3A_1284 : i32 to vector<16xi32>
        %add3A_1286 = arith.addi %add3A_1040, %add3A_1285 : vector<16xi32>
        %gather3A_1287 = tpu.vector_load_idx %arg7[%add3A_1282, %add3A_1046] : memref<256x64xf32, #tpu.memory_space<vmem>>[vector<16xi32>, vector<16xi32>], vector<16xf32>,
        %add3A_1288 = arith.constant 5184 : i32
        %add3A_1289 = vector.broadcast %add3A_1288 : i32 to vector<16xi32>
        %add3A_1290 = arith.addi %add3A_1040, %add3A_1289 : vector<16xi32>
        %gather3A_1291 = tpu.vector_load_idx %arg7[%add3A_1282, %add3A_1049] : memref<256x64xf32, #tpu.memory_space<vmem>>[vector<16xi32>, vector<16xi32>], vector<16xf32>,
        %add3A_1292 = arith.constant 9280 : i32
        %add3A_1293 = vector.broadcast %add3A_1292 : i32 to vector<16xi32>
        %add3A_1294 = arith.addi %add3A_1040, %add3A_1293 : vector<16xi32>
        %gather3A_1295 = tpu.vector_load_idx %arg7[%add3A_1282, %add3A_1052] : memref<256x64xf32, #tpu.memory_space<vmem>>[vector<16xi32>, vector<16xi32>], vector<16xf32>,
        %add3A_1296 = arith.constant 13376 : i32
        %add3A_1297 = vector.broadcast %add3A_1296 : i32 to vector<16xi32>
        %add3A_1298 = arith.addi %add3A_1040, %add3A_1297 : vector<16xi32>
        %add3A_1299 = arith.constant 208 : i32
        %add3A_1300 = vector.broadcast %add3A_1299 : i32 to vector<16xi32>
        %add3A_1301 = arith.addi %iota3A, %add3A_1300 : vector<16xi32>
        %gather3A_1302 = tpu.vector_load_idx %arg7[%add3A_1301, %add3A_1043] : memref<256x64xf32, #tpu.memory_space<vmem>>[vector<16xi32>, vector<16xi32>], vector<16xf32>,
        %add3A_1303 = arith.constant 1104 : i32
        %add3A_1304 = vector.broadcast %add3A_1303 : i32 to vector<16xi32>
        %add3A_1305 = arith.addi %add3A_1040, %add3A_1304 : vector<16xi32>
        %gather3A_1306 = tpu.vector_load_idx %arg7[%add3A_1301, %add3A_1046] : memref<256x64xf32, #tpu.memory_space<vmem>>[vector<16xi32>, vector<16xi32>], vector<16xf32>,
        %add3A_1307 = arith.constant 5200 : i32
        %add3A_1308 = vector.broadcast %add3A_1307 : i32 to vector<16xi32>
        %add3A_1309 = arith.addi %add3A_1040, %add3A_1308 : vector<16xi32>
        %gather3A_1310 = tpu.vector_load_idx %arg7[%add3A_1301, %add3A_1049] : memref<256x64xf32, #tpu.memory_space<vmem>>[vector<16xi32>, vector<16xi32>], vector<16xf32>,
        %add3A_1311 = arith.constant 9296 : i32
        %add3A_1312 = vector.broadcast %add3A_1311 : i32 to vector<16xi32>
        %add3A_1313 = arith.addi %add3A_1040, %add3A_1312 : vector<16xi32>
        %gather3A_1314 = tpu.vector_load_idx %arg7[%add3A_1301, %add3A_1052] : memref<256x64xf32, #tpu.memory_space<vmem>>[vector<16xi32>, vector<16xi32>], vector<16xf32>,
        %add3A_1315 = arith.constant 13392 : i32
        %add3A_1316 = vector.broadcast %add3A_1315 : i32 to vector<16xi32>
        %add3A_1317 = arith.addi %add3A_1040, %add3A_1316 : vector<16xi32>
        tpu.vector_store_idx %arg9[%add3A_1286], %gather3A_1283 : memref<16384xf32, #tpu.memory_space<vmem>>[vector<16xi32>], vector<16xf32>,
        tpu.vector_store_idx %arg9[%add3A_1290], %gather3A_1287 : memref<16384xf32, #tpu.memory_space<vmem>>[vector<16xi32>], vector<16xf32>,
        tpu.vector_store_idx %arg9[%add3A_1294], %gather3A_1291 : memref<16384xf32, #tpu.memory_space<vmem>>[vector<16xi32>], vector<16xf32>,
        tpu.vector_store_idx %arg9[%add3A_1298], %gather3A_1295 : memref<16384xf32, #tpu.memory_space<vmem>>[vector<16xi32>], vector<16xf32>,
        tpu.vector_store_idx %arg9[%add3A_1305], %gather3A_1302 : memref<16384xf32, #tpu.memory_space<vmem>>[vector<16xi32>], vector<16xf32>,
        tpu.vector_store_idx %arg9[%add3A_1309], %gather3A_1306 : memref<16384xf32, #tpu.memory_space<vmem>>[vector<16xi32>], vector<16xf32>,
        tpu.vector_store_idx %arg9[%add3A_1313], %gather3A_1310 : memref<16384xf32, #tpu.memory_space<vmem>>[vector<16xi32>], vector<16xf32>,
        tpu.vector_store_idx %arg9[%add3A_1317], %gather3A_1314 : memref<16384xf32, #tpu.memory_space<vmem>>[vector<16xi32>], vector<16xf32>,
        %add3A_1318 = arith.constant 224 : i32
        %add3A_1319 = vector.broadcast %add3A_1318 : i32 to vector<16xi32>
        %add3A_1320 = arith.addi %iota3A, %add3A_1319 : vector<16xi32>
        %gather3A_1321 = tpu.vector_load_idx %arg7[%add3A_1320, %add3A_1043] : memref<256x64xf32, #tpu.memory_space<vmem>>[vector<16xi32>, vector<16xi32>], vector<16xf32>,
        %add3A_1322 = arith.constant 1120 : i32
        %add3A_1323 = vector.broadcast %add3A_1322 : i32 to vector<16xi32>
        %add3A_1324 = arith.addi %add3A_1040, %add3A_1323 : vector<16xi32>
        %gather3A_1325 = tpu.vector_load_idx %arg7[%add3A_1320, %add3A_1046] : memref<256x64xf32, #tpu.memory_space<vmem>>[vector<16xi32>, vector<16xi32>], vector<16xf32>,
        %add3A_1326 = arith.constant 5216 : i32
        %add3A_1327 = vector.broadcast %add3A_1326 : i32 to vector<16xi32>
        %add3A_1328 = arith.addi %add3A_1040, %add3A_1327 : vector<16xi32>
        %gather3A_1329 = tpu.vector_load_idx %arg7[%add3A_1320, %add3A_1049] : memref<256x64xf32, #tpu.memory_space<vmem>>[vector<16xi32>, vector<16xi32>], vector<16xf32>,
        %add3A_1330 = arith.constant 9312 : i32
        %add3A_1331 = vector.broadcast %add3A_1330 : i32 to vector<16xi32>
        %add3A_1332 = arith.addi %add3A_1040, %add3A_1331 : vector<16xi32>
        %gather3A_1333 = tpu.vector_load_idx %arg7[%add3A_1320, %add3A_1052] : memref<256x64xf32, #tpu.memory_space<vmem>>[vector<16xi32>, vector<16xi32>], vector<16xf32>,
        %add3A_1334 = arith.constant 13408 : i32
        %add3A_1335 = vector.broadcast %add3A_1334 : i32 to vector<16xi32>
        %add3A_1336 = arith.addi %add3A_1040, %add3A_1335 : vector<16xi32>
        %add3A_1337 = arith.constant 240 : i32
        %add3A_1338 = vector.broadcast %add3A_1337 : i32 to vector<16xi32>
        %add3A_1339 = arith.addi %iota3A, %add3A_1338 : vector<16xi32>
        %gather3A_1340 = tpu.vector_load_idx %arg7[%add3A_1339, %add3A_1043] : memref<256x64xf32, #tpu.memory_space<vmem>>[vector<16xi32>, vector<16xi32>], vector<16xf32>,
        %add3A_1341 = arith.constant 1136 : i32
        %add3A_1342 = vector.broadcast %add3A_1341 : i32 to vector<16xi32>
        %add3A_1343 = arith.addi %add3A_1040, %add3A_1342 : vector<16xi32>
        %gather3A_1344 = tpu.vector_load_idx %arg7[%add3A_1339, %add3A_1046] : memref<256x64xf32, #tpu.memory_space<vmem>>[vector<16xi32>, vector<16xi32>], vector<16xf32>,
        %add3A_1345 = arith.constant 5232 : i32
        %add3A_1346 = vector.broadcast %add3A_1345 : i32 to vector<16xi32>
        %add3A_1347 = arith.addi %add3A_1040, %add3A_1346 : vector<16xi32>
        %gather3A_1348 = tpu.vector_load_idx %arg7[%add3A_1339, %add3A_1049] : memref<256x64xf32, #tpu.memory_space<vmem>>[vector<16xi32>, vector<16xi32>], vector<16xf32>,
        %add3A_1349 = arith.constant 9328 : i32
        %add3A_1350 = vector.broadcast %add3A_1349 : i32 to vector<16xi32>
        %add3A_1351 = arith.addi %add3A_1040, %add3A_1350 : vector<16xi32>
        %gather3A_1352 = tpu.vector_load_idx %arg7[%add3A_1339, %add3A_1052] : memref<256x64xf32, #tpu.memory_space<vmem>>[vector<16xi32>, vector<16xi32>], vector<16xf32>,
        %add3A_1353 = arith.constant 13424 : i32
        %add3A_1354 = vector.broadcast %add3A_1353 : i32 to vector<16xi32>
        %add3A_1355 = arith.addi %add3A_1040, %add3A_1354 : vector<16xi32>
        tpu.vector_store_idx %arg9[%add3A_1324], %gather3A_1321 : memref<16384xf32, #tpu.memory_space<vmem>>[vector<16xi32>], vector<16xf32>,
        tpu.vector_store_idx %arg9[%add3A_1328], %gather3A_1325 : memref<16384xf32, #tpu.memory_space<vmem>>[vector<16xi32>], vector<16xf32>,
        tpu.vector_store_idx %arg9[%add3A_1332], %gather3A_1329 : memref<16384xf32, #tpu.memory_space<vmem>>[vector<16xi32>], vector<16xf32>,
        tpu.vector_store_idx %arg9[%add3A_1336], %gather3A_1333 : memref<16384xf32, #tpu.memory_space<vmem>>[vector<16xi32>], vector<16xf32>,
        tpu.vector_store_idx %arg9[%add3A_1343], %gather3A_1340 : memref<16384xf32, #tpu.memory_space<vmem>>[vector<16xi32>], vector<16xf32>,
        tpu.vector_store_idx %arg9[%add3A_1347], %gather3A_1344 : memref<16384xf32, #tpu.memory_space<vmem>>[vector<16xi32>], vector<16xf32>,
        tpu.vector_store_idx %arg9[%add3A_1351], %gather3A_1348 : memref<16384xf32, #tpu.memory_space<vmem>>[vector<16xi32>], vector<16xf32>,
        tpu.vector_store_idx %arg9[%add3A_1355], %gather3A_1352 : memref<16384xf32, #tpu.memory_space<vmem>>[vector<16xi32>], vector<16xf32>,
      }
      %scan3A_943 = arith.constant 16 : i32
      %sub3A_944 = arith.constant 1 : i32
      %sub3A_945 = arith.subi %add3A_847, %sub3A_944 : i32
      %shift_right_logical3A_946 = arith.constant 1 : i32
      %shift_right_logical3A_947 = arith.shrui %sub3A_945, %shift_right_logical3A_946 : i32
      %mul3A_948 = arith.constant 1048576 : i32
      %mul3A_949 = arith.muli %shift_right_logical3A_947, %mul3A_948 : i32
      %and3A_950 = arith.constant 1 : i32
      %and3A_951 = arith.andi %sub3A_945, %and3A_950 : i32
      %mul3A_952 = arith.constant 2 : i32
      %mul3A_953 = arith.muli %and3A_951, %mul3A_952 : i32
      %add3A_954 = arith.addi %mul3A_4, %mul3A_953 : i32
      %mul3A_955 = arith.constant 1024 : i32
      %mul3A_956 = arith.muli %add3A_954, %mul3A_955 : i32
      %add3A_957 = arith.addi %mul3A_949, %mul3A_956 : i32
      %add3A_958 = arith.constant 0 : i32
      %add3A_959 = arith.addi %add3A_957, %add3A_958 : i32
      %dma_start3A_960 = arith.constant 0 : i32
      %dma_start3A_961 = tpu.memref_slice %arg9[%dma_start3A_960] : memref<16384xf32, #tpu.memory_space<vmem>> -> memref<2048xf32, #tpu.memory_space<vmem>>
      %dma_start3A_962 = tpu.memref_slice %arg4[%add3A_959] : memref<209715200xf32, #tpu.memory_space<hbm>> -> memref<2048xf32, #tpu.memory_space<hbm>>
      %dma_start3A_963 = tpu.memref_slice %arg4[%add3A_959] : memref<209715200xf32, #tpu.memory_space<hbm>> -> memref<2048xf32, #tpu.memory_space<hbm>>
      %dma_start3A_964 = arith.constant 0 : i32
      %dma_start3A_965 = tpu.memref_slice %arg9[%dma_start3A_964] : memref<16384xf32, #tpu.memory_space<vmem>> -> memref<2048xf32, #tpu.memory_space<vmem>>
      tpu.enqueue_dma source(%dma_start3A_965 : memref<2048xf32, #tpu.memory_space<vmem>>) target(%dma_start3A_963 : memref<2048xf32, #tpu.memory_space<hbm>>) target_semaphore(%arg15 : memref<!tpu.dma_semaphore, #tpu.memory_space<semaphore_mem>>)
      %add3A_966 = arith.constant 131072 : i32
      %add3A_967 = arith.addi %add3A_957, %add3A_966 : i32
      %dma_start3A_968 = arith.constant 2048 : i32
      %dma_start3A_969 = tpu.memref_slice %arg9[%dma_start3A_968] : memref<16384xf32, #tpu.memory_space<vmem>> -> memref<2048xf32, #tpu.memory_space<vmem>>
      %dma_start3A_970 = tpu.memref_slice %arg4[%add3A_967] : memref<209715200xf32, #tpu.memory_space<hbm>> -> memref<2048xf32, #tpu.memory_space<hbm>>
      %dma_start3A_971 = tpu.memref_slice %arg4[%add3A_967] : memref<209715200xf32, #tpu.memory_space<hbm>> -> memref<2048xf32, #tpu.memory_space<hbm>>
      %dma_start3A_972 = arith.constant 2048 : i32
      %dma_start3A_973 = tpu.memref_slice %arg9[%dma_start3A_972] : memref<16384xf32, #tpu.memory_space<vmem>> -> memref<2048xf32, #tpu.memory_space<vmem>>
      tpu.enqueue_dma source(%dma_start3A_973 : memref<2048xf32, #tpu.memory_space<vmem>>) target(%dma_start3A_971 : memref<2048xf32, #tpu.memory_space<hbm>>) target_semaphore(%arg15 : memref<!tpu.dma_semaphore, #tpu.memory_space<semaphore_mem>>)
      %add3A_974 = arith.constant 262144 : i32
      %add3A_975 = arith.addi %add3A_957, %add3A_974 : i32
      %dma_start3A_976 = arith.constant 4096 : i32
      %dma_start3A_977 = tpu.memref_slice %arg9[%dma_start3A_976] : memref<16384xf32, #tpu.memory_space<vmem>> -> memref<2048xf32, #tpu.memory_space<vmem>>
      %dma_start3A_978 = tpu.memref_slice %arg4[%add3A_975] : memref<209715200xf32, #tpu.memory_space<hbm>> -> memref<2048xf32, #tpu.memory_space<hbm>>
      %dma_start3A_979 = tpu.memref_slice %arg4[%add3A_975] : memref<209715200xf32, #tpu.memory_space<hbm>> -> memref<2048xf32, #tpu.memory_space<hbm>>
      %dma_start3A_980 = arith.constant 4096 : i32
      %dma_start3A_981 = tpu.memref_slice %arg9[%dma_start3A_980] : memref<16384xf32, #tpu.memory_space<vmem>> -> memref<2048xf32, #tpu.memory_space<vmem>>
      tpu.enqueue_dma source(%dma_start3A_981 : memref<2048xf32, #tpu.memory_space<vmem>>) target(%dma_start3A_979 : memref<2048xf32, #tpu.memory_space<hbm>>) target_semaphore(%arg15 : memref<!tpu.dma_semaphore, #tpu.memory_space<semaphore_mem>>)
      %add3A_982 = arith.constant 393216 : i32
      %add3A_983 = arith.addi %add3A_957, %add3A_982 : i32
      %dma_start3A_984 = arith.constant 6144 : i32
      %dma_start3A_985 = tpu.memref_slice %arg9[%dma_start3A_984] : memref<16384xf32, #tpu.memory_space<vmem>> -> memref<2048xf32, #tpu.memory_space<vmem>>
      %dma_start3A_986 = tpu.memref_slice %arg4[%add3A_983] : memref<209715200xf32, #tpu.memory_space<hbm>> -> memref<2048xf32, #tpu.memory_space<hbm>>
      %dma_start3A_987 = tpu.memref_slice %arg4[%add3A_983] : memref<209715200xf32, #tpu.memory_space<hbm>> -> memref<2048xf32, #tpu.memory_space<hbm>>
      %dma_start3A_988 = arith.constant 6144 : i32
      %dma_start3A_989 = tpu.memref_slice %arg9[%dma_start3A_988] : memref<16384xf32, #tpu.memory_space<vmem>> -> memref<2048xf32, #tpu.memory_space<vmem>>
      tpu.enqueue_dma source(%dma_start3A_989 : memref<2048xf32, #tpu.memory_space<vmem>>) target(%dma_start3A_987 : memref<2048xf32, #tpu.memory_space<hbm>>) target_semaphore(%arg15 : memref<!tpu.dma_semaphore, #tpu.memory_space<semaphore_mem>>)
      %add3A_990 = arith.constant 524288 : i32
      %add3A_991 = arith.addi %add3A_957, %add3A_990 : i32
      %dma_start3A_992 = arith.constant 8192 : i32
      %dma_start3A_993 = tpu.memref_slice %arg9[%dma_start3A_992] : memref<16384xf32, #tpu.memory_space<vmem>> -> memref<2048xf32, #tpu.memory_space<vmem>>
      %dma_start3A_994 = tpu.memref_slice %arg4[%add3A_991] : memref<209715200xf32, #tpu.memory_space<hbm>> -> memref<2048xf32, #tpu.memory_space<hbm>>
      %dma_start3A_995 = tpu.memref_slice %arg4[%add3A_991] : memref<209715200xf32, #tpu.memory_space<hbm>> -> memref<2048xf32, #tpu.memory_space<hbm>>
      %dma_start3A_996 = arith.constant 8192 : i32
      %dma_start3A_997 = tpu.memref_slice %arg9[%dma_start3A_996] : memref<16384xf32, #tpu.memory_space<vmem>> -> memref<2048xf32, #tpu.memory_space<vmem>>
      tpu.enqueue_dma source(%dma_start3A_997 : memref<2048xf32, #tpu.memory_space<vmem>>) target(%dma_start3A_995 : memref<2048xf32, #tpu.memory_space<hbm>>) target_semaphore(%arg15 : memref<!tpu.dma_semaphore, #tpu.memory_space<semaphore_mem>>)
      %add3A_998 = arith.constant 655360 : i32
      %add3A_999 = arith.addi %add3A_957, %add3A_998 : i32
      %dma_start3A_1000 = arith.constant 10240 : i32
      %dma_start3A_1001 = tpu.memref_slice %arg9[%dma_start3A_1000] : memref<16384xf32, #tpu.memory_space<vmem>> -> memref<2048xf32, #tpu.memory_space<vmem>>
      %dma_start3A_1002 = tpu.memref_slice %arg4[%add3A_999] : memref<209715200xf32, #tpu.memory_space<hbm>> -> memref<2048xf32, #tpu.memory_space<hbm>>
      %dma_start3A_1003 = tpu.memref_slice %arg4[%add3A_999] : memref<209715200xf32, #tpu.memory_space<hbm>> -> memref<2048xf32, #tpu.memory_space<hbm>>
      %dma_start3A_1004 = arith.constant 10240 : i32
      %dma_start3A_1005 = tpu.memref_slice %arg9[%dma_start3A_1004] : memref<16384xf32, #tpu.memory_space<vmem>> -> memref<2048xf32, #tpu.memory_space<vmem>>
      tpu.enqueue_dma source(%dma_start3A_1005 : memref<2048xf32, #tpu.memory_space<vmem>>) target(%dma_start3A_1003 : memref<2048xf32, #tpu.memory_space<hbm>>) target_semaphore(%arg15 : memref<!tpu.dma_semaphore, #tpu.memory_space<semaphore_mem>>)
      %add3A_1006 = arith.constant 786432 : i32
      %add3A_1007 = arith.addi %add3A_957, %add3A_1006 : i32
      %dma_start3A_1008 = arith.constant 12288 : i32
      %dma_start3A_1009 = tpu.memref_slice %arg9[%dma_start3A_1008] : memref<16384xf32, #tpu.memory_space<vmem>> -> memref<2048xf32, #tpu.memory_space<vmem>>
      %dma_start3A_1010 = tpu.memref_slice %arg4[%add3A_1007] : memref<209715200xf32, #tpu.memory_space<hbm>> -> memref<2048xf32, #tpu.memory_space<hbm>>
      %dma_start3A_1011 = tpu.memref_slice %arg4[%add3A_1007] : memref<209715200xf32, #tpu.memory_space<hbm>> -> memref<2048xf32, #tpu.memory_space<hbm>>
      %dma_start3A_1012 = arith.constant 12288 : i32
      %dma_start3A_1013 = tpu.memref_slice %arg9[%dma_start3A_1012] : memref<16384xf32, #tpu.memory_space<vmem>> -> memref<2048xf32, #tpu.memory_space<vmem>>
      tpu.enqueue_dma source(%dma_start3A_1013 : memref<2048xf32, #tpu.memory_space<vmem>>) target(%dma_start3A_1011 : memref<2048xf32, #tpu.memory_space<hbm>>) target_semaphore(%arg15 : memref<!tpu.dma_semaphore, #tpu.memory_space<semaphore_mem>>)
      %add3A_1014 = arith.constant 917504 : i32
      %add3A_1015 = arith.addi %add3A_957, %add3A_1014 : i32
      %dma_start3A_1016 = arith.constant 14336 : i32
      %dma_start3A_1017 = tpu.memref_slice %arg9[%dma_start3A_1016] : memref<16384xf32, #tpu.memory_space<vmem>> -> memref<2048xf32, #tpu.memory_space<vmem>>
      %dma_start3A_1018 = tpu.memref_slice %arg4[%add3A_1015] : memref<209715200xf32, #tpu.memory_space<hbm>> -> memref<2048xf32, #tpu.memory_space<hbm>>
      %dma_start3A_1019 = tpu.memref_slice %arg4[%add3A_1015] : memref<209715200xf32, #tpu.memory_space<hbm>> -> memref<2048xf32, #tpu.memory_space<hbm>>
      %dma_start3A_1020 = arith.constant 14336 : i32
      %dma_start3A_1021 = tpu.memref_slice %arg9[%dma_start3A_1020] : memref<16384xf32, #tpu.memory_space<vmem>> -> memref<2048xf32, #tpu.memory_space<vmem>>
      tpu.enqueue_dma source(%dma_start3A_1021 : memref<2048xf32, #tpu.memory_space<vmem>>) target(%dma_start3A_1019 : memref<2048xf32, #tpu.memory_space<hbm>>) target_semaphore(%arg15 : memref<!tpu.dma_semaphore, #tpu.memory_space<semaphore_mem>>)
    }
    %scan3A_136 = arith.constant 198 : i32
    %dma_wait3A_137 = arith.constant 0 : i32
    %dma_wait3A_138 = arith.constant 0 : i32
    %dma_wait3A_139 = tpu.memref_slice %arg2[%dma_wait3A_137, %dma_wait3A_138] : memref<200x16384xi32, #tpu.memory_space<hbm>> -> memref<1x256xi32, #tpu.memory_space<hbm>>
    %dma_wait3A_140 = tpu.memref_squeeze %dma_wait3A_139 : memref<1x256xi32, #tpu.memory_space<hbm>> -> memref<256xi32, #tpu.memory_space<hbm>>
    %dma_wait3A_141 = arith.constant 0 : i32
    %dma_wait3A_142 = tpu.memref_slice %arg2[%dma_wait3A_137, %dma_wait3A_141] : memref<200x16384xi32, #tpu.memory_space<hbm>> -> memref<1x256xi32, #tpu.memory_space<hbm>>
    %dma_wait3A_143 = tpu.memref_squeeze %dma_wait3A_142 : memref<1x256xi32, #tpu.memory_space<hbm>> -> memref<256xi32, #tpu.memory_space<hbm>>
    tpu.wait_dma2 semaphore(%arg11 : memref<!tpu.dma_semaphore, #tpu.memory_space<semaphore_mem>>) src(%dma_wait3A_143 : memref<256xi32, #tpu.memory_space<hbm>>) dst(%arg5 : memref<256xi32, #tpu.memory_space<vmem>>)
    %dma_wait3A_144 = arith.constant 0 : i32
    %dma_wait3A_145 = tpu.memref_slice %arg9[%dma_wait3A_144] : memref<16384xf32, #tpu.memory_space<vmem>> -> memref<2048xf32, #tpu.memory_space<vmem>>
    %dma_wait3A_146 = arith.constant 0 : i32
    %dma_wait3A_147 = tpu.memref_slice %arg4[%dma_wait3A_146] : memref<209715200xf32, #tpu.memory_space<hbm>> -> memref<2048xf32, #tpu.memory_space<hbm>>
    %dma_wait3A_148 = arith.constant 0 : i32
    %dma_wait3A_149 = tpu.memref_slice %arg4[%dma_wait3A_148] : memref<209715200xf32, #tpu.memory_space<hbm>> -> memref<2048xf32, #tpu.memory_space<hbm>>
    %dma_wait3A_150 = arith.constant 0 : i32
    %dma_wait3A_151 = tpu.memref_slice %arg9[%dma_wait3A_150] : memref<16384xf32, #tpu.memory_space<vmem>> -> memref<2048xf32, #tpu.memory_space<vmem>>
    tpu.wait_dma2 semaphore(%arg15 : memref<!tpu.dma_semaphore, #tpu.memory_space<semaphore_mem>>) src(%dma_wait3A_151 : memref<2048xf32, #tpu.memory_space<vmem>>) dst(%dma_wait3A_149 : memref<2048xf32, #tpu.memory_space<hbm>>)
    %dma_wait3A_152 = arith.constant 0 : i32
    %dma_wait3A_153 = tpu.memref_slice %arg9[%dma_wait3A_152] : memref<16384xf32, #tpu.memory_space<vmem>> -> memref<2048xf32, #tpu.memory_space<vmem>>
    %dma_wait3A_154 = arith.constant 0 : i32
    %dma_wait3A_155 = tpu.memref_slice %arg4[%dma_wait3A_154] : memref<209715200xf32, #tpu.memory_space<hbm>> -> memref<2048xf32, #tpu.memory_space<hbm>>
    %dma_wait3A_156 = arith.constant 0 : i32
    %dma_wait3A_157 = tpu.memref_slice %arg4[%dma_wait3A_156] : memref<209715200xf32, #tpu.memory_space<hbm>> -> memref<2048xf32, #tpu.memory_space<hbm>>
    %dma_wait3A_158 = arith.constant 0 : i32
    %dma_wait3A_159 = tpu.memref_slice %arg9[%dma_wait3A_158] : memref<16384xf32, #tpu.memory_space<vmem>> -> memref<2048xf32, #tpu.memory_space<vmem>>
    tpu.wait_dma2 semaphore(%arg15 : memref<!tpu.dma_semaphore, #tpu.memory_space<semaphore_mem>>) src(%dma_wait3A_159 : memref<2048xf32, #tpu.memory_space<vmem>>) dst(%dma_wait3A_157 : memref<2048xf32, #tpu.memory_space<hbm>>)
    %dma_wait3A_160 = arith.constant 0 : i32
    %dma_wait3A_161 = tpu.memref_slice %arg9[%dma_wait3A_160] : memref<16384xf32, #tpu.memory_space<vmem>> -> memref<2048xf32, #tpu.memory_space<vmem>>
    %dma_wait3A_162 = arith.constant 0 : i32
    %dma_wait3A_163 = tpu.memref_slice %arg4[%dma_wait3A_162] : memref<209715200xf32, #tpu.memory_space<hbm>> -> memref<2048xf32, #tpu.memory_space<hbm>>
    %dma_wait3A_164 = arith.constant 0 : i32
    %dma_wait3A_165 = tpu.memref_slice %arg4[%dma_wait3A_164] : memref<209715200xf32, #tpu.memory_space<hbm>> -> memref<2048xf32, #tpu.memory_space<hbm>>
    %dma_wait3A_166 = arith.constant 0 : i32
    %dma_wait3A_167 = tpu.memref_slice %arg9[%dma_wait3A_166] : memref<16384xf32, #tpu.memory_space<vmem>> -> memref<2048xf32, #tpu.memory_space<vmem>>
    tpu.wait_dma2 semaphore(%arg15 : memref<!tpu.dma_semaphore, #tpu.memory_space<semaphore_mem>>) src(%dma_wait3A_167 : memref<2048xf32, #tpu.memory_space<vmem>>) dst(%dma_wait3A_165 : memref<2048xf32, #tpu.memory_space<hbm>>)
    %dma_wait3A_168 = arith.constant 0 : i32
    %dma_wait3A_169 = tpu.memref_slice %arg9[%dma_wait3A_168] : memref<16384xf32, #tpu.memory_space<vmem>> -> memref<2048xf32, #tpu.memory_space<vmem>>
    %dma_wait3A_170 = arith.constant 0 : i32
    %dma_wait3A_171 = tpu.memref_slice %arg4[%dma_wait3A_170] : memref<209715200xf32, #tpu.memory_space<hbm>> -> memref<2048xf32, #tpu.memory_space<hbm>>
    %dma_wait3A_172 = arith.constant 0 : i32
    %dma_wait3A_173 = tpu.memref_slice %arg4[%dma_wait3A_172] : memref<209715200xf32, #tpu.memory_space<hbm>> -> memref<2048xf32, #tpu.memory_space<hbm>>
    %dma_wait3A_174 = arith.constant 0 : i32
    %dma_wait3A_175 = tpu.memref_slice %arg9[%dma_wait3A_174] : memref<16384xf32, #tpu.memory_space<vmem>> -> memref<2048xf32, #tpu.memory_space<vmem>>
    tpu.wait_dma2 semaphore(%arg15 : memref<!tpu.dma_semaphore, #tpu.memory_space<semaphore_mem>>) src(%dma_wait3A_175 : memref<2048xf32, #tpu.memory_space<vmem>>) dst(%dma_wait3A_173 : memref<2048xf32, #tpu.memory_space<hbm>>)
    %dma_wait3A_176 = arith.constant 0 : i32
    %dma_wait3A_177 = tpu.memref_slice %arg9[%dma_wait3A_176] : memref<16384xf32, #tpu.memory_space<vmem>> -> memref<2048xf32, #tpu.memory_space<vmem>>
    %dma_wait3A_178 = arith.constant 0 : i32
    %dma_wait3A_179 = tpu.memref_slice %arg4[%dma_wait3A_178] : memref<209715200xf32, #tpu.memory_space<hbm>> -> memref<2048xf32, #tpu.memory_space<hbm>>
    %dma_wait3A_180 = arith.constant 0 : i32
    %dma_wait3A_181 = tpu.memref_slice %arg4[%dma_wait3A_180] : memref<209715200xf32, #tpu.memory_space<hbm>> -> memref<2048xf32, #tpu.memory_space<hbm>>
    %dma_wait3A_182 = arith.constant 0 : i32
    %dma_wait3A_183 = tpu.memref_slice %arg9[%dma_wait3A_182] : memref<16384xf32, #tpu.memory_space<vmem>> -> memref<2048xf32, #tpu.memory_space<vmem>>
    tpu.wait_dma2 semaphore(%arg15 : memref<!tpu.dma_semaphore, #tpu.memory_space<semaphore_mem>>) src(%dma_wait3A_183 : memref<2048xf32, #tpu.memory_space<vmem>>) dst(%dma_wait3A_181 : memref<2048xf32, #tpu.memory_space<hbm>>)
    %dma_wait3A_184 = arith.constant 0 : i32
    %dma_wait3A_185 = tpu.memref_slice %arg9[%dma_wait3A_184] : memref<16384xf32, #tpu.memory_space<vmem>> -> memref<2048xf32, #tpu.memory_space<vmem>>
    %dma_wait3A_186 = arith.constant 0 : i32
    %dma_wait3A_187 = tpu.memref_slice %arg4[%dma_wait3A_186] : memref<209715200xf32, #tpu.memory_space<hbm>> -> memref<2048xf32, #tpu.memory_space<hbm>>
    %dma_wait3A_188 = arith.constant 0 : i32
    %dma_wait3A_189 = tpu.memref_slice %arg4[%dma_wait3A_188] : memref<209715200xf32, #tpu.memory_space<hbm>> -> memref<2048xf32, #tpu.memory_space<hbm>>
    %dma_wait3A_190 = arith.constant 0 : i32
    %dma_wait3A_191 = tpu.memref_slice %arg9[%dma_wait3A_190] : memref<16384xf32, #tpu.memory_space<vmem>> -> memref<2048xf32, #tpu.memory_space<vmem>>
    tpu.wait_dma2 semaphore(%arg15 : memref<!tpu.dma_semaphore, #tpu.memory_space<semaphore_mem>>) src(%dma_wait3A_191 : memref<2048xf32, #tpu.memory_space<vmem>>) dst(%dma_wait3A_189 : memref<2048xf32, #tpu.memory_space<hbm>>)
    %dma_wait3A_192 = arith.constant 0 : i32
    %dma_wait3A_193 = tpu.memref_slice %arg9[%dma_wait3A_192] : memref<16384xf32, #tpu.memory_space<vmem>> -> memref<2048xf32, #tpu.memory_space<vmem>>
    %dma_wait3A_194 = arith.constant 0 : i32
    %dma_wait3A_195 = tpu.memref_slice %arg4[%dma_wait3A_194] : memref<209715200xf32, #tpu.memory_space<hbm>> -> memref<2048xf32, #tpu.memory_space<hbm>>
    %dma_wait3A_196 = arith.constant 0 : i32
    %dma_wait3A_197 = tpu.memref_slice %arg4[%dma_wait3A_196] : memref<209715200xf32, #tpu.memory_space<hbm>> -> memref<2048xf32, #tpu.memory_space<hbm>>
    %dma_wait3A_198 = arith.constant 0 : i32
    %dma_wait3A_199 = tpu.memref_slice %arg9[%dma_wait3A_198] : memref<16384xf32, #tpu.memory_space<vmem>> -> memref<2048xf32, #tpu.memory_space<vmem>>
    tpu.wait_dma2 semaphore(%arg15 : memref<!tpu.dma_semaphore, #tpu.memory_space<semaphore_mem>>) src(%dma_wait3A_199 : memref<2048xf32, #tpu.memory_space<vmem>>) dst(%dma_wait3A_197 : memref<2048xf32, #tpu.memory_space<hbm>>)
    %dma_wait3A_200 = arith.constant 0 : i32
    %dma_wait3A_201 = tpu.memref_slice %arg9[%dma_wait3A_200] : memref<16384xf32, #tpu.memory_space<vmem>> -> memref<2048xf32, #tpu.memory_space<vmem>>
    %dma_wait3A_202 = arith.constant 0 : i32
    %dma_wait3A_203 = tpu.memref_slice %arg4[%dma_wait3A_202] : memref<209715200xf32, #tpu.memory_space<hbm>> -> memref<2048xf32, #tpu.memory_space<hbm>>
    %dma_wait3A_204 = arith.constant 0 : i32
    %dma_wait3A_205 = tpu.memref_slice %arg4[%dma_wait3A_204] : memref<209715200xf32, #tpu.memory_space<hbm>> -> memref<2048xf32, #tpu.memory_space<hbm>>
    %dma_wait3A_206 = arith.constant 0 : i32
    %dma_wait3A_207 = tpu.memref_slice %arg9[%dma_wait3A_206] : memref<16384xf32, #tpu.memory_space<vmem>> -> memref<2048xf32, #tpu.memory_space<vmem>>
    tpu.wait_dma2 semaphore(%arg15 : memref<!tpu.dma_semaphore, #tpu.memory_space<semaphore_mem>>) src(%dma_wait3A_207 : memref<2048xf32, #tpu.memory_space<vmem>>) dst(%dma_wait3A_205 : memref<2048xf32, #tpu.memory_space<hbm>>)
    %dma_start3A_208 = arith.constant 0 : i32
    %dma_start3A_209 = arith.constant 0 : i32
    %dma_start3A_210 = tpu.memref_slice %arg3[%dma_start3A_208, %dma_start3A_209] : memref<15000x64xf32, #tpu.memory_space<hbm>> -> memref<15000x64xf32, #tpu.memory_space<hbm>>
    tpu.enqueue_indirect_dma source(%dma_start3A_210 : memref<15000x64xf32, #tpu.memory_space<hbm>>) target(%arg7 : memref<256x64xf32, #tpu.memory_space<vmem>>) offsets(%arg5 : memref<256xi32, #tpu.memory_space<vmem>>) semaphore(%arg13 : memref<!tpu.dma_semaphore, #tpu.memory_space<semaphore_mem>>)
    %dma_wait3A_211 = arith.constant 0 : i32
    %dma_wait3A_212 = arith.constant 0 : i32
    %dma_wait3A_213 = tpu.memref_slice %arg3[%dma_wait3A_211, %dma_wait3A_212] : memref<15000x64xf32, #tpu.memory_space<hbm>> -> memref<15000x64xf32, #tpu.memory_space<hbm>>
    tpu.wait_indirect_dma semaphore(%arg14 : memref<!tpu.dma_semaphore, #tpu.memory_space<semaphore_mem>>) src(%dma_wait3A_213 : memref<15000x64xf32, #tpu.memory_space<hbm>>) dst(%arg8 : memref<256x64xf32, #tpu.memory_space<vmem>>)
    %shift_right_logical3A_214 = arith.constant 399 : i32
    %shift_right_logical3A_215 = arith.constant 1 : i32
    %shift_right_logical3A_216 = arith.shrui %shift_right_logical3A_214, %shift_right_logical3A_215 : i32
    %add3A_217 = arith.constant 256 : i32
    %add3A_218 = arith.addi %mul3A_2, %add3A_217 : i32
    %dma_start3A_219 = tpu.memref_slice %arg2[%shift_right_logical3A_216, %add3A_218] : memref<200x16384xi32, #tpu.memory_space<hbm>> -> memref<1x256xi32, #tpu.memory_space<hbm>>
    %dma_start3A_220 = tpu.memref_squeeze %dma_start3A_219 : memref<1x256xi32, #tpu.memory_space<hbm>> -> memref<256xi32, #tpu.memory_space<hbm>>
    %dma_start3A_221 = tpu.memref_slice %arg2[%shift_right_logical3A_216, %add3A_218] : memref<200x16384xi32, #tpu.memory_space<hbm>> -> memref<1x256xi32, #tpu.memory_space<hbm>>
    %dma_start3A_222 = tpu.memref_squeeze %dma_start3A_221 : memref<1x256xi32, #tpu.memory_space<hbm>> -> memref<256xi32, #tpu.memory_space<hbm>>
    tpu.enqueue_dma source(%dma_start3A_222 : memref<256xi32, #tpu.memory_space<hbm>>) target(%arg6 : memref<256xi32, #tpu.memory_space<vmem>>) target_semaphore(%arg12 : memref<!tpu.dma_semaphore, #tpu.memory_space<semaphore_mem>>)
    %scan3A_223 = arith.constant 0 : i32
    %scan3A_224 = arith.constant 0 : i32
    %scan3A_225 = arith.constant 16 : i32
    %scan3A_226 = arith.addi %scan3A_224, %scan3A_225 : i32
    %scan3A_227 = arith.constant 1 : i32
    scf.for %scan3A_671 = %scan3A_224 to %scan3A_226 step %scan3A_227  : i32 {
      %add3A_672 = vector.broadcast %scan3A_671 : i32 to vector<16xi32>
      %add3A_673 = arith.addi %iota3A, %add3A_672 : vector<16xi32>
      %and3A = arith.constant 15 : i32
      %and3A_674 = vector.broadcast %and3A : i32 to vector<16xi32>
      %and3A_675 = arith.andi %add3A_673, %and3A_674 : vector<16xi32>
      %shift_right_logical3A_676 = arith.constant 3 : i32
      %shift_right_logical3A_677 = vector.broadcast %shift_right_logical3A_676 : i32 to vector<16xi32>
      %shift_right_logical3A_678 = arith.shrui %and3A_675, %shift_right_logical3A_677 : vector<16xi32>
      %shift_left3A = arith.constant 11 : i32
      %shift_left3A_679 = vector.broadcast %shift_left3A : i32 to vector<16xi32>
      %shift_left3A_680 = arith.shli %shift_right_logical3A_678, %shift_left3A_679 : vector<16xi32>
      %and3A_681 = arith.constant 7 : i32
      %and3A_682 = vector.broadcast %and3A_681 : i32 to vector<16xi32>
      %and3A_683 = arith.andi %and3A_675, %and3A_682 : vector<16xi32>
      %shift_left3A_684 = arith.constant 7 : i32
      %shift_left3A_685 = vector.broadcast %shift_left3A_684 : i32 to vector<16xi32>
      %shift_left3A_686 = arith.shli %and3A_683, %shift_left3A_685 : vector<16xi32>
      %add3A_687 = arith.addi %shift_left3A_680, %shift_left3A_686 : vector<16xi32>
      %add3A_688 = arith.addi %add3A_687, %iota3A : vector<16xi32>
      %add3A_689 = arith.constant 0 : i32
      %add3A_690 = vector.broadcast %add3A_689 : i32 to vector<16xi32>
      %add3A_691 = arith.addi %and3A_675, %add3A_690 : vector<16xi32>
      %add3A_692 = arith.constant 16 : i32
      %add3A_693 = vector.broadcast %add3A_692 : i32 to vector<16xi32>
      %add3A_694 = arith.addi %and3A_675, %add3A_693 : vector<16xi32>
      %add3A_695 = arith.constant 32 : i32
      %add3A_696 = vector.broadcast %add3A_695 : i32 to vector<16xi32>
      %add3A_697 = arith.addi %and3A_675, %add3A_696 : vector<16xi32>
      %add3A_698 = arith.constant 48 : i32
      %add3A_699 = vector.broadcast %add3A_698 : i32 to vector<16xi32>
      %add3A_700 = arith.addi %and3A_675, %add3A_699 : vector<16xi32>
      %add3A_701 = arith.constant 0 : i32
      %add3A_702 = vector.broadcast %add3A_701 : i32 to vector<16xi32>
      %add3A_703 = arith.addi %iota3A, %add3A_702 : vector<16xi32>
      %gather3A = tpu.vector_load_idx %arg8[%add3A_703, %add3A_691] : memref<256x64xf32, #tpu.memory_space<vmem>>[vector<16xi32>, vector<16xi32>], vector<16xf32>,
      %add3A_704 = arith.constant 0 : i32
      %add3A_705 = vector.broadcast %add3A_704 : i32 to vector<16xi32>
      %add3A_706 = arith.addi %add3A_688, %add3A_705 : vector<16xi32>
      %gather3A_707 = tpu.vector_load_idx %arg8[%add3A_703, %add3A_694] : memref<256x64xf32, #tpu.memory_space<vmem>>[vector<16xi32>, vector<16xi32>], vector<16xf32>,
      %add3A_708 = arith.constant 4096 : i32
      %add3A_709 = vector.broadcast %add3A_708 : i32 to vector<16xi32>
      %add3A_710 = arith.addi %add3A_688, %add3A_709 : vector<16xi32>
      %gather3A_711 = tpu.vector_load_idx %arg8[%add3A_703, %add3A_697] : memref<256x64xf32, #tpu.memory_space<vmem>>[vector<16xi32>, vector<16xi32>], vector<16xf32>,
      %add3A_712 = arith.constant 8192 : i32
      %add3A_713 = vector.broadcast %add3A_712 : i32 to vector<16xi32>
      %add3A_714 = arith.addi %add3A_688, %add3A_713 : vector<16xi32>
      %gather3A_715 = tpu.vector_load_idx %arg8[%add3A_703, %add3A_700] : memref<256x64xf32, #tpu.memory_space<vmem>>[vector<16xi32>, vector<16xi32>], vector<16xf32>,
      %add3A_716 = arith.constant 12288 : i32
      %add3A_717 = vector.broadcast %add3A_716 : i32 to vector<16xi32>
      %add3A_718 = arith.addi %add3A_688, %add3A_717 : vector<16xi32>
      %add3A_719 = arith.constant 16 : i32
      %add3A_720 = vector.broadcast %add3A_719 : i32 to vector<16xi32>
      %add3A_721 = arith.addi %iota3A, %add3A_720 : vector<16xi32>
      %gather3A_722 = tpu.vector_load_idx %arg8[%add3A_721, %add3A_691] : memref<256x64xf32, #tpu.memory_space<vmem>>[vector<16xi32>, vector<16xi32>], vector<16xf32>,
      %add3A_723 = arith.constant 16 : i32
      %add3A_724 = vector.broadcast %add3A_723 : i32 to vector<16xi32>
      %add3A_725 = arith.addi %add3A_688, %add3A_724 : vector<16xi32>
      %gather3A_726 = tpu.vector_load_idx %arg8[%add3A_721, %add3A_694] : memref<256x64xf32, #tpu.memory_space<vmem>>[vector<16xi32>, vector<16xi32>], vector<16xf32>,
      %add3A_727 = arith.constant 4112 : i32
      %add3A_728 = vector.broadcast %add3A_727 : i32 to vector<16xi32>
      %add3A_729 = arith.addi %add3A_688, %add3A_728 : vector<16xi32>
      %gather3A_730 = tpu.vector_load_idx %arg8[%add3A_721, %add3A_697] : memref<256x64xf32, #tpu.memory_space<vmem>>[vector<16xi32>, vector<16xi32>], vector<16xf32>,
      %add3A_731 = arith.constant 8208 : i32
      %add3A_732 = vector.broadcast %add3A_731 : i32 to vector<16xi32>
      %add3A_733 = arith.addi %add3A_688, %add3A_732 : vector<16xi32>
      %gather3A_734 = tpu.vector_load_idx %arg8[%add3A_721, %add3A_700] : memref<256x64xf32, #tpu.memory_space<vmem>>[vector<16xi32>, vector<16xi32>], vector<16xf32>,
      %add3A_735 = arith.constant 12304 : i32
      %add3A_736 = vector.broadcast %add3A_735 : i32 to vector<16xi32>
      %add3A_737 = arith.addi %add3A_688, %add3A_736 : vector<16xi32>
      tpu.vector_store_idx %arg10[%add3A_706], %gather3A : memref<16384xf32, #tpu.memory_space<vmem>>[vector<16xi32>], vector<16xf32>,
      tpu.vector_store_idx %arg10[%add3A_710], %gather3A_707 : memref<16384xf32, #tpu.memory_space<vmem>>[vector<16xi32>], vector<16xf32>,
      tpu.vector_store_idx %arg10[%add3A_714], %gather3A_711 : memref<16384xf32, #tpu.memory_space<vmem>>[vector<16xi32>], vector<16xf32>,
      tpu.vector_store_idx %arg10[%add3A_718], %gather3A_715 : memref<16384xf32, #tpu.memory_space<vmem>>[vector<16xi32>], vector<16xf32>,
      tpu.vector_store_idx %arg10[%add3A_725], %gather3A_722 : memref<16384xf32, #tpu.memory_space<vmem>>[vector<16xi32>], vector<16xf32>,
      tpu.vector_store_idx %arg10[%add3A_729], %gather3A_726 : memref<16384xf32, #tpu.memory_space<vmem>>[vector<16xi32>], vector<16xf32>,
      tpu.vector_store_idx %arg10[%add3A_733], %gather3A_730 : memref<16384xf32, #tpu.memory_space<vmem>>[vector<16xi32>], vector<16xf32>,
      tpu.vector_store_idx %arg10[%add3A_737], %gather3A_734 : memref<16384xf32, #tpu.memory_space<vmem>>[vector<16xi32>], vector<16xf32>,
      %add3A_738 = arith.constant 32 : i32
      %add3A_739 = vector.broadcast %add3A_738 : i32 to vector<16xi32>
      %add3A_740 = arith.addi %iota3A, %add3A_739 : vector<16xi32>
      %gather3A_741 = tpu.vector_load_idx %arg8[%add3A_740, %add3A_691] : memref<256x64xf32, #tpu.memory_space<vmem>>[vector<16xi32>, vector<16xi32>], vector<16xf32>,
      %add3A_742 = arith.constant 32 : i32
      %add3A_743 = vector.broadcast %add3A_742 : i32 to vector<16xi32>
      %add3A_744 = arith.addi %add3A_688, %add3A_743 : vector<16xi32>
      %gather3A_745 = tpu.vector_load_idx %arg8[%add3A_740, %add3A_694] : memref<256x64xf32, #tpu.memory_space<vmem>>[vector<16xi32>, vector<16xi32>], vector<16xf32>,
      %add3A_746 = arith.constant 4128 : i32
      %add3A_747 = vector.broadcast %add3A_746 : i32 to vector<16xi32>
      %add3A_748 = arith.addi %add3A_688, %add3A_747 : vector<16xi32>
      %gather3A_749 = tpu.vector_load_idx %arg8[%add3A_740, %add3A_697] : memref<256x64xf32, #tpu.memory_space<vmem>>[vector<16xi32>, vector<16xi32>], vector<16xf32>,
      %add3A_750 = arith.constant 8224 : i32
      %add3A_751 = vector.broadcast %add3A_750 : i32 to vector<16xi32>
      %add3A_752 = arith.addi %add3A_688, %add3A_751 : vector<16xi32>
      %gather3A_753 = tpu.vector_load_idx %arg8[%add3A_740, %add3A_700] : memref<256x64xf32, #tpu.memory_space<vmem>>[vector<16xi32>, vector<16xi32>], vector<16xf32>,
      %add3A_754 = arith.constant 12320 : i32
      %add3A_755 = vector.broadcast %add3A_754 : i32 to vector<16xi32>
      %add3A_756 = arith.addi %add3A_688, %add3A_755 : vector<16xi32>
      %add3A_757 = arith.constant 48 : i32
      %add3A_758 = vector.broadcast %add3A_757 : i32 to vector<16xi32>
      %add3A_759 = arith.addi %iota3A, %add3A_758 : vector<16xi32>
      %gather3A_760 = tpu.vector_load_idx %arg8[%add3A_759, %add3A_691] : memref<256x64xf32, #tpu.memory_space<vmem>>[vector<16xi32>, vector<16xi32>], vector<16xf32>,
      %add3A_761 = arith.constant 48 : i32
      %add3A_762 = vector.broadcast %add3A_761 : i32 to vector<16xi32>
      %add3A_763 = arith.addi %add3A_688, %add3A_762 : vector<16xi32>
      %gather3A_764 = tpu.vector_load_idx %arg8[%add3A_759, %add3A_694] : memref<256x64xf32, #tpu.memory_space<vmem>>[vector<16xi32>, vector<16xi32>], vector<16xf32>,
      %add3A_765 = arith.constant 4144 : i32
      %add3A_766 = vector.broadcast %add3A_765 : i32 to vector<16xi32>
      %add3A_767 = arith.addi %add3A_688, %add3A_766 : vector<16xi32>
      %gather3A_768 = tpu.vector_load_idx %arg8[%add3A_759, %add3A_697] : memref<256x64xf32, #tpu.memory_space<vmem>>[vector<16xi32>, vector<16xi32>], vector<16xf32>,
      %add3A_769 = arith.constant 8240 : i32
      %add3A_770 = vector.broadcast %add3A_769 : i32 to vector<16xi32>
      %add3A_771 = arith.addi %add3A_688, %add3A_770 : vector<16xi32>
      %gather3A_772 = tpu.vector_load_idx %arg8[%add3A_759, %add3A_700] : memref<256x64xf32, #tpu.memory_space<vmem>>[vector<16xi32>, vector<16xi32>], vector<16xf32>,
      %add3A_773 = arith.constant 12336 : i32
      %add3A_774 = vector.broadcast %add3A_773 : i32 to vector<16xi32>
      %add3A_775 = arith.addi %add3A_688, %add3A_774 : vector<16xi32>
      tpu.vector_store_idx %arg10[%add3A_744], %gather3A_741 : memref<16384xf32, #tpu.memory_space<vmem>>[vector<16xi32>], vector<16xf32>,
      tpu.vector_store_idx %arg10[%add3A_748], %gather3A_745 : memref<16384xf32, #tpu.memory_space<vmem>>[vector<16xi32>], vector<16xf32>,
      tpu.vector_store_idx %arg10[%add3A_752], %gather3A_749 : memref<16384xf32, #tpu.memory_space<vmem>>[vector<16xi32>], vector<16xf32>,
      tpu.vector_store_idx %arg10[%add3A_756], %gather3A_753 : memref<16384xf32, #tpu.memory_space<vmem>>[vector<16xi32>], vector<16xf32>,
      tpu.vector_store_idx %arg10[%add3A_763], %gather3A_760 : memref<16384xf32, #tpu.memory_space<vmem>>[vector<16xi32>], vector<16xf32>,
      tpu.vector_store_idx %arg10[%add3A_767], %gather3A_764 : memref<16384xf32, #tpu.memory_space<vmem>>[vector<16xi32>], vector<16xf32>,
      tpu.vector_store_idx %arg10[%add3A_771], %gather3A_768 : memref<16384xf32, #tpu.memory_space<vmem>>[vector<16xi32>], vector<16xf32>,
      tpu.vector_store_idx %arg10[%add3A_775], %gather3A_772 : memref<16384xf32, #tpu.memory_space<vmem>>[vector<16xi32>], vector<16xf32>,
      %add3A_776 = arith.constant 64 : i32
      %add3A_777 = vector.broadcast %add3A_776 : i32 to vector<16xi32>
      %add3A_778 = arith.addi %iota3A, %add3A_777 : vector<16xi32>
      %gather3A_779 = tpu.vector_load_idx %arg8[%add3A_778, %add3A_691] : memref<256x64xf32, #tpu.memory_space<vmem>>[vector<16xi32>, vector<16xi32>], vector<16xf32>,
      %add3A_780 = arith.constant 64 : i32
      %add3A_781 = vector.broadcast %add3A_780 : i32 to vector<16xi32>
      %add3A_782 = arith.addi %add3A_688, %add3A_781 : vector<16xi32>
      %gather3A_783 = tpu.vector_load_idx %arg8[%add3A_778, %add3A_694] : memref<256x64xf32, #tpu.memory_space<vmem>>[vector<16xi32>, vector<16xi32>], vector<16xf32>,
      %add3A_784 = arith.constant 4160 : i32
      %add3A_785 = vector.broadcast %add3A_784 : i32 to vector<16xi32>
      %add3A_786 = arith.addi %add3A_688, %add3A_785 : vector<16xi32>
      %gather3A_787 = tpu.vector_load_idx %arg8[%add3A_778, %add3A_697] : memref<256x64xf32, #tpu.memory_space<vmem>>[vector<16xi32>, vector<16xi32>], vector<16xf32>,
      %add3A_788 = arith.constant 8256 : i32
      %add3A_789 = vector.broadcast %add3A_788 : i32 to vector<16xi32>
      %add3A_790 = arith.addi %add3A_688, %add3A_789 : vector<16xi32>
      %gather3A_791 = tpu.vector_load_idx %arg8[%add3A_778, %add3A_700] : memref<256x64xf32, #tpu.memory_space<vmem>>[vector<16xi32>, vector<16xi32>], vector<16xf32>,
      %add3A_792 = arith.constant 12352 : i32
      %add3A_793 = vector.broadcast %add3A_792 : i32 to vector<16xi32>
      %add3A_794 = arith.addi %add3A_688, %add3A_793 : vector<16xi32>
      %add3A_795 = arith.constant 80 : i32
      %add3A_796 = vector.broadcast %add3A_795 : i32 to vector<16xi32>
      %add3A_797 = arith.addi %iota3A, %add3A_796 : vector<16xi32>
      %gather3A_798 = tpu.vector_load_idx %arg8[%add3A_797, %add3A_691] : memref<256x64xf32, #tpu.memory_space<vmem>>[vector<16xi32>, vector<16xi32>], vector<16xf32>,
      %add3A_799 = arith.constant 80 : i32
      %add3A_800 = vector.broadcast %add3A_799 : i32 to vector<16xi32>
      %add3A_801 = arith.addi %add3A_688, %add3A_800 : vector<16xi32>
      %gather3A_802 = tpu.vector_load_idx %arg8[%add3A_797, %add3A_694] : memref<256x64xf32, #tpu.memory_space<vmem>>[vector<16xi32>, vector<16xi32>], vector<16xf32>,
      %add3A_803 = arith.constant 4176 : i32
      %add3A_804 = vector.broadcast %add3A_803 : i32 to vector<16xi32>
      %add3A_805 = arith.addi %add3A_688, %add3A_804 : vector<16xi32>
      %gather3A_806 = tpu.vector_load_idx %arg8[%add3A_797, %add3A_697] : memref<256x64xf32, #tpu.memory_space<vmem>>[vector<16xi32>, vector<16xi32>], vector<16xf32>,
      %add3A_807 = arith.constant 8272 : i32
      %add3A_808 = vector.broadcast %add3A_807 : i32 to vector<16xi32>
      %add3A_809 = arith.addi %add3A_688, %add3A_808 : vector<16xi32>
      %gather3A_810 = tpu.vector_load_idx %arg8[%add3A_797, %add3A_700] : memref<256x64xf32, #tpu.memory_space<vmem>>[vector<16xi32>, vector<16xi32>], vector<16xf32>,
      %add3A_811 = arith.constant 12368 : i32
      %add3A_812 = vector.broadcast %add3A_811 : i32 to vector<16xi32>
      %add3A_813 = arith.addi %add3A_688, %add3A_812 : vector<16xi32>
      tpu.vector_store_idx %arg10[%add3A_782], %gather3A_779 : memref<16384xf32, #tpu.memory_space<vmem>>[vector<16xi32>], vector<16xf32>,
      tpu.vector_store_idx %arg10[%add3A_786], %gather3A_783 : memref<16384xf32, #tpu.memory_space<vmem>>[vector<16xi32>], vector<16xf32>,
      tpu.vector_store_idx %arg10[%add3A_790], %gather3A_787 : memref<16384xf32, #tpu.memory_space<vmem>>[vector<16xi32>], vector<16xf32>,
      tpu.vector_store_idx %arg10[%add3A_794], %gather3A_791 : memref<16384xf32, #tpu.memory_space<vmem>>[vector<16xi32>], vector<16xf32>,
      tpu.vector_store_idx %arg10[%add3A_801], %gather3A_798 : memref<16384xf32, #tpu.memory_space<vmem>>[vector<16xi32>], vector<16xf32>,
      tpu.vector_store_idx %arg10[%add3A_805], %gather3A_802 : memref<16384xf32, #tpu.memory_space<vmem>>[vector<16xi32>], vector<16xf32>,
      tpu.vector_store_idx %arg10[%add3A_809], %gather3A_806 : memref<16384xf32, #tpu.memory_space<vmem>>[vector<16xi32>], vector<16xf32>,
      tpu.vector_store_idx %arg10[%add3A_813], %gather3A_810 : memref<16384xf32, #tpu.memory_space<vmem>>[vector<16xi32>], vector<16xf32>,
      %add3A_814 = arith.constant 96 : i32
      %add3A_815 = vector.broadcast %add3A_814 : i32 to vector<16xi32>
      %add3A_816 = arith.addi %iota3A, %add3A_815 : vector<16xi32>
      %gather3A_817 = tpu.vector_load_idx %arg8[%add3A_816, %add3A_691] : memref<256x64xf32, #tpu.memory_space<vmem>>[vector<16xi32>, vector<16xi32>], vector<16xf32>,
      %add3A_818 = arith.constant 96 : i32
      %add3A_819 = vector.broadcast %add3A_818 : i32 to vector<16xi32>
      %add3A_820 = arith.addi %add3A_688, %add3A_819 : vector<16xi32>
      %gather3A_821 = tpu.vector_load_idx %arg8[%add3A_816, %add3A_694] : memref<256x64xf32, #tpu.memory_space<vmem>>[vector<16xi32>, vector<16xi32>], vector<16xf32>,
      %add3A_822 = arith.constant 4192 : i32
      %add3A_823 = vector.broadcast %add3A_822 : i32 to vector<16xi32>
      %add3A_824 = arith.addi %add3A_688, %add3A_823 : vector<16xi32>
      %gather3A_825 = tpu.vector_load_idx %arg8[%add3A_816, %add3A_697] : memref<256x64xf32, #tpu.memory_space<vmem>>[vector<16xi32>, vector<16xi32>], vector<16xf32>,
      %add3A_826 = arith.constant 8288 : i32
      %add3A_827 = vector.broadcast %add3A_826 : i32 to vector<16xi32>
      %add3A_828 = arith.addi %add3A_688, %add3A_827 : vector<16xi32>
      %gather3A_829 = tpu.vector_load_idx %arg8[%add3A_816, %add3A_700] : memref<256x64xf32, #tpu.memory_space<vmem>>[vector<16xi32>, vector<16xi32>], vector<16xf32>,
      %add3A_830 = arith.constant 12384 : i32
      %add3A_831 = vector.broadcast %add3A_830 : i32 to vector<16xi32>
      %add3A_832 = arith.addi %add3A_688, %add3A_831 : vector<16xi32>
      %add3A_833 = arith.constant 112 : i32
      %add3A_834 = vector.broadcast %add3A_833 : i32 to vector<16xi32>
      %add3A_835 = arith.addi %iota3A, %add3A_834 : vector<16xi32>
      %gather3A_836 = tpu.vector_load_idx %arg8[%add3A_835, %add3A_691] : memref<256x64xf32, #tpu.memory_space<vmem>>[vector<16xi32>, vector<16xi32>], vector<16xf32>,
      %add3A_837 = arith.constant 112 : i32
      %add3A_838 = vector.broadcast %add3A_837 : i32 to vector<16xi32>
      %add3A_839 = arith.addi %add3A_688, %add3A_838 : vector<16xi32>
      %gather3A_840 = tpu.vector_load_idx %arg8[%add3A_835, %add3A_694] : memref<256x64xf32, #tpu.memory_space<vmem>>[vector<16xi32>, vector<16xi32>], vector<16xf32>,
      %add3A_841 = arith.constant 4208 : i32
      %add3A_842 = vector.broadcast %add3A_841 : i32 to vector<16xi32>
      %add3A_843 = arith.addi %add3A_688, %add3A_842 : vector<16xi32>
      %gather3A_844 = tpu.vector_load_idx %arg8[%add3A_835, %add3A_697] : memref<256x64xf32, #tpu.memory_space<vmem>>[vector<16xi32>, vector<16xi32>], vector<16xf32>,
      %add3A_845 = arith.constant 8304 : i32
      %add3A_846 = vector.broadcast %add3A_845 : i32 to vector<16xi32>
      %add3A_847 = arith.addi %add3A_688, %add3A_846 : vector<16xi32>
      %gather3A_848 = tpu.vector_load_idx %arg8[%add3A_835, %add3A_700] : memref<256x64xf32, #tpu.memory_space<vmem>>[vector<16xi32>, vector<16xi32>], vector<16xf32>,
      %add3A_849 = arith.constant 12400 : i32
      %add3A_850 = vector.broadcast %add3A_849 : i32 to vector<16xi32>
      %add3A_851 = arith.addi %add3A_688, %add3A_850 : vector<16xi32>
      tpu.vector_store_idx %arg10[%add3A_820], %gather3A_817 : memref<16384xf32, #tpu.memory_space<vmem>>[vector<16xi32>], vector<16xf32>,
      tpu.vector_store_idx %arg10[%add3A_824], %gather3A_821 : memref<16384xf32, #tpu.memory_space<vmem>>[vector<16xi32>], vector<16xf32>,
      tpu.vector_store_idx %arg10[%add3A_828], %gather3A_825 : memref<16384xf32, #tpu.memory_space<vmem>>[vector<16xi32>], vector<16xf32>,
      tpu.vector_store_idx %arg10[%add3A_832], %gather3A_829 : memref<16384xf32, #tpu.memory_space<vmem>>[vector<16xi32>], vector<16xf32>,
      tpu.vector_store_idx %arg10[%add3A_839], %gather3A_836 : memref<16384xf32, #tpu.memory_space<vmem>>[vector<16xi32>], vector<16xf32>,
      tpu.vector_store_idx %arg10[%add3A_843], %gather3A_840 : memref<16384xf32, #tpu.memory_space<vmem>>[vector<16xi32>], vector<16xf32>,
      tpu.vector_store_idx %arg10[%add3A_847], %gather3A_844 : memref<16384xf32, #tpu.memory_space<vmem>>[vector<16xi32>], vector<16xf32>,
      tpu.vector_store_idx %arg10[%add3A_851], %gather3A_848 : memref<16384xf32, #tpu.memory_space<vmem>>[vector<16xi32>], vector<16xf32>,
      %add3A_852 = arith.constant 128 : i32
      %add3A_853 = vector.broadcast %add3A_852 : i32 to vector<16xi32>
      %add3A_854 = arith.addi %iota3A, %add3A_853 : vector<16xi32>
      %gather3A_855 = tpu.vector_load_idx %arg8[%add3A_854, %add3A_691] : memref<256x64xf32, #tpu.memory_space<vmem>>[vector<16xi32>, vector<16xi32>], vector<16xf32>,
      %add3A_856 = arith.constant 1024 : i32
      %add3A_857 = vector.broadcast %add3A_856 : i32 to vector<16xi32>
      %add3A_858 = arith.addi %add3A_688, %add3A_857 : vector<16xi32>
      %gather3A_859 = tpu.vector_load_idx %arg8[%add3A_854, %add3A_694] : memref<256x64xf32, #tpu.memory_space<vmem>>[vector<16xi32>, vector<16xi32>], vector<16xf32>,
      %add3A_860 = arith.constant 5120 : i32
      %add3A_861 = vector.broadcast %add3A_860 : i32 to vector<16xi32>
      %add3A_862 = arith.addi %add3A_688, %add3A_861 : vector<16xi32>
      %gather3A_863 = tpu.vector_load_idx %arg8[%add3A_854, %add3A_697] : memref<256x64xf32, #tpu.memory_space<vmem>>[vector<16xi32>, vector<16xi32>], vector<16xf32>,
      %add3A_864 = arith.constant 9216 : i32
      %add3A_865 = vector.broadcast %add3A_864 : i32 to vector<16xi32>
      %add3A_866 = arith.addi %add3A_688, %add3A_865 : vector<16xi32>
      %gather3A_867 = tpu.vector_load_idx %arg8[%add3A_854, %add3A_700] : memref<256x64xf32, #tpu.memory_space<vmem>>[vector<16xi32>, vector<16xi32>], vector<16xf32>,
      %add3A_868 = arith.constant 13312 : i32
      %add3A_869 = vector.broadcast %add3A_868 : i32 to vector<16xi32>
      %add3A_870 = arith.addi %add3A_688, %add3A_869 : vector<16xi32>
      %add3A_871 = arith.constant 144 : i32
      %add3A_872 = vector.broadcast %add3A_871 : i32 to vector<16xi32>
      %add3A_873 = arith.addi %iota3A, %add3A_872 : vector<16xi32>
      %gather3A_874 = tpu.vector_load_idx %arg8[%add3A_873, %add3A_691] : memref<256x64xf32, #tpu.memory_space<vmem>>[vector<16xi32>, vector<16xi32>], vector<16xf32>,
      %add3A_875 = arith.constant 1040 : i32
      %add3A_876 = vector.broadcast %add3A_875 : i32 to vector<16xi32>
      %add3A_877 = arith.addi %add3A_688, %add3A_876 : vector<16xi32>
      %gather3A_878 = tpu.vector_load_idx %arg8[%add3A_873, %add3A_694] : memref<256x64xf32, #tpu.memory_space<vmem>>[vector<16xi32>, vector<16xi32>], vector<16xf32>,
      %add3A_879 = arith.constant 5136 : i32
      %add3A_880 = vector.broadcast %add3A_879 : i32 to vector<16xi32>
      %add3A_881 = arith.addi %add3A_688, %add3A_880 : vector<16xi32>
      %gather3A_882 = tpu.vector_load_idx %arg8[%add3A_873, %add3A_697] : memref<256x64xf32, #tpu.memory_space<vmem>>[vector<16xi32>, vector<16xi32>], vector<16xf32>,
      %add3A_883 = arith.constant 9232 : i32
      %add3A_884 = vector.broadcast %add3A_883 : i32 to vector<16xi32>
      %add3A_885 = arith.addi %add3A_688, %add3A_884 : vector<16xi32>
      %gather3A_886 = tpu.vector_load_idx %arg8[%add3A_873, %add3A_700] : memref<256x64xf32, #tpu.memory_space<vmem>>[vector<16xi32>, vector<16xi32>], vector<16xf32>,
      %add3A_887 = arith.constant 13328 : i32
      %add3A_888 = vector.broadcast %add3A_887 : i32 to vector<16xi32>
      %add3A_889 = arith.addi %add3A_688, %add3A_888 : vector<16xi32>
      tpu.vector_store_idx %arg10[%add3A_858], %gather3A_855 : memref<16384xf32, #tpu.memory_space<vmem>>[vector<16xi32>], vector<16xf32>,
      tpu.vector_store_idx %arg10[%add3A_862], %gather3A_859 : memref<16384xf32, #tpu.memory_space<vmem>>[vector<16xi32>], vector<16xf32>,
      tpu.vector_store_idx %arg10[%add3A_866], %gather3A_863 : memref<16384xf32, #tpu.memory_space<vmem>>[vector<16xi32>], vector<16xf32>,
      tpu.vector_store_idx %arg10[%add3A_870], %gather3A_867 : memref<16384xf32, #tpu.memory_space<vmem>>[vector<16xi32>], vector<16xf32>,
      tpu.vector_store_idx %arg10[%add3A_877], %gather3A_874 : memref<16384xf32, #tpu.memory_space<vmem>>[vector<16xi32>], vector<16xf32>,
      tpu.vector_store_idx %arg10[%add3A_881], %gather3A_878 : memref<16384xf32, #tpu.memory_space<vmem>>[vector<16xi32>], vector<16xf32>,
      tpu.vector_store_idx %arg10[%add3A_885], %gather3A_882 : memref<16384xf32, #tpu.memory_space<vmem>>[vector<16xi32>], vector<16xf32>,
      tpu.vector_store_idx %arg10[%add3A_889], %gather3A_886 : memref<16384xf32, #tpu.memory_space<vmem>>[vector<16xi32>], vector<16xf32>,
      %add3A_890 = arith.constant 160 : i32
      %add3A_891 = vector.broadcast %add3A_890 : i32 to vector<16xi32>
      %add3A_892 = arith.addi %iota3A, %add3A_891 : vector<16xi32>
      %gather3A_893 = tpu.vector_load_idx %arg8[%add3A_892, %add3A_691] : memref<256x64xf32, #tpu.memory_space<vmem>>[vector<16xi32>, vector<16xi32>], vector<16xf32>,
      %add3A_894 = arith.constant 1056 : i32
      %add3A_895 = vector.broadcast %add3A_894 : i32 to vector<16xi32>
      %add3A_896 = arith.addi %add3A_688, %add3A_895 : vector<16xi32>
      %gather3A_897 = tpu.vector_load_idx %arg8[%add3A_892, %add3A_694] : memref<256x64xf32, #tpu.memory_space<vmem>>[vector<16xi32>, vector<16xi32>], vector<16xf32>,
      %add3A_898 = arith.constant 5152 : i32
      %add3A_899 = vector.broadcast %add3A_898 : i32 to vector<16xi32>
      %add3A_900 = arith.addi %add3A_688, %add3A_899 : vector<16xi32>
      %gather3A_901 = tpu.vector_load_idx %arg8[%add3A_892, %add3A_697] : memref<256x64xf32, #tpu.memory_space<vmem>>[vector<16xi32>, vector<16xi32>], vector<16xf32>,
      %add3A_902 = arith.constant 9248 : i32
      %add3A_903 = vector.broadcast %add3A_902 : i32 to vector<16xi32>
      %add3A_904 = arith.addi %add3A_688, %add3A_903 : vector<16xi32>
      %gather3A_905 = tpu.vector_load_idx %arg8[%add3A_892, %add3A_700] : memref<256x64xf32, #tpu.memory_space<vmem>>[vector<16xi32>, vector<16xi32>], vector<16xf32>,
      %add3A_906 = arith.constant 13344 : i32
      %add3A_907 = vector.broadcast %add3A_906 : i32 to vector<16xi32>
      %add3A_908 = arith.addi %add3A_688, %add3A_907 : vector<16xi32>
      %add3A_909 = arith.constant 176 : i32
      %add3A_910 = vector.broadcast %add3A_909 : i32 to vector<16xi32>
      %add3A_911 = arith.addi %iota3A, %add3A_910 : vector<16xi32>
      %gather3A_912 = tpu.vector_load_idx %arg8[%add3A_911, %add3A_691] : memref<256x64xf32, #tpu.memory_space<vmem>>[vector<16xi32>, vector<16xi32>], vector<16xf32>,
      %add3A_913 = arith.constant 1072 : i32
      %add3A_914 = vector.broadcast %add3A_913 : i32 to vector<16xi32>
      %add3A_915 = arith.addi %add3A_688, %add3A_914 : vector<16xi32>
      %gather3A_916 = tpu.vector_load_idx %arg8[%add3A_911, %add3A_694] : memref<256x64xf32, #tpu.memory_space<vmem>>[vector<16xi32>, vector<16xi32>], vector<16xf32>,
      %add3A_917 = arith.constant 5168 : i32
      %add3A_918 = vector.broadcast %add3A_917 : i32 to vector<16xi32>
      %add3A_919 = arith.addi %add3A_688, %add3A_918 : vector<16xi32>
      %gather3A_920 = tpu.vector_load_idx %arg8[%add3A_911, %add3A_697] : memref<256x64xf32, #tpu.memory_space<vmem>>[vector<16xi32>, vector<16xi32>], vector<16xf32>,
      %add3A_921 = arith.constant 9264 : i32
      %add3A_922 = vector.broadcast %add3A_921 : i32 to vector<16xi32>
      %add3A_923 = arith.addi %add3A_688, %add3A_922 : vector<16xi32>
      %gather3A_924 = tpu.vector_load_idx %arg8[%add3A_911, %add3A_700] : memref<256x64xf32, #tpu.memory_space<vmem>>[vector<16xi32>, vector<16xi32>], vector<16xf32>,
      %add3A_925 = arith.constant 13360 : i32
      %add3A_926 = vector.broadcast %add3A_925 : i32 to vector<16xi32>
      %add3A_927 = arith.addi %add3A_688, %add3A_926 : vector<16xi32>
      tpu.vector_store_idx %arg10[%add3A_896], %gather3A_893 : memref<16384xf32, #tpu.memory_space<vmem>>[vector<16xi32>], vector<16xf32>,
      tpu.vector_store_idx %arg10[%add3A_900], %gather3A_897 : memref<16384xf32, #tpu.memory_space<vmem>>[vector<16xi32>], vector<16xf32>,
      tpu.vector_store_idx %arg10[%add3A_904], %gather3A_901 : memref<16384xf32, #tpu.memory_space<vmem>>[vector<16xi32>], vector<16xf32>,
      tpu.vector_store_idx %arg10[%add3A_908], %gather3A_905 : memref<16384xf32, #tpu.memory_space<vmem>>[vector<16xi32>], vector<16xf32>,
      tpu.vector_store_idx %arg10[%add3A_915], %gather3A_912 : memref<16384xf32, #tpu.memory_space<vmem>>[vector<16xi32>], vector<16xf32>,
      tpu.vector_store_idx %arg10[%add3A_919], %gather3A_916 : memref<16384xf32, #tpu.memory_space<vmem>>[vector<16xi32>], vector<16xf32>,
      tpu.vector_store_idx %arg10[%add3A_923], %gather3A_920 : memref<16384xf32, #tpu.memory_space<vmem>>[vector<16xi32>], vector<16xf32>,
      tpu.vector_store_idx %arg10[%add3A_927], %gather3A_924 : memref<16384xf32, #tpu.memory_space<vmem>>[vector<16xi32>], vector<16xf32>,
      %add3A_928 = arith.constant 192 : i32
      %add3A_929 = vector.broadcast %add3A_928 : i32 to vector<16xi32>
      %add3A_930 = arith.addi %iota3A, %add3A_929 : vector<16xi32>
      %gather3A_931 = tpu.vector_load_idx %arg8[%add3A_930, %add3A_691] : memref<256x64xf32, #tpu.memory_space<vmem>>[vector<16xi32>, vector<16xi32>], vector<16xf32>,
      %add3A_932 = arith.constant 1088 : i32
      %add3A_933 = vector.broadcast %add3A_932 : i32 to vector<16xi32>
      %add3A_934 = arith.addi %add3A_688, %add3A_933 : vector<16xi32>
      %gather3A_935 = tpu.vector_load_idx %arg8[%add3A_930, %add3A_694] : memref<256x64xf32, #tpu.memory_space<vmem>>[vector<16xi32>, vector<16xi32>], vector<16xf32>,
      %add3A_936 = arith.constant 5184 : i32
      %add3A_937 = vector.broadcast %add3A_936 : i32 to vector<16xi32>
      %add3A_938 = arith.addi %add3A_688, %add3A_937 : vector<16xi32>
      %gather3A_939 = tpu.vector_load_idx %arg8[%add3A_930, %add3A_697] : memref<256x64xf32, #tpu.memory_space<vmem>>[vector<16xi32>, vector<16xi32>], vector<16xf32>,
      %add3A_940 = arith.constant 9280 : i32
      %add3A_941 = vector.broadcast %add3A_940 : i32 to vector<16xi32>
      %add3A_942 = arith.addi %add3A_688, %add3A_941 : vector<16xi32>
      %gather3A_943 = tpu.vector_load_idx %arg8[%add3A_930, %add3A_700] : memref<256x64xf32, #tpu.memory_space<vmem>>[vector<16xi32>, vector<16xi32>], vector<16xf32>,
      %add3A_944 = arith.constant 13376 : i32
      %add3A_945 = vector.broadcast %add3A_944 : i32 to vector<16xi32>
      %add3A_946 = arith.addi %add3A_688, %add3A_945 : vector<16xi32>
      %add3A_947 = arith.constant 208 : i32
      %add3A_948 = vector.broadcast %add3A_947 : i32 to vector<16xi32>
      %add3A_949 = arith.addi %iota3A, %add3A_948 : vector<16xi32>
      %gather3A_950 = tpu.vector_load_idx %arg8[%add3A_949, %add3A_691] : memref<256x64xf32, #tpu.memory_space<vmem>>[vector<16xi32>, vector<16xi32>], vector<16xf32>,
      %add3A_951 = arith.constant 1104 : i32
      %add3A_952 = vector.broadcast %add3A_951 : i32 to vector<16xi32>
      %add3A_953 = arith.addi %add3A_688, %add3A_952 : vector<16xi32>
      %gather3A_954 = tpu.vector_load_idx %arg8[%add3A_949, %add3A_694] : memref<256x64xf32, #tpu.memory_space<vmem>>[vector<16xi32>, vector<16xi32>], vector<16xf32>,
      %add3A_955 = arith.constant 5200 : i32
      %add3A_956 = vector.broadcast %add3A_955 : i32 to vector<16xi32>
      %add3A_957 = arith.addi %add3A_688, %add3A_956 : vector<16xi32>
      %gather3A_958 = tpu.vector_load_idx %arg8[%add3A_949, %add3A_697] : memref<256x64xf32, #tpu.memory_space<vmem>>[vector<16xi32>, vector<16xi32>], vector<16xf32>,
      %add3A_959 = arith.constant 9296 : i32
      %add3A_960 = vector.broadcast %add3A_959 : i32 to vector<16xi32>
      %add3A_961 = arith.addi %add3A_688, %add3A_960 : vector<16xi32>
      %gather3A_962 = tpu.vector_load_idx %arg8[%add3A_949, %add3A_700] : memref<256x64xf32, #tpu.memory_space<vmem>>[vector<16xi32>, vector<16xi32>], vector<16xf32>,
      %add3A_963 = arith.constant 13392 : i32
      %add3A_964 = vector.broadcast %add3A_963 : i32 to vector<16xi32>
      %add3A_965 = arith.addi %add3A_688, %add3A_964 : vector<16xi32>
      tpu.vector_store_idx %arg10[%add3A_934], %gather3A_931 : memref<16384xf32, #tpu.memory_space<vmem>>[vector<16xi32>], vector<16xf32>,
      tpu.vector_store_idx %arg10[%add3A_938], %gather3A_935 : memref<16384xf32, #tpu.memory_space<vmem>>[vector<16xi32>], vector<16xf32>,
      tpu.vector_store_idx %arg10[%add3A_942], %gather3A_939 : memref<16384xf32, #tpu.memory_space<vmem>>[vector<16xi32>], vector<16xf32>,
      tpu.vector_store_idx %arg10[%add3A_946], %gather3A_943 : memref<16384xf32, #tpu.memory_space<vmem>>[vector<16xi32>], vector<16xf32>,
      tpu.vector_store_idx %arg10[%add3A_953], %gather3A_950 : memref<16384xf32, #tpu.memory_space<vmem>>[vector<16xi32>], vector<16xf32>,
      tpu.vector_store_idx %arg10[%add3A_957], %gather3A_954 : memref<16384xf32, #tpu.memory_space<vmem>>[vector<16xi32>], vector<16xf32>,
      tpu.vector_store_idx %arg10[%add3A_961], %gather3A_958 : memref<16384xf32, #tpu.memory_space<vmem>>[vector<16xi32>], vector<16xf32>,
      tpu.vector_store_idx %arg10[%add3A_965], %gather3A_962 : memref<16384xf32, #tpu.memory_space<vmem>>[vector<16xi32>], vector<16xf32>,
      %add3A_966 = arith.constant 224 : i32
      %add3A_967 = vector.broadcast %add3A_966 : i32 to vector<16xi32>
      %add3A_968 = arith.addi %iota3A, %add3A_967 : vector<16xi32>
      %gather3A_969 = tpu.vector_load_idx %arg8[%add3A_968, %add3A_691] : memref<256x64xf32, #tpu.memory_space<vmem>>[vector<16xi32>, vector<16xi32>], vector<16xf32>,
      %add3A_970 = arith.constant 1120 : i32
      %add3A_971 = vector.broadcast %add3A_970 : i32 to vector<16xi32>
      %add3A_972 = arith.addi %add3A_688, %add3A_971 : vector<16xi32>
      %gather3A_973 = tpu.vector_load_idx %arg8[%add3A_968, %add3A_694] : memref<256x64xf32, #tpu.memory_space<vmem>>[vector<16xi32>, vector<16xi32>], vector<16xf32>,
      %add3A_974 = arith.constant 5216 : i32
      %add3A_975 = vector.broadcast %add3A_974 : i32 to vector<16xi32>
      %add3A_976 = arith.addi %add3A_688, %add3A_975 : vector<16xi32>
      %gather3A_977 = tpu.vector_load_idx %arg8[%add3A_968, %add3A_697] : memref<256x64xf32, #tpu.memory_space<vmem>>[vector<16xi32>, vector<16xi32>], vector<16xf32>,
      %add3A_978 = arith.constant 9312 : i32
      %add3A_979 = vector.broadcast %add3A_978 : i32 to vector<16xi32>
      %add3A_980 = arith.addi %add3A_688, %add3A_979 : vector<16xi32>
      %gather3A_981 = tpu.vector_load_idx %arg8[%add3A_968, %add3A_700] : memref<256x64xf32, #tpu.memory_space<vmem>>[vector<16xi32>, vector<16xi32>], vector<16xf32>,
      %add3A_982 = arith.constant 13408 : i32
      %add3A_983 = vector.broadcast %add3A_982 : i32 to vector<16xi32>
      %add3A_984 = arith.addi %add3A_688, %add3A_983 : vector<16xi32>
      %add3A_985 = arith.constant 240 : i32
      %add3A_986 = vector.broadcast %add3A_985 : i32 to vector<16xi32>
      %add3A_987 = arith.addi %iota3A, %add3A_986 : vector<16xi32>
      %gather3A_988 = tpu.vector_load_idx %arg8[%add3A_987, %add3A_691] : memref<256x64xf32, #tpu.memory_space<vmem>>[vector<16xi32>, vector<16xi32>], vector<16xf32>,
      %add3A_989 = arith.constant 1136 : i32
      %add3A_990 = vector.broadcast %add3A_989 : i32 to vector<16xi32>
      %add3A_991 = arith.addi %add3A_688, %add3A_990 : vector<16xi32>
      %gather3A_992 = tpu.vector_load_idx %arg8[%add3A_987, %add3A_694] : memref<256x64xf32, #tpu.memory_space<vmem>>[vector<16xi32>, vector<16xi32>], vector<16xf32>,
      %add3A_993 = arith.constant 5232 : i32
      %add3A_994 = vector.broadcast %add3A_993 : i32 to vector<16xi32>
      %add3A_995 = arith.addi %add3A_688, %add3A_994 : vector<16xi32>
      %gather3A_996 = tpu.vector_load_idx %arg8[%add3A_987, %add3A_697] : memref<256x64xf32, #tpu.memory_space<vmem>>[vector<16xi32>, vector<16xi32>], vector<16xf32>,
      %add3A_997 = arith.constant 9328 : i32
      %add3A_998 = vector.broadcast %add3A_997 : i32 to vector<16xi32>
      %add3A_999 = arith.addi %add3A_688, %add3A_998 : vector<16xi32>
      %gather3A_1000 = tpu.vector_load_idx %arg8[%add3A_987, %add3A_700] : memref<256x64xf32, #tpu.memory_space<vmem>>[vector<16xi32>, vector<16xi32>], vector<16xf32>,
      %add3A_1001 = arith.constant 13424 : i32
      %add3A_1002 = vector.broadcast %add3A_1001 : i32 to vector<16xi32>
      %add3A_1003 = arith.addi %add3A_688, %add3A_1002 : vector<16xi32>
      tpu.vector_store_idx %arg10[%add3A_972], %gather3A_969 : memref<16384xf32, #tpu.memory_space<vmem>>[vector<16xi32>], vector<16xf32>,
      tpu.vector_store_idx %arg10[%add3A_976], %gather3A_973 : memref<16384xf32, #tpu.memory_space<vmem>>[vector<16xi32>], vector<16xf32>,
      tpu.vector_store_idx %arg10[%add3A_980], %gather3A_977 : memref<16384xf32, #tpu.memory_space<vmem>>[vector<16xi32>], vector<16xf32>,
      tpu.vector_store_idx %arg10[%add3A_984], %gather3A_981 : memref<16384xf32, #tpu.memory_space<vmem>>[vector<16xi32>], vector<16xf32>,
      tpu.vector_store_idx %arg10[%add3A_991], %gather3A_988 : memref<16384xf32, #tpu.memory_space<vmem>>[vector<16xi32>], vector<16xf32>,
      tpu.vector_store_idx %arg10[%add3A_995], %gather3A_992 : memref<16384xf32, #tpu.memory_space<vmem>>[vector<16xi32>], vector<16xf32>,
      tpu.vector_store_idx %arg10[%add3A_999], %gather3A_996 : memref<16384xf32, #tpu.memory_space<vmem>>[vector<16xi32>], vector<16xf32>,
      tpu.vector_store_idx %arg10[%add3A_1003], %gather3A_1000 : memref<16384xf32, #tpu.memory_space<vmem>>[vector<16xi32>], vector<16xf32>,
    }
    %scan3A_228 = arith.constant 16 : i32
    %shift_right_logical3A_229 = arith.constant 397 : i32
    %shift_right_logical3A_230 = arith.constant 1 : i32
    %shift_right_logical3A_231 = arith.shrui %shift_right_logical3A_229, %shift_right_logical3A_230 : i32
    %mul3A_232 = arith.constant 1048576 : i32
    %mul3A_233 = arith.muli %shift_right_logical3A_231, %mul3A_232 : i32
    %add3A_234 = arith.constant 2 : i32
    %add3A_235 = arith.addi %mul3A_4, %add3A_234 : i32
    %mul3A_236 = arith.constant 1024 : i32
    %mul3A_237 = arith.muli %add3A_235, %mul3A_236 : i32
    %add3A_238 = arith.addi %mul3A_233, %mul3A_237 : i32
    %add3A_239 = arith.constant 0 : i32
    %add3A_240 = arith.addi %add3A_238, %add3A_239 : i32
    %dma_start3A_241 = arith.constant 0 : i32
    %dma_start3A_242 = tpu.memref_slice %arg10[%dma_start3A_241] : memref<16384xf32, #tpu.memory_space<vmem>> -> memref<2048xf32, #tpu.memory_space<vmem>>
    %dma_start3A_243 = tpu.memref_slice %arg4[%add3A_240] : memref<209715200xf32, #tpu.memory_space<hbm>> -> memref<2048xf32, #tpu.memory_space<hbm>>
    %dma_start3A_244 = tpu.memref_slice %arg4[%add3A_240] : memref<209715200xf32, #tpu.memory_space<hbm>> -> memref<2048xf32, #tpu.memory_space<hbm>>
    %dma_start3A_245 = arith.constant 0 : i32
    %dma_start3A_246 = tpu.memref_slice %arg10[%dma_start3A_245] : memref<16384xf32, #tpu.memory_space<vmem>> -> memref<2048xf32, #tpu.memory_space<vmem>>
    tpu.enqueue_dma source(%dma_start3A_246 : memref<2048xf32, #tpu.memory_space<vmem>>) target(%dma_start3A_244 : memref<2048xf32, #tpu.memory_space<hbm>>) target_semaphore(%arg16 : memref<!tpu.dma_semaphore, #tpu.memory_space<semaphore_mem>>)
    %add3A_247 = arith.constant 131072 : i32
    %add3A_248 = arith.addi %add3A_238, %add3A_247 : i32
    %dma_start3A_249 = arith.constant 2048 : i32
    %dma_start3A_250 = tpu.memref_slice %arg10[%dma_start3A_249] : memref<16384xf32, #tpu.memory_space<vmem>> -> memref<2048xf32, #tpu.memory_space<vmem>>
    %dma_start3A_251 = tpu.memref_slice %arg4[%add3A_248] : memref<209715200xf32, #tpu.memory_space<hbm>> -> memref<2048xf32, #tpu.memory_space<hbm>>
    %dma_start3A_252 = tpu.memref_slice %arg4[%add3A_248] : memref<209715200xf32, #tpu.memory_space<hbm>> -> memref<2048xf32, #tpu.memory_space<hbm>>
    %dma_start3A_253 = arith.constant 2048 : i32
    %dma_start3A_254 = tpu.memref_slice %arg10[%dma_start3A_253] : memref<16384xf32, #tpu.memory_space<vmem>> -> memref<2048xf32, #tpu.memory_space<vmem>>
    tpu.enqueue_dma source(%dma_start3A_254 : memref<2048xf32, #tpu.memory_space<vmem>>) target(%dma_start3A_252 : memref<2048xf32, #tpu.memory_space<hbm>>) target_semaphore(%arg16 : memref<!tpu.dma_semaphore, #tpu.memory_space<semaphore_mem>>)
    %add3A_255 = arith.constant 262144 : i32
    %add3A_256 = arith.addi %add3A_238, %add3A_255 : i32
    %dma_start3A_257 = arith.constant 4096 : i32
    %dma_start3A_258 = tpu.memref_slice %arg10[%dma_start3A_257] : memref<16384xf32, #tpu.memory_space<vmem>> -> memref<2048xf32, #tpu.memory_space<vmem>>
    %dma_start3A_259 = tpu.memref_slice %arg4[%add3A_256] : memref<209715200xf32, #tpu.memory_space<hbm>> -> memref<2048xf32, #tpu.memory_space<hbm>>
    %dma_start3A_260 = tpu.memref_slice %arg4[%add3A_256] : memref<209715200xf32, #tpu.memory_space<hbm>> -> memref<2048xf32, #tpu.memory_space<hbm>>
    %dma_start3A_261 = arith.constant 4096 : i32
    %dma_start3A_262 = tpu.memref_slice %arg10[%dma_start3A_261] : memref<16384xf32, #tpu.memory_space<vmem>> -> memref<2048xf32, #tpu.memory_space<vmem>>
    tpu.enqueue_dma source(%dma_start3A_262 : memref<2048xf32, #tpu.memory_space<vmem>>) target(%dma_start3A_260 : memref<2048xf32, #tpu.memory_space<hbm>>) target_semaphore(%arg16 : memref<!tpu.dma_semaphore, #tpu.memory_space<semaphore_mem>>)
    %add3A_263 = arith.constant 393216 : i32
    %add3A_264 = arith.addi %add3A_238, %add3A_263 : i32
    %dma_start3A_265 = arith.constant 6144 : i32
    %dma_start3A_266 = tpu.memref_slice %arg10[%dma_start3A_265] : memref<16384xf32, #tpu.memory_space<vmem>> -> memref<2048xf32, #tpu.memory_space<vmem>>
    %dma_start3A_267 = tpu.memref_slice %arg4[%add3A_264] : memref<209715200xf32, #tpu.memory_space<hbm>> -> memref<2048xf32, #tpu.memory_space<hbm>>
    %dma_start3A_268 = tpu.memref_slice %arg4[%add3A_264] : memref<209715200xf32, #tpu.memory_space<hbm>> -> memref<2048xf32, #tpu.memory_space<hbm>>
    %dma_start3A_269 = arith.constant 6144 : i32
    %dma_start3A_270 = tpu.memref_slice %arg10[%dma_start3A_269] : memref<16384xf32, #tpu.memory_space<vmem>> -> memref<2048xf32, #tpu.memory_space<vmem>>
    tpu.enqueue_dma source(%dma_start3A_270 : memref<2048xf32, #tpu.memory_space<vmem>>) target(%dma_start3A_268 : memref<2048xf32, #tpu.memory_space<hbm>>) target_semaphore(%arg16 : memref<!tpu.dma_semaphore, #tpu.memory_space<semaphore_mem>>)
    %add3A_271 = arith.constant 524288 : i32
    %add3A_272 = arith.addi %add3A_238, %add3A_271 : i32
    %dma_start3A_273 = arith.constant 8192 : i32
    %dma_start3A_274 = tpu.memref_slice %arg10[%dma_start3A_273] : memref<16384xf32, #tpu.memory_space<vmem>> -> memref<2048xf32, #tpu.memory_space<vmem>>
    %dma_start3A_275 = tpu.memref_slice %arg4[%add3A_272] : memref<209715200xf32, #tpu.memory_space<hbm>> -> memref<2048xf32, #tpu.memory_space<hbm>>
    %dma_start3A_276 = tpu.memref_slice %arg4[%add3A_272] : memref<209715200xf32, #tpu.memory_space<hbm>> -> memref<2048xf32, #tpu.memory_space<hbm>>
    %dma_start3A_277 = arith.constant 8192 : i32
    %dma_start3A_278 = tpu.memref_slice %arg10[%dma_start3A_277] : memref<16384xf32, #tpu.memory_space<vmem>> -> memref<2048xf32, #tpu.memory_space<vmem>>
    tpu.enqueue_dma source(%dma_start3A_278 : memref<2048xf32, #tpu.memory_space<vmem>>) target(%dma_start3A_276 : memref<2048xf32, #tpu.memory_space<hbm>>) target_semaphore(%arg16 : memref<!tpu.dma_semaphore, #tpu.memory_space<semaphore_mem>>)
    %add3A_279 = arith.constant 655360 : i32
    %add3A_280 = arith.addi %add3A_238, %add3A_279 : i32
    %dma_start3A_281 = arith.constant 10240 : i32
    %dma_start3A_282 = tpu.memref_slice %arg10[%dma_start3A_281] : memref<16384xf32, #tpu.memory_space<vmem>> -> memref<2048xf32, #tpu.memory_space<vmem>>
    %dma_start3A_283 = tpu.memref_slice %arg4[%add3A_280] : memref<209715200xf32, #tpu.memory_space<hbm>> -> memref<2048xf32, #tpu.memory_space<hbm>>
    %dma_start3A_284 = tpu.memref_slice %arg4[%add3A_280] : memref<209715200xf32, #tpu.memory_space<hbm>> -> memref<2048xf32, #tpu.memory_space<hbm>>
    %dma_start3A_285 = arith.constant 10240 : i32
    %dma_start3A_286 = tpu.memref_slice %arg10[%dma_start3A_285] : memref<16384xf32, #tpu.memory_space<vmem>> -> memref<2048xf32, #tpu.memory_space<vmem>>
    tpu.enqueue_dma source(%dma_start3A_286 : memref<2048xf32, #tpu.memory_space<vmem>>) target(%dma_start3A_284 : memref<2048xf32, #tpu.memory_space<hbm>>) target_semaphore(%arg16 : memref<!tpu.dma_semaphore, #tpu.memory_space<semaphore_mem>>)
    %add3A_287 = arith.constant 786432 : i32
    %add3A_288 = arith.addi %add3A_238, %add3A_287 : i32
    %dma_start3A_289 = arith.constant 12288 : i32
    %dma_start3A_290 = tpu.memref_slice %arg10[%dma_start3A_289] : memref<16384xf32, #tpu.memory_space<vmem>> -> memref<2048xf32, #tpu.memory_space<vmem>>
    %dma_start3A_291 = tpu.memref_slice %arg4[%add3A_288] : memref<209715200xf32, #tpu.memory_space<hbm>> -> memref<2048xf32, #tpu.memory_space<hbm>>
    %dma_start3A_292 = tpu.memref_slice %arg4[%add3A_288] : memref<209715200xf32, #tpu.memory_space<hbm>> -> memref<2048xf32, #tpu.memory_space<hbm>>
    %dma_start3A_293 = arith.constant 12288 : i32
    %dma_start3A_294 = tpu.memref_slice %arg10[%dma_start3A_293] : memref<16384xf32, #tpu.memory_space<vmem>> -> memref<2048xf32, #tpu.memory_space<vmem>>
    tpu.enqueue_dma source(%dma_start3A_294 : memref<2048xf32, #tpu.memory_space<vmem>>) target(%dma_start3A_292 : memref<2048xf32, #tpu.memory_space<hbm>>) target_semaphore(%arg16 : memref<!tpu.dma_semaphore, #tpu.memory_space<semaphore_mem>>)
    %add3A_295 = arith.constant 917504 : i32
    %add3A_296 = arith.addi %add3A_238, %add3A_295 : i32
    %dma_start3A_297 = arith.constant 14336 : i32
    %dma_start3A_298 = tpu.memref_slice %arg10[%dma_start3A_297] : memref<16384xf32, #tpu.memory_space<vmem>> -> memref<2048xf32, #tpu.memory_space<vmem>>
    %dma_start3A_299 = tpu.memref_slice %arg4[%add3A_296] : memref<209715200xf32, #tpu.memory_space<hbm>> -> memref<2048xf32, #tpu.memory_space<hbm>>
    %dma_start3A_300 = tpu.memref_slice %arg4[%add3A_296] : memref<209715200xf32, #tpu.memory_space<hbm>> -> memref<2048xf32, #tpu.memory_space<hbm>>
    %dma_start3A_301 = arith.constant 14336 : i32
    %dma_start3A_302 = tpu.memref_slice %arg10[%dma_start3A_301] : memref<16384xf32, #tpu.memory_space<vmem>> -> memref<2048xf32, #tpu.memory_space<vmem>>
    tpu.enqueue_dma source(%dma_start3A_302 : memref<2048xf32, #tpu.memory_space<vmem>>) target(%dma_start3A_300 : memref<2048xf32, #tpu.memory_space<hbm>>) target_semaphore(%arg16 : memref<!tpu.dma_semaphore, #tpu.memory_space<semaphore_mem>>)
    %dma_wait3A_303 = arith.constant 0 : i32
    %dma_wait3A_304 = arith.constant 0 : i32
    %dma_wait3A_305 = tpu.memref_slice %arg2[%dma_wait3A_303, %dma_wait3A_304] : memref<200x16384xi32, #tpu.memory_space<hbm>> -> memref<1x256xi32, #tpu.memory_space<hbm>>
    %dma_wait3A_306 = tpu.memref_squeeze %dma_wait3A_305 : memref<1x256xi32, #tpu.memory_space<hbm>> -> memref<256xi32, #tpu.memory_space<hbm>>
    %dma_wait3A_307 = arith.constant 0 : i32
    %dma_wait3A_308 = tpu.memref_slice %arg2[%dma_wait3A_303, %dma_wait3A_307] : memref<200x16384xi32, #tpu.memory_space<hbm>> -> memref<1x256xi32, #tpu.memory_space<hbm>>
    %dma_wait3A_309 = tpu.memref_squeeze %dma_wait3A_308 : memref<1x256xi32, #tpu.memory_space<hbm>> -> memref<256xi32, #tpu.memory_space<hbm>>
    tpu.wait_dma2 semaphore(%arg12 : memref<!tpu.dma_semaphore, #tpu.memory_space<semaphore_mem>>) src(%dma_wait3A_309 : memref<256xi32, #tpu.memory_space<hbm>>) dst(%arg6 : memref<256xi32, #tpu.memory_space<vmem>>)
    %dma_wait3A_310 = arith.constant 0 : i32
    %dma_wait3A_311 = tpu.memref_slice %arg10[%dma_wait3A_310] : memref<16384xf32, #tpu.memory_space<vmem>> -> memref<2048xf32, #tpu.memory_space<vmem>>
    %dma_wait3A_312 = arith.constant 0 : i32
    %dma_wait3A_313 = tpu.memref_slice %arg4[%dma_wait3A_312] : memref<209715200xf32, #tpu.memory_space<hbm>> -> memref<2048xf32, #tpu.memory_space<hbm>>
    %dma_wait3A_314 = arith.constant 0 : i32
    %dma_wait3A_315 = tpu.memref_slice %arg4[%dma_wait3A_314] : memref<209715200xf32, #tpu.memory_space<hbm>> -> memref<2048xf32, #tpu.memory_space<hbm>>
    %dma_wait3A_316 = arith.constant 0 : i32
    %dma_wait3A_317 = tpu.memref_slice %arg10[%dma_wait3A_316] : memref<16384xf32, #tpu.memory_space<vmem>> -> memref<2048xf32, #tpu.memory_space<vmem>>
    tpu.wait_dma2 semaphore(%arg16 : memref<!tpu.dma_semaphore, #tpu.memory_space<semaphore_mem>>) src(%dma_wait3A_317 : memref<2048xf32, #tpu.memory_space<vmem>>) dst(%dma_wait3A_315 : memref<2048xf32, #tpu.memory_space<hbm>>)
    %dma_wait3A_318 = arith.constant 0 : i32
    %dma_wait3A_319 = tpu.memref_slice %arg10[%dma_wait3A_318] : memref<16384xf32, #tpu.memory_space<vmem>> -> memref<2048xf32, #tpu.memory_space<vmem>>
    %dma_wait3A_320 = arith.constant 0 : i32
    %dma_wait3A_321 = tpu.memref_slice %arg4[%dma_wait3A_320] : memref<209715200xf32, #tpu.memory_space<hbm>> -> memref<2048xf32, #tpu.memory_space<hbm>>
    %dma_wait3A_322 = arith.constant 0 : i32
    %dma_wait3A_323 = tpu.memref_slice %arg4[%dma_wait3A_322] : memref<209715200xf32, #tpu.memory_space<hbm>> -> memref<2048xf32, #tpu.memory_space<hbm>>
    %dma_wait3A_324 = arith.constant 0 : i32
    %dma_wait3A_325 = tpu.memref_slice %arg10[%dma_wait3A_324] : memref<16384xf32, #tpu.memory_space<vmem>> -> memref<2048xf32, #tpu.memory_space<vmem>>
    tpu.wait_dma2 semaphore(%arg16 : memref<!tpu.dma_semaphore, #tpu.memory_space<semaphore_mem>>) src(%dma_wait3A_325 : memref<2048xf32, #tpu.memory_space<vmem>>) dst(%dma_wait3A_323 : memref<2048xf32, #tpu.memory_space<hbm>>)
    %dma_wait3A_326 = arith.constant 0 : i32
    %dma_wait3A_327 = tpu.memref_slice %arg10[%dma_wait3A_326] : memref<16384xf32, #tpu.memory_space<vmem>> -> memref<2048xf32, #tpu.memory_space<vmem>>
    %dma_wait3A_328 = arith.constant 0 : i32
    %dma_wait3A_329 = tpu.memref_slice %arg4[%dma_wait3A_328] : memref<209715200xf32, #tpu.memory_space<hbm>> -> memref<2048xf32, #tpu.memory_space<hbm>>
    %dma_wait3A_330 = arith.constant 0 : i32
    %dma_wait3A_331 = tpu.memref_slice %arg4[%dma_wait3A_330] : memref<209715200xf32, #tpu.memory_space<hbm>> -> memref<2048xf32, #tpu.memory_space<hbm>>
    %dma_wait3A_332 = arith.constant 0 : i32
    %dma_wait3A_333 = tpu.memref_slice %arg10[%dma_wait3A_332] : memref<16384xf32, #tpu.memory_space<vmem>> -> memref<2048xf32, #tpu.memory_space<vmem>>
    tpu.wait_dma2 semaphore(%arg16 : memref<!tpu.dma_semaphore, #tpu.memory_space<semaphore_mem>>) src(%dma_wait3A_333 : memref<2048xf32, #tpu.memory_space<vmem>>) dst(%dma_wait3A_331 : memref<2048xf32, #tpu.memory_space<hbm>>)
    %dma_wait3A_334 = arith.constant 0 : i32
    %dma_wait3A_335 = tpu.memref_slice %arg10[%dma_wait3A_334] : memref<16384xf32, #tpu.memory_space<vmem>> -> memref<2048xf32, #tpu.memory_space<vmem>>
    %dma_wait3A_336 = arith.constant 0 : i32
    %dma_wait3A_337 = tpu.memref_slice %arg4[%dma_wait3A_336] : memref<209715200xf32, #tpu.memory_space<hbm>> -> memref<2048xf32, #tpu.memory_space<hbm>>
    %dma_wait3A_338 = arith.constant 0 : i32
    %dma_wait3A_339 = tpu.memref_slice %arg4[%dma_wait3A_338] : memref<209715200xf32, #tpu.memory_space<hbm>> -> memref<2048xf32, #tpu.memory_space<hbm>>
    %dma_wait3A_340 = arith.constant 0 : i32
    %dma_wait3A_341 = tpu.memref_slice %arg10[%dma_wait3A_340] : memref<16384xf32, #tpu.memory_space<vmem>> -> memref<2048xf32, #tpu.memory_space<vmem>>
    tpu.wait_dma2 semaphore(%arg16 : memref<!tpu.dma_semaphore, #tpu.memory_space<semaphore_mem>>) src(%dma_wait3A_341 : memref<2048xf32, #tpu.memory_space<vmem>>) dst(%dma_wait3A_339 : memref<2048xf32, #tpu.memory_space<hbm>>)
    %dma_wait3A_342 = arith.constant 0 : i32
    %dma_wait3A_343 = tpu.memref_slice %arg10[%dma_wait3A_342] : memref<16384xf32, #tpu.memory_space<vmem>> -> memref<2048xf32, #tpu.memory_space<vmem>>
    %dma_wait3A_344 = arith.constant 0 : i32
    %dma_wait3A_345 = tpu.memref_slice %arg4[%dma_wait3A_344] : memref<209715200xf32, #tpu.memory_space<hbm>> -> memref<2048xf32, #tpu.memory_space<hbm>>
    %dma_wait3A_346 = arith.constant 0 : i32
    %dma_wait3A_347 = tpu.memref_slice %arg4[%dma_wait3A_346] : memref<209715200xf32, #tpu.memory_space<hbm>> -> memref<2048xf32, #tpu.memory_space<hbm>>
    %dma_wait3A_348 = arith.constant 0 : i32
    %dma_wait3A_349 = tpu.memref_slice %arg10[%dma_wait3A_348] : memref<16384xf32, #tpu.memory_space<vmem>> -> memref<2048xf32, #tpu.memory_space<vmem>>
    tpu.wait_dma2 semaphore(%arg16 : memref<!tpu.dma_semaphore, #tpu.memory_space<semaphore_mem>>) src(%dma_wait3A_349 : memref<2048xf32, #tpu.memory_space<vmem>>) dst(%dma_wait3A_347 : memref<2048xf32, #tpu.memory_space<hbm>>)
    %dma_wait3A_350 = arith.constant 0 : i32
    %dma_wait3A_351 = tpu.memref_slice %arg10[%dma_wait3A_350] : memref<16384xf32, #tpu.memory_space<vmem>> -> memref<2048xf32, #tpu.memory_space<vmem>>
    %dma_wait3A_352 = arith.constant 0 : i32
    %dma_wait3A_353 = tpu.memref_slice %arg4[%dma_wait3A_352] : memref<209715200xf32, #tpu.memory_space<hbm>> -> memref<2048xf32, #tpu.memory_space<hbm>>
    %dma_wait3A_354 = arith.constant 0 : i32
    %dma_wait3A_355 = tpu.memref_slice %arg4[%dma_wait3A_354] : memref<209715200xf32, #tpu.memory_space<hbm>> -> memref<2048xf32, #tpu.memory_space<hbm>>
    %dma_wait3A_356 = arith.constant 0 : i32
    %dma_wait3A_357 = tpu.memref_slice %arg10[%dma_wait3A_356] : memref<16384xf32, #tpu.memory_space<vmem>> -> memref<2048xf32, #tpu.memory_space<vmem>>
    tpu.wait_dma2 semaphore(%arg16 : memref<!tpu.dma_semaphore, #tpu.memory_space<semaphore_mem>>) src(%dma_wait3A_357 : memref<2048xf32, #tpu.memory_space<vmem>>) dst(%dma_wait3A_355 : memref<2048xf32, #tpu.memory_space<hbm>>)
    %dma_wait3A_358 = arith.constant 0 : i32
    %dma_wait3A_359 = tpu.memref_slice %arg10[%dma_wait3A_358] : memref<16384xf32, #tpu.memory_space<vmem>> -> memref<2048xf32, #tpu.memory_space<vmem>>
    %dma_wait3A_360 = arith.constant 0 : i32
    %dma_wait3A_361 = tpu.memref_slice %arg4[%dma_wait3A_360] : memref<209715200xf32, #tpu.memory_space<hbm>> -> memref<2048xf32, #tpu.memory_space<hbm>>
    %dma_wait3A_362 = arith.constant 0 : i32
    %dma_wait3A_363 = tpu.memref_slice %arg4[%dma_wait3A_362] : memref<209715200xf32, #tpu.memory_space<hbm>> -> memref<2048xf32, #tpu.memory_space<hbm>>
    %dma_wait3A_364 = arith.constant 0 : i32
    %dma_wait3A_365 = tpu.memref_slice %arg10[%dma_wait3A_364] : memref<16384xf32, #tpu.memory_space<vmem>> -> memref<2048xf32, #tpu.memory_space<vmem>>
    tpu.wait_dma2 semaphore(%arg16 : memref<!tpu.dma_semaphore, #tpu.memory_space<semaphore_mem>>) src(%dma_wait3A_365 : memref<2048xf32, #tpu.memory_space<vmem>>) dst(%dma_wait3A_363 : memref<2048xf32, #tpu.memory_space<hbm>>)
    %dma_wait3A_366 = arith.constant 0 : i32
    %dma_wait3A_367 = tpu.memref_slice %arg10[%dma_wait3A_366] : memref<16384xf32, #tpu.memory_space<vmem>> -> memref<2048xf32, #tpu.memory_space<vmem>>
    %dma_wait3A_368 = arith.constant 0 : i32
    %dma_wait3A_369 = tpu.memref_slice %arg4[%dma_wait3A_368] : memref<209715200xf32, #tpu.memory_space<hbm>> -> memref<2048xf32, #tpu.memory_space<hbm>>
    %dma_wait3A_370 = arith.constant 0 : i32
    %dma_wait3A_371 = tpu.memref_slice %arg4[%dma_wait3A_370] : memref<209715200xf32, #tpu.memory_space<hbm>> -> memref<2048xf32, #tpu.memory_space<hbm>>
    %dma_wait3A_372 = arith.constant 0 : i32
    %dma_wait3A_373 = tpu.memref_slice %arg10[%dma_wait3A_372] : memref<16384xf32, #tpu.memory_space<vmem>> -> memref<2048xf32, #tpu.memory_space<vmem>>
    tpu.wait_dma2 semaphore(%arg16 : memref<!tpu.dma_semaphore, #tpu.memory_space<semaphore_mem>>) src(%dma_wait3A_373 : memref<2048xf32, #tpu.memory_space<vmem>>) dst(%dma_wait3A_371 : memref<2048xf32, #tpu.memory_space<hbm>>)
    %dma_start3A_374 = arith.constant 0 : i32
    %dma_start3A_375 = arith.constant 0 : i32
    %dma_start3A_376 = tpu.memref_slice %arg3[%dma_start3A_374, %dma_start3A_375] : memref<15000x64xf32, #tpu.memory_space<hbm>> -> memref<15000x64xf32, #tpu.memory_space<hbm>>
    tpu.enqueue_indirect_dma source(%dma_start3A_376 : memref<15000x64xf32, #tpu.memory_space<hbm>>) target(%arg8 : memref<256x64xf32, #tpu.memory_space<vmem>>) offsets(%arg6 : memref<256xi32, #tpu.memory_space<vmem>>) semaphore(%arg14 : memref<!tpu.dma_semaphore, #tpu.memory_space<semaphore_mem>>)
    %dma_wait3A_377 = arith.constant 0 : i32
    %dma_wait3A_378 = arith.constant 0 : i32
    %dma_wait3A_379 = tpu.memref_slice %arg3[%dma_wait3A_377, %dma_wait3A_378] : memref<15000x64xf32, #tpu.memory_space<hbm>> -> memref<15000x64xf32, #tpu.memory_space<hbm>>
    tpu.wait_indirect_dma semaphore(%arg13 : memref<!tpu.dma_semaphore, #tpu.memory_space<semaphore_mem>>) src(%dma_wait3A_379 : memref<15000x64xf32, #tpu.memory_space<hbm>>) dst(%arg7 : memref<256x64xf32, #tpu.memory_space<vmem>>)
    %scan3A_380 = arith.constant 0 : i32
    %scan3A_381 = arith.constant 0 : i32
    %scan3A_382 = arith.constant 16 : i32
    %scan3A_383 = arith.addi %scan3A_381, %scan3A_382 : i32
    %scan3A_384 = arith.constant 1 : i32
    scf.for %scan3A_671 = %scan3A_381 to %scan3A_383 step %scan3A_384  : i32 {
      %add3A_672 = vector.broadcast %scan3A_671 : i32 to vector<16xi32>
      %add3A_673 = arith.addi %iota3A, %add3A_672 : vector<16xi32>
      %and3A = arith.constant 15 : i32
      %and3A_674 = vector.broadcast %and3A : i32 to vector<16xi32>
      %and3A_675 = arith.andi %add3A_673, %and3A_674 : vector<16xi32>
      %shift_right_logical3A_676 = arith.constant 3 : i32
      %shift_right_logical3A_677 = vector.broadcast %shift_right_logical3A_676 : i32 to vector<16xi32>
      %shift_right_logical3A_678 = arith.shrui %and3A_675, %shift_right_logical3A_677 : vector<16xi32>
      %shift_left3A = arith.constant 11 : i32
      %shift_left3A_679 = vector.broadcast %shift_left3A : i32 to vector<16xi32>
      %shift_left3A_680 = arith.shli %shift_right_logical3A_678, %shift_left3A_679 : vector<16xi32>
      %and3A_681 = arith.constant 7 : i32
      %and3A_682 = vector.broadcast %and3A_681 : i32 to vector<16xi32>
      %and3A_683 = arith.andi %and3A_675, %and3A_682 : vector<16xi32>
      %shift_left3A_684 = arith.constant 7 : i32
      %shift_left3A_685 = vector.broadcast %shift_left3A_684 : i32 to vector<16xi32>
      %shift_left3A_686 = arith.shli %and3A_683, %shift_left3A_685 : vector<16xi32>
      %add3A_687 = arith.addi %shift_left3A_680, %shift_left3A_686 : vector<16xi32>
      %add3A_688 = arith.addi %add3A_687, %iota3A : vector<16xi32>
      %add3A_689 = arith.constant 0 : i32
      %add3A_690 = vector.broadcast %add3A_689 : i32 to vector<16xi32>
      %add3A_691 = arith.addi %and3A_675, %add3A_690 : vector<16xi32>
      %add3A_692 = arith.constant 16 : i32
      %add3A_693 = vector.broadcast %add3A_692 : i32 to vector<16xi32>
      %add3A_694 = arith.addi %and3A_675, %add3A_693 : vector<16xi32>
      %add3A_695 = arith.constant 32 : i32
      %add3A_696 = vector.broadcast %add3A_695 : i32 to vector<16xi32>
      %add3A_697 = arith.addi %and3A_675, %add3A_696 : vector<16xi32>
      %add3A_698 = arith.constant 48 : i32
      %add3A_699 = vector.broadcast %add3A_698 : i32 to vector<16xi32>
      %add3A_700 = arith.addi %and3A_675, %add3A_699 : vector<16xi32>
      %add3A_701 = arith.constant 0 : i32
      %add3A_702 = vector.broadcast %add3A_701 : i32 to vector<16xi32>
      %add3A_703 = arith.addi %iota3A, %add3A_702 : vector<16xi32>
      %gather3A = tpu.vector_load_idx %arg7[%add3A_703, %add3A_691] : memref<256x64xf32, #tpu.memory_space<vmem>>[vector<16xi32>, vector<16xi32>], vector<16xf32>,
      %add3A_704 = arith.constant 0 : i32
      %add3A_705 = vector.broadcast %add3A_704 : i32 to vector<16xi32>
      %add3A_706 = arith.addi %add3A_688, %add3A_705 : vector<16xi32>
      %gather3A_707 = tpu.vector_load_idx %arg7[%add3A_703, %add3A_694] : memref<256x64xf32, #tpu.memory_space<vmem>>[vector<16xi32>, vector<16xi32>], vector<16xf32>,
      %add3A_708 = arith.constant 4096 : i32
      %add3A_709 = vector.broadcast %add3A_708 : i32 to vector<16xi32>
      %add3A_710 = arith.addi %add3A_688, %add3A_709 : vector<16xi32>
      %gather3A_711 = tpu.vector_load_idx %arg7[%add3A_703, %add3A_697] : memref<256x64xf32, #tpu.memory_space<vmem>>[vector<16xi32>, vector<16xi32>], vector<16xf32>,
      %add3A_712 = arith.constant 8192 : i32
      %add3A_713 = vector.broadcast %add3A_712 : i32 to vector<16xi32>
      %add3A_714 = arith.addi %add3A_688, %add3A_713 : vector<16xi32>
      %gather3A_715 = tpu.vector_load_idx %arg7[%add3A_703, %add3A_700] : memref<256x64xf32, #tpu.memory_space<vmem>>[vector<16xi32>, vector<16xi32>], vector<16xf32>,
      %add3A_716 = arith.constant 12288 : i32
      %add3A_717 = vector.broadcast %add3A_716 : i32 to vector<16xi32>
      %add3A_718 = arith.addi %add3A_688, %add3A_717 : vector<16xi32>
      %add3A_719 = arith.constant 16 : i32
      %add3A_720 = vector.broadcast %add3A_719 : i32 to vector<16xi32>
      %add3A_721 = arith.addi %iota3A, %add3A_720 : vector<16xi32>
      %gather3A_722 = tpu.vector_load_idx %arg7[%add3A_721, %add3A_691] : memref<256x64xf32, #tpu.memory_space<vmem>>[vector<16xi32>, vector<16xi32>], vector<16xf32>,
      %add3A_723 = arith.constant 16 : i32
      %add3A_724 = vector.broadcast %add3A_723 : i32 to vector<16xi32>
      %add3A_725 = arith.addi %add3A_688, %add3A_724 : vector<16xi32>
      %gather3A_726 = tpu.vector_load_idx %arg7[%add3A_721, %add3A_694] : memref<256x64xf32, #tpu.memory_space<vmem>>[vector<16xi32>, vector<16xi32>], vector<16xf32>,
      %add3A_727 = arith.constant 4112 : i32
      %add3A_728 = vector.broadcast %add3A_727 : i32 to vector<16xi32>
      %add3A_729 = arith.addi %add3A_688, %add3A_728 : vector<16xi32>
      %gather3A_730 = tpu.vector_load_idx %arg7[%add3A_721, %add3A_697] : memref<256x64xf32, #tpu.memory_space<vmem>>[vector<16xi32>, vector<16xi32>], vector<16xf32>,
      %add3A_731 = arith.constant 8208 : i32
      %add3A_732 = vector.broadcast %add3A_731 : i32 to vector<16xi32>
      %add3A_733 = arith.addi %add3A_688, %add3A_732 : vector<16xi32>
      %gather3A_734 = tpu.vector_load_idx %arg7[%add3A_721, %add3A_700] : memref<256x64xf32, #tpu.memory_space<vmem>>[vector<16xi32>, vector<16xi32>], vector<16xf32>,
      %add3A_735 = arith.constant 12304 : i32
      %add3A_736 = vector.broadcast %add3A_735 : i32 to vector<16xi32>
      %add3A_737 = arith.addi %add3A_688, %add3A_736 : vector<16xi32>
      tpu.vector_store_idx %arg9[%add3A_706], %gather3A : memref<16384xf32, #tpu.memory_space<vmem>>[vector<16xi32>], vector<16xf32>,
      tpu.vector_store_idx %arg9[%add3A_710], %gather3A_707 : memref<16384xf32, #tpu.memory_space<vmem>>[vector<16xi32>], vector<16xf32>,
      tpu.vector_store_idx %arg9[%add3A_714], %gather3A_711 : memref<16384xf32, #tpu.memory_space<vmem>>[vector<16xi32>], vector<16xf32>,
      tpu.vector_store_idx %arg9[%add3A_718], %gather3A_715 : memref<16384xf32, #tpu.memory_space<vmem>>[vector<16xi32>], vector<16xf32>,
      tpu.vector_store_idx %arg9[%add3A_725], %gather3A_722 : memref<16384xf32, #tpu.memory_space<vmem>>[vector<16xi32>], vector<16xf32>,
      tpu.vector_store_idx %arg9[%add3A_729], %gather3A_726 : memref<16384xf32, #tpu.memory_space<vmem>>[vector<16xi32>], vector<16xf32>,
      tpu.vector_store_idx %arg9[%add3A_733], %gather3A_730 : memref<16384xf32, #tpu.memory_space<vmem>>[vector<16xi32>], vector<16xf32>,
      tpu.vector_store_idx %arg9[%add3A_737], %gather3A_734 : memref<16384xf32, #tpu.memory_space<vmem>>[vector<16xi32>], vector<16xf32>,
      %add3A_738 = arith.constant 32 : i32
      %add3A_739 = vector.broadcast %add3A_738 : i32 to vector<16xi32>
      %add3A_740 = arith.addi %iota3A, %add3A_739 : vector<16xi32>
      %gather3A_741 = tpu.vector_load_idx %arg7[%add3A_740, %add3A_691] : memref<256x64xf32, #tpu.memory_space<vmem>>[vector<16xi32>, vector<16xi32>], vector<16xf32>,
      %add3A_742 = arith.constant 32 : i32
      %add3A_743 = vector.broadcast %add3A_742 : i32 to vector<16xi32>
      %add3A_744 = arith.addi %add3A_688, %add3A_743 : vector<16xi32>
      %gather3A_745 = tpu.vector_load_idx %arg7[%add3A_740, %add3A_694] : memref<256x64xf32, #tpu.memory_space<vmem>>[vector<16xi32>, vector<16xi32>], vector<16xf32>,
      %add3A_746 = arith.constant 4128 : i32
      %add3A_747 = vector.broadcast %add3A_746 : i32 to vector<16xi32>
      %add3A_748 = arith.addi %add3A_688, %add3A_747 : vector<16xi32>
      %gather3A_749 = tpu.vector_load_idx %arg7[%add3A_740, %add3A_697] : memref<256x64xf32, #tpu.memory_space<vmem>>[vector<16xi32>, vector<16xi32>], vector<16xf32>,
      %add3A_750 = arith.constant 8224 : i32
      %add3A_751 = vector.broadcast %add3A_750 : i32 to vector<16xi32>
      %add3A_752 = arith.addi %add3A_688, %add3A_751 : vector<16xi32>
      %gather3A_753 = tpu.vector_load_idx %arg7[%add3A_740, %add3A_700] : memref<256x64xf32, #tpu.memory_space<vmem>>[vector<16xi32>, vector<16xi32>], vector<16xf32>,
      %add3A_754 = arith.constant 12320 : i32
      %add3A_755 = vector.broadcast %add3A_754 : i32 to vector<16xi32>
      %add3A_756 = arith.addi %add3A_688, %add3A_755 : vector<16xi32>
      %add3A_757 = arith.constant 48 : i32
      %add3A_758 = vector.broadcast %add3A_757 : i32 to vector<16xi32>
      %add3A_759 = arith.addi %iota3A, %add3A_758 : vector<16xi32>
      %gather3A_760 = tpu.vector_load_idx %arg7[%add3A_759, %add3A_691] : memref<256x64xf32, #tpu.memory_space<vmem>>[vector<16xi32>, vector<16xi32>], vector<16xf32>,
      %add3A_761 = arith.constant 48 : i32
      %add3A_762 = vector.broadcast %add3A_761 : i32 to vector<16xi32>
      %add3A_763 = arith.addi %add3A_688, %add3A_762 : vector<16xi32>
      %gather3A_764 = tpu.vector_load_idx %arg7[%add3A_759, %add3A_694] : memref<256x64xf32, #tpu.memory_space<vmem>>[vector<16xi32>, vector<16xi32>], vector<16xf32>,
      %add3A_765 = arith.constant 4144 : i32
      %add3A_766 = vector.broadcast %add3A_765 : i32 to vector<16xi32>
      %add3A_767 = arith.addi %add3A_688, %add3A_766 : vector<16xi32>
      %gather3A_768 = tpu.vector_load_idx %arg7[%add3A_759, %add3A_697] : memref<256x64xf32, #tpu.memory_space<vmem>>[vector<16xi32>, vector<16xi32>], vector<16xf32>,
      %add3A_769 = arith.constant 8240 : i32
      %add3A_770 = vector.broadcast %add3A_769 : i32 to vector<16xi32>
      %add3A_771 = arith.addi %add3A_688, %add3A_770 : vector<16xi32>
      %gather3A_772 = tpu.vector_load_idx %arg7[%add3A_759, %add3A_700] : memref<256x64xf32, #tpu.memory_space<vmem>>[vector<16xi32>, vector<16xi32>], vector<16xf32>,
      %add3A_773 = arith.constant 12336 : i32
      %add3A_774 = vector.broadcast %add3A_773 : i32 to vector<16xi32>
      %add3A_775 = arith.addi %add3A_688, %add3A_774 : vector<16xi32>
      tpu.vector_store_idx %arg9[%add3A_744], %gather3A_741 : memref<16384xf32, #tpu.memory_space<vmem>>[vector<16xi32>], vector<16xf32>,
      tpu.vector_store_idx %arg9[%add3A_748], %gather3A_745 : memref<16384xf32, #tpu.memory_space<vmem>>[vector<16xi32>], vector<16xf32>,
      tpu.vector_store_idx %arg9[%add3A_752], %gather3A_749 : memref<16384xf32, #tpu.memory_space<vmem>>[vector<16xi32>], vector<16xf32>,
      tpu.vector_store_idx %arg9[%add3A_756], %gather3A_753 : memref<16384xf32, #tpu.memory_space<vmem>>[vector<16xi32>], vector<16xf32>,
      tpu.vector_store_idx %arg9[%add3A_763], %gather3A_760 : memref<16384xf32, #tpu.memory_space<vmem>>[vector<16xi32>], vector<16xf32>,
      tpu.vector_store_idx %arg9[%add3A_767], %gather3A_764 : memref<16384xf32, #tpu.memory_space<vmem>>[vector<16xi32>], vector<16xf32>,
      tpu.vector_store_idx %arg9[%add3A_771], %gather3A_768 : memref<16384xf32, #tpu.memory_space<vmem>>[vector<16xi32>], vector<16xf32>,
      tpu.vector_store_idx %arg9[%add3A_775], %gather3A_772 : memref<16384xf32, #tpu.memory_space<vmem>>[vector<16xi32>], vector<16xf32>,
      %add3A_776 = arith.constant 64 : i32
      %add3A_777 = vector.broadcast %add3A_776 : i32 to vector<16xi32>
      %add3A_778 = arith.addi %iota3A, %add3A_777 : vector<16xi32>
      %gather3A_779 = tpu.vector_load_idx %arg7[%add3A_778, %add3A_691] : memref<256x64xf32, #tpu.memory_space<vmem>>[vector<16xi32>, vector<16xi32>], vector<16xf32>,
      %add3A_780 = arith.constant 64 : i32
      %add3A_781 = vector.broadcast %add3A_780 : i32 to vector<16xi32>
      %add3A_782 = arith.addi %add3A_688, %add3A_781 : vector<16xi32>
      %gather3A_783 = tpu.vector_load_idx %arg7[%add3A_778, %add3A_694] : memref<256x64xf32, #tpu.memory_space<vmem>>[vector<16xi32>, vector<16xi32>], vector<16xf32>,
      %add3A_784 = arith.constant 4160 : i32
      %add3A_785 = vector.broadcast %add3A_784 : i32 to vector<16xi32>
      %add3A_786 = arith.addi %add3A_688, %add3A_785 : vector<16xi32>
      %gather3A_787 = tpu.vector_load_idx %arg7[%add3A_778, %add3A_697] : memref<256x64xf32, #tpu.memory_space<vmem>>[vector<16xi32>, vector<16xi32>], vector<16xf32>,
      %add3A_788 = arith.constant 8256 : i32
      %add3A_789 = vector.broadcast %add3A_788 : i32 to vector<16xi32>
      %add3A_790 = arith.addi %add3A_688, %add3A_789 : vector<16xi32>
      %gather3A_791 = tpu.vector_load_idx %arg7[%add3A_778, %add3A_700] : memref<256x64xf32, #tpu.memory_space<vmem>>[vector<16xi32>, vector<16xi32>], vector<16xf32>,
      %add3A_792 = arith.constant 12352 : i32
      %add3A_793 = vector.broadcast %add3A_792 : i32 to vector<16xi32>
      %add3A_794 = arith.addi %add3A_688, %add3A_793 : vector<16xi32>
      %add3A_795 = arith.constant 80 : i32
      %add3A_796 = vector.broadcast %add3A_795 : i32 to vector<16xi32>
      %add3A_797 = arith.addi %iota3A, %add3A_796 : vector<16xi32>
      %gather3A_798 = tpu.vector_load_idx %arg7[%add3A_797, %add3A_691] : memref<256x64xf32, #tpu.memory_space<vmem>>[vector<16xi32>, vector<16xi32>], vector<16xf32>,
      %add3A_799 = arith.constant 80 : i32
      %add3A_800 = vector.broadcast %add3A_799 : i32 to vector<16xi32>
      %add3A_801 = arith.addi %add3A_688, %add3A_800 : vector<16xi32>
      %gather3A_802 = tpu.vector_load_idx %arg7[%add3A_797, %add3A_694] : memref<256x64xf32, #tpu.memory_space<vmem>>[vector<16xi32>, vector<16xi32>], vector<16xf32>,
      %add3A_803 = arith.constant 4176 : i32
      %add3A_804 = vector.broadcast %add3A_803 : i32 to vector<16xi32>
      %add3A_805 = arith.addi %add3A_688, %add3A_804 : vector<16xi32>
      %gather3A_806 = tpu.vector_load_idx %arg7[%add3A_797, %add3A_697] : memref<256x64xf32, #tpu.memory_space<vmem>>[vector<16xi32>, vector<16xi32>], vector<16xf32>,
      %add3A_807 = arith.constant 8272 : i32
      %add3A_808 = vector.broadcast %add3A_807 : i32 to vector<16xi32>
      %add3A_809 = arith.addi %add3A_688, %add3A_808 : vector<16xi32>
      %gather3A_810 = tpu.vector_load_idx %arg7[%add3A_797, %add3A_700] : memref<256x64xf32, #tpu.memory_space<vmem>>[vector<16xi32>, vector<16xi32>], vector<16xf32>,
      %add3A_811 = arith.constant 12368 : i32
      %add3A_812 = vector.broadcast %add3A_811 : i32 to vector<16xi32>
      %add3A_813 = arith.addi %add3A_688, %add3A_812 : vector<16xi32>
      tpu.vector_store_idx %arg9[%add3A_782], %gather3A_779 : memref<16384xf32, #tpu.memory_space<vmem>>[vector<16xi32>], vector<16xf32>,
      tpu.vector_store_idx %arg9[%add3A_786], %gather3A_783 : memref<16384xf32, #tpu.memory_space<vmem>>[vector<16xi32>], vector<16xf32>,
      tpu.vector_store_idx %arg9[%add3A_790], %gather3A_787 : memref<16384xf32, #tpu.memory_space<vmem>>[vector<16xi32>], vector<16xf32>,
      tpu.vector_store_idx %arg9[%add3A_794], %gather3A_791 : memref<16384xf32, #tpu.memory_space<vmem>>[vector<16xi32>], vector<16xf32>,
      tpu.vector_store_idx %arg9[%add3A_801], %gather3A_798 : memref<16384xf32, #tpu.memory_space<vmem>>[vector<16xi32>], vector<16xf32>,
      tpu.vector_store_idx %arg9[%add3A_805], %gather3A_802 : memref<16384xf32, #tpu.memory_space<vmem>>[vector<16xi32>], vector<16xf32>,
      tpu.vector_store_idx %arg9[%add3A_809], %gather3A_806 : memref<16384xf32, #tpu.memory_space<vmem>>[vector<16xi32>], vector<16xf32>,
      tpu.vector_store_idx %arg9[%add3A_813], %gather3A_810 : memref<16384xf32, #tpu.memory_space<vmem>>[vector<16xi32>], vector<16xf32>,
      %add3A_814 = arith.constant 96 : i32
      %add3A_815 = vector.broadcast %add3A_814 : i32 to vector<16xi32>
      %add3A_816 = arith.addi %iota3A, %add3A_815 : vector<16xi32>
      %gather3A_817 = tpu.vector_load_idx %arg7[%add3A_816, %add3A_691] : memref<256x64xf32, #tpu.memory_space<vmem>>[vector<16xi32>, vector<16xi32>], vector<16xf32>,
      %add3A_818 = arith.constant 96 : i32
      %add3A_819 = vector.broadcast %add3A_818 : i32 to vector<16xi32>
      %add3A_820 = arith.addi %add3A_688, %add3A_819 : vector<16xi32>
      %gather3A_821 = tpu.vector_load_idx %arg7[%add3A_816, %add3A_694] : memref<256x64xf32, #tpu.memory_space<vmem>>[vector<16xi32>, vector<16xi32>], vector<16xf32>,
      %add3A_822 = arith.constant 4192 : i32
      %add3A_823 = vector.broadcast %add3A_822 : i32 to vector<16xi32>
      %add3A_824 = arith.addi %add3A_688, %add3A_823 : vector<16xi32>
      %gather3A_825 = tpu.vector_load_idx %arg7[%add3A_816, %add3A_697] : memref<256x64xf32, #tpu.memory_space<vmem>>[vector<16xi32>, vector<16xi32>], vector<16xf32>,
      %add3A_826 = arith.constant 8288 : i32
      %add3A_827 = vector.broadcast %add3A_826 : i32 to vector<16xi32>
      %add3A_828 = arith.addi %add3A_688, %add3A_827 : vector<16xi32>
      %gather3A_829 = tpu.vector_load_idx %arg7[%add3A_816, %add3A_700] : memref<256x64xf32, #tpu.memory_space<vmem>>[vector<16xi32>, vector<16xi32>], vector<16xf32>,
      %add3A_830 = arith.constant 12384 : i32
      %add3A_831 = vector.broadcast %add3A_830 : i32 to vector<16xi32>
      %add3A_832 = arith.addi %add3A_688, %add3A_831 : vector<16xi32>
      %add3A_833 = arith.constant 112 : i32
      %add3A_834 = vector.broadcast %add3A_833 : i32 to vector<16xi32>
      %add3A_835 = arith.addi %iota3A, %add3A_834 : vector<16xi32>
      %gather3A_836 = tpu.vector_load_idx %arg7[%add3A_835, %add3A_691] : memref<256x64xf32, #tpu.memory_space<vmem>>[vector<16xi32>, vector<16xi32>], vector<16xf32>,
      %add3A_837 = arith.constant 112 : i32
      %add3A_838 = vector.broadcast %add3A_837 : i32 to vector<16xi32>
      %add3A_839 = arith.addi %add3A_688, %add3A_838 : vector<16xi32>
      %gather3A_840 = tpu.vector_load_idx %arg7[%add3A_835, %add3A_694] : memref<256x64xf32, #tpu.memory_space<vmem>>[vector<16xi32>, vector<16xi32>], vector<16xf32>,
      %add3A_841 = arith.constant 4208 : i32
      %add3A_842 = vector.broadcast %add3A_841 : i32 to vector<16xi32>
      %add3A_843 = arith.addi %add3A_688, %add3A_842 : vector<16xi32>
      %gather3A_844 = tpu.vector_load_idx %arg7[%add3A_835, %add3A_697] : memref<256x64xf32, #tpu.memory_space<vmem>>[vector<16xi32>, vector<16xi32>], vector<16xf32>,
      %add3A_845 = arith.constant 8304 : i32
      %add3A_846 = vector.broadcast %add3A_845 : i32 to vector<16xi32>
      %add3A_847 = arith.addi %add3A_688, %add3A_846 : vector<16xi32>
      %gather3A_848 = tpu.vector_load_idx %arg7[%add3A_835, %add3A_700] : memref<256x64xf32, #tpu.memory_space<vmem>>[vector<16xi32>, vector<16xi32>], vector<16xf32>,
      %add3A_849 = arith.constant 12400 : i32
      %add3A_850 = vector.broadcast %add3A_849 : i32 to vector<16xi32>
      %add3A_851 = arith.addi %add3A_688, %add3A_850 : vector<16xi32>
      tpu.vector_store_idx %arg9[%add3A_820], %gather3A_817 : memref<16384xf32, #tpu.memory_space<vmem>>[vector<16xi32>], vector<16xf32>,
      tpu.vector_store_idx %arg9[%add3A_824], %gather3A_821 : memref<16384xf32, #tpu.memory_space<vmem>>[vector<16xi32>], vector<16xf32>,
      tpu.vector_store_idx %arg9[%add3A_828], %gather3A_825 : memref<16384xf32, #tpu.memory_space<vmem>>[vector<16xi32>], vector<16xf32>,
      tpu.vector_store_idx %arg9[%add3A_832], %gather3A_829 : memref<16384xf32, #tpu.memory_space<vmem>>[vector<16xi32>], vector<16xf32>,
      tpu.vector_store_idx %arg9[%add3A_839], %gather3A_836 : memref<16384xf32, #tpu.memory_space<vmem>>[vector<16xi32>], vector<16xf32>,
      tpu.vector_store_idx %arg9[%add3A_843], %gather3A_840 : memref<16384xf32, #tpu.memory_space<vmem>>[vector<16xi32>], vector<16xf32>,
      tpu.vector_store_idx %arg9[%add3A_847], %gather3A_844 : memref<16384xf32, #tpu.memory_space<vmem>>[vector<16xi32>], vector<16xf32>,
      tpu.vector_store_idx %arg9[%add3A_851], %gather3A_848 : memref<16384xf32, #tpu.memory_space<vmem>>[vector<16xi32>], vector<16xf32>,
      %add3A_852 = arith.constant 128 : i32
      %add3A_853 = vector.broadcast %add3A_852 : i32 to vector<16xi32>
      %add3A_854 = arith.addi %iota3A, %add3A_853 : vector<16xi32>
      %gather3A_855 = tpu.vector_load_idx %arg7[%add3A_854, %add3A_691] : memref<256x64xf32, #tpu.memory_space<vmem>>[vector<16xi32>, vector<16xi32>], vector<16xf32>,
      %add3A_856 = arith.constant 1024 : i32
      %add3A_857 = vector.broadcast %add3A_856 : i32 to vector<16xi32>
      %add3A_858 = arith.addi %add3A_688, %add3A_857 : vector<16xi32>
      %gather3A_859 = tpu.vector_load_idx %arg7[%add3A_854, %add3A_694] : memref<256x64xf32, #tpu.memory_space<vmem>>[vector<16xi32>, vector<16xi32>], vector<16xf32>,
      %add3A_860 = arith.constant 5120 : i32
      %add3A_861 = vector.broadcast %add3A_860 : i32 to vector<16xi32>
      %add3A_862 = arith.addi %add3A_688, %add3A_861 : vector<16xi32>
      %gather3A_863 = tpu.vector_load_idx %arg7[%add3A_854, %add3A_697] : memref<256x64xf32, #tpu.memory_space<vmem>>[vector<16xi32>, vector<16xi32>], vector<16xf32>,
      %add3A_864 = arith.constant 9216 : i32
      %add3A_865 = vector.broadcast %add3A_864 : i32 to vector<16xi32>
      %add3A_866 = arith.addi %add3A_688, %add3A_865 : vector<16xi32>
      %gather3A_867 = tpu.vector_load_idx %arg7[%add3A_854, %add3A_700] : memref<256x64xf32, #tpu.memory_space<vmem>>[vector<16xi32>, vector<16xi32>], vector<16xf32>,
      %add3A_868 = arith.constant 13312 : i32
      %add3A_869 = vector.broadcast %add3A_868 : i32 to vector<16xi32>
      %add3A_870 = arith.addi %add3A_688, %add3A_869 : vector<16xi32>
      %add3A_871 = arith.constant 144 : i32
      %add3A_872 = vector.broadcast %add3A_871 : i32 to vector<16xi32>
      %add3A_873 = arith.addi %iota3A, %add3A_872 : vector<16xi32>
      %gather3A_874 = tpu.vector_load_idx %arg7[%add3A_873, %add3A_691] : memref<256x64xf32, #tpu.memory_space<vmem>>[vector<16xi32>, vector<16xi32>], vector<16xf32>,
      %add3A_875 = arith.constant 1040 : i32
      %add3A_876 = vector.broadcast %add3A_875 : i32 to vector<16xi32>
      %add3A_877 = arith.addi %add3A_688, %add3A_876 : vector<16xi32>
      %gather3A_878 = tpu.vector_load_idx %arg7[%add3A_873, %add3A_694] : memref<256x64xf32, #tpu.memory_space<vmem>>[vector<16xi32>, vector<16xi32>], vector<16xf32>,
      %add3A_879 = arith.constant 5136 : i32
      %add3A_880 = vector.broadcast %add3A_879 : i32 to vector<16xi32>
      %add3A_881 = arith.addi %add3A_688, %add3A_880 : vector<16xi32>
      %gather3A_882 = tpu.vector_load_idx %arg7[%add3A_873, %add3A_697] : memref<256x64xf32, #tpu.memory_space<vmem>>[vector<16xi32>, vector<16xi32>], vector<16xf32>,
      %add3A_883 = arith.constant 9232 : i32
      %add3A_884 = vector.broadcast %add3A_883 : i32 to vector<16xi32>
      %add3A_885 = arith.addi %add3A_688, %add3A_884 : vector<16xi32>
      %gather3A_886 = tpu.vector_load_idx %arg7[%add3A_873, %add3A_700] : memref<256x64xf32, #tpu.memory_space<vmem>>[vector<16xi32>, vector<16xi32>], vector<16xf32>,
      %add3A_887 = arith.constant 13328 : i32
      %add3A_888 = vector.broadcast %add3A_887 : i32 to vector<16xi32>
      %add3A_889 = arith.addi %add3A_688, %add3A_888 : vector<16xi32>
      tpu.vector_store_idx %arg9[%add3A_858], %gather3A_855 : memref<16384xf32, #tpu.memory_space<vmem>>[vector<16xi32>], vector<16xf32>,
      tpu.vector_store_idx %arg9[%add3A_862], %gather3A_859 : memref<16384xf32, #tpu.memory_space<vmem>>[vector<16xi32>], vector<16xf32>,
      tpu.vector_store_idx %arg9[%add3A_866], %gather3A_863 : memref<16384xf32, #tpu.memory_space<vmem>>[vector<16xi32>], vector<16xf32>,
      tpu.vector_store_idx %arg9[%add3A_870], %gather3A_867 : memref<16384xf32, #tpu.memory_space<vmem>>[vector<16xi32>], vector<16xf32>,
      tpu.vector_store_idx %arg9[%add3A_877], %gather3A_874 : memref<16384xf32, #tpu.memory_space<vmem>>[vector<16xi32>], vector<16xf32>,
      tpu.vector_store_idx %arg9[%add3A_881], %gather3A_878 : memref<16384xf32, #tpu.memory_space<vmem>>[vector<16xi32>], vector<16xf32>,
      tpu.vector_store_idx %arg9[%add3A_885], %gather3A_882 : memref<16384xf32, #tpu.memory_space<vmem>>[vector<16xi32>], vector<16xf32>,
      tpu.vector_store_idx %arg9[%add3A_889], %gather3A_886 : memref<16384xf32, #tpu.memory_space<vmem>>[vector<16xi32>], vector<16xf32>,
      %add3A_890 = arith.constant 160 : i32
      %add3A_891 = vector.broadcast %add3A_890 : i32 to vector<16xi32>
      %add3A_892 = arith.addi %iota3A, %add3A_891 : vector<16xi32>
      %gather3A_893 = tpu.vector_load_idx %arg7[%add3A_892, %add3A_691] : memref<256x64xf32, #tpu.memory_space<vmem>>[vector<16xi32>, vector<16xi32>], vector<16xf32>,
      %add3A_894 = arith.constant 1056 : i32
      %add3A_895 = vector.broadcast %add3A_894 : i32 to vector<16xi32>
      %add3A_896 = arith.addi %add3A_688, %add3A_895 : vector<16xi32>
      %gather3A_897 = tpu.vector_load_idx %arg7[%add3A_892, %add3A_694] : memref<256x64xf32, #tpu.memory_space<vmem>>[vector<16xi32>, vector<16xi32>], vector<16xf32>,
      %add3A_898 = arith.constant 5152 : i32
      %add3A_899 = vector.broadcast %add3A_898 : i32 to vector<16xi32>
      %add3A_900 = arith.addi %add3A_688, %add3A_899 : vector<16xi32>
      %gather3A_901 = tpu.vector_load_idx %arg7[%add3A_892, %add3A_697] : memref<256x64xf32, #tpu.memory_space<vmem>>[vector<16xi32>, vector<16xi32>], vector<16xf32>,
      %add3A_902 = arith.constant 9248 : i32
      %add3A_903 = vector.broadcast %add3A_902 : i32 to vector<16xi32>
      %add3A_904 = arith.addi %add3A_688, %add3A_903 : vector<16xi32>
      %gather3A_905 = tpu.vector_load_idx %arg7[%add3A_892, %add3A_700] : memref<256x64xf32, #tpu.memory_space<vmem>>[vector<16xi32>, vector<16xi32>], vector<16xf32>,
      %add3A_906 = arith.constant 13344 : i32
      %add3A_907 = vector.broadcast %add3A_906 : i32 to vector<16xi32>
      %add3A_908 = arith.addi %add3A_688, %add3A_907 : vector<16xi32>
      %add3A_909 = arith.constant 176 : i32
      %add3A_910 = vector.broadcast %add3A_909 : i32 to vector<16xi32>
      %add3A_911 = arith.addi %iota3A, %add3A_910 : vector<16xi32>
      %gather3A_912 = tpu.vector_load_idx %arg7[%add3A_911, %add3A_691] : memref<256x64xf32, #tpu.memory_space<vmem>>[vector<16xi32>, vector<16xi32>], vector<16xf32>,
      %add3A_913 = arith.constant 1072 : i32
      %add3A_914 = vector.broadcast %add3A_913 : i32 to vector<16xi32>
      %add3A_915 = arith.addi %add3A_688, %add3A_914 : vector<16xi32>
      %gather3A_916 = tpu.vector_load_idx %arg7[%add3A_911, %add3A_694] : memref<256x64xf32, #tpu.memory_space<vmem>>[vector<16xi32>, vector<16xi32>], vector<16xf32>,
      %add3A_917 = arith.constant 5168 : i32
      %add3A_918 = vector.broadcast %add3A_917 : i32 to vector<16xi32>
      %add3A_919 = arith.addi %add3A_688, %add3A_918 : vector<16xi32>
      %gather3A_920 = tpu.vector_load_idx %arg7[%add3A_911, %add3A_697] : memref<256x64xf32, #tpu.memory_space<vmem>>[vector<16xi32>, vector<16xi32>], vector<16xf32>,
      %add3A_921 = arith.constant 9264 : i32
      %add3A_922 = vector.broadcast %add3A_921 : i32 to vector<16xi32>
      %add3A_923 = arith.addi %add3A_688, %add3A_922 : vector<16xi32>
      %gather3A_924 = tpu.vector_load_idx %arg7[%add3A_911, %add3A_700] : memref<256x64xf32, #tpu.memory_space<vmem>>[vector<16xi32>, vector<16xi32>], vector<16xf32>,
      %add3A_925 = arith.constant 13360 : i32
      %add3A_926 = vector.broadcast %add3A_925 : i32 to vector<16xi32>
      %add3A_927 = arith.addi %add3A_688, %add3A_926 : vector<16xi32>
      tpu.vector_store_idx %arg9[%add3A_896], %gather3A_893 : memref<16384xf32, #tpu.memory_space<vmem>>[vector<16xi32>], vector<16xf32>,
      tpu.vector_store_idx %arg9[%add3A_900], %gather3A_897 : memref<16384xf32, #tpu.memory_space<vmem>>[vector<16xi32>], vector<16xf32>,
      tpu.vector_store_idx %arg9[%add3A_904], %gather3A_901 : memref<16384xf32, #tpu.memory_space<vmem>>[vector<16xi32>], vector<16xf32>,
      tpu.vector_store_idx %arg9[%add3A_908], %gather3A_905 : memref<16384xf32, #tpu.memory_space<vmem>>[vector<16xi32>], vector<16xf32>,
      tpu.vector_store_idx %arg9[%add3A_915], %gather3A_912 : memref<16384xf32, #tpu.memory_space<vmem>>[vector<16xi32>], vector<16xf32>,
      tpu.vector_store_idx %arg9[%add3A_919], %gather3A_916 : memref<16384xf32, #tpu.memory_space<vmem>>[vector<16xi32>], vector<16xf32>,
      tpu.vector_store_idx %arg9[%add3A_923], %gather3A_920 : memref<16384xf32, #tpu.memory_space<vmem>>[vector<16xi32>], vector<16xf32>,
      tpu.vector_store_idx %arg9[%add3A_927], %gather3A_924 : memref<16384xf32, #tpu.memory_space<vmem>>[vector<16xi32>], vector<16xf32>,
      %add3A_928 = arith.constant 192 : i32
      %add3A_929 = vector.broadcast %add3A_928 : i32 to vector<16xi32>
      %add3A_930 = arith.addi %iota3A, %add3A_929 : vector<16xi32>
      %gather3A_931 = tpu.vector_load_idx %arg7[%add3A_930, %add3A_691] : memref<256x64xf32, #tpu.memory_space<vmem>>[vector<16xi32>, vector<16xi32>], vector<16xf32>,
      %add3A_932 = arith.constant 1088 : i32
      %add3A_933 = vector.broadcast %add3A_932 : i32 to vector<16xi32>
      %add3A_934 = arith.addi %add3A_688, %add3A_933 : vector<16xi32>
      %gather3A_935 = tpu.vector_load_idx %arg7[%add3A_930, %add3A_694] : memref<256x64xf32, #tpu.memory_space<vmem>>[vector<16xi32>, vector<16xi32>], vector<16xf32>,
      %add3A_936 = arith.constant 5184 : i32
      %add3A_937 = vector.broadcast %add3A_936 : i32 to vector<16xi32>
      %add3A_938 = arith.addi %add3A_688, %add3A_937 : vector<16xi32>
      %gather3A_939 = tpu.vector_load_idx %arg7[%add3A_930, %add3A_697] : memref<256x64xf32, #tpu.memory_space<vmem>>[vector<16xi32>, vector<16xi32>], vector<16xf32>,
      %add3A_940 = arith.constant 9280 : i32
      %add3A_941 = vector.broadcast %add3A_940 : i32 to vector<16xi32>
      %add3A_942 = arith.addi %add3A_688, %add3A_941 : vector<16xi32>
      %gather3A_943 = tpu.vector_load_idx %arg7[%add3A_930, %add3A_700] : memref<256x64xf32, #tpu.memory_space<vmem>>[vector<16xi32>, vector<16xi32>], vector<16xf32>,
      %add3A_944 = arith.constant 13376 : i32
      %add3A_945 = vector.broadcast %add3A_944 : i32 to vector<16xi32>
      %add3A_946 = arith.addi %add3A_688, %add3A_945 : vector<16xi32>
      %add3A_947 = arith.constant 208 : i32
      %add3A_948 = vector.broadcast %add3A_947 : i32 to vector<16xi32>
      %add3A_949 = arith.addi %iota3A, %add3A_948 : vector<16xi32>
      %gather3A_950 = tpu.vector_load_idx %arg7[%add3A_949, %add3A_691] : memref<256x64xf32, #tpu.memory_space<vmem>>[vector<16xi32>, vector<16xi32>], vector<16xf32>,
      %add3A_951 = arith.constant 1104 : i32
      %add3A_952 = vector.broadcast %add3A_951 : i32 to vector<16xi32>
      %add3A_953 = arith.addi %add3A_688, %add3A_952 : vector<16xi32>
      %gather3A_954 = tpu.vector_load_idx %arg7[%add3A_949, %add3A_694] : memref<256x64xf32, #tpu.memory_space<vmem>>[vector<16xi32>, vector<16xi32>], vector<16xf32>,
      %add3A_955 = arith.constant 5200 : i32
      %add3A_956 = vector.broadcast %add3A_955 : i32 to vector<16xi32>
      %add3A_957 = arith.addi %add3A_688, %add3A_956 : vector<16xi32>
      %gather3A_958 = tpu.vector_load_idx %arg7[%add3A_949, %add3A_697] : memref<256x64xf32, #tpu.memory_space<vmem>>[vector<16xi32>, vector<16xi32>], vector<16xf32>,
      %add3A_959 = arith.constant 9296 : i32
      %add3A_960 = vector.broadcast %add3A_959 : i32 to vector<16xi32>
      %add3A_961 = arith.addi %add3A_688, %add3A_960 : vector<16xi32>
      %gather3A_962 = tpu.vector_load_idx %arg7[%add3A_949, %add3A_700] : memref<256x64xf32, #tpu.memory_space<vmem>>[vector<16xi32>, vector<16xi32>], vector<16xf32>,
      %add3A_963 = arith.constant 13392 : i32
      %add3A_964 = vector.broadcast %add3A_963 : i32 to vector<16xi32>
      %add3A_965 = arith.addi %add3A_688, %add3A_964 : vector<16xi32>
      tpu.vector_store_idx %arg9[%add3A_934], %gather3A_931 : memref<16384xf32, #tpu.memory_space<vmem>>[vector<16xi32>], vector<16xf32>,
      tpu.vector_store_idx %arg9[%add3A_938], %gather3A_935 : memref<16384xf32, #tpu.memory_space<vmem>>[vector<16xi32>], vector<16xf32>,
      tpu.vector_store_idx %arg9[%add3A_942], %gather3A_939 : memref<16384xf32, #tpu.memory_space<vmem>>[vector<16xi32>], vector<16xf32>,
      tpu.vector_store_idx %arg9[%add3A_946], %gather3A_943 : memref<16384xf32, #tpu.memory_space<vmem>>[vector<16xi32>], vector<16xf32>,
      tpu.vector_store_idx %arg9[%add3A_953], %gather3A_950 : memref<16384xf32, #tpu.memory_space<vmem>>[vector<16xi32>], vector<16xf32>,
      tpu.vector_store_idx %arg9[%add3A_957], %gather3A_954 : memref<16384xf32, #tpu.memory_space<vmem>>[vector<16xi32>], vector<16xf32>,
      tpu.vector_store_idx %arg9[%add3A_961], %gather3A_958 : memref<16384xf32, #tpu.memory_space<vmem>>[vector<16xi32>], vector<16xf32>,
      tpu.vector_store_idx %arg9[%add3A_965], %gather3A_962 : memref<16384xf32, #tpu.memory_space<vmem>>[vector<16xi32>], vector<16xf32>,
      %add3A_966 = arith.constant 224 : i32
      %add3A_967 = vector.broadcast %add3A_966 : i32 to vector<16xi32>
      %add3A_968 = arith.addi %iota3A, %add3A_967 : vector<16xi32>
      %gather3A_969 = tpu.vector_load_idx %arg7[%add3A_968, %add3A_691] : memref<256x64xf32, #tpu.memory_space<vmem>>[vector<16xi32>, vector<16xi32>], vector<16xf32>,
      %add3A_970 = arith.constant 1120 : i32
      %add3A_971 = vector.broadcast %add3A_970 : i32 to vector<16xi32>
      %add3A_972 = arith.addi %add3A_688, %add3A_971 : vector<16xi32>
      %gather3A_973 = tpu.vector_load_idx %arg7[%add3A_968, %add3A_694] : memref<256x64xf32, #tpu.memory_space<vmem>>[vector<16xi32>, vector<16xi32>], vector<16xf32>,
      %add3A_974 = arith.constant 5216 : i32
      %add3A_975 = vector.broadcast %add3A_974 : i32 to vector<16xi32>
      %add3A_976 = arith.addi %add3A_688, %add3A_975 : vector<16xi32>
      %gather3A_977 = tpu.vector_load_idx %arg7[%add3A_968, %add3A_697] : memref<256x64xf32, #tpu.memory_space<vmem>>[vector<16xi32>, vector<16xi32>], vector<16xf32>,
      %add3A_978 = arith.constant 9312 : i32
      %add3A_979 = vector.broadcast %add3A_978 : i32 to vector<16xi32>
      %add3A_980 = arith.addi %add3A_688, %add3A_979 : vector<16xi32>
      %gather3A_981 = tpu.vector_load_idx %arg7[%add3A_968, %add3A_700] : memref<256x64xf32, #tpu.memory_space<vmem>>[vector<16xi32>, vector<16xi32>], vector<16xf32>,
      %add3A_982 = arith.constant 13408 : i32
      %add3A_983 = vector.broadcast %add3A_982 : i32 to vector<16xi32>
      %add3A_984 = arith.addi %add3A_688, %add3A_983 : vector<16xi32>
      %add3A_985 = arith.constant 240 : i32
      %add3A_986 = vector.broadcast %add3A_985 : i32 to vector<16xi32>
      %add3A_987 = arith.addi %iota3A, %add3A_986 : vector<16xi32>
      %gather3A_988 = tpu.vector_load_idx %arg7[%add3A_987, %add3A_691] : memref<256x64xf32, #tpu.memory_space<vmem>>[vector<16xi32>, vector<16xi32>], vector<16xf32>,
      %add3A_989 = arith.constant 1136 : i32
      %add3A_990 = vector.broadcast %add3A_989 : i32 to vector<16xi32>
      %add3A_991 = arith.addi %add3A_688, %add3A_990 : vector<16xi32>
      %gather3A_992 = tpu.vector_load_idx %arg7[%add3A_987, %add3A_694] : memref<256x64xf32, #tpu.memory_space<vmem>>[vector<16xi32>, vector<16xi32>], vector<16xf32>,
      %add3A_993 = arith.constant 5232 : i32
      %add3A_994 = vector.broadcast %add3A_993 : i32 to vector<16xi32>
      %add3A_995 = arith.addi %add3A_688, %add3A_994 : vector<16xi32>
      %gather3A_996 = tpu.vector_load_idx %arg7[%add3A_987, %add3A_697] : memref<256x64xf32, #tpu.memory_space<vmem>>[vector<16xi32>, vector<16xi32>], vector<16xf32>,
      %add3A_997 = arith.constant 9328 : i32
      %add3A_998 = vector.broadcast %add3A_997 : i32 to vector<16xi32>
      %add3A_999 = arith.addi %add3A_688, %add3A_998 : vector<16xi32>
      %gather3A_1000 = tpu.vector_load_idx %arg7[%add3A_987, %add3A_700] : memref<256x64xf32, #tpu.memory_space<vmem>>[vector<16xi32>, vector<16xi32>], vector<16xf32>,
      %add3A_1001 = arith.constant 13424 : i32
      %add3A_1002 = vector.broadcast %add3A_1001 : i32 to vector<16xi32>
      %add3A_1003 = arith.addi %add3A_688, %add3A_1002 : vector<16xi32>
      tpu.vector_store_idx %arg9[%add3A_972], %gather3A_969 : memref<16384xf32, #tpu.memory_space<vmem>>[vector<16xi32>], vector<16xf32>,
      tpu.vector_store_idx %arg9[%add3A_976], %gather3A_973 : memref<16384xf32, #tpu.memory_space<vmem>>[vector<16xi32>], vector<16xf32>,
      tpu.vector_store_idx %arg9[%add3A_980], %gather3A_977 : memref<16384xf32, #tpu.memory_space<vmem>>[vector<16xi32>], vector<16xf32>,
      tpu.vector_store_idx %arg9[%add3A_984], %gather3A_981 : memref<16384xf32, #tpu.memory_space<vmem>>[vector<16xi32>], vector<16xf32>,
      tpu.vector_store_idx %arg9[%add3A_991], %gather3A_988 : memref<16384xf32, #tpu.memory_space<vmem>>[vector<16xi32>], vector<16xf32>,
      tpu.vector_store_idx %arg9[%add3A_995], %gather3A_992 : memref<16384xf32, #tpu.memory_space<vmem>>[vector<16xi32>], vector<16xf32>,
      tpu.vector_store_idx %arg9[%add3A_999], %gather3A_996 : memref<16384xf32, #tpu.memory_space<vmem>>[vector<16xi32>], vector<16xf32>,
      tpu.vector_store_idx %arg9[%add3A_1003], %gather3A_1000 : memref<16384xf32, #tpu.memory_space<vmem>>[vector<16xi32>], vector<16xf32>,
    }
    %scan3A_385 = arith.constant 16 : i32
    %shift_right_logical3A_386 = arith.constant 398 : i32
    %shift_right_logical3A_387 = arith.constant 1 : i32
    %shift_right_logical3A_388 = arith.shrui %shift_right_logical3A_386, %shift_right_logical3A_387 : i32
    %mul3A_389 = arith.constant 1048576 : i32
    %mul3A_390 = arith.muli %shift_right_logical3A_388, %mul3A_389 : i32
    %add3A_391 = arith.constant 0 : i32
    %add3A_392 = arith.addi %mul3A_4, %add3A_391 : i32
    %mul3A_393 = arith.constant 1024 : i32
    %mul3A_394 = arith.muli %add3A_392, %mul3A_393 : i32
    %add3A_395 = arith.addi %mul3A_390, %mul3A_394 : i32
    %add3A_396 = arith.constant 0 : i32
    %add3A_397 = arith.addi %add3A_395, %add3A_396 : i32
    %dma_start3A_398 = arith.constant 0 : i32
    %dma_start3A_399 = tpu.memref_slice %arg9[%dma_start3A_398] : memref<16384xf32, #tpu.memory_space<vmem>> -> memref<2048xf32, #tpu.memory_space<vmem>>
    %dma_start3A_400 = tpu.memref_slice %arg4[%add3A_397] : memref<209715200xf32, #tpu.memory_space<hbm>> -> memref<2048xf32, #tpu.memory_space<hbm>>
    %dma_start3A_401 = tpu.memref_slice %arg4[%add3A_397] : memref<209715200xf32, #tpu.memory_space<hbm>> -> memref<2048xf32, #tpu.memory_space<hbm>>
    %dma_start3A_402 = arith.constant 0 : i32
    %dma_start3A_403 = tpu.memref_slice %arg9[%dma_start3A_402] : memref<16384xf32, #tpu.memory_space<vmem>> -> memref<2048xf32, #tpu.memory_space<vmem>>
    tpu.enqueue_dma source(%dma_start3A_403 : memref<2048xf32, #tpu.memory_space<vmem>>) target(%dma_start3A_401 : memref<2048xf32, #tpu.memory_space<hbm>>) target_semaphore(%arg15 : memref<!tpu.dma_semaphore, #tpu.memory_space<semaphore_mem>>)
    %add3A_404 = arith.constant 131072 : i32
    %add3A_405 = arith.addi %add3A_395, %add3A_404 : i32
    %dma_start3A_406 = arith.constant 2048 : i32
    %dma_start3A_407 = tpu.memref_slice %arg9[%dma_start3A_406] : memref<16384xf32, #tpu.memory_space<vmem>> -> memref<2048xf32, #tpu.memory_space<vmem>>
    %dma_start3A_408 = tpu.memref_slice %arg4[%add3A_405] : memref<209715200xf32, #tpu.memory_space<hbm>> -> memref<2048xf32, #tpu.memory_space<hbm>>
    %dma_start3A_409 = tpu.memref_slice %arg4[%add3A_405] : memref<209715200xf32, #tpu.memory_space<hbm>> -> memref<2048xf32, #tpu.memory_space<hbm>>
    %dma_start3A_410 = arith.constant 2048 : i32
    %dma_start3A_411 = tpu.memref_slice %arg9[%dma_start3A_410] : memref<16384xf32, #tpu.memory_space<vmem>> -> memref<2048xf32, #tpu.memory_space<vmem>>
    tpu.enqueue_dma source(%dma_start3A_411 : memref<2048xf32, #tpu.memory_space<vmem>>) target(%dma_start3A_409 : memref<2048xf32, #tpu.memory_space<hbm>>) target_semaphore(%arg15 : memref<!tpu.dma_semaphore, #tpu.memory_space<semaphore_mem>>)
    %add3A_412 = arith.constant 262144 : i32
    %add3A_413 = arith.addi %add3A_395, %add3A_412 : i32
    %dma_start3A_414 = arith.constant 4096 : i32
    %dma_start3A_415 = tpu.memref_slice %arg9[%dma_start3A_414] : memref<16384xf32, #tpu.memory_space<vmem>> -> memref<2048xf32, #tpu.memory_space<vmem>>
    %dma_start3A_416 = tpu.memref_slice %arg4[%add3A_413] : memref<209715200xf32, #tpu.memory_space<hbm>> -> memref<2048xf32, #tpu.memory_space<hbm>>
    %dma_start3A_417 = tpu.memref_slice %arg4[%add3A_413] : memref<209715200xf32, #tpu.memory_space<hbm>> -> memref<2048xf32, #tpu.memory_space<hbm>>
    %dma_start3A_418 = arith.constant 4096 : i32
    %dma_start3A_419 = tpu.memref_slice %arg9[%dma_start3A_418] : memref<16384xf32, #tpu.memory_space<vmem>> -> memref<2048xf32, #tpu.memory_space<vmem>>
    tpu.enqueue_dma source(%dma_start3A_419 : memref<2048xf32, #tpu.memory_space<vmem>>) target(%dma_start3A_417 : memref<2048xf32, #tpu.memory_space<hbm>>) target_semaphore(%arg15 : memref<!tpu.dma_semaphore, #tpu.memory_space<semaphore_mem>>)
    %add3A_420 = arith.constant 393216 : i32
    %add3A_421 = arith.addi %add3A_395, %add3A_420 : i32
    %dma_start3A_422 = arith.constant 6144 : i32
    %dma_start3A_423 = tpu.memref_slice %arg9[%dma_start3A_422] : memref<16384xf32, #tpu.memory_space<vmem>> -> memref<2048xf32, #tpu.memory_space<vmem>>
    %dma_start3A_424 = tpu.memref_slice %arg4[%add3A_421] : memref<209715200xf32, #tpu.memory_space<hbm>> -> memref<2048xf32, #tpu.memory_space<hbm>>
    %dma_start3A_425 = tpu.memref_slice %arg4[%add3A_421] : memref<209715200xf32, #tpu.memory_space<hbm>> -> memref<2048xf32, #tpu.memory_space<hbm>>
    %dma_start3A_426 = arith.constant 6144 : i32
    %dma_start3A_427 = tpu.memref_slice %arg9[%dma_start3A_426] : memref<16384xf32, #tpu.memory_space<vmem>> -> memref<2048xf32, #tpu.memory_space<vmem>>
    tpu.enqueue_dma source(%dma_start3A_427 : memref<2048xf32, #tpu.memory_space<vmem>>) target(%dma_start3A_425 : memref<2048xf32, #tpu.memory_space<hbm>>) target_semaphore(%arg15 : memref<!tpu.dma_semaphore, #tpu.memory_space<semaphore_mem>>)
    %add3A_428 = arith.constant 524288 : i32
    %add3A_429 = arith.addi %add3A_395, %add3A_428 : i32
    %dma_start3A_430 = arith.constant 8192 : i32
    %dma_start3A_431 = tpu.memref_slice %arg9[%dma_start3A_430] : memref<16384xf32, #tpu.memory_space<vmem>> -> memref<2048xf32, #tpu.memory_space<vmem>>
    %dma_start3A_432 = tpu.memref_slice %arg4[%add3A_429] : memref<209715200xf32, #tpu.memory_space<hbm>> -> memref<2048xf32, #tpu.memory_space<hbm>>
    %dma_start3A_433 = tpu.memref_slice %arg4[%add3A_429] : memref<209715200xf32, #tpu.memory_space<hbm>> -> memref<2048xf32, #tpu.memory_space<hbm>>
    %dma_start3A_434 = arith.constant 8192 : i32
    %dma_start3A_435 = tpu.memref_slice %arg9[%dma_start3A_434] : memref<16384xf32, #tpu.memory_space<vmem>> -> memref<2048xf32, #tpu.memory_space<vmem>>
    tpu.enqueue_dma source(%dma_start3A_435 : memref<2048xf32, #tpu.memory_space<vmem>>) target(%dma_start3A_433 : memref<2048xf32, #tpu.memory_space<hbm>>) target_semaphore(%arg15 : memref<!tpu.dma_semaphore, #tpu.memory_space<semaphore_mem>>)
    %add3A_436 = arith.constant 655360 : i32
    %add3A_437 = arith.addi %add3A_395, %add3A_436 : i32
    %dma_start3A_438 = arith.constant 10240 : i32
    %dma_start3A_439 = tpu.memref_slice %arg9[%dma_start3A_438] : memref<16384xf32, #tpu.memory_space<vmem>> -> memref<2048xf32, #tpu.memory_space<vmem>>
    %dma_start3A_440 = tpu.memref_slice %arg4[%add3A_437] : memref<209715200xf32, #tpu.memory_space<hbm>> -> memref<2048xf32, #tpu.memory_space<hbm>>
    %dma_start3A_441 = tpu.memref_slice %arg4[%add3A_437] : memref<209715200xf32, #tpu.memory_space<hbm>> -> memref<2048xf32, #tpu.memory_space<hbm>>
    %dma_start3A_442 = arith.constant 10240 : i32
    %dma_start3A_443 = tpu.memref_slice %arg9[%dma_start3A_442] : memref<16384xf32, #tpu.memory_space<vmem>> -> memref<2048xf32, #tpu.memory_space<vmem>>
    tpu.enqueue_dma source(%dma_start3A_443 : memref<2048xf32, #tpu.memory_space<vmem>>) target(%dma_start3A_441 : memref<2048xf32, #tpu.memory_space<hbm>>) target_semaphore(%arg15 : memref<!tpu.dma_semaphore, #tpu.memory_space<semaphore_mem>>)
    %add3A_444 = arith.constant 786432 : i32
    %add3A_445 = arith.addi %add3A_395, %add3A_444 : i32
    %dma_start3A_446 = arith.constant 12288 : i32
    %dma_start3A_447 = tpu.memref_slice %arg9[%dma_start3A_446] : memref<16384xf32, #tpu.memory_space<vmem>> -> memref<2048xf32, #tpu.memory_space<vmem>>
    %dma_start3A_448 = tpu.memref_slice %arg4[%add3A_445] : memref<209715200xf32, #tpu.memory_space<hbm>> -> memref<2048xf32, #tpu.memory_space<hbm>>
    %dma_start3A_449 = tpu.memref_slice %arg4[%add3A_445] : memref<209715200xf32, #tpu.memory_space<hbm>> -> memref<2048xf32, #tpu.memory_space<hbm>>
    %dma_start3A_450 = arith.constant 12288 : i32
    %dma_start3A_451 = tpu.memref_slice %arg9[%dma_start3A_450] : memref<16384xf32, #tpu.memory_space<vmem>> -> memref<2048xf32, #tpu.memory_space<vmem>>
    tpu.enqueue_dma source(%dma_start3A_451 : memref<2048xf32, #tpu.memory_space<vmem>>) target(%dma_start3A_449 : memref<2048xf32, #tpu.memory_space<hbm>>) target_semaphore(%arg15 : memref<!tpu.dma_semaphore, #tpu.memory_space<semaphore_mem>>)
    %add3A_452 = arith.constant 917504 : i32
    %add3A_453 = arith.addi %add3A_395, %add3A_452 : i32
    %dma_start3A_454 = arith.constant 14336 : i32
    %dma_start3A_455 = tpu.memref_slice %arg9[%dma_start3A_454] : memref<16384xf32, #tpu.memory_space<vmem>> -> memref<2048xf32, #tpu.memory_space<vmem>>
    %dma_start3A_456 = tpu.memref_slice %arg4[%add3A_453] : memref<209715200xf32, #tpu.memory_space<hbm>> -> memref<2048xf32, #tpu.memory_space<hbm>>
    %dma_start3A_457 = tpu.memref_slice %arg4[%add3A_453] : memref<209715200xf32, #tpu.memory_space<hbm>> -> memref<2048xf32, #tpu.memory_space<hbm>>
    %dma_start3A_458 = arith.constant 14336 : i32
    %dma_start3A_459 = tpu.memref_slice %arg9[%dma_start3A_458] : memref<16384xf32, #tpu.memory_space<vmem>> -> memref<2048xf32, #tpu.memory_space<vmem>>
    tpu.enqueue_dma source(%dma_start3A_459 : memref<2048xf32, #tpu.memory_space<vmem>>) target(%dma_start3A_457 : memref<2048xf32, #tpu.memory_space<hbm>>) target_semaphore(%arg15 : memref<!tpu.dma_semaphore, #tpu.memory_space<semaphore_mem>>)
    %dma_wait3A_460 = arith.constant 0 : i32
    %dma_wait3A_461 = arith.constant 0 : i32
    %dma_wait3A_462 = tpu.memref_slice %arg3[%dma_wait3A_460, %dma_wait3A_461] : memref<15000x64xf32, #tpu.memory_space<hbm>> -> memref<15000x64xf32, #tpu.memory_space<hbm>>
    tpu.wait_indirect_dma semaphore(%arg14 : memref<!tpu.dma_semaphore, #tpu.memory_space<semaphore_mem>>) src(%dma_wait3A_462 : memref<15000x64xf32, #tpu.memory_space<hbm>>) dst(%arg8 : memref<256x64xf32, #tpu.memory_space<vmem>>)
    %scan3A_463 = arith.constant 0 : i32
    %scan3A_464 = arith.constant 0 : i32
    %scan3A_465 = arith.constant 16 : i32
    %scan3A_466 = arith.addi %scan3A_464, %scan3A_465 : i32
    %scan3A_467 = arith.constant 1 : i32
    scf.for %scan3A_671 = %scan3A_464 to %scan3A_466 step %scan3A_467  : i32 {
      %add3A_672 = vector.broadcast %scan3A_671 : i32 to vector<16xi32>
      %add3A_673 = arith.addi %iota3A, %add3A_672 : vector<16xi32>
      %and3A = arith.constant 15 : i32
      %and3A_674 = vector.broadcast %and3A : i32 to vector<16xi32>
      %and3A_675 = arith.andi %add3A_673, %and3A_674 : vector<16xi32>
      %shift_right_logical3A_676 = arith.constant 3 : i32
      %shift_right_logical3A_677 = vector.broadcast %shift_right_logical3A_676 : i32 to vector<16xi32>
      %shift_right_logical3A_678 = arith.shrui %and3A_675, %shift_right_logical3A_677 : vector<16xi32>
      %shift_left3A = arith.constant 11 : i32
      %shift_left3A_679 = vector.broadcast %shift_left3A : i32 to vector<16xi32>
      %shift_left3A_680 = arith.shli %shift_right_logical3A_678, %shift_left3A_679 : vector<16xi32>
      %and3A_681 = arith.constant 7 : i32
      %and3A_682 = vector.broadcast %and3A_681 : i32 to vector<16xi32>
      %and3A_683 = arith.andi %and3A_675, %and3A_682 : vector<16xi32>
      %shift_left3A_684 = arith.constant 7 : i32
      %shift_left3A_685 = vector.broadcast %shift_left3A_684 : i32 to vector<16xi32>
      %shift_left3A_686 = arith.shli %and3A_683, %shift_left3A_685 : vector<16xi32>
      %add3A_687 = arith.addi %shift_left3A_680, %shift_left3A_686 : vector<16xi32>
      %add3A_688 = arith.addi %add3A_687, %iota3A : vector<16xi32>
      %add3A_689 = arith.constant 0 : i32
      %add3A_690 = vector.broadcast %add3A_689 : i32 to vector<16xi32>
      %add3A_691 = arith.addi %and3A_675, %add3A_690 : vector<16xi32>
      %add3A_692 = arith.constant 16 : i32
      %add3A_693 = vector.broadcast %add3A_692 : i32 to vector<16xi32>
      %add3A_694 = arith.addi %and3A_675, %add3A_693 : vector<16xi32>
      %add3A_695 = arith.constant 32 : i32
      %add3A_696 = vector.broadcast %add3A_695 : i32 to vector<16xi32>
      %add3A_697 = arith.addi %and3A_675, %add3A_696 : vector<16xi32>
      %add3A_698 = arith.constant 48 : i32
      %add3A_699 = vector.broadcast %add3A_698 : i32 to vector<16xi32>
      %add3A_700 = arith.addi %and3A_675, %add3A_699 : vector<16xi32>
      %add3A_701 = arith.constant 0 : i32
      %add3A_702 = vector.broadcast %add3A_701 : i32 to vector<16xi32>
      %add3A_703 = arith.addi %iota3A, %add3A_702 : vector<16xi32>
      %gather3A = tpu.vector_load_idx %arg8[%add3A_703, %add3A_691] : memref<256x64xf32, #tpu.memory_space<vmem>>[vector<16xi32>, vector<16xi32>], vector<16xf32>,
      %add3A_704 = arith.constant 0 : i32
      %add3A_705 = vector.broadcast %add3A_704 : i32 to vector<16xi32>
      %add3A_706 = arith.addi %add3A_688, %add3A_705 : vector<16xi32>
      %gather3A_707 = tpu.vector_load_idx %arg8[%add3A_703, %add3A_694] : memref<256x64xf32, #tpu.memory_space<vmem>>[vector<16xi32>, vector<16xi32>], vector<16xf32>,
      %add3A_708 = arith.constant 4096 : i32
      %add3A_709 = vector.broadcast %add3A_708 : i32 to vector<16xi32>
      %add3A_710 = arith.addi %add3A_688, %add3A_709 : vector<16xi32>
      %gather3A_711 = tpu.vector_load_idx %arg8[%add3A_703, %add3A_697] : memref<256x64xf32, #tpu.memory_space<vmem>>[vector<16xi32>, vector<16xi32>], vector<16xf32>,
      %add3A_712 = arith.constant 8192 : i32
      %add3A_713 = vector.broadcast %add3A_712 : i32 to vector<16xi32>
      %add3A_714 = arith.addi %add3A_688, %add3A_713 : vector<16xi32>
      %gather3A_715 = tpu.vector_load_idx %arg8[%add3A_703, %add3A_700] : memref<256x64xf32, #tpu.memory_space<vmem>>[vector<16xi32>, vector<16xi32>], vector<16xf32>,
      %add3A_716 = arith.constant 12288 : i32
      %add3A_717 = vector.broadcast %add3A_716 : i32 to vector<16xi32>
      %add3A_718 = arith.addi %add3A_688, %add3A_717 : vector<16xi32>
      %add3A_719 = arith.constant 16 : i32
      %add3A_720 = vector.broadcast %add3A_719 : i32 to vector<16xi32>
      %add3A_721 = arith.addi %iota3A, %add3A_720 : vector<16xi32>
      %gather3A_722 = tpu.vector_load_idx %arg8[%add3A_721, %add3A_691] : memref<256x64xf32, #tpu.memory_space<vmem>>[vector<16xi32>, vector<16xi32>], vector<16xf32>,
      %add3A_723 = arith.constant 16 : i32
      %add3A_724 = vector.broadcast %add3A_723 : i32 to vector<16xi32>
      %add3A_725 = arith.addi %add3A_688, %add3A_724 : vector<16xi32>
      %gather3A_726 = tpu.vector_load_idx %arg8[%add3A_721, %add3A_694] : memref<256x64xf32, #tpu.memory_space<vmem>>[vector<16xi32>, vector<16xi32>], vector<16xf32>,
      %add3A_727 = arith.constant 4112 : i32
      %add3A_728 = vector.broadcast %add3A_727 : i32 to vector<16xi32>
      %add3A_729 = arith.addi %add3A_688, %add3A_728 : vector<16xi32>
      %gather3A_730 = tpu.vector_load_idx %arg8[%add3A_721, %add3A_697] : memref<256x64xf32, #tpu.memory_space<vmem>>[vector<16xi32>, vector<16xi32>], vector<16xf32>,
      %add3A_731 = arith.constant 8208 : i32
      %add3A_732 = vector.broadcast %add3A_731 : i32 to vector<16xi32>
      %add3A_733 = arith.addi %add3A_688, %add3A_732 : vector<16xi32>
      %gather3A_734 = tpu.vector_load_idx %arg8[%add3A_721, %add3A_700] : memref<256x64xf32, #tpu.memory_space<vmem>>[vector<16xi32>, vector<16xi32>], vector<16xf32>,
      %add3A_735 = arith.constant 12304 : i32
      %add3A_736 = vector.broadcast %add3A_735 : i32 to vector<16xi32>
      %add3A_737 = arith.addi %add3A_688, %add3A_736 : vector<16xi32>
      tpu.vector_store_idx %arg10[%add3A_706], %gather3A : memref<16384xf32, #tpu.memory_space<vmem>>[vector<16xi32>], vector<16xf32>,
      tpu.vector_store_idx %arg10[%add3A_710], %gather3A_707 : memref<16384xf32, #tpu.memory_space<vmem>>[vector<16xi32>], vector<16xf32>,
      tpu.vector_store_idx %arg10[%add3A_714], %gather3A_711 : memref<16384xf32, #tpu.memory_space<vmem>>[vector<16xi32>], vector<16xf32>,
      tpu.vector_store_idx %arg10[%add3A_718], %gather3A_715 : memref<16384xf32, #tpu.memory_space<vmem>>[vector<16xi32>], vector<16xf32>,
      tpu.vector_store_idx %arg10[%add3A_725], %gather3A_722 : memref<16384xf32, #tpu.memory_space<vmem>>[vector<16xi32>], vector<16xf32>,
      tpu.vector_store_idx %arg10[%add3A_729], %gather3A_726 : memref<16384xf32, #tpu.memory_space<vmem>>[vector<16xi32>], vector<16xf32>,
      tpu.vector_store_idx %arg10[%add3A_733], %gather3A_730 : memref<16384xf32, #tpu.memory_space<vmem>>[vector<16xi32>], vector<16xf32>,
      tpu.vector_store_idx %arg10[%add3A_737], %gather3A_734 : memref<16384xf32, #tpu.memory_space<vmem>>[vector<16xi32>], vector<16xf32>,
      %add3A_738 = arith.constant 32 : i32
      %add3A_739 = vector.broadcast %add3A_738 : i32 to vector<16xi32>
      %add3A_740 = arith.addi %iota3A, %add3A_739 : vector<16xi32>
      %gather3A_741 = tpu.vector_load_idx %arg8[%add3A_740, %add3A_691] : memref<256x64xf32, #tpu.memory_space<vmem>>[vector<16xi32>, vector<16xi32>], vector<16xf32>,
      %add3A_742 = arith.constant 32 : i32
      %add3A_743 = vector.broadcast %add3A_742 : i32 to vector<16xi32>
      %add3A_744 = arith.addi %add3A_688, %add3A_743 : vector<16xi32>
      %gather3A_745 = tpu.vector_load_idx %arg8[%add3A_740, %add3A_694] : memref<256x64xf32, #tpu.memory_space<vmem>>[vector<16xi32>, vector<16xi32>], vector<16xf32>,
      %add3A_746 = arith.constant 4128 : i32
      %add3A_747 = vector.broadcast %add3A_746 : i32 to vector<16xi32>
      %add3A_748 = arith.addi %add3A_688, %add3A_747 : vector<16xi32>
      %gather3A_749 = tpu.vector_load_idx %arg8[%add3A_740, %add3A_697] : memref<256x64xf32, #tpu.memory_space<vmem>>[vector<16xi32>, vector<16xi32>], vector<16xf32>,
      %add3A_750 = arith.constant 8224 : i32
      %add3A_751 = vector.broadcast %add3A_750 : i32 to vector<16xi32>
      %add3A_752 = arith.addi %add3A_688, %add3A_751 : vector<16xi32>
      %gather3A_753 = tpu.vector_load_idx %arg8[%add3A_740, %add3A_700] : memref<256x64xf32, #tpu.memory_space<vmem>>[vector<16xi32>, vector<16xi32>], vector<16xf32>,
      %add3A_754 = arith.constant 12320 : i32
      %add3A_755 = vector.broadcast %add3A_754 : i32 to vector<16xi32>
      %add3A_756 = arith.addi %add3A_688, %add3A_755 : vector<16xi32>
      %add3A_757 = arith.constant 48 : i32
      %add3A_758 = vector.broadcast %add3A_757 : i32 to vector<16xi32>
      %add3A_759 = arith.addi %iota3A, %add3A_758 : vector<16xi32>
      %gather3A_760 = tpu.vector_load_idx %arg8[%add3A_759, %add3A_691] : memref<256x64xf32, #tpu.memory_space<vmem>>[vector<16xi32>, vector<16xi32>], vector<16xf32>,
      %add3A_761 = arith.constant 48 : i32
      %add3A_762 = vector.broadcast %add3A_761 : i32 to vector<16xi32>
      %add3A_763 = arith.addi %add3A_688, %add3A_762 : vector<16xi32>
      %gather3A_764 = tpu.vector_load_idx %arg8[%add3A_759, %add3A_694] : memref<256x64xf32, #tpu.memory_space<vmem>>[vector<16xi32>, vector<16xi32>], vector<16xf32>,
      %add3A_765 = arith.constant 4144 : i32
      %add3A_766 = vector.broadcast %add3A_765 : i32 to vector<16xi32>
      %add3A_767 = arith.addi %add3A_688, %add3A_766 : vector<16xi32>
      %gather3A_768 = tpu.vector_load_idx %arg8[%add3A_759, %add3A_697] : memref<256x64xf32, #tpu.memory_space<vmem>>[vector<16xi32>, vector<16xi32>], vector<16xf32>,
      %add3A_769 = arith.constant 8240 : i32
      %add3A_770 = vector.broadcast %add3A_769 : i32 to vector<16xi32>
      %add3A_771 = arith.addi %add3A_688, %add3A_770 : vector<16xi32>
      %gather3A_772 = tpu.vector_load_idx %arg8[%add3A_759, %add3A_700] : memref<256x64xf32, #tpu.memory_space<vmem>>[vector<16xi32>, vector<16xi32>], vector<16xf32>,
      %add3A_773 = arith.constant 12336 : i32
      %add3A_774 = vector.broadcast %add3A_773 : i32 to vector<16xi32>
      %add3A_775 = arith.addi %add3A_688, %add3A_774 : vector<16xi32>
      tpu.vector_store_idx %arg10[%add3A_744], %gather3A_741 : memref<16384xf32, #tpu.memory_space<vmem>>[vector<16xi32>], vector<16xf32>,
      tpu.vector_store_idx %arg10[%add3A_748], %gather3A_745 : memref<16384xf32, #tpu.memory_space<vmem>>[vector<16xi32>], vector<16xf32>,
      tpu.vector_store_idx %arg10[%add3A_752], %gather3A_749 : memref<16384xf32, #tpu.memory_space<vmem>>[vector<16xi32>], vector<16xf32>,
      tpu.vector_store_idx %arg10[%add3A_756], %gather3A_753 : memref<16384xf32, #tpu.memory_space<vmem>>[vector<16xi32>], vector<16xf32>,
      tpu.vector_store_idx %arg10[%add3A_763], %gather3A_760 : memref<16384xf32, #tpu.memory_space<vmem>>[vector<16xi32>], vector<16xf32>,
      tpu.vector_store_idx %arg10[%add3A_767], %gather3A_764 : memref<16384xf32, #tpu.memory_space<vmem>>[vector<16xi32>], vector<16xf32>,
      tpu.vector_store_idx %arg10[%add3A_771], %gather3A_768 : memref<16384xf32, #tpu.memory_space<vmem>>[vector<16xi32>], vector<16xf32>,
      tpu.vector_store_idx %arg10[%add3A_775], %gather3A_772 : memref<16384xf32, #tpu.memory_space<vmem>>[vector<16xi32>], vector<16xf32>,
      %add3A_776 = arith.constant 64 : i32
      %add3A_777 = vector.broadcast %add3A_776 : i32 to vector<16xi32>
      %add3A_778 = arith.addi %iota3A, %add3A_777 : vector<16xi32>
      %gather3A_779 = tpu.vector_load_idx %arg8[%add3A_778, %add3A_691] : memref<256x64xf32, #tpu.memory_space<vmem>>[vector<16xi32>, vector<16xi32>], vector<16xf32>,
      %add3A_780 = arith.constant 64 : i32
      %add3A_781 = vector.broadcast %add3A_780 : i32 to vector<16xi32>
      %add3A_782 = arith.addi %add3A_688, %add3A_781 : vector<16xi32>
      %gather3A_783 = tpu.vector_load_idx %arg8[%add3A_778, %add3A_694] : memref<256x64xf32, #tpu.memory_space<vmem>>[vector<16xi32>, vector<16xi32>], vector<16xf32>,
      %add3A_784 = arith.constant 4160 : i32
      %add3A_785 = vector.broadcast %add3A_784 : i32 to vector<16xi32>
      %add3A_786 = arith.addi %add3A_688, %add3A_785 : vector<16xi32>
      %gather3A_787 = tpu.vector_load_idx %arg8[%add3A_778, %add3A_697] : memref<256x64xf32, #tpu.memory_space<vmem>>[vector<16xi32>, vector<16xi32>], vector<16xf32>,
      %add3A_788 = arith.constant 8256 : i32
      %add3A_789 = vector.broadcast %add3A_788 : i32 to vector<16xi32>
      %add3A_790 = arith.addi %add3A_688, %add3A_789 : vector<16xi32>
      %gather3A_791 = tpu.vector_load_idx %arg8[%add3A_778, %add3A_700] : memref<256x64xf32, #tpu.memory_space<vmem>>[vector<16xi32>, vector<16xi32>], vector<16xf32>,
      %add3A_792 = arith.constant 12352 : i32
      %add3A_793 = vector.broadcast %add3A_792 : i32 to vector<16xi32>
      %add3A_794 = arith.addi %add3A_688, %add3A_793 : vector<16xi32>
      %add3A_795 = arith.constant 80 : i32
      %add3A_796 = vector.broadcast %add3A_795 : i32 to vector<16xi32>
      %add3A_797 = arith.addi %iota3A, %add3A_796 : vector<16xi32>
      %gather3A_798 = tpu.vector_load_idx %arg8[%add3A_797, %add3A_691] : memref<256x64xf32, #tpu.memory_space<vmem>>[vector<16xi32>, vector<16xi32>], vector<16xf32>,
      %add3A_799 = arith.constant 80 : i32
      %add3A_800 = vector.broadcast %add3A_799 : i32 to vector<16xi32>
      %add3A_801 = arith.addi %add3A_688, %add3A_800 : vector<16xi32>
      %gather3A_802 = tpu.vector_load_idx %arg8[%add3A_797, %add3A_694] : memref<256x64xf32, #tpu.memory_space<vmem>>[vector<16xi32>, vector<16xi32>], vector<16xf32>,
      %add3A_803 = arith.constant 4176 : i32
      %add3A_804 = vector.broadcast %add3A_803 : i32 to vector<16xi32>
      %add3A_805 = arith.addi %add3A_688, %add3A_804 : vector<16xi32>
      %gather3A_806 = tpu.vector_load_idx %arg8[%add3A_797, %add3A_697] : memref<256x64xf32, #tpu.memory_space<vmem>>[vector<16xi32>, vector<16xi32>], vector<16xf32>,
      %add3A_807 = arith.constant 8272 : i32
      %add3A_808 = vector.broadcast %add3A_807 : i32 to vector<16xi32>
      %add3A_809 = arith.addi %add3A_688, %add3A_808 : vector<16xi32>
      %gather3A_810 = tpu.vector_load_idx %arg8[%add3A_797, %add3A_700] : memref<256x64xf32, #tpu.memory_space<vmem>>[vector<16xi32>, vector<16xi32>], vector<16xf32>,
      %add3A_811 = arith.constant 12368 : i32
      %add3A_812 = vector.broadcast %add3A_811 : i32 to vector<16xi32>
      %add3A_813 = arith.addi %add3A_688, %add3A_812 : vector<16xi32>
      tpu.vector_store_idx %arg10[%add3A_782], %gather3A_779 : memref<16384xf32, #tpu.memory_space<vmem>>[vector<16xi32>], vector<16xf32>,
      tpu.vector_store_idx %arg10[%add3A_786], %gather3A_783 : memref<16384xf32, #tpu.memory_space<vmem>>[vector<16xi32>], vector<16xf32>,
      tpu.vector_store_idx %arg10[%add3A_790], %gather3A_787 : memref<16384xf32, #tpu.memory_space<vmem>>[vector<16xi32>], vector<16xf32>,
      tpu.vector_store_idx %arg10[%add3A_794], %gather3A_791 : memref<16384xf32, #tpu.memory_space<vmem>>[vector<16xi32>], vector<16xf32>,
      tpu.vector_store_idx %arg10[%add3A_801], %gather3A_798 : memref<16384xf32, #tpu.memory_space<vmem>>[vector<16xi32>], vector<16xf32>,
      tpu.vector_store_idx %arg10[%add3A_805], %gather3A_802 : memref<16384xf32, #tpu.memory_space<vmem>>[vector<16xi32>], vector<16xf32>,
      tpu.vector_store_idx %arg10[%add3A_809], %gather3A_806 : memref<16384xf32, #tpu.memory_space<vmem>>[vector<16xi32>], vector<16xf32>,
      tpu.vector_store_idx %arg10[%add3A_813], %gather3A_810 : memref<16384xf32, #tpu.memory_space<vmem>>[vector<16xi32>], vector<16xf32>,
      %add3A_814 = arith.constant 96 : i32
      %add3A_815 = vector.broadcast %add3A_814 : i32 to vector<16xi32>
      %add3A_816 = arith.addi %iota3A, %add3A_815 : vector<16xi32>
      %gather3A_817 = tpu.vector_load_idx %arg8[%add3A_816, %add3A_691] : memref<256x64xf32, #tpu.memory_space<vmem>>[vector<16xi32>, vector<16xi32>], vector<16xf32>,
      %add3A_818 = arith.constant 96 : i32
      %add3A_819 = vector.broadcast %add3A_818 : i32 to vector<16xi32>
      %add3A_820 = arith.addi %add3A_688, %add3A_819 : vector<16xi32>
      %gather3A_821 = tpu.vector_load_idx %arg8[%add3A_816, %add3A_694] : memref<256x64xf32, #tpu.memory_space<vmem>>[vector<16xi32>, vector<16xi32>], vector<16xf32>,
      %add3A_822 = arith.constant 4192 : i32
      %add3A_823 = vector.broadcast %add3A_822 : i32 to vector<16xi32>
      %add3A_824 = arith.addi %add3A_688, %add3A_823 : vector<16xi32>
      %gather3A_825 = tpu.vector_load_idx %arg8[%add3A_816, %add3A_697] : memref<256x64xf32, #tpu.memory_space<vmem>>[vector<16xi32>, vector<16xi32>], vector<16xf32>,
      %add3A_826 = arith.constant 8288 : i32
      %add3A_827 = vector.broadcast %add3A_826 : i32 to vector<16xi32>
      %add3A_828 = arith.addi %add3A_688, %add3A_827 : vector<16xi32>
      %gather3A_829 = tpu.vector_load_idx %arg8[%add3A_816, %add3A_700] : memref<256x64xf32, #tpu.memory_space<vmem>>[vector<16xi32>, vector<16xi32>], vector<16xf32>,
      %add3A_830 = arith.constant 12384 : i32
      %add3A_831 = vector.broadcast %add3A_830 : i32 to vector<16xi32>
      %add3A_832 = arith.addi %add3A_688, %add3A_831 : vector<16xi32>
      %add3A_833 = arith.constant 112 : i32
      %add3A_834 = vector.broadcast %add3A_833 : i32 to vector<16xi32>
      %add3A_835 = arith.addi %iota3A, %add3A_834 : vector<16xi32>
      %gather3A_836 = tpu.vector_load_idx %arg8[%add3A_835, %add3A_691] : memref<256x64xf32, #tpu.memory_space<vmem>>[vector<16xi32>, vector<16xi32>], vector<16xf32>,
      %add3A_837 = arith.constant 112 : i32
      %add3A_838 = vector.broadcast %add3A_837 : i32 to vector<16xi32>
      %add3A_839 = arith.addi %add3A_688, %add3A_838 : vector<16xi32>
      %gather3A_840 = tpu.vector_load_idx %arg8[%add3A_835, %add3A_694] : memref<256x64xf32, #tpu.memory_space<vmem>>[vector<16xi32>, vector<16xi32>], vector<16xf32>,
      %add3A_841 = arith.constant 4208 : i32
      %add3A_842 = vector.broadcast %add3A_841 : i32 to vector<16xi32>
      %add3A_843 = arith.addi %add3A_688, %add3A_842 : vector<16xi32>
      %gather3A_844 = tpu.vector_load_idx %arg8[%add3A_835, %add3A_697] : memref<256x64xf32, #tpu.memory_space<vmem>>[vector<16xi32>, vector<16xi32>], vector<16xf32>,
      %add3A_845 = arith.constant 8304 : i32
      %add3A_846 = vector.broadcast %add3A_845 : i32 to vector<16xi32>
      %add3A_847 = arith.addi %add3A_688, %add3A_846 : vector<16xi32>
      %gather3A_848 = tpu.vector_load_idx %arg8[%add3A_835, %add3A_700] : memref<256x64xf32, #tpu.memory_space<vmem>>[vector<16xi32>, vector<16xi32>], vector<16xf32>,
      %add3A_849 = arith.constant 12400 : i32
      %add3A_850 = vector.broadcast %add3A_849 : i32 to vector<16xi32>
      %add3A_851 = arith.addi %add3A_688, %add3A_850 : vector<16xi32>
      tpu.vector_store_idx %arg10[%add3A_820], %gather3A_817 : memref<16384xf32, #tpu.memory_space<vmem>>[vector<16xi32>], vector<16xf32>,
      tpu.vector_store_idx %arg10[%add3A_824], %gather3A_821 : memref<16384xf32, #tpu.memory_space<vmem>>[vector<16xi32>], vector<16xf32>,
      tpu.vector_store_idx %arg10[%add3A_828], %gather3A_825 : memref<16384xf32, #tpu.memory_space<vmem>>[vector<16xi32>], vector<16xf32>,
      tpu.vector_store_idx %arg10[%add3A_832], %gather3A_829 : memref<16384xf32, #tpu.memory_space<vmem>>[vector<16xi32>], vector<16xf32>,
      tpu.vector_store_idx %arg10[%add3A_839], %gather3A_836 : memref<16384xf32, #tpu.memory_space<vmem>>[vector<16xi32>], vector<16xf32>,
      tpu.vector_store_idx %arg10[%add3A_843], %gather3A_840 : memref<16384xf32, #tpu.memory_space<vmem>>[vector<16xi32>], vector<16xf32>,
      tpu.vector_store_idx %arg10[%add3A_847], %gather3A_844 : memref<16384xf32, #tpu.memory_space<vmem>>[vector<16xi32>], vector<16xf32>,
      tpu.vector_store_idx %arg10[%add3A_851], %gather3A_848 : memref<16384xf32, #tpu.memory_space<vmem>>[vector<16xi32>], vector<16xf32>,
      %add3A_852 = arith.constant 128 : i32
      %add3A_853 = vector.broadcast %add3A_852 : i32 to vector<16xi32>
      %add3A_854 = arith.addi %iota3A, %add3A_853 : vector<16xi32>
      %gather3A_855 = tpu.vector_load_idx %arg8[%add3A_854, %add3A_691] : memref<256x64xf32, #tpu.memory_space<vmem>>[vector<16xi32>, vector<16xi32>], vector<16xf32>,
      %add3A_856 = arith.constant 1024 : i32
      %add3A_857 = vector.broadcast %add3A_856 : i32 to vector<16xi32>
      %add3A_858 = arith.addi %add3A_688, %add3A_857 : vector<16xi32>
      %gather3A_859 = tpu.vector_load_idx %arg8[%add3A_854, %add3A_694] : memref<256x64xf32, #tpu.memory_space<vmem>>[vector<16xi32>, vector<16xi32>], vector<16xf32>,
      %add3A_860 = arith.constant 5120 : i32
      %add3A_861 = vector.broadcast %add3A_860 : i32 to vector<16xi32>
      %add3A_862 = arith.addi %add3A_688, %add3A_861 : vector<16xi32>
      %gather3A_863 = tpu.vector_load_idx %arg8[%add3A_854, %add3A_697] : memref<256x64xf32, #tpu.memory_space<vmem>>[vector<16xi32>, vector<16xi32>], vector<16xf32>,
      %add3A_864 = arith.constant 9216 : i32
      %add3A_865 = vector.broadcast %add3A_864 : i32 to vector<16xi32>
      %add3A_866 = arith.addi %add3A_688, %add3A_865 : vector<16xi32>
      %gather3A_867 = tpu.vector_load_idx %arg8[%add3A_854, %add3A_700] : memref<256x64xf32, #tpu.memory_space<vmem>>[vector<16xi32>, vector<16xi32>], vector<16xf32>,
      %add3A_868 = arith.constant 13312 : i32
      %add3A_869 = vector.broadcast %add3A_868 : i32 to vector<16xi32>
      %add3A_870 = arith.addi %add3A_688, %add3A_869 : vector<16xi32>
      %add3A_871 = arith.constant 144 : i32
      %add3A_872 = vector.broadcast %add3A_871 : i32 to vector<16xi32>
      %add3A_873 = arith.addi %iota3A, %add3A_872 : vector<16xi32>
      %gather3A_874 = tpu.vector_load_idx %arg8[%add3A_873, %add3A_691] : memref<256x64xf32, #tpu.memory_space<vmem>>[vector<16xi32>, vector<16xi32>], vector<16xf32>,
      %add3A_875 = arith.constant 1040 : i32
      %add3A_876 = vector.broadcast %add3A_875 : i32 to vector<16xi32>
      %add3A_877 = arith.addi %add3A_688, %add3A_876 : vector<16xi32>
      %gather3A_878 = tpu.vector_load_idx %arg8[%add3A_873, %add3A_694] : memref<256x64xf32, #tpu.memory_space<vmem>>[vector<16xi32>, vector<16xi32>], vector<16xf32>,
      %add3A_879 = arith.constant 5136 : i32
      %add3A_880 = vector.broadcast %add3A_879 : i32 to vector<16xi32>
      %add3A_881 = arith.addi %add3A_688, %add3A_880 : vector<16xi32>
      %gather3A_882 = tpu.vector_load_idx %arg8[%add3A_873, %add3A_697] : memref<256x64xf32, #tpu.memory_space<vmem>>[vector<16xi32>, vector<16xi32>], vector<16xf32>,
      %add3A_883 = arith.constant 9232 : i32
      %add3A_884 = vector.broadcast %add3A_883 : i32 to vector<16xi32>
      %add3A_885 = arith.addi %add3A_688, %add3A_884 : vector<16xi32>
      %gather3A_886 = tpu.vector_load_idx %arg8[%add3A_873, %add3A_700] : memref<256x64xf32, #tpu.memory_space<vmem>>[vector<16xi32>, vector<16xi32>], vector<16xf32>,
      %add3A_887 = arith.constant 13328 : i32
      %add3A_888 = vector.broadcast %add3A_887 : i32 to vector<16xi32>
      %add3A_889 = arith.addi %add3A_688, %add3A_888 : vector<16xi32>
      tpu.vector_store_idx %arg10[%add3A_858], %gather3A_855 : memref<16384xf32, #tpu.memory_space<vmem>>[vector<16xi32>], vector<16xf32>,
      tpu.vector_store_idx %arg10[%add3A_862], %gather3A_859 : memref<16384xf32, #tpu.memory_space<vmem>>[vector<16xi32>], vector<16xf32>,
      tpu.vector_store_idx %arg10[%add3A_866], %gather3A_863 : memref<16384xf32, #tpu.memory_space<vmem>>[vector<16xi32>], vector<16xf32>,
      tpu.vector_store_idx %arg10[%add3A_870], %gather3A_867 : memref<16384xf32, #tpu.memory_space<vmem>>[vector<16xi32>], vector<16xf32>,
      tpu.vector_store_idx %arg10[%add3A_877], %gather3A_874 : memref<16384xf32, #tpu.memory_space<vmem>>[vector<16xi32>], vector<16xf32>,
      tpu.vector_store_idx %arg10[%add3A_881], %gather3A_878 : memref<16384xf32, #tpu.memory_space<vmem>>[vector<16xi32>], vector<16xf32>,
      tpu.vector_store_idx %arg10[%add3A_885], %gather3A_882 : memref<16384xf32, #tpu.memory_space<vmem>>[vector<16xi32>], vector<16xf32>,
      tpu.vector_store_idx %arg10[%add3A_889], %gather3A_886 : memref<16384xf32, #tpu.memory_space<vmem>>[vector<16xi32>], vector<16xf32>,
      %add3A_890 = arith.constant 160 : i32
      %add3A_891 = vector.broadcast %add3A_890 : i32 to vector<16xi32>
      %add3A_892 = arith.addi %iota3A, %add3A_891 : vector<16xi32>
      %gather3A_893 = tpu.vector_load_idx %arg8[%add3A_892, %add3A_691] : memref<256x64xf32, #tpu.memory_space<vmem>>[vector<16xi32>, vector<16xi32>], vector<16xf32>,
      %add3A_894 = arith.constant 1056 : i32
      %add3A_895 = vector.broadcast %add3A_894 : i32 to vector<16xi32>
      %add3A_896 = arith.addi %add3A_688, %add3A_895 : vector<16xi32>
      %gather3A_897 = tpu.vector_load_idx %arg8[%add3A_892, %add3A_694] : memref<256x64xf32, #tpu.memory_space<vmem>>[vector<16xi32>, vector<16xi32>], vector<16xf32>,
      %add3A_898 = arith.constant 5152 : i32
      %add3A_899 = vector.broadcast %add3A_898 : i32 to vector<16xi32>
      %add3A_900 = arith.addi %add3A_688, %add3A_899 : vector<16xi32>
      %gather3A_901 = tpu.vector_load_idx %arg8[%add3A_892, %add3A_697] : memref<256x64xf32, #tpu.memory_space<vmem>>[vector<16xi32>, vector<16xi32>], vector<16xf32>,
      %add3A_902 = arith.constant 9248 : i32
      %add3A_903 = vector.broadcast %add3A_902 : i32 to vector<16xi32>
      %add3A_904 = arith.addi %add3A_688, %add3A_903 : vector<16xi32>
      %gather3A_905 = tpu.vector_load_idx %arg8[%add3A_892, %add3A_700] : memref<256x64xf32, #tpu.memory_space<vmem>>[vector<16xi32>, vector<16xi32>], vector<16xf32>,
      %add3A_906 = arith.constant 13344 : i32
      %add3A_907 = vector.broadcast %add3A_906 : i32 to vector<16xi32>
      %add3A_908 = arith.addi %add3A_688, %add3A_907 : vector<16xi32>
      %add3A_909 = arith.constant 176 : i32
      %add3A_910 = vector.broadcast %add3A_909 : i32 to vector<16xi32>
      %add3A_911 = arith.addi %iota3A, %add3A_910 : vector<16xi32>
      %gather3A_912 = tpu.vector_load_idx %arg8[%add3A_911, %add3A_691] : memref<256x64xf32, #tpu.memory_space<vmem>>[vector<16xi32>, vector<16xi32>], vector<16xf32>,
      %add3A_913 = arith.constant 1072 : i32
      %add3A_914 = vector.broadcast %add3A_913 : i32 to vector<16xi32>
      %add3A_915 = arith.addi %add3A_688, %add3A_914 : vector<16xi32>
      %gather3A_916 = tpu.vector_load_idx %arg8[%add3A_911, %add3A_694] : memref<256x64xf32, #tpu.memory_space<vmem>>[vector<16xi32>, vector<16xi32>], vector<16xf32>,
      %add3A_917 = arith.constant 5168 : i32
      %add3A_918 = vector.broadcast %add3A_917 : i32 to vector<16xi32>
      %add3A_919 = arith.addi %add3A_688, %add3A_918 : vector<16xi32>
      %gather3A_920 = tpu.vector_load_idx %arg8[%add3A_911, %add3A_697] : memref<256x64xf32, #tpu.memory_space<vmem>>[vector<16xi32>, vector<16xi32>], vector<16xf32>,
      %add3A_921 = arith.constant 9264 : i32
      %add3A_922 = vector.broadcast %add3A_921 : i32 to vector<16xi32>
      %add3A_923 = arith.addi %add3A_688, %add3A_922 : vector<16xi32>
      %gather3A_924 = tpu.vector_load_idx %arg8[%add3A_911, %add3A_700] : memref<256x64xf32, #tpu.memory_space<vmem>>[vector<16xi32>, vector<16xi32>], vector<16xf32>,
      %add3A_925 = arith.constant 13360 : i32
      %add3A_926 = vector.broadcast %add3A_925 : i32 to vector<16xi32>
      %add3A_927 = arith.addi %add3A_688, %add3A_926 : vector<16xi32>
      tpu.vector_store_idx %arg10[%add3A_896], %gather3A_893 : memref<16384xf32, #tpu.memory_space<vmem>>[vector<16xi32>], vector<16xf32>,
      tpu.vector_store_idx %arg10[%add3A_900], %gather3A_897 : memref<16384xf32, #tpu.memory_space<vmem>>[vector<16xi32>], vector<16xf32>,
      tpu.vector_store_idx %arg10[%add3A_904], %gather3A_901 : memref<16384xf32, #tpu.memory_space<vmem>>[vector<16xi32>], vector<16xf32>,
      tpu.vector_store_idx %arg10[%add3A_908], %gather3A_905 : memref<16384xf32, #tpu.memory_space<vmem>>[vector<16xi32>], vector<16xf32>,
      tpu.vector_store_idx %arg10[%add3A_915], %gather3A_912 : memref<16384xf32, #tpu.memory_space<vmem>>[vector<16xi32>], vector<16xf32>,
      tpu.vector_store_idx %arg10[%add3A_919], %gather3A_916 : memref<16384xf32, #tpu.memory_space<vmem>>[vector<16xi32>], vector<16xf32>,
      tpu.vector_store_idx %arg10[%add3A_923], %gather3A_920 : memref<16384xf32, #tpu.memory_space<vmem>>[vector<16xi32>], vector<16xf32>,
      tpu.vector_store_idx %arg10[%add3A_927], %gather3A_924 : memref<16384xf32, #tpu.memory_space<vmem>>[vector<16xi32>], vector<16xf32>,
      %add3A_928 = arith.constant 192 : i32
      %add3A_929 = vector.broadcast %add3A_928 : i32 to vector<16xi32>
      %add3A_930 = arith.addi %iota3A, %add3A_929 : vector<16xi32>
      %gather3A_931 = tpu.vector_load_idx %arg8[%add3A_930, %add3A_691] : memref<256x64xf32, #tpu.memory_space<vmem>>[vector<16xi32>, vector<16xi32>], vector<16xf32>,
      %add3A_932 = arith.constant 1088 : i32
      %add3A_933 = vector.broadcast %add3A_932 : i32 to vector<16xi32>
      %add3A_934 = arith.addi %add3A_688, %add3A_933 : vector<16xi32>
      %gather3A_935 = tpu.vector_load_idx %arg8[%add3A_930, %add3A_694] : memref<256x64xf32, #tpu.memory_space<vmem>>[vector<16xi32>, vector<16xi32>], vector<16xf32>,
      %add3A_936 = arith.constant 5184 : i32
      %add3A_937 = vector.broadcast %add3A_936 : i32 to vector<16xi32>
      %add3A_938 = arith.addi %add3A_688, %add3A_937 : vector<16xi32>
      %gather3A_939 = tpu.vector_load_idx %arg8[%add3A_930, %add3A_697] : memref<256x64xf32, #tpu.memory_space<vmem>>[vector<16xi32>, vector<16xi32>], vector<16xf32>,
      %add3A_940 = arith.constant 9280 : i32
      %add3A_941 = vector.broadcast %add3A_940 : i32 to vector<16xi32>
      %add3A_942 = arith.addi %add3A_688, %add3A_941 : vector<16xi32>
      %gather3A_943 = tpu.vector_load_idx %arg8[%add3A_930, %add3A_700] : memref<256x64xf32, #tpu.memory_space<vmem>>[vector<16xi32>, vector<16xi32>], vector<16xf32>,
      %add3A_944 = arith.constant 13376 : i32
      %add3A_945 = vector.broadcast %add3A_944 : i32 to vector<16xi32>
      %add3A_946 = arith.addi %add3A_688, %add3A_945 : vector<16xi32>
      %add3A_947 = arith.constant 208 : i32
      %add3A_948 = vector.broadcast %add3A_947 : i32 to vector<16xi32>
      %add3A_949 = arith.addi %iota3A, %add3A_948 : vector<16xi32>
      %gather3A_950 = tpu.vector_load_idx %arg8[%add3A_949, %add3A_691] : memref<256x64xf32, #tpu.memory_space<vmem>>[vector<16xi32>, vector<16xi32>], vector<16xf32>,
      %add3A_951 = arith.constant 1104 : i32
      %add3A_952 = vector.broadcast %add3A_951 : i32 to vector<16xi32>
      %add3A_953 = arith.addi %add3A_688, %add3A_952 : vector<16xi32>
      %gather3A_954 = tpu.vector_load_idx %arg8[%add3A_949, %add3A_694] : memref<256x64xf32, #tpu.memory_space<vmem>>[vector<16xi32>, vector<16xi32>], vector<16xf32>,
      %add3A_955 = arith.constant 5200 : i32
      %add3A_956 = vector.broadcast %add3A_955 : i32 to vector<16xi32>
      %add3A_957 = arith.addi %add3A_688, %add3A_956 : vector<16xi32>
      %gather3A_958 = tpu.vector_load_idx %arg8[%add3A_949, %add3A_697] : memref<256x64xf32, #tpu.memory_space<vmem>>[vector<16xi32>, vector<16xi32>], vector<16xf32>,
      %add3A_959 = arith.constant 9296 : i32
      %add3A_960 = vector.broadcast %add3A_959 : i32 to vector<16xi32>
      %add3A_961 = arith.addi %add3A_688, %add3A_960 : vector<16xi32>
      %gather3A_962 = tpu.vector_load_idx %arg8[%add3A_949, %add3A_700] : memref<256x64xf32, #tpu.memory_space<vmem>>[vector<16xi32>, vector<16xi32>], vector<16xf32>,
      %add3A_963 = arith.constant 13392 : i32
      %add3A_964 = vector.broadcast %add3A_963 : i32 to vector<16xi32>
      %add3A_965 = arith.addi %add3A_688, %add3A_964 : vector<16xi32>
      tpu.vector_store_idx %arg10[%add3A_934], %gather3A_931 : memref<16384xf32, #tpu.memory_space<vmem>>[vector<16xi32>], vector<16xf32>,
      tpu.vector_store_idx %arg10[%add3A_938], %gather3A_935 : memref<16384xf32, #tpu.memory_space<vmem>>[vector<16xi32>], vector<16xf32>,
      tpu.vector_store_idx %arg10[%add3A_942], %gather3A_939 : memref<16384xf32, #tpu.memory_space<vmem>>[vector<16xi32>], vector<16xf32>,
      tpu.vector_store_idx %arg10[%add3A_946], %gather3A_943 : memref<16384xf32, #tpu.memory_space<vmem>>[vector<16xi32>], vector<16xf32>,
      tpu.vector_store_idx %arg10[%add3A_953], %gather3A_950 : memref<16384xf32, #tpu.memory_space<vmem>>[vector<16xi32>], vector<16xf32>,
      tpu.vector_store_idx %arg10[%add3A_957], %gather3A_954 : memref<16384xf32, #tpu.memory_space<vmem>>[vector<16xi32>], vector<16xf32>,
      tpu.vector_store_idx %arg10[%add3A_961], %gather3A_958 : memref<16384xf32, #tpu.memory_space<vmem>>[vector<16xi32>], vector<16xf32>,
      tpu.vector_store_idx %arg10[%add3A_965], %gather3A_962 : memref<16384xf32, #tpu.memory_space<vmem>>[vector<16xi32>], vector<16xf32>,
      %add3A_966 = arith.constant 224 : i32
      %add3A_967 = vector.broadcast %add3A_966 : i32 to vector<16xi32>
      %add3A_968 = arith.addi %iota3A, %add3A_967 : vector<16xi32>
      %gather3A_969 = tpu.vector_load_idx %arg8[%add3A_968, %add3A_691] : memref<256x64xf32, #tpu.memory_space<vmem>>[vector<16xi32>, vector<16xi32>], vector<16xf32>,
      %add3A_970 = arith.constant 1120 : i32
      %add3A_971 = vector.broadcast %add3A_970 : i32 to vector<16xi32>
      %add3A_972 = arith.addi %add3A_688, %add3A_971 : vector<16xi32>
      %gather3A_973 = tpu.vector_load_idx %arg8[%add3A_968, %add3A_694] : memref<256x64xf32, #tpu.memory_space<vmem>>[vector<16xi32>, vector<16xi32>], vector<16xf32>,
      %add3A_974 = arith.constant 5216 : i32
      %add3A_975 = vector.broadcast %add3A_974 : i32 to vector<16xi32>
      %add3A_976 = arith.addi %add3A_688, %add3A_975 : vector<16xi32>
      %gather3A_977 = tpu.vector_load_idx %arg8[%add3A_968, %add3A_697] : memref<256x64xf32, #tpu.memory_space<vmem>>[vector<16xi32>, vector<16xi32>], vector<16xf32>,
      %add3A_978 = arith.constant 9312 : i32
      %add3A_979 = vector.broadcast %add3A_978 : i32 to vector<16xi32>
      %add3A_980 = arith.addi %add3A_688, %add3A_979 : vector<16xi32>
      %gather3A_981 = tpu.vector_load_idx %arg8[%add3A_968, %add3A_700] : memref<256x64xf32, #tpu.memory_space<vmem>>[vector<16xi32>, vector<16xi32>], vector<16xf32>,
      %add3A_982 = arith.constant 13408 : i32
      %add3A_983 = vector.broadcast %add3A_982 : i32 to vector<16xi32>
      %add3A_984 = arith.addi %add3A_688, %add3A_983 : vector<16xi32>
      %add3A_985 = arith.constant 240 : i32
      %add3A_986 = vector.broadcast %add3A_985 : i32 to vector<16xi32>
      %add3A_987 = arith.addi %iota3A, %add3A_986 : vector<16xi32>
      %gather3A_988 = tpu.vector_load_idx %arg8[%add3A_987, %add3A_691] : memref<256x64xf32, #tpu.memory_space<vmem>>[vector<16xi32>, vector<16xi32>], vector<16xf32>,
      %add3A_989 = arith.constant 1136 : i32
      %add3A_990 = vector.broadcast %add3A_989 : i32 to vector<16xi32>
      %add3A_991 = arith.addi %add3A_688, %add3A_990 : vector<16xi32>
      %gather3A_992 = tpu.vector_load_idx %arg8[%add3A_987, %add3A_694] : memref<256x64xf32, #tpu.memory_space<vmem>>[vector<16xi32>, vector<16xi32>], vector<16xf32>,
      %add3A_993 = arith.constant 5232 : i32
      %add3A_994 = vector.broadcast %add3A_993 : i32 to vector<16xi32>
      %add3A_995 = arith.addi %add3A_688, %add3A_994 : vector<16xi32>
      %gather3A_996 = tpu.vector_load_idx %arg8[%add3A_987, %add3A_697] : memref<256x64xf32, #tpu.memory_space<vmem>>[vector<16xi32>, vector<16xi32>], vector<16xf32>,
      %add3A_997 = arith.constant 9328 : i32
      %add3A_998 = vector.broadcast %add3A_997 : i32 to vector<16xi32>
      %add3A_999 = arith.addi %add3A_688, %add3A_998 : vector<16xi32>
      %gather3A_1000 = tpu.vector_load_idx %arg8[%add3A_987, %add3A_700] : memref<256x64xf32, #tpu.memory_space<vmem>>[vector<16xi32>, vector<16xi32>], vector<16xf32>,
      %add3A_1001 = arith.constant 13424 : i32
      %add3A_1002 = vector.broadcast %add3A_1001 : i32 to vector<16xi32>
      %add3A_1003 = arith.addi %add3A_688, %add3A_1002 : vector<16xi32>
      tpu.vector_store_idx %arg10[%add3A_972], %gather3A_969 : memref<16384xf32, #tpu.memory_space<vmem>>[vector<16xi32>], vector<16xf32>,
      tpu.vector_store_idx %arg10[%add3A_976], %gather3A_973 : memref<16384xf32, #tpu.memory_space<vmem>>[vector<16xi32>], vector<16xf32>,
      tpu.vector_store_idx %arg10[%add3A_980], %gather3A_977 : memref<16384xf32, #tpu.memory_space<vmem>>[vector<16xi32>], vector<16xf32>,
      tpu.vector_store_idx %arg10[%add3A_984], %gather3A_981 : memref<16384xf32, #tpu.memory_space<vmem>>[vector<16xi32>], vector<16xf32>,
      tpu.vector_store_idx %arg10[%add3A_991], %gather3A_988 : memref<16384xf32, #tpu.memory_space<vmem>>[vector<16xi32>], vector<16xf32>,
      tpu.vector_store_idx %arg10[%add3A_995], %gather3A_992 : memref<16384xf32, #tpu.memory_space<vmem>>[vector<16xi32>], vector<16xf32>,
      tpu.vector_store_idx %arg10[%add3A_999], %gather3A_996 : memref<16384xf32, #tpu.memory_space<vmem>>[vector<16xi32>], vector<16xf32>,
      tpu.vector_store_idx %arg10[%add3A_1003], %gather3A_1000 : memref<16384xf32, #tpu.memory_space<vmem>>[vector<16xi32>], vector<16xf32>,
    }
    %scan3A_468 = arith.constant 16 : i32
    %shift_right_logical3A_469 = arith.constant 399 : i32
    %shift_right_logical3A_470 = arith.constant 1 : i32
    %shift_right_logical3A_471 = arith.shrui %shift_right_logical3A_469, %shift_right_logical3A_470 : i32
    %mul3A_472 = arith.constant 1048576 : i32
    %mul3A_473 = arith.muli %shift_right_logical3A_471, %mul3A_472 : i32
    %add3A_474 = arith.constant 2 : i32
    %add3A_475 = arith.addi %mul3A_4, %add3A_474 : i32
    %mul3A_476 = arith.constant 1024 : i32
    %mul3A_477 = arith.muli %add3A_475, %mul3A_476 : i32
    %add3A_478 = arith.addi %mul3A_473, %mul3A_477 : i32
    %add3A_479 = arith.constant 0 : i32
    %add3A_480 = arith.addi %add3A_478, %add3A_479 : i32
    %dma_start3A_481 = arith.constant 0 : i32
    %dma_start3A_482 = tpu.memref_slice %arg10[%dma_start3A_481] : memref<16384xf32, #tpu.memory_space<vmem>> -> memref<2048xf32, #tpu.memory_space<vmem>>
    %dma_start3A_483 = tpu.memref_slice %arg4[%add3A_480] : memref<209715200xf32, #tpu.memory_space<hbm>> -> memref<2048xf32, #tpu.memory_space<hbm>>
    %dma_start3A_484 = tpu.memref_slice %arg4[%add3A_480] : memref<209715200xf32, #tpu.memory_space<hbm>> -> memref<2048xf32, #tpu.memory_space<hbm>>
    %dma_start3A_485 = arith.constant 0 : i32
    %dma_start3A_486 = tpu.memref_slice %arg10[%dma_start3A_485] : memref<16384xf32, #tpu.memory_space<vmem>> -> memref<2048xf32, #tpu.memory_space<vmem>>
    tpu.enqueue_dma source(%dma_start3A_486 : memref<2048xf32, #tpu.memory_space<vmem>>) target(%dma_start3A_484 : memref<2048xf32, #tpu.memory_space<hbm>>) target_semaphore(%arg16 : memref<!tpu.dma_semaphore, #tpu.memory_space<semaphore_mem>>)
    %add3A_487 = arith.constant 131072 : i32
    %add3A_488 = arith.addi %add3A_478, %add3A_487 : i32
    %dma_start3A_489 = arith.constant 2048 : i32
    %dma_start3A_490 = tpu.memref_slice %arg10[%dma_start3A_489] : memref<16384xf32, #tpu.memory_space<vmem>> -> memref<2048xf32, #tpu.memory_space<vmem>>
    %dma_start3A_491 = tpu.memref_slice %arg4[%add3A_488] : memref<209715200xf32, #tpu.memory_space<hbm>> -> memref<2048xf32, #tpu.memory_space<hbm>>
    %dma_start3A_492 = tpu.memref_slice %arg4[%add3A_488] : memref<209715200xf32, #tpu.memory_space<hbm>> -> memref<2048xf32, #tpu.memory_space<hbm>>
    %dma_start3A_493 = arith.constant 2048 : i32
    %dma_start3A_494 = tpu.memref_slice %arg10[%dma_start3A_493] : memref<16384xf32, #tpu.memory_space<vmem>> -> memref<2048xf32, #tpu.memory_space<vmem>>
    tpu.enqueue_dma source(%dma_start3A_494 : memref<2048xf32, #tpu.memory_space<vmem>>) target(%dma_start3A_492 : memref<2048xf32, #tpu.memory_space<hbm>>) target_semaphore(%arg16 : memref<!tpu.dma_semaphore, #tpu.memory_space<semaphore_mem>>)
    %add3A_495 = arith.constant 262144 : i32
    %add3A_496 = arith.addi %add3A_478, %add3A_495 : i32
    %dma_start3A_497 = arith.constant 4096 : i32
    %dma_start3A_498 = tpu.memref_slice %arg10[%dma_start3A_497] : memref<16384xf32, #tpu.memory_space<vmem>> -> memref<2048xf32, #tpu.memory_space<vmem>>
    %dma_start3A_499 = tpu.memref_slice %arg4[%add3A_496] : memref<209715200xf32, #tpu.memory_space<hbm>> -> memref<2048xf32, #tpu.memory_space<hbm>>
    %dma_start3A_500 = tpu.memref_slice %arg4[%add3A_496] : memref<209715200xf32, #tpu.memory_space<hbm>> -> memref<2048xf32, #tpu.memory_space<hbm>>
    %dma_start3A_501 = arith.constant 4096 : i32
    %dma_start3A_502 = tpu.memref_slice %arg10[%dma_start3A_501] : memref<16384xf32, #tpu.memory_space<vmem>> -> memref<2048xf32, #tpu.memory_space<vmem>>
    tpu.enqueue_dma source(%dma_start3A_502 : memref<2048xf32, #tpu.memory_space<vmem>>) target(%dma_start3A_500 : memref<2048xf32, #tpu.memory_space<hbm>>) target_semaphore(%arg16 : memref<!tpu.dma_semaphore, #tpu.memory_space<semaphore_mem>>)
    %add3A_503 = arith.constant 393216 : i32
    %add3A_504 = arith.addi %add3A_478, %add3A_503 : i32
    %dma_start3A_505 = arith.constant 6144 : i32
    %dma_start3A_506 = tpu.memref_slice %arg10[%dma_start3A_505] : memref<16384xf32, #tpu.memory_space<vmem>> -> memref<2048xf32, #tpu.memory_space<vmem>>
    %dma_start3A_507 = tpu.memref_slice %arg4[%add3A_504] : memref<209715200xf32, #tpu.memory_space<hbm>> -> memref<2048xf32, #tpu.memory_space<hbm>>
    %dma_start3A_508 = tpu.memref_slice %arg4[%add3A_504] : memref<209715200xf32, #tpu.memory_space<hbm>> -> memref<2048xf32, #tpu.memory_space<hbm>>
    %dma_start3A_509 = arith.constant 6144 : i32
    %dma_start3A_510 = tpu.memref_slice %arg10[%dma_start3A_509] : memref<16384xf32, #tpu.memory_space<vmem>> -> memref<2048xf32, #tpu.memory_space<vmem>>
    tpu.enqueue_dma source(%dma_start3A_510 : memref<2048xf32, #tpu.memory_space<vmem>>) target(%dma_start3A_508 : memref<2048xf32, #tpu.memory_space<hbm>>) target_semaphore(%arg16 : memref<!tpu.dma_semaphore, #tpu.memory_space<semaphore_mem>>)
    %add3A_511 = arith.constant 524288 : i32
    %add3A_512 = arith.addi %add3A_478, %add3A_511 : i32
    %dma_start3A_513 = arith.constant 8192 : i32
    %dma_start3A_514 = tpu.memref_slice %arg10[%dma_start3A_513] : memref<16384xf32, #tpu.memory_space<vmem>> -> memref<2048xf32, #tpu.memory_space<vmem>>
    %dma_start3A_515 = tpu.memref_slice %arg4[%add3A_512] : memref<209715200xf32, #tpu.memory_space<hbm>> -> memref<2048xf32, #tpu.memory_space<hbm>>
    %dma_start3A_516 = tpu.memref_slice %arg4[%add3A_512] : memref<209715200xf32, #tpu.memory_space<hbm>> -> memref<2048xf32, #tpu.memory_space<hbm>>
    %dma_start3A_517 = arith.constant 8192 : i32
    %dma_start3A_518 = tpu.memref_slice %arg10[%dma_start3A_517] : memref<16384xf32, #tpu.memory_space<vmem>> -> memref<2048xf32, #tpu.memory_space<vmem>>
    tpu.enqueue_dma source(%dma_start3A_518 : memref<2048xf32, #tpu.memory_space<vmem>>) target(%dma_start3A_516 : memref<2048xf32, #tpu.memory_space<hbm>>) target_semaphore(%arg16 : memref<!tpu.dma_semaphore, #tpu.memory_space<semaphore_mem>>)
    %add3A_519 = arith.constant 655360 : i32
    %add3A_520 = arith.addi %add3A_478, %add3A_519 : i32
    %dma_start3A_521 = arith.constant 10240 : i32
    %dma_start3A_522 = tpu.memref_slice %arg10[%dma_start3A_521] : memref<16384xf32, #tpu.memory_space<vmem>> -> memref<2048xf32, #tpu.memory_space<vmem>>
    %dma_start3A_523 = tpu.memref_slice %arg4[%add3A_520] : memref<209715200xf32, #tpu.memory_space<hbm>> -> memref<2048xf32, #tpu.memory_space<hbm>>
    %dma_start3A_524 = tpu.memref_slice %arg4[%add3A_520] : memref<209715200xf32, #tpu.memory_space<hbm>> -> memref<2048xf32, #tpu.memory_space<hbm>>
    %dma_start3A_525 = arith.constant 10240 : i32
    %dma_start3A_526 = tpu.memref_slice %arg10[%dma_start3A_525] : memref<16384xf32, #tpu.memory_space<vmem>> -> memref<2048xf32, #tpu.memory_space<vmem>>
    tpu.enqueue_dma source(%dma_start3A_526 : memref<2048xf32, #tpu.memory_space<vmem>>) target(%dma_start3A_524 : memref<2048xf32, #tpu.memory_space<hbm>>) target_semaphore(%arg16 : memref<!tpu.dma_semaphore, #tpu.memory_space<semaphore_mem>>)
    %add3A_527 = arith.constant 786432 : i32
    %add3A_528 = arith.addi %add3A_478, %add3A_527 : i32
    %dma_start3A_529 = arith.constant 12288 : i32
    %dma_start3A_530 = tpu.memref_slice %arg10[%dma_start3A_529] : memref<16384xf32, #tpu.memory_space<vmem>> -> memref<2048xf32, #tpu.memory_space<vmem>>
    %dma_start3A_531 = tpu.memref_slice %arg4[%add3A_528] : memref<209715200xf32, #tpu.memory_space<hbm>> -> memref<2048xf32, #tpu.memory_space<hbm>>
    %dma_start3A_532 = tpu.memref_slice %arg4[%add3A_528] : memref<209715200xf32, #tpu.memory_space<hbm>> -> memref<2048xf32, #tpu.memory_space<hbm>>
    %dma_start3A_533 = arith.constant 12288 : i32
    %dma_start3A_534 = tpu.memref_slice %arg10[%dma_start3A_533] : memref<16384xf32, #tpu.memory_space<vmem>> -> memref<2048xf32, #tpu.memory_space<vmem>>
    tpu.enqueue_dma source(%dma_start3A_534 : memref<2048xf32, #tpu.memory_space<vmem>>) target(%dma_start3A_532 : memref<2048xf32, #tpu.memory_space<hbm>>) target_semaphore(%arg16 : memref<!tpu.dma_semaphore, #tpu.memory_space<semaphore_mem>>)
    %add3A_535 = arith.constant 917504 : i32
    %add3A_536 = arith.addi %add3A_478, %add3A_535 : i32
    %dma_start3A_537 = arith.constant 14336 : i32
    %dma_start3A_538 = tpu.memref_slice %arg10[%dma_start3A_537] : memref<16384xf32, #tpu.memory_space<vmem>> -> memref<2048xf32, #tpu.memory_space<vmem>>
    %dma_start3A_539 = tpu.memref_slice %arg4[%add3A_536] : memref<209715200xf32, #tpu.memory_space<hbm>> -> memref<2048xf32, #tpu.memory_space<hbm>>
    %dma_start3A_540 = tpu.memref_slice %arg4[%add3A_536] : memref<209715200xf32, #tpu.memory_space<hbm>> -> memref<2048xf32, #tpu.memory_space<hbm>>
    %dma_start3A_541 = arith.constant 14336 : i32
    %dma_start3A_542 = tpu.memref_slice %arg10[%dma_start3A_541] : memref<16384xf32, #tpu.memory_space<vmem>> -> memref<2048xf32, #tpu.memory_space<vmem>>
    tpu.enqueue_dma source(%dma_start3A_542 : memref<2048xf32, #tpu.memory_space<vmem>>) target(%dma_start3A_540 : memref<2048xf32, #tpu.memory_space<hbm>>) target_semaphore(%arg16 : memref<!tpu.dma_semaphore, #tpu.memory_space<semaphore_mem>>)
    %dma_wait3A_543 = arith.constant 0 : i32
    %dma_wait3A_544 = tpu.memref_slice %arg9[%dma_wait3A_543] : memref<16384xf32, #tpu.memory_space<vmem>> -> memref<2048xf32, #tpu.memory_space<vmem>>
    %dma_wait3A_545 = arith.constant 0 : i32
    %dma_wait3A_546 = tpu.memref_slice %arg4[%dma_wait3A_545] : memref<209715200xf32, #tpu.memory_space<hbm>> -> memref<2048xf32, #tpu.memory_space<hbm>>
    %dma_wait3A_547 = arith.constant 0 : i32
    %dma_wait3A_548 = tpu.memref_slice %arg4[%dma_wait3A_547] : memref<209715200xf32, #tpu.memory_space<hbm>> -> memref<2048xf32, #tpu.memory_space<hbm>>
    %dma_wait3A_549 = arith.constant 0 : i32
    %dma_wait3A_550 = tpu.memref_slice %arg9[%dma_wait3A_549] : memref<16384xf32, #tpu.memory_space<vmem>> -> memref<2048xf32, #tpu.memory_space<vmem>>
    tpu.wait_dma2 semaphore(%arg15 : memref<!tpu.dma_semaphore, #tpu.memory_space<semaphore_mem>>) src(%dma_wait3A_550 : memref<2048xf32, #tpu.memory_space<vmem>>) dst(%dma_wait3A_548 : memref<2048xf32, #tpu.memory_space<hbm>>)
    %dma_wait3A_551 = arith.constant 0 : i32
    %dma_wait3A_552 = tpu.memref_slice %arg9[%dma_wait3A_551] : memref<16384xf32, #tpu.memory_space<vmem>> -> memref<2048xf32, #tpu.memory_space<vmem>>
    %dma_wait3A_553 = arith.constant 0 : i32
    %dma_wait3A_554 = tpu.memref_slice %arg4[%dma_wait3A_553] : memref<209715200xf32, #tpu.memory_space<hbm>> -> memref<2048xf32, #tpu.memory_space<hbm>>
    %dma_wait3A_555 = arith.constant 0 : i32
    %dma_wait3A_556 = tpu.memref_slice %arg4[%dma_wait3A_555] : memref<209715200xf32, #tpu.memory_space<hbm>> -> memref<2048xf32, #tpu.memory_space<hbm>>
    %dma_wait3A_557 = arith.constant 0 : i32
    %dma_wait3A_558 = tpu.memref_slice %arg9[%dma_wait3A_557] : memref<16384xf32, #tpu.memory_space<vmem>> -> memref<2048xf32, #tpu.memory_space<vmem>>
    tpu.wait_dma2 semaphore(%arg15 : memref<!tpu.dma_semaphore, #tpu.memory_space<semaphore_mem>>) src(%dma_wait3A_558 : memref<2048xf32, #tpu.memory_space<vmem>>) dst(%dma_wait3A_556 : memref<2048xf32, #tpu.memory_space<hbm>>)
    %dma_wait3A_559 = arith.constant 0 : i32
    %dma_wait3A_560 = tpu.memref_slice %arg9[%dma_wait3A_559] : memref<16384xf32, #tpu.memory_space<vmem>> -> memref<2048xf32, #tpu.memory_space<vmem>>
    %dma_wait3A_561 = arith.constant 0 : i32
    %dma_wait3A_562 = tpu.memref_slice %arg4[%dma_wait3A_561] : memref<209715200xf32, #tpu.memory_space<hbm>> -> memref<2048xf32, #tpu.memory_space<hbm>>
    %dma_wait3A_563 = arith.constant 0 : i32
    %dma_wait3A_564 = tpu.memref_slice %arg4[%dma_wait3A_563] : memref<209715200xf32, #tpu.memory_space<hbm>> -> memref<2048xf32, #tpu.memory_space<hbm>>
    %dma_wait3A_565 = arith.constant 0 : i32
    %dma_wait3A_566 = tpu.memref_slice %arg9[%dma_wait3A_565] : memref<16384xf32, #tpu.memory_space<vmem>> -> memref<2048xf32, #tpu.memory_space<vmem>>
    tpu.wait_dma2 semaphore(%arg15 : memref<!tpu.dma_semaphore, #tpu.memory_space<semaphore_mem>>) src(%dma_wait3A_566 : memref<2048xf32, #tpu.memory_space<vmem>>) dst(%dma_wait3A_564 : memref<2048xf32, #tpu.memory_space<hbm>>)
    %dma_wait3A_567 = arith.constant 0 : i32
    %dma_wait3A_568 = tpu.memref_slice %arg9[%dma_wait3A_567] : memref<16384xf32, #tpu.memory_space<vmem>> -> memref<2048xf32, #tpu.memory_space<vmem>>
    %dma_wait3A_569 = arith.constant 0 : i32
    %dma_wait3A_570 = tpu.memref_slice %arg4[%dma_wait3A_569] : memref<209715200xf32, #tpu.memory_space<hbm>> -> memref<2048xf32, #tpu.memory_space<hbm>>
    %dma_wait3A_571 = arith.constant 0 : i32
    %dma_wait3A_572 = tpu.memref_slice %arg4[%dma_wait3A_571] : memref<209715200xf32, #tpu.memory_space<hbm>> -> memref<2048xf32, #tpu.memory_space<hbm>>
    %dma_wait3A_573 = arith.constant 0 : i32
    %dma_wait3A_574 = tpu.memref_slice %arg9[%dma_wait3A_573] : memref<16384xf32, #tpu.memory_space<vmem>> -> memref<2048xf32, #tpu.memory_space<vmem>>
    tpu.wait_dma2 semaphore(%arg15 : memref<!tpu.dma_semaphore, #tpu.memory_space<semaphore_mem>>) src(%dma_wait3A_574 : memref<2048xf32, #tpu.memory_space<vmem>>) dst(%dma_wait3A_572 : memref<2048xf32, #tpu.memory_space<hbm>>)
    %dma_wait3A_575 = arith.constant 0 : i32
    %dma_wait3A_576 = tpu.memref_slice %arg9[%dma_wait3A_575] : memref<16384xf32, #tpu.memory_space<vmem>> -> memref<2048xf32, #tpu.memory_space<vmem>>
    %dma_wait3A_577 = arith.constant 0 : i32
    %dma_wait3A_578 = tpu.memref_slice %arg4[%dma_wait3A_577] : memref<209715200xf32, #tpu.memory_space<hbm>> -> memref<2048xf32, #tpu.memory_space<hbm>>
    %dma_wait3A_579 = arith.constant 0 : i32
    %dma_wait3A_580 = tpu.memref_slice %arg4[%dma_wait3A_579] : memref<209715200xf32, #tpu.memory_space<hbm>> -> memref<2048xf32, #tpu.memory_space<hbm>>
    %dma_wait3A_581 = arith.constant 0 : i32
    %dma_wait3A_582 = tpu.memref_slice %arg9[%dma_wait3A_581] : memref<16384xf32, #tpu.memory_space<vmem>> -> memref<2048xf32, #tpu.memory_space<vmem>>
    tpu.wait_dma2 semaphore(%arg15 : memref<!tpu.dma_semaphore, #tpu.memory_space<semaphore_mem>>) src(%dma_wait3A_582 : memref<2048xf32, #tpu.memory_space<vmem>>) dst(%dma_wait3A_580 : memref<2048xf32, #tpu.memory_space<hbm>>)
    %dma_wait3A_583 = arith.constant 0 : i32
    %dma_wait3A_584 = tpu.memref_slice %arg9[%dma_wait3A_583] : memref<16384xf32, #tpu.memory_space<vmem>> -> memref<2048xf32, #tpu.memory_space<vmem>>
    %dma_wait3A_585 = arith.constant 0 : i32
    %dma_wait3A_586 = tpu.memref_slice %arg4[%dma_wait3A_585] : memref<209715200xf32, #tpu.memory_space<hbm>> -> memref<2048xf32, #tpu.memory_space<hbm>>
    %dma_wait3A_587 = arith.constant 0 : i32
    %dma_wait3A_588 = tpu.memref_slice %arg4[%dma_wait3A_587] : memref<209715200xf32, #tpu.memory_space<hbm>> -> memref<2048xf32, #tpu.memory_space<hbm>>
    %dma_wait3A_589 = arith.constant 0 : i32
    %dma_wait3A_590 = tpu.memref_slice %arg9[%dma_wait3A_589] : memref<16384xf32, #tpu.memory_space<vmem>> -> memref<2048xf32, #tpu.memory_space<vmem>>
    tpu.wait_dma2 semaphore(%arg15 : memref<!tpu.dma_semaphore, #tpu.memory_space<semaphore_mem>>) src(%dma_wait3A_590 : memref<2048xf32, #tpu.memory_space<vmem>>) dst(%dma_wait3A_588 : memref<2048xf32, #tpu.memory_space<hbm>>)
    %dma_wait3A_591 = arith.constant 0 : i32
    %dma_wait3A_592 = tpu.memref_slice %arg9[%dma_wait3A_591] : memref<16384xf32, #tpu.memory_space<vmem>> -> memref<2048xf32, #tpu.memory_space<vmem>>
    %dma_wait3A_593 = arith.constant 0 : i32
    %dma_wait3A_594 = tpu.memref_slice %arg4[%dma_wait3A_593] : memref<209715200xf32, #tpu.memory_space<hbm>> -> memref<2048xf32, #tpu.memory_space<hbm>>
    %dma_wait3A_595 = arith.constant 0 : i32
    %dma_wait3A_596 = tpu.memref_slice %arg4[%dma_wait3A_595] : memref<209715200xf32, #tpu.memory_space<hbm>> -> memref<2048xf32, #tpu.memory_space<hbm>>
    %dma_wait3A_597 = arith.constant 0 : i32
    %dma_wait3A_598 = tpu.memref_slice %arg9[%dma_wait3A_597] : memref<16384xf32, #tpu.memory_space<vmem>> -> memref<2048xf32, #tpu.memory_space<vmem>>
    tpu.wait_dma2 semaphore(%arg15 : memref<!tpu.dma_semaphore, #tpu.memory_space<semaphore_mem>>) src(%dma_wait3A_598 : memref<2048xf32, #tpu.memory_space<vmem>>) dst(%dma_wait3A_596 : memref<2048xf32, #tpu.memory_space<hbm>>)
    %dma_wait3A_599 = arith.constant 0 : i32
    %dma_wait3A_600 = tpu.memref_slice %arg9[%dma_wait3A_599] : memref<16384xf32, #tpu.memory_space<vmem>> -> memref<2048xf32, #tpu.memory_space<vmem>>
    %dma_wait3A_601 = arith.constant 0 : i32
    %dma_wait3A_602 = tpu.memref_slice %arg4[%dma_wait3A_601] : memref<209715200xf32, #tpu.memory_space<hbm>> -> memref<2048xf32, #tpu.memory_space<hbm>>
    %dma_wait3A_603 = arith.constant 0 : i32
    %dma_wait3A_604 = tpu.memref_slice %arg4[%dma_wait3A_603] : memref<209715200xf32, #tpu.memory_space<hbm>> -> memref<2048xf32, #tpu.memory_space<hbm>>
    %dma_wait3A_605 = arith.constant 0 : i32
    %dma_wait3A_606 = tpu.memref_slice %arg9[%dma_wait3A_605] : memref<16384xf32, #tpu.memory_space<vmem>> -> memref<2048xf32, #tpu.memory_space<vmem>>
    tpu.wait_dma2 semaphore(%arg15 : memref<!tpu.dma_semaphore, #tpu.memory_space<semaphore_mem>>) src(%dma_wait3A_606 : memref<2048xf32, #tpu.memory_space<vmem>>) dst(%dma_wait3A_604 : memref<2048xf32, #tpu.memory_space<hbm>>)
    %dma_wait3A_607 = arith.constant 0 : i32
    %dma_wait3A_608 = tpu.memref_slice %arg10[%dma_wait3A_607] : memref<16384xf32, #tpu.memory_space<vmem>> -> memref<2048xf32, #tpu.memory_space<vmem>>
    %dma_wait3A_609 = arith.constant 0 : i32
    %dma_wait3A_610 = tpu.memref_slice %arg4[%dma_wait3A_609] : memref<209715200xf32, #tpu.memory_space<hbm>> -> memref<2048xf32, #tpu.memory_space<hbm>>
    %dma_wait3A_611 = arith.constant 0 : i32
    %dma_wait3A_612 = tpu.memref_slice %arg4[%dma_wait3A_611] : memref<209715200xf32, #tpu.memory_space<hbm>> -> memref<2048xf32, #tpu.memory_space<hbm>>
    %dma_wait3A_613 = arith.constant 0 : i32
    %dma_wait3A_614 = tpu.memref_slice %arg10[%dma_wait3A_613] : memref<16384xf32, #tpu.memory_space<vmem>> -> memref<2048xf32, #tpu.memory_space<vmem>>
    tpu.wait_dma2 semaphore(%arg16 : memref<!tpu.dma_semaphore, #tpu.memory_space<semaphore_mem>>) src(%dma_wait3A_614 : memref<2048xf32, #tpu.memory_space<vmem>>) dst(%dma_wait3A_612 : memref<2048xf32, #tpu.memory_space<hbm>>)
    %dma_wait3A_615 = arith.constant 0 : i32
    %dma_wait3A_616 = tpu.memref_slice %arg10[%dma_wait3A_615] : memref<16384xf32, #tpu.memory_space<vmem>> -> memref<2048xf32, #tpu.memory_space<vmem>>
    %dma_wait3A_617 = arith.constant 0 : i32
    %dma_wait3A_618 = tpu.memref_slice %arg4[%dma_wait3A_617] : memref<209715200xf32, #tpu.memory_space<hbm>> -> memref<2048xf32, #tpu.memory_space<hbm>>
    %dma_wait3A_619 = arith.constant 0 : i32
    %dma_wait3A_620 = tpu.memref_slice %arg4[%dma_wait3A_619] : memref<209715200xf32, #tpu.memory_space<hbm>> -> memref<2048xf32, #tpu.memory_space<hbm>>
    %dma_wait3A_621 = arith.constant 0 : i32
    %dma_wait3A_622 = tpu.memref_slice %arg10[%dma_wait3A_621] : memref<16384xf32, #tpu.memory_space<vmem>> -> memref<2048xf32, #tpu.memory_space<vmem>>
    tpu.wait_dma2 semaphore(%arg16 : memref<!tpu.dma_semaphore, #tpu.memory_space<semaphore_mem>>) src(%dma_wait3A_622 : memref<2048xf32, #tpu.memory_space<vmem>>) dst(%dma_wait3A_620 : memref<2048xf32, #tpu.memory_space<hbm>>)
    %dma_wait3A_623 = arith.constant 0 : i32
    %dma_wait3A_624 = tpu.memref_slice %arg10[%dma_wait3A_623] : memref<16384xf32, #tpu.memory_space<vmem>> -> memref<2048xf32, #tpu.memory_space<vmem>>
    %dma_wait3A_625 = arith.constant 0 : i32
    %dma_wait3A_626 = tpu.memref_slice %arg4[%dma_wait3A_625] : memref<209715200xf32, #tpu.memory_space<hbm>> -> memref<2048xf32, #tpu.memory_space<hbm>>
    %dma_wait3A_627 = arith.constant 0 : i32
    %dma_wait3A_628 = tpu.memref_slice %arg4[%dma_wait3A_627] : memref<209715200xf32, #tpu.memory_space<hbm>> -> memref<2048xf32, #tpu.memory_space<hbm>>
    %dma_wait3A_629 = arith.constant 0 : i32
    %dma_wait3A_630 = tpu.memref_slice %arg10[%dma_wait3A_629] : memref<16384xf32, #tpu.memory_space<vmem>> -> memref<2048xf32, #tpu.memory_space<vmem>>
    tpu.wait_dma2 semaphore(%arg16 : memref<!tpu.dma_semaphore, #tpu.memory_space<semaphore_mem>>) src(%dma_wait3A_630 : memref<2048xf32, #tpu.memory_space<vmem>>) dst(%dma_wait3A_628 : memref<2048xf32, #tpu.memory_space<hbm>>)
    %dma_wait3A_631 = arith.constant 0 : i32
    %dma_wait3A_632 = tpu.memref_slice %arg10[%dma_wait3A_631] : memref<16384xf32, #tpu.memory_space<vmem>> -> memref<2048xf32, #tpu.memory_space<vmem>>
    %dma_wait3A_633 = arith.constant 0 : i32
    %dma_wait3A_634 = tpu.memref_slice %arg4[%dma_wait3A_633] : memref<209715200xf32, #tpu.memory_space<hbm>> -> memref<2048xf32, #tpu.memory_space<hbm>>
    %dma_wait3A_635 = arith.constant 0 : i32
    %dma_wait3A_636 = tpu.memref_slice %arg4[%dma_wait3A_635] : memref<209715200xf32, #tpu.memory_space<hbm>> -> memref<2048xf32, #tpu.memory_space<hbm>>
    %dma_wait3A_637 = arith.constant 0 : i32
    %dma_wait3A_638 = tpu.memref_slice %arg10[%dma_wait3A_637] : memref<16384xf32, #tpu.memory_space<vmem>> -> memref<2048xf32, #tpu.memory_space<vmem>>
    tpu.wait_dma2 semaphore(%arg16 : memref<!tpu.dma_semaphore, #tpu.memory_space<semaphore_mem>>) src(%dma_wait3A_638 : memref<2048xf32, #tpu.memory_space<vmem>>) dst(%dma_wait3A_636 : memref<2048xf32, #tpu.memory_space<hbm>>)
    %dma_wait3A_639 = arith.constant 0 : i32
    %dma_wait3A_640 = tpu.memref_slice %arg10[%dma_wait3A_639] : memref<16384xf32, #tpu.memory_space<vmem>> -> memref<2048xf32, #tpu.memory_space<vmem>>
    %dma_wait3A_641 = arith.constant 0 : i32
    %dma_wait3A_642 = tpu.memref_slice %arg4[%dma_wait3A_641] : memref<209715200xf32, #tpu.memory_space<hbm>> -> memref<2048xf32, #tpu.memory_space<hbm>>
    %dma_wait3A_643 = arith.constant 0 : i32
    %dma_wait3A_644 = tpu.memref_slice %arg4[%dma_wait3A_643] : memref<209715200xf32, #tpu.memory_space<hbm>> -> memref<2048xf32, #tpu.memory_space<hbm>>
    %dma_wait3A_645 = arith.constant 0 : i32
    %dma_wait3A_646 = tpu.memref_slice %arg10[%dma_wait3A_645] : memref<16384xf32, #tpu.memory_space<vmem>> -> memref<2048xf32, #tpu.memory_space<vmem>>
    tpu.wait_dma2 semaphore(%arg16 : memref<!tpu.dma_semaphore, #tpu.memory_space<semaphore_mem>>) src(%dma_wait3A_646 : memref<2048xf32, #tpu.memory_space<vmem>>) dst(%dma_wait3A_644 : memref<2048xf32, #tpu.memory_space<hbm>>)
    %dma_wait3A_647 = arith.constant 0 : i32
    %dma_wait3A_648 = tpu.memref_slice %arg10[%dma_wait3A_647] : memref<16384xf32, #tpu.memory_space<vmem>> -> memref<2048xf32, #tpu.memory_space<vmem>>
    %dma_wait3A_649 = arith.constant 0 : i32
    %dma_wait3A_650 = tpu.memref_slice %arg4[%dma_wait3A_649] : memref<209715200xf32, #tpu.memory_space<hbm>> -> memref<2048xf32, #tpu.memory_space<hbm>>
    %dma_wait3A_651 = arith.constant 0 : i32
    %dma_wait3A_652 = tpu.memref_slice %arg4[%dma_wait3A_651] : memref<209715200xf32, #tpu.memory_space<hbm>> -> memref<2048xf32, #tpu.memory_space<hbm>>
    %dma_wait3A_653 = arith.constant 0 : i32
    %dma_wait3A_654 = tpu.memref_slice %arg10[%dma_wait3A_653] : memref<16384xf32, #tpu.memory_space<vmem>> -> memref<2048xf32, #tpu.memory_space<vmem>>
    tpu.wait_dma2 semaphore(%arg16 : memref<!tpu.dma_semaphore, #tpu.memory_space<semaphore_mem>>) src(%dma_wait3A_654 : memref<2048xf32, #tpu.memory_space<vmem>>) dst(%dma_wait3A_652 : memref<2048xf32, #tpu.memory_space<hbm>>)
    %dma_wait3A_655 = arith.constant 0 : i32
    %dma_wait3A_656 = tpu.memref_slice %arg10[%dma_wait3A_655] : memref<16384xf32, #tpu.memory_space<vmem>> -> memref<2048xf32, #tpu.memory_space<vmem>>
    %dma_wait3A_657 = arith.constant 0 : i32
    %dma_wait3A_658 = tpu.memref_slice %arg4[%dma_wait3A_657] : memref<209715200xf32, #tpu.memory_space<hbm>> -> memref<2048xf32, #tpu.memory_space<hbm>>
    %dma_wait3A_659 = arith.constant 0 : i32
    %dma_wait3A_660 = tpu.memref_slice %arg4[%dma_wait3A_659] : memref<209715200xf32, #tpu.memory_space<hbm>> -> memref<2048xf32, #tpu.memory_space<hbm>>
    %dma_wait3A_661 = arith.constant 0 : i32
    %dma_wait3A_662 = tpu.memref_slice %arg10[%dma_wait3A_661] : memref<16384xf32, #tpu.memory_space<vmem>> -> memref<2048xf32, #tpu.memory_space<vmem>>
    tpu.wait_dma2 semaphore(%arg16 : memref<!tpu.dma_semaphore, #tpu.memory_space<semaphore_mem>>) src(%dma_wait3A_662 : memref<2048xf32, #tpu.memory_space<vmem>>) dst(%dma_wait3A_660 : memref<2048xf32, #tpu.memory_space<hbm>>)
    %dma_wait3A_663 = arith.constant 0 : i32
    %dma_wait3A_664 = tpu.memref_slice %arg10[%dma_wait3A_663] : memref<16384xf32, #tpu.memory_space<vmem>> -> memref<2048xf32, #tpu.memory_space<vmem>>
    %dma_wait3A_665 = arith.constant 0 : i32
    %dma_wait3A_666 = tpu.memref_slice %arg4[%dma_wait3A_665] : memref<209715200xf32, #tpu.memory_space<hbm>> -> memref<2048xf32, #tpu.memory_space<hbm>>
    %dma_wait3A_667 = arith.constant 0 : i32
    %dma_wait3A_668 = tpu.memref_slice %arg4[%dma_wait3A_667] : memref<209715200xf32, #tpu.memory_space<hbm>> -> memref<2048xf32, #tpu.memory_space<hbm>>
    %dma_wait3A_669 = arith.constant 0 : i32
    %dma_wait3A_670 = tpu.memref_slice %arg10[%dma_wait3A_669] : memref<16384xf32, #tpu.memory_space<vmem>> -> memref<2048xf32, #tpu.memory_space<vmem>>
    tpu.wait_dma2 semaphore(%arg16 : memref<!tpu.dma_semaphore, #tpu.memory_space<semaphore_mem>>) src(%dma_wait3A_670 : memref<2048xf32, #tpu.memory_space<vmem>>) dst(%dma_wait3A_668 : memref<2048xf32, #tpu.memory_space<hbm>>)
    return
  }
}

</mosaic_0001>

<sc_bundles>
// kernel: kernel.3.cloned.1.call-start
scs
__scs_entry_jumppad:
0x0: {  	(pc) =	sbr.rel $0x88, $3  }
0x1: {  	(tag) =	ssettag $0x0;
	lr =	simm.s32 $0x1  }
0x2: {  	[smem:$0x3F9F] =	sst lr;
	_ =	strace $0xD0000000  }
0x3: {  	_ = 	snop  }
0x4: {  	_ = 	snop  }
0x5: {  	_ = 	snop  }
0x6: {  	_ = 	snop  }
0x7: {  	_ = 	snop  }
__scs_overlays_trampoline_lowered:
0x8: {  	[smem:$0x3FAE] =	sst s0  }
0x9: {  	[smem:$0x3FAF] =	sst s1  }
0xa: {  	[smem:$0x3FB0] =	sst s2  }
0xb: {  	[smem:$0x3FB1] =	sst s3  }
0xc: {  	[smem:$0x3FB2] =	sst s4  }
0xd: {  	[smem:$0x3FB3] =	sst s5  }
0xe: {  	[smem:$0x3FB4] =	sst s6  }
0xf: {  	[smem:$0x3FB5] =	sst s7  }
0x10: {  	[smem:$0x3FB6] =	sst s8  }
0x11: {  	[smem:$0x3FB7] =	sst s9;
	s0 =	simm.s32 @!p0 $0x0  }
0x12: {  	s1 =	sld [smem:$0x3F9D];
	s0 =	simm.s32 @p0 $0x1  }
0x13: {  	[smem:$0x3FB8] =	sst s0;
	s0 =	simm.s32 @!p1 $0x0  }
0x14: {  	s2 =	sld [smem:$0x3F9C];
	s0 =	simm.s32 @p1 $0x1  }
0x15: {  	[smem:$0x3FB9] =	sst s0;
	s0 =	simm.s32 @!p2 $0x0  }
0x16: {  	s3 =	sld [smem:$0x3FDB];
	s0 =	simm.s32 @p2 $0x1  }
0x17: {  	s4 =	simm.s32 $0x1BF5;
	[smem:$0x3FBB] =	sst s0  }
0x18: {  	s0 =	sld [smem:$0x3F9E];
	_ =	swait.ge [sflag:s4], $0x0  }
0x19: {  	s7 =	sld [smem:$0x3F9F]  }
0x1a: {  	s8 =	sadd.s32 $0xFFFFE003, lr  }
0x1b: {  	s9 =	sadd.s32 $0xFFFFFEF7, lr;
	s5 =	simm.s32 $0xFFFFFFFF;
	p2 =	slt.u32 s8, $0xFFFFF086  }
0x1c: {  	p1 =	slt.u32 s9, $0xF7A;
	s5 =	simm.s32 @!p2 $0x0  }
0x1d: {  	s5 =	simm.s32 @p1 $0x1;
	p0 =	seq.s32 s7, s2  }
0x1e: {  	s7 =	smul.u32 @!p0 $0xF7A, s2;
	p2 =	seq.s32 @!p0 s5, $0x0  }
0x1f: {  	s9 =	smul.u32 $0xF7A, s1;
	s8 =	simm.s32 @!p0 $0x1BF5;
	p2 =	por !p2, p0  }
0x20: {  	[sflag:s8] =	ssyncset.s32 @!p0 $0xFFFFF086;
	s6 =	sadd.s32 @!p0 s3, s7;
	s7 =	simm.s32 @!p0 $0x108  }
0x21: {  	s3 =	sadd.s32 s3, s9;
	s6 =	sadd.s32 @!p0 $0x88, s6;
	s7 =	simm.s32 @p2 $0x1082  }
0x22: {  	[simem:s7], [sflag:s8] =	dma.local @!p0 [hbm:s6], $0xF7A  }
0x23: {  	s9 =	sor.u32 $0xD0000000, s2;
	s6 =	simm.s32 $0x108;
	_ =	swait.ge @!p0 [sflag:s8], $0x0  }
0x24: {  	s3 =	sadd.s32 $0x88, s3;
	s6 =	simm.s32 @!p1 $0x1082;
	[sflag:s4] =	ssyncset.s32 $0xFFFFF086  }
0x25: {  	[simem:s6], [sflag:s4] =	dma.local [hbm:s3], $0xF7A  }
0x26: {  	[smem:$0x3F9F] =	sst s1;
	(tag) =	ssettag s2;
	_ =	strace s9  }
0x27: {  	s1 =	sld [smem:$0x3FAF]  }
0x28: {  	s2 =	sld [smem:$0x3FB0]  }
0x29: {  	s4 =	sld [smem:$0x3FB2]  }
0x2a: {  	p0 =	seq.s32 s5, $0x0;
	s5 =	sld [smem:$0x3FB3]  }
0x2b: {  	s6 =	sld [smem:$0x3FB4]  }
0x2c: {  	s7 =	sld [smem:$0x3FB5]  }
0x2d: {  	s3 =	simm.s32 $0x108;
	s8 =	sld [smem:$0x3FB6]  }
0x2e: {  	s3 =	simm.s32 @!p0 $0x1082;
	s9 =	sld [smem:$0x3FB7]  }
0x2f: {  	lr =	sadd.s32 s0, s3;
	s0 =	sld [smem:$0x3FAE]  }
0x30: {  	s3 =	sld [smem:$0x3FB1]  }
0x31: {  	[smem:$0x3FBA] =	sst s10  }
0x32: {  	s10 =	sld [smem:$0x3FB8];
	_ =	sdelay $0x3  }
0x33: {  	p0 =	seq.s32 s10, $0x1;
	s10 =	sld [smem:$0x3FBA];
	_ =	sdelay $0x3  }
0x34: {  	[smem:$0x3FBA] =	sst s10  }
0x35: {  	s10 =	sld [smem:$0x3FB9];
	_ =	sdelay $0x3  }
0x36: {  	p1 =	seq.s32 s10, $0x1;
	s10 =	sld [smem:$0x3FBA];
	_ =	sdelay $0x3  }
0x37: {  	[smem:$0x3FBA] =	sst s10  }
0x38: {  	s10 =	sld [smem:$0x3FBB]  }
0x39: {  	_ = 	snop;
	(pc) =	sbr.ind lr, $3  }
0x3a: {  	_ = 	snop  }
0x3b: {  	_ = 	snop  }
0x3c: {  	p2 =	seq.s32 s10, $0x1;
	s10 =	sld [smem:$0x3FBA]  }
0x3d: {  	_ =	shalt  }
0x3e: {  	_ =	shalt  }
0x3f: {  	_ =	shalt  }
0x40: {  	_ =	shalt  }
0x41: {  	_ =	shalt  }
0x42: {  	_ =	shalt  }
0x43: {  	_ =	shalt  }
0x44: {  	_ =	shalt  }
0x45: {  	_ =	shalt  }
0x46: {  	_ =	shalt  }
0x47: {  	_ =	shalt  }
0x48: {  	_ =	shalt  }
0x49: {  	_ =	shalt  }
0x4a: {  	_ =	shalt  }
0x4b: {  	_ =	shalt  }
0x4c: {  	_ =	shalt  }
0x4d: {  	_ =	shalt  }
0x4e: {  	_ =	shalt  }
0x4f: {  	_ =	shalt  }
0x50: {  	_ =	shalt  }
0x51: {  	_ =	shalt  }
0x52: {  	_ =	shalt  }
0x53: {  	_ =	shalt  }
0x54: {  	_ =	shalt  }
0x55: {  	_ =	shalt  }
0x56: {  	_ =	shalt  }
0x57: {  	_ =	shalt  }
0x58: {  	_ =	shalt  }
0x59: {  	_ =	shalt  }
0x5a: {  	_ =	shalt  }
0x5b: {  	_ =	shalt  }
0x5c: {  	_ =	shalt  }
0x5d: {  	_ =	shalt  }
0x5e: {  	_ =	shalt  }
0x5f: {  	_ =	shalt  }
0x60: {  	_ =	shalt  }
0x61: {  	_ =	shalt  }
0x62: {  	_ =	shalt  }
0x63: {  	_ =	shalt  }
0x64: {  	_ =	shalt  }
0x65: {  	_ =	shalt  }
0x66: {  	_ =	shalt  }
0x67: {  	_ =	shalt  }
0x68: {  	_ =	shalt  }
0x69: {  	_ =	shalt  }
0x6a: {  	_ =	shalt  }
0x6b: {  	_ =	shalt  }
0x6c: {  	_ =	shalt  }
0x6d: {  	_ =	shalt  }
0x6e: {  	_ =	shalt  }
0x6f: {  	_ =	shalt  }
0x70: {  	_ =	shalt  }
0x71: {  	_ =	shalt  }
0x72: {  	_ =	shalt  }
0x73: {  	_ =	shalt  }
0x74: {  	_ =	shalt  }
0x75: {  	_ =	shalt  }
0x76: {  	_ =	shalt  }
0x77: {  	_ =	shalt  }
0x78: {  	_ =	shalt  }
0x79: {  	_ =	shalt  }
0x7a: {  	_ =	shalt  }
0x7b: {  	_ =	shalt  }
0x7c: {  	_ =	shalt  }
0x7d: {  	_ =	shalt  }
0x7e: {  	_ =	shalt  }
0x7f: {  	_ =	shalt  }
0x80: {  	_ =	shalt  }
0x81: {  	_ =	shalt  }
0x82: {  	_ =	shalt  }
0x83: {  	_ =	shalt  }
0x84: {  	_ =	shalt  }
0x85: {  	_ =	shalt  }
0x86: {  	_ =	shalt  }
0x87: {  	_ =	shalt  }
.Lfunc_end0:
.L_simem_size_0:
called_computation_lowered:
.L_overlay_start_0:
0x88: {  	s2 =	sld [smem:$0x3FD9]  }
0x89: {  	s3 =	sld [smem:$0x3FFE];
	_ =	sdelay $0x1  }
0x8a: {  	s1 =	srdreg.scid  }
0x8b: {  	s0 =	sand.u32 $0x1, s1  }
0x8c: {  	s17 =	sshll.u32 s0, $0xA;
	s2 =	sadd.s32 s3, s2  }
0x8d: {  	s2 =	sadd.s32 s2, s17  }
0x8e: {  	[smem:$0x3FC6] =	sst s2  }
0x8f: {  	_ = 	snop  }
0x90: {  	s2 =	sld [smem:$0x3FD0];
	(tm) =	ssettm $0x1  }
0x91: {  	s18 =	sld [smem:$0x3FFB];
	_ =	sdelay $0x3  }
0x92: {  	_ =	strace s18  }
0x93: {  	s3 =	sld [smem:$0x3FFC];
	_ =	sdelay $0x3  }
0x94: {  	_ =	strace s3  }
0x95: {  	s3 =	sld [smem:$0x3FFD];
	_ =	sdelay $0x3  }
0x96: {  	_ =	strace s3  }
0x97: {  	_ =	strace $0x8FFFFFFF  }
0x98: {  	s19 =	sld [smem:$0x3FDB];
	_ =	sdelay $0x1  }
0x99: {  	s4 =	simm.s32 $_scs_section_size  }
0x9a: {  	s5 =	simm.s32 $_size__tile_overlayer_lowered;
	s6 =	simm.s32 $_tile_overlayer_lowered  }
0x9b: {  	s22 =	simm.s32 $0x1BFF;
	s21 =	sshll.u32 s6, $0x1;
	s3 =	sadd.s32 s4, s19  }
0x9c: {  	s7 =	simm.s32 $0x0;
	s20 =	sshll.u32 s5, $0x1;
	s5 =	sadd.s32 s21, s3  }
0x9d: {  	[timem:s7], [sflag:s22] =	dma.local [hbm:s5], s20  }
0x9e: {  	_ =	swait.ge [sflag:s22], s20  }
0x9f: {  	s4 =	ssub.s32 $0x0, s20;
	[sflag:s22] =	ssyncset.done $0x0  }
0xa0: {  	[sflag:s22] =	ssyncadd.s32 s4;
	_ =	sdelay $0x1  }
0xa1: {  	s23 =	simm.s32 $0x1B8B  }
0xa2: {  	_ =	swait.ge [sflag:s23], $0x1  }
0xa3: {  	[sflag:s23] =	ssyncset.done $0x0  }
0xa4: {  	s25 =	simm.s32 $0x1B8E;
	s24 =	sld [smem:$0x3FFE];
	[sflag:s23] =	ssyncadd.s32 $0xFFFFFFFF  }
0xa5: {  	s26 =	simm.s32 $execute0_lowered;
	[smem:$0x3FD2] =	sst s25  }
0xa6: {  	s5 =	sshll.u32 s26, $0x1;
	_ =	strace $0x80000046;
	[dreg:$0x1] =	wrdreg $0xFFFFFFFF  }
0xa7: {  	s28 =	simm.s32 $_size_execute0_lowered;
	s3 =	sadd.s32 s3, s5;
	[dreg:$0x0] =	wrdreg $0x0  }
0xa8: {  	s5 =	sshll.u32 s28, $0x1;
	[dreg:$0x2] =	wrdreg s3  }
0xa9: {  	[dreg:$0x3] =	wrdreg s5  }
0xaa: {  	[dreg:$0x4] =	wrdreg $0xC0  }
0xab: {  	_ =	task [dreg:s7], $0x5FFFF  }
0xac: {  	[dreg:$0x1] =	wrdreg $0xFFFFFFFF  }
0xad: {  	[dreg:$0x0] =	wrdreg $0x60  }
0xae: {  	[dreg:$0x2] =	wrdreg s24  }
0xaf: {  	[dreg:$0x3] =	wrdreg s2  }
0xb0: {  	[dreg:$0x4] =	wrdreg $0x9  }
0xb1: {  	_ =	task.clear_ibuf [dreg:s7], $0x5FFFF;
	_ =	strace $0x90000046  }
0xb2: {  	s29 =	simm.s32 $0x9;
	_ =	strace $0x80000048  }
0xb3: {  	_ =	swait.ge [sflag:s29], $0x1  }
0xb4: {  	[sflag:s29] =	ssyncadd.s32 $0xFFFFFFFF  }
0xb5: {  	_ =	strace $0x90000048  }
0xb6: {  	_ =	sfence  }
0xb7: {  	s30 =	sld [smem:$0x0];
	_ =	sdelay $0x2  }
0xb8: {  	s31 =	sshll.u32 s1, $0xD;
	s1 =	sshrl.u32 s1, $0x2  }
0xb9: {  	s3 =	sand.u32 $0x4000, s31;
	s1 =	sadd.s32 s1, s30  }
0xba: {  	s0 =	sor.u32 s3, s0;
	s1 =	sshll.u32 s1, $0x11  }
0xbb: {  	s0 =	sor.u32 s1, s0  }
0xbc: {  	s0 =	sadd.s32 $0x8F2B, s0  }
0xbd: {  	[sflag:s0] =	ssyncadd.remote.s32 $0x1  }
0xbe: {  	_ =	sfence.sel $0xFFFF  }
0xbf: {  	[dreg:$0x0] =	wrdreg $0xFFFFFFFF;
	(pc) =	sbr.abs _section_cstart, $3  }
0xc0: {  	[dreg:$0x1] =	wrdreg $0xFFFFFFFF  }
0xc1: {  	_ =	task.clear_ibuf [dreg:s7], $0x2FFFF;
	_ =	strace $0x9FFFFFFF  }
0xc2: {  	(tm) =	ssettm $0x7FFFFFFF  }
0xc3: {  	_ =	shalt  }
tec
execute0_lowered:
.L_overlay_start_1:
0x0: {  	(tag) =	ssettag $0x1  }
0x1: {  	s0 =	rddreg [dreg:$0x0];
	s3 =	simm.s32 $0x0;
	v16 =	vlaneseq.u32  }
0x2: {  	[smem:$0x7FF] =	sst s3;
	v0 =	vor.u32 $0x10, v16  }
0x3: {  	s1 =	rddreg [dreg:$0x1];
	v1 =	vor.u32 $0x3060, v16;
	_ =	strace $0x80000047;
	[tilespmem:$0x1FC10] =	vst v0  }
0x4: {  	v60 =	vor.u32 $0x70, v16;
	[tilespmem:$0x1FC20] =	vst v1  }
0x5: {  	v61 =	vor.u32 $0x1070, v16;
	[tilespmem:$0x1FC30] =	vst v60  }
0x6: {  	v62 =	vor.u32 $0x2070, v16;
	[tilespmem:$0x1FC40] =	vst v61  }
0x7: {  	v63 =	vor.u32 $0x3070, v16;
	[tilespmem:$0x1FC50] =	vst v62  }
0x8: {  	v15 =	vor.u32 $0x2000, v16;
	[tilespmem:$0x1FC60] =	vst v63  }
0x9: {  	v17 =	vor.u32 $0x3000, v16;
	[tilespmem:$0x1FCD0] =	vst v15  }
0xa: {  	v2 =	vor.u32 $0x2010, v16;
	[tilespmem:$0x1FCE0] =	vst v17  }
0xb: {  	v3 =	vor.u32 $0x3010, v16;
	[tilespmem:$0x1FD00] =	vst v2  }
0xc: {  	v22 =	vor.u32 $0x20, v16;
	[tilespmem:$0x1FD10] =	vst v3  }
0xd: {  	v23 =	vor.u32 $0x2020, v16;
	[tilespmem:$0x1FDA0] =	vst v22  }
0xe: {  	v24 =	vor.u32 $0x3020, v16;
	[tilespmem:$0x1FDB0] =	vst v23  }
0xf: {  	v26 =	vor.u32 $0x30, v16;
	[tilespmem:$0x1FDC0] =	vst v24  }
0x10: {  	v27 =	vor.u32 $0x2030, v16;
	[tilespmem:$0x1FDE0] =	vst v26  }
0x11: {  	v28 =	vor.u32 $0x1000, v16;
	[tilespmem:$0x1FDF0] =	vst v27  }
0x12: {  	v29 =	vor.u32 $0x3030, v16;
	[tilespmem:$0x1FE00] =	vst v28  }
0x13: {  	v31 =	vor.u32 $0x1020, v16;
	[tilespmem:$0x1FE10] =	vst v29  }
0x14: {  	v34 =	vor.u32 $0x1030, v16;
	[tilespmem:$0x1FE30] =	vst v31  }
0x15: {  	v40 =	vor.u32 $0x40, v16;
	[tilespmem:$0x1FE60] =	vst v34  }
0x16: {  	s2 =	srdreg.scid;
	s4 =	stileid.u32;
	v41 =	vor.u32 $0x1040, v16;
	[tilespmem:$0x1FEC0] =	vst v40  }
0x17: {  	s2 =	sand.u32 $0x1, s2;
	s5 =	sshll.u32 s4, $0x1;
	s4 =	sadd.s32 $0x1DC00, s0;
	v42 =	vor.u32 $0x2040, v16;
	[tilespmem:$0x1FED0] =	vst v41  }
0x18: {  	s9 =	sadd.s32 $0x4000, s1;
	v43 =	vor.u32 $0x3040, v16;
	s6 =	ssub.s32 $0x2, s2;
	s2 =	sor.u32 s2, s5;
	[tilespmem:$0x1FEE0] =	vst v42  }
0x19: {  	s10 =	sadd.s32 $0x8000, s1;
	s11 =	sadd.s32 $0xC000, s1;
	v44 =	vor.u32 $0x50, v16;
	[tilespmem:$0x1FEF0] =	vst v43;
	s24 =	sshll.u32 s2, $0x9  }
0x1a: {  	s20 =	sadd.s32 $0x10000, s1;
	v45 =	vor.u32 $0x1050, v16;
	s13 =	smov.u32 s9;
	[tilespmem:$0x1FF00] =	vst v44;
	s12 =	sor.u32 $0x4000, s24  }
0x1b: {  	v46 =	vor.u32 $0x2050, v16;
	[tilespmem:$0x1FF10] =	vst v45;
	s7 =	sshll.u32 s2, $0x6;
	s9 =	sadd.s32 s24, s9;
	[dreg:$0x7] =	wrdreg s12  }
0x1c: {  	v47 =	vor.u32 $0x3050, v16;
	s5 =	sadd.s32 $0x600, s0;
	[tilespmem:$0x1FF20] =	vst v46;
	s7 =	sadd.s32 s4, s7;
	[dreg:$0x8] =	wrdreg s9  }
0x1d: {  	v56 =	vor.u32 $0x60, v16;
	[tilespmem:$0x1FF30] =	vst v47;
	s16 =	sshrl.u32 s6, $0x1;
	s25 =	sadd.s32 s24, s10;
	[dreg:$0x3] =	wrdreg s7  }
0x1e: {  	v57 =	vor.u32 $0x1060, v16;
	[tilespmem:$0x1FFC0] =	vst v56;
	s0 =	ssub.s32 s6, s16;
	s6 =	sadd.s32 s24, s11;
	[dreg:$0xd] =	wrdreg s25  }
0x1f: {  	v58 =	vor.u32 $0x2060, v16;
	s14 =	smov.u32 s10;
	[tilespmem:$0x1FFD0] =	vst v57;
	s10 =	sadd.s32 s24, s20;
	[dreg:$0x10] =	wrdreg s6  }
0x20: {  	v7 =	vmul.u32 $0x40, v16;
	v0 =	vor.u32 $0x1010, v16;
	[tilespmem:$0x1FFE0] =	vst v58;
	s8 =	sadd.s32 $0x20, s7;
	[dreg:$0x13] =	wrdreg s10  }
0x21: {  	s2 =	sshll.u32 s2, $0xC;
	[tilespmem:$0x1FCF0] =	vst v0;
	s17 =	sadd.s32 $0x800, s7;
	[dreg:$0x4] =	wrdreg s8  }
0x22: {  	v5 =	vor.u32 $0x10, v7;
	[tilespmem:$0x1FFF0] =	vst v7;
	s12 =	smov.u32 s2;
	s2 =	sor.u32 $0xFFF00800, s2;
	[dreg:$0x5] =	wrdreg s17  }
0x23: {  	v6 =	vor.u32 $0x20, v7;
	[tilespmem:$0x1FC70] =	vst v5;
	s19 =	sadd.s32 $0x63820, s7;
	[smem:$0x7F4] =	sst s2  }
0x24: {  	s22 =	sadd.s32 $0x14000, s1;
	v9 =	vor.u32 $0x400, v7;
	[tilespmem:$0x1FC80] =	vst v6;
	s0 =	smax.u32 s0, $0x1;
	[dreg:$0xa] =	wrdreg s19  }
0x25: {  	v11 =	vor.u32 $0x410, v7;
	[tilespmem:$0x1FC90] =	vst v9;
	s10 =	sadd.s32 s24, s22;
	[dreg:$0xc] =	wrdreg s0  }
0x26: {  	v12 =	vor.u32 $0x420, v7;
	[tilespmem:$0x1FCA0] =	vst v11;
	s8 =	sadd.s32 s1, s24;
	[dreg:$0x1f] =	wrdreg s10  }
0x27: {  	v13 =	vor.u32 $0x430, v7;
	[tilespmem:$0x1FCB0] =	vst v12;
	s18 =	sadd.s32 $0x18C0100, s8;
	[dreg:$0x6] =	wrdreg s8  }
0x28: {  	v4 =	vor.u32 $0x800, v7;
	[tilespmem:$0x1FCC0] =	vst v13;
	s21 =	sadd.s32 $0x18C4100, s8;
	[dreg:$0x9] =	wrdreg s18  }
0x29: {  	v8 =	vor.u32 $0x810, v7;
	[tilespmem:$0x1FD20] =	vst v4;
	s26 =	sadd.s32 $0x18C8100, s8;
	[dreg:$0xb] =	wrdreg s21  }
0x2a: {  	v10 =	vor.u32 $0x820, v7;
	[tilespmem:$0x1FD30] =	vst v8;
	s2 =	sadd.s32 $0x18CC100, s8;
	[dreg:$0xe] =	wrdreg s26  }
0x2b: {  	v14 =	vor.u32 $0x830, v7;
	[tilespmem:$0x1FD40] =	vst v10;
	s7 =	sadd.s32 $0x18D0100, s8;
	[dreg:$0xf] =	wrdreg s2  }
0x2c: {  	v18 =	vor.u32 $0xC00, v7;
	[tilespmem:$0x1FD50] =	vst v14;
	s9 =	sadd.s32 $0x18D4100, s8;
	[dreg:$0x11] =	wrdreg s7  }
0x2d: {  	s15 =	smov.u32 s11;
	v19 =	vor.u32 $0xC10, v7;
	[tilespmem:$0x1FD60] =	vst v18;
	s11 =	sadd.s32 $0x18D8100, s8;
	[dreg:$0x12] =	wrdreg s9  }
0x2e: {  	v20 =	vor.u32 $0xC20, v7;
	[tilespmem:$0x1FD70] =	vst v19;
	s19 =	sadd.s32 $0x18E0000, s8;
	[dreg:$0x14] =	wrdreg s11  }
0x2f: {  	v21 =	vor.u32 $0xC30, v7;
	s16 =	smov.u32 s20;
	[tilespmem:$0x1FD80] =	vst v20;
	s20 =	sadd.s32 $0x18E4000, s8;
	[dreg:$0x16] =	wrdreg s19  }
0x30: {  	v25 =	vor.u32 $0x30, v7;
	[tilespmem:$0x1FD90] =	vst v21;
	s25 =	sadd.s32 $0x18EC000, s8;
	[dreg:$0x17] =	wrdreg s20  }
0x31: {  	s28 =	simm.s32 $0x100;
	v30 =	vor.u32 $0x1000, v7;
	[tilespmem:$0x1FDD0] =	vst v25;
	s6 =	sadd.s32 $0x18F8000, s8;
	[dreg:$0x19] =	wrdreg s25  }
0x32: {  	s29 =	simm.s32 $0x200;
	v32 =	vor.u32 $0x1010, v7;
	[tilespmem:$0x1FE20] =	vst v30;
	s18 =	sadd.s32 $0x18DC100, s8;
	[dreg:$0x1c] =	wrdreg s6  }
0x33: {  	s30 =	simm.s32 $0x2;
	v33 =	vor.u32 $0x1020, v7;
	[tilespmem:$0x1FE40] =	vst v32;
	s21 =	sadd.s32 $0x18E8000, s8;
	[dreg:$0x15] =	wrdreg s18  }
0x34: {  	s31 =	simm.s32 $0x4200;
	v35 =	vor.u32 $0x1030, v7;
	[tilespmem:$0x1FE50] =	vst v33;
	s26 =	sadd.s32 $0x18F0000, s8;
	[dreg:$0x18] =	wrdreg s21  }
0x35: {  	s23 =	sadd.s32 $0x1C000, s1;
	v36 =	vor.u32 $0x1400, v7;
	[tilespmem:$0x1FE70] =	vst v35;
	s2 =	sadd.s32 $0x18F4000, s8;
	[dreg:$0x1a] =	wrdreg s26  }
0x36: {  	v37 =	vor.u32 $0x1410, v7;
	[tilespmem:$0x1FE80] =	vst v36;
	s17 =	sadd.s32 $0x18000, s1;
	s7 =	sadd.s32 $0x18FC000, s8;
	[dreg:$0x1b] =	wrdreg s2  }
0x37: {  	v38 =	vor.u32 $0x1420, v7;
	[tilespmem:$0x1FE90] =	vst v37;
	s0 =	simm.s32 $0x3;
	s9 =	sadd.s32 $0x18E0100, s8;
	[dreg:$0x1d] =	wrdreg s7  }
0x38: {  	v39 =	vor.u32 $0x1430, v7;
	[tilespmem:$0x1FEA0] =	vst v38;
	s19 =	smov.u32 s22;
	s11 =	sadd.s32 $0x18E4100, s8;
	[dreg:$0x1e] =	wrdreg s9  }
0x39: {  	v48 =	vor.u32 $0x1800, v7;
	[tilespmem:$0x1FEB0] =	vst v39;
	s20 =	sadd.s32 s24, s17;
	s22 =	sadd.s32 $0x18F0100, s8;
	[smem:$0x7F5] =	sst s11  }
0x3a: {  	v49 =	vor.u32 $0x1810, v7;
	[tilespmem:$0x1FF40] =	vst v48;
	s6 =	smov.u32 s23;
	s25 =	sadd.s32 $0x18F8100, s8;
	[smem:$0x7F7] =	sst s20  }
0x3b: {  	v50 =	vor.u32 $0x1820, v7;
	[tilespmem:$0x1FF50] =	vst v49;
	s23 =	sadd.s32 s24, s23;
	s18 =	sadd.s32 $0x18E8100, s8;
	[smem:$0x7F9] =	sst s22  }
0x3c: {  	v51 =	vor.u32 $0x1830, v7;
	[tilespmem:$0x1FF60] =	vst v50;
	s10 =	simm.s32 $0x0;
	s21 =	sadd.s32 $0x18EC100, s8;
	[smem:$0x7FA] =	sst s23  }
0x3d: {  	v52 =	vor.u32 $0x1C00, v7;
	[tilespmem:$0x1FF70] =	vst v51;
	[smem:$0x7FC] =	sst s25;
	s26 =	sadd.s32 $0x18FC100, s8;
	s2 =	simm.s32 $0x8200  }
0x3e: {  	v53 =	vor.u32 $0x1C10, v7;
	[tilespmem:$0x1FF80] =	vst v52;
	s7 =	simm.s32 $0x5;
	s11 =	simm.s32 $0x4;
	[smem:$0x7F6] =	sst s18  }
0x3f: {  	v54 =	vor.u32 $0x1C20, v7;
	[tilespmem:$0x1FF90] =	vst v53;
	s20 =	simm.s32 $0x6;
	s18 =	smov.u32 s17;
	[smem:$0x7F8] =	sst s21  }
0x40: {  	v55 =	vor.u32 $0x1C30, v7;
	[tilespmem:$0x1FFA0] =	vst v54;
	s21 =	smov.u32 s24;
	s24 =	sadd.s32 $0x18F4100, s8;
	[smem:$0x7FD] =	sst s26  }
0x41: {  	[tilespmem:$0x1FFB0] =	vst v55;
	s26 =	simm.s32 $0x1;
	s8 =	simm.s32 $0xC200;
	[smem:$0x7FB] =	sst s24  }
.LBB2_1:
0x42: {  	[smem:$0x7F3] =	sst s10  }
0x43: {  	s9 =	rddreg [dreg:$0x3]  }
0x44: {  	[tilespmem:s3], [sflag:$0x1] =	stream.linear.gather [hbm4b:s9+s3], $0x100, $0x38;
	[tilespmem:$0x10200] =	vst v63  }
0x45: {  	_ =	swait.ge [sflag:s26], $0x100  }
0x46: {  	[sflag:s26] =	ssyncset.done $0x0  }
0x47: {  	[sflag:s26] =	ssyncadd.s32 $0xFFFFFF00  }
0x48: {  	[tilespmem:s29], [sflag:$0x3] =	stream.indirect.gather [hbm4b:s5+s28], $0x40, s3, s28, $0xb8;
	[tilespmem:$0x10200] =	vst v63  }
0x49: {  	s24 =	rddreg [dreg:$0x4]  }
0x4a: {  	[tilespmem:s28], [sflag:$0x2] =	stream.linear.gather [hbm4b:s24+s3], $0x100, $0x38;
	[tilespmem:$0x10200] =	vst v63  }
0x4b: {  	_ =	swait.ge [sflag:s30], $0x100  }
0x4c: {  	[sflag:s30] =	ssyncset.done $0x0  }
0x4d: {  	[sflag:s30] =	ssyncadd.s32 $0xFFFFFF00  }
0x4e: {  	[tilespmem:s31], [sflag:$0x4] =	stream.indirect.gather [hbm4b:s5+s28], $0x40, s28, s28, $0xb8;
	[tilespmem:$0x10200] =	vst v63  }
0x4f: {  	_ =	swait.ge [sflag:s0], $0x4000  }
0x50: {  	[sflag:s0] =	ssyncset.done $0x0  }
0x51: {  	s22 =	simm.s32 $0x0;
	s25 =	rddreg [dreg:$0x5];
	[sflag:s0] =	ssyncadd.s32 $0xFFFFC000  }
0x52: {  	v1 =	vmov v7;
	[tilespmem:s3], [sflag:$0x1] =	stream.linear.gather [hbm4b:s25+s3], $0x100, $0x38;
	[tilespmem:$0x10200] =	vst v63  }
.LBB2_2:
0x53: {  	v2 =	vadd.s32 s22, v16  }
0x54: {  	v0 =	vand.u32 $0xF, v2  }
0x55: {  	v3 =	vor.u32 v1, v0;
	_ =	sdelay $0x1  }
0x56: {  	v4 =	vor.u32 v5, v0  }
0x57: {  	v5 =	vor.u32 v6, v0;
	v6 =	vld [tilespmem:$0x1FDD0]  }
0x58: {  	v7 =	vor.u32 v9, v0  }
0x59: {  	v8 =	vshll.u32 v2, $0x8;
	v10 =	vor.u32 v11, v0;
	v9 =	vld.idx.msk [tilespmem:v3+s29+$0x0], $0xffff  }
0x5a: {  	v2 =	vshll.u32 v2, $0x7;
	v3 =	vand.u32 $0x800, v8;
	v8 =	vor.u32 v12, v0;
	v12 =	vld [tilespmem:$0x1FE00]  }
0x5b: {  	v2 =	vand.u32 $0x380, v2;
	v4 =	vld.idx.msk [tilespmem:v4+s29+$0x0], $0xffff  }
0x5c: {  	v3 =	vor.u32 v2, v3;
	v6 =	vor.u32 v6, v0;
	v2 =	vld.idx.msk [tilespmem:v5+s29+$0x0], $0xffff  }
0x5d: {  	v5 =	vor.u32 v13, v0;
	v7 =	vld.idx.msk [tilespmem:v7+s29+$0x0], $0xffff  }
0x5e: {  	v11 =	vor.u32 v16, v3;
	v10 =	vld.idx.msk [tilespmem:v10+s29+$0x0], $0xffff  }
0x5f: {  	v13 =	vor.u32 v15, v3;
	v15 =	vld [tilespmem:$0x1FC10]  }
0x60: {  	v12 =	vor.u32 v12, v3;
	v8 =	vld.idx.msk [tilespmem:v8+s29+$0x0], $0xffff  }
0x61: {  	v6 =	vld.idx.msk [tilespmem:v6+s29+$0x0], $0xffff  }
0x62: {  	v5 =	vld.idx.msk [tilespmem:v5+s29+$0x0], $0xffff  }
0x63: {  	v14 =	vor.u32 v17, v3;
	[tilespmem:v11+s2+$0x0] =	vst.idx.msk $0xffff, v9;
	v9 =	vld [tilespmem:$0x1FCF0];
	_ =	sdelay $0x1  }
0x64: {  	[tilespmem:v12+s2+$0x0] =	vst.idx.msk $0xffff, v4;
	v4 =	vld [tilespmem:$0x1FD00];
	_ =	sdelay $0x1  }
0x65: {  	v15 =	vor.u32 v15, v3;
	[tilespmem:v13+s2+$0x0] =	vst.idx.msk $0xffff, v2;
	v2 =	vld [tilespmem:$0x1FD10]  }
0x66: {  	v9 =	vor.u32 v9, v3;
	[tilespmem:v14+s2+$0x0] =	vst.idx.msk $0xffff, v6;
	v6 =	vld [tilespmem:$0x1FD20];
	_ =	sdelay $0x1  }
0x67: {  	v11 =	vld [tilespmem:$0x1FDA0];
	v4 =	vor.u32 v4, v3  }
0x68: {  	v12 =	vld [tilespmem:$0x1FE30]  }
0x69: {  	[tilespmem:v15+s2+$0x0] =	vst.idx.msk $0xffff, v7;
	v7 =	vld [tilespmem:$0x1FD30];
	v2 =	vor.u32 v2, v3  }
0x6a: {  	v6 =	vor.u32 v6, v0;
	[tilespmem:v9+s2+$0x0] =	vst.idx.msk $0xffff, v10;
	v9 =	vld [tilespmem:$0x1FD40]  }
0x6b: {  	v10 =	vld [tilespmem:$0x1FD90]  }
0x6c: {  	[tilespmem:v4+s2+$0x0] =	vst.idx.msk $0xffff, v8;
	v4 =	vld [tilespmem:$0x1FD50]  }
0x6d: {  	v8 =	vld [tilespmem:$0x1FD80]  }
0x6e: {  	[tilespmem:v2+s2+$0x0] =	vst.idx.msk $0xffff, v5;
	v2 =	vld [tilespmem:$0x1FD60]  }
0x6f: {  	v7 =	vor.u32 v7, v0;
	v5 =	vld.idx.msk [tilespmem:v6+s29+$0x0], $0xffff  }
0x70: {  	v9 =	vor.u32 v9, v0;
	v6 =	vld [tilespmem:$0x1FD70]  }
0x71: {  	v13 =	vld [tilespmem:$0x1FDB0];
	v10 =	vor.u32 v10, v0  }
0x72: {  	v14 =	vld [tilespmem:$0x1FDC0];
	v4 =	vor.u32 v4, v0  }
0x73: {  	v15 =	vld [tilespmem:$0x1FDE0];
	v8 =	vor.u32 v8, v0  }
0x74: {  	v7 =	vld.idx.msk [tilespmem:v7+s29+$0x0], $0xffff;
	v2 =	vor.u32 v2, v0  }
0x75: {  	v6 =	vor.u32 v6, v0;
	v9 =	vld.idx.msk [tilespmem:v9+s29+$0x0], $0xffff  }
0x76: {  	v11 =	vor.u32 v11, v3;
	v10 =	vld.idx.msk [tilespmem:v10+s29+$0x0], $0xffff  }
0x77: {  	v4 =	vld.idx.msk [tilespmem:v4+s29+$0x0], $0xffff  }
0x78: {  	v12 =	vor.u32 v12, v3;
	v8 =	vld.idx.msk [tilespmem:v8+s29+$0x0], $0xffff  }
0x79: {  	v2 =	vld.idx.msk [tilespmem:v2+s29+$0x0], $0xffff  }
0x7a: {  	v13 =	vor.u32 v13, v3;
	v6 =	vld.idx.msk [tilespmem:v6+s29+$0x0], $0xffff  }
0x7b: {  	[tilespmem:v11+s2+$0x0] =	vst.idx.msk $0xffff, v5;
	v5 =	vld [tilespmem:$0x1FE60];
	_ =	sdelay $0x1  }
0x7c: {  	[tilespmem:v12+s2+$0x0] =	vst.idx.msk $0xffff, v7;
	v7 =	vld [tilespmem:$0x1FDF0]  }
0x7d: {  	v14 =	vor.u32 v14, v3  }
0x7e: {  	v15 =	vor.u32 v15, v3;
	[tilespmem:v13+s2+$0x0] =	vst.idx.msk $0xffff, v9;
	v9 =	vld [tilespmem:$0x1FE10]  }
0x7f: {  	v11 =	vld [tilespmem:$0x1FEC0];
	v5 =	vor.u32 v5, v3  }
0x80: {  	v12 =	vld [tilespmem:$0x1FED0]  }
0x81: {  	v13 =	vld [tilespmem:$0x1FEE0];
	v7 =	vor.u32 v7, v3  }
0x82: {  	[tilespmem:v14+s2+$0x0] =	vst.idx.msk $0xffff, v4;
	v4 =	vld [tilespmem:$0x1FE20]  }
0x83: {  	[tilespmem:v15+s2+$0x0] =	vst.idx.msk $0xffff, v2;
	v2 =	vld [tilespmem:$0x1FE40];
	v9 =	vor.u32 v9, v3  }
0x84: {  	[tilespmem:v5+s2+$0x0] =	vst.idx.msk $0xffff, v6;
	v5 =	vld [tilespmem:$0x1FE50]  }
0x85: {  	v6 =	vld [tilespmem:$0x1FE70]  }
0x86: {  	[tilespmem:v7+s2+$0x0] =	vst.idx.msk $0xffff, v8;
	v7 =	vld [tilespmem:$0x1FE80]  }
0x87: {  	v4 =	vor.u32 v4, v0;
	v8 =	vld [tilespmem:$0x1FE90]  }
0x88: {  	v2 =	vor.u32 v2, v0;
	[tilespmem:v9+s2+$0x0] =	vst.idx.msk $0xffff, v10;
	v9 =	vld [tilespmem:$0x1FEA0]  }
0x89: {  	v10 =	vld [tilespmem:$0x1FEB0];
	v5 =	vor.u32 v5, v0  }
0x8a: {  	v14 =	vld [tilespmem:$0x1FEF0];
	v6 =	vor.u32 v6, v0  }
0x8b: {  	v15 =	vld [tilespmem:$0x1FF00];
	v7 =	vor.u32 v7, v0  }
0x8c: {  	v4 =	vld.idx.msk [tilespmem:v4+s29+$0x0], $0xffff;
	v8 =	vor.u32 v8, v0  }
0x8d: {  	v2 =	vld.idx.msk [tilespmem:v2+s29+$0x0], $0xffff;
	v9 =	vor.u32 v9, v0  }
0x8e: {  	v10 =	vor.u32 v10, v0;
	v5 =	vld.idx.msk [tilespmem:v5+s29+$0x0], $0xffff  }
0x8f: {  	v11 =	vor.u32 v11, v3;
	v6 =	vld.idx.msk [tilespmem:v6+s29+$0x0], $0xffff  }
0x90: {  	v7 =	vld.idx.msk [tilespmem:v7+s29+$0x0], $0xffff  }
0x91: {  	v12 =	vor.u32 v12, v3;
	v8 =	vld.idx.msk [tilespmem:v8+s29+$0x0], $0xffff  }
0x92: {  	v9 =	vld.idx.msk [tilespmem:v9+s29+$0x0], $0xffff  }
0x93: {  	v13 =	vor.u32 v13, v3;
	v10 =	vld.idx.msk [tilespmem:v10+s29+$0x0], $0xffff  }
0x94: {  	[tilespmem:v11+s2+$0x0] =	vst.idx.msk $0xffff, v4;
	v4 =	vld [tilespmem:$0x1FF10];
	_ =	sdelay $0x1  }
0x95: {  	[tilespmem:v12+s2+$0x0] =	vst.idx.msk $0xffff, v2;
	v2 =	vld [tilespmem:$0x1FF20]  }
0x96: {  	v14 =	vor.u32 v14, v3  }
0x97: {  	v15 =	vor.u32 v15, v3;
	[tilespmem:v13+s2+$0x0] =	vst.idx.msk $0xffff, v5;
	v5 =	vld [tilespmem:$0x1FF30]  }
0x98: {  	v11 =	vld [tilespmem:$0x1FFC0];
	v4 =	vor.u32 v4, v3  }
0x99: {  	v12 =	vld [tilespmem:$0x1FFD0]  }
0x9a: {  	v13 =	vld [tilespmem:$0x1FFE0];
	v2 =	vor.u32 v2, v3  }
0x9b: {  	[tilespmem:v14+s2+$0x0] =	vst.idx.msk $0xffff, v6;
	v6 =	vld [tilespmem:$0x1FF40]  }
0x9c: {  	[tilespmem:v15+s2+$0x0] =	vst.idx.msk $0xffff, v7;
	v7 =	vld [tilespmem:$0x1FF50];
	v5 =	vor.u32 v5, v3  }
0x9d: {  	[tilespmem:v4+s2+$0x0] =	vst.idx.msk $0xffff, v8;
	v4 =	vld [tilespmem:$0x1FF60]  }
0x9e: {  	v8 =	vld [tilespmem:$0x1FF90]  }
0x9f: {  	[tilespmem:v2+s2+$0x0] =	vst.idx.msk $0xffff, v9;
	v2 =	vld [tilespmem:$0x1FF70]  }
0xa0: {  	v6 =	vor.u32 v6, v0;
	v9 =	vld [tilespmem:$0x1FFA0]  }
0xa1: {  	v7 =	vor.u32 v7, v0;
	[tilespmem:v5+s2+$0x0] =	vst.idx.msk $0xffff, v10;
	v5 =	vld [tilespmem:$0x1FF80]  }
0xa2: {  	v10 =	vld [tilespmem:$0x1FFB0];
	v4 =	vor.u32 v4, v0  }
0xa3: {  	v14 =	vld [tilespmem:$0x1FC20];
	v8 =	vor.u32 v8, v0  }
0xa4: {  	v15 =	vld [tilespmem:$0x1FC30];
	v2 =	vor.u32 v2, v0  }
0xa5: {  	v6 =	vld.idx.msk [tilespmem:v6+s29+$0x0], $0xffff;
	v9 =	vor.u32 v9, v0  }
0xa6: {  	v7 =	vld.idx.msk [tilespmem:v7+s29+$0x0], $0xffff;
	v5 =	vor.u32 v5, v0  }
0xa7: {  	v10 =	vor.u32 v10, v0;
	v4 =	vld.idx.msk [tilespmem:v4+s29+$0x0], $0xffff  }
0xa8: {  	v11 =	vor.u32 v11, v3;
	v8 =	vld.idx.msk [tilespmem:v8+s29+$0x0], $0xffff  }
0xa9: {  	v12 =	vor.u32 v12, v3;
	v2 =	vld.idx.msk [tilespmem:v2+s29+$0x0], $0xffff  }
0xaa: {  	v13 =	vor.u32 v13, v3;
	v9 =	vld.idx.msk [tilespmem:v9+s29+$0x0], $0xffff  }
0xab: {  	v5 =	vld.idx.msk [tilespmem:v5+s29+$0x0], $0xffff  }
0xac: {  	v14 =	vor.u32 v14, v3;
	v10 =	vld.idx.msk [tilespmem:v10+s29+$0x0], $0xffff  }
0xad: {  	[tilespmem:v11+s2+$0x0] =	vst.idx.msk $0xffff, v6;
	v6 =	vld [tilespmem:$0x1FC40]  }
0xae: {  	v15 =	vor.u32 v15, v3;
	[tilespmem:v12+s2+$0x0] =	vst.idx.msk $0xffff, v7;
	v7 =	vld [tilespmem:$0x1FC50]  }
0xaf: {  	v11 =	vor.u32 $0x2000, v1;
	[tilespmem:v13+s2+$0x0] =	vst.idx.msk $0xffff, v4;
	v4 =	vld [tilespmem:$0x1FC60]  }
0xb0: {  	[tilespmem:$0x1FB10] =	vst v11  }
0xb1: {  	[tilespmem:v14+s2+$0x0] =	vst.idx.msk $0xffff, v2;
	v2 =	vor.u32 v11, v0;
	v11 =	vor.u32 $0x2010, v1  }
0xb2: {  	[tilespmem:$0x1FB20] =	vst v11;
	v6 =	vor.u32 v6, v3  }
0xb3: {  	[tilespmem:v15+s2+$0x0] =	vst.idx.msk $0xffff, v5;
	v5 =	vor.u32 $0x2020, v1;
	v7 =	vor.u32 v7, v3  }
0xb4: {  	[tilespmem:$0x1FB30] =	vst v5;
	v12 =	vor.u32 v5, v0;
	v5 =	vor.u32 $0x2030, v1;
	v4 =	vor.u32 v4, v3  }
0xb5: {  	[tilespmem:$0x1FB40] =	vst v5;
	v13 =	vor.u32 v5, v0;
	v5 =	vor.u32 $0x2400, v1  }
0xb6: {  	[tilespmem:$0x1FB50] =	vst v5  }
0xb7: {  	v11 =	vor.u32 v11, v0;
	[tilespmem:v6+s2+$0x0] =	vst.idx.msk $0xffff, v8  }
0xb8: {  	v6 =	vor.u32 $0x2430, v1;
	[tilespmem:v7+s2+$0x0] =	vst.idx.msk $0xffff, v9  }
0xb9: {  	v16 =	vor.u32 v6, v0;
	[tilespmem:v4+s2+$0x0] =	vst.idx.msk $0xffff, v10;
	v4 =	vor.u32 v5, v0;
	v5 =	vor.u32 $0x2410, v1  }
0xba: {  	[tilespmem:$0x1FB60] =	vst v5;
	v14 =	vor.u32 v5, v0;
	v5 =	vor.u32 $0x2420, v1  }
0xbb: {  	v2 =	vld.idx.msk [tilespmem:v2+s29+$0x0], $0xffff;
	[tilespmem:$0x1FB70] =	vst v5;
	v15 =	vor.u32 v5, v0;
	v5 =	vlaneseq.u32  }
0xbc: {  	[tilespmem:$0x1FB80] =	vst v6;
	v17 =	vld.idx.msk [tilespmem:v11+s29+$0x0], $0xffff;
	v6 =	vor.u32 $0x400, v5  }
0xbd: {  	v18 =	vld.idx.msk [tilespmem:v12+s29+$0x0], $0xffff;
	[tilespmem:$0x1FB90] =	vst v6;
	v20 =	vor.u32 v6, v3;
	v6 =	vor.u32 $0x1400, v5  }
0xbe: {  	v26 =	vld.idx.msk [tilespmem:v16+s29+$0x0], $0xffff;
	v16 =	vlaneseq.u32;
	[tilespmem:$0x1FBA0] =	vst v6;
	v21 =	vor.u32 v6, v3;
	v6 =	vor.u32 $0x2400, v5  }
0xbf: {  	v19 =	vld.idx.msk [tilespmem:v13+s29+$0x0], $0xffff;
	[tilespmem:$0x1FBB0] =	vst v6;
	v23 =	vor.u32 v6, v3;
	v6 =	vor.u32 $0x3400, v5;
	v5 =	vor.u32 $0x410, v5  }
0xc0: {  	v4 =	vld.idx.msk [tilespmem:v4+s29+$0x0], $0xffff;
	[tilespmem:$0x1FBD0] =	vst v5;
	v27 =	vor.u32 v5, v3;
	v5 =	vor.u32 $0x1410, v16  }
0xc1: {  	v22 =	vld.idx.msk [tilespmem:v14+s29+$0x0], $0xffff;
	[tilespmem:$0x1FBE0] =	vst v5  }
0xc2: {  	v24 =	vld.idx.msk [tilespmem:v15+s29+$0x0], $0xffff;
	v25 =	vor.u32 v6, v3;
	[tilespmem:v20+s2+$0x0] =	vst.idx.msk $0xffff, v2  }
0xc3: {  	v2 =	vor.u32 v5, v3;
	v5 =	vor.u32 $0x2410, v16;
	[tilespmem:v21+s2+$0x0] =	vst.idx.msk $0xffff, v17  }
0xc4: {  	[tilespmem:$0x1FBF0] =	vst v5  }
0xc5: {  	v28 =	vor.u32 v5, v3;
	v5 =	vor.u32 $0x3410, v16;
	[tilespmem:v23+s2+$0x0] =	vst.idx.msk $0xffff, v18  }
0xc6: {  	[tilespmem:$0x1FC00] =	vst v5;
	v23 =	vor.u32 v5, v3;
	v5 =	vor.u32 $0x2800, v1  }
0xc7: {  	v63 =	vor.u32 $0x2810, v1;
	[tilespmem:v25+s2+$0x0] =	vst.idx.msk $0xffff, v19;
	v25 =	vor.u32 v5, v0  }
0xc8: {  	v19 =	vmov v5;
	v5 =	vor.u32 $0x2820, v1;
	[tilespmem:v27+s2+$0x0] =	vst.idx.msk $0xffff, v4;
	v4 =	vor.u32 v63, v0  }
0xc9: {  	[tilespmem:v2+s2+$0x0] =	vst.idx.msk $0xffff, v22;
	v22 =	vmov v5;
	v2 =	vor.u32 v5, v0;
	v5 =	vor.u32 $0x2830, v1  }
0xca: {  	[tilespmem:v28+s2+$0x0] =	vst.idx.msk $0xffff, v24;
	v24 =	vmov v5;
	v27 =	vor.u32 v5, v0;
	v5 =	vor.u32 $0x2C00, v1  }
0xcb: {  	[tilespmem:v23+s2+$0x0] =	vst.idx.msk $0xffff, v26;
	v28 =	vor.u32 v5, v0;
	v26 =	vor.u32 $0x2C10, v1  }
0xcc: {  	v32 =	vld.idx.msk [tilespmem:v25+s29+$0x0], $0xffff;
	v29 =	vor.u32 v26, v0;
	v25 =	vor.u32 $0x2C20, v1  }
0xcd: {  	v44 =	vor.u32 $0x2C30, v1;
	v4 =	vld.idx.msk [tilespmem:v4+s29+$0x0], $0xffff;
	v30 =	vor.u32 v25, v0  }
0xce: {  	v31 =	vor.u32 v44, v0;
	v23 =	vmov v5;
	v5 =	vor.u32 $0x420, v16;
	v2 =	vld.idx.msk [tilespmem:v2+s29+$0x0], $0xffff  }
0xcf: {  	v33 =	vor.u32 v5, v3;
	v35 =	vld.idx.msk [tilespmem:v27+s29+$0x0], $0xffff;
	v27 =	vmov v5;
	v5 =	vor.u32 $0x1420, v16  }
0xd0: {  	v36 =	vld.idx.msk [tilespmem:v28+s29+$0x0], $0xffff;
	v28 =	vmov v5;
	v34 =	vor.u32 v5, v3;
	v5 =	vor.u32 $0x2420, v16  }
0xd1: {  	v37 =	vld.idx.msk [tilespmem:v29+s29+$0x0], $0xffff;
	v29 =	vmov v5;
	v38 =	vor.u32 v5, v3;
	v5 =	vor.u32 $0x3420, v16  }
0xd2: {  	v39 =	vld.idx.msk [tilespmem:v30+s29+$0x0], $0xffff;
	v30 =	vmov v5;
	v40 =	vor.u32 v5, v3;
	v5 =	vor.u32 $0x430, v16  }
0xd3: {  	v41 =	vld.idx.msk [tilespmem:v31+s29+$0x0], $0xffff;
	v31 =	vmov v5;
	v42 =	vor.u32 v5, v3;
	v5 =	vor.u32 $0x1430, v16  }
0xd4: {  	[tilespmem:v33+s2+$0x0] =	vst.idx.msk $0xffff, v32;
	v33 =	vor.u32 $0x2430, v16;
	v43 =	vor.u32 v5, v3  }
0xd5: {  	[tilespmem:v34+s2+$0x0] =	vst.idx.msk $0xffff, v4;
	v4 =	vor.u32 v33, v3;
	v34 =	vor.u32 $0x3430, v16  }
0xd6: {  	[tilespmem:v38+s2+$0x0] =	vst.idx.msk $0xffff, v2;
	v2 =	vor.u32 v34, v3;
	v38 =	vor.u32 $0x3000, v1  }
0xd7: {  	[tilespmem:v40+s2+$0x0] =	vst.idx.msk $0xffff, v35;
	v60 =	vor.u32 v38, v0;
	v35 =	vor.u32 $0x3010, v1  }
0xd8: {  	v40 =	vor.u32 $0x3420, v1;
	[tilespmem:v42+s2+$0x0] =	vst.idx.msk $0xffff, v36;
	v61 =	vor.u32 v35, v0  }
0xd9: {  	v36 =	vor.u32 $0x3020, v1;
	v46 =	vor.u32 v40, v0;
	[tilespmem:v43+s2+$0x0] =	vst.idx.msk $0xffff, v37  }
0xda: {  	v42 =	vor.u32 $0x3430, v1;
	v62 =	vor.u32 v36, v0;
	[tilespmem:v4+s2+$0x0] =	vst.idx.msk $0xffff, v39  }
0xdb: {  	v47 =	vor.u32 v42, v0;
	[tilespmem:v2+s2+$0x0] =	vst.idx.msk $0xffff, v41;
	v41 =	vor.u32 $0x3410, v1  }
0xdc: {  	v37 =	vor.u32 $0x3030, v1;
	v48 =	vld.idx.msk [tilespmem:v60+s29+$0x0], $0xffff;
	v45 =	vor.u32 v41, v0  }
0xdd: {  	v4 =	vor.u32 v37, v0;
	v39 =	vor.u32 $0x3400, v1;
	v49 =	vld.idx.msk [tilespmem:v61+s29+$0x0], $0xffff  }
0xde: {  	v43 =	vor.u32 $0x440, v16;
	v2 =	vor.u32 v39, v0;
	v55 =	vld.idx.msk [tilespmem:v46+s29+$0x0], $0xffff  }
0xdf: {  	v20 =	vor.u32 $0x1440, v16;
	v51 =	vor.u32 v43, v3;
	v50 =	vld.idx.msk [tilespmem:v62+s29+$0x0], $0xffff  }
0xe0: {  	v52 =	vor.u32 v20, v3;
	v32 =	vmov v5;
	v5 =	vor.u32 $0x2440, v16;
	v57 =	vld.idx.msk [tilespmem:v47+s29+$0x0], $0xffff  }
0xe1: {  	v54 =	vor.u32 v5, v3;
	v53 =	vld.idx.msk [tilespmem:v45+s29+$0x0], $0xffff;
	v45 =	vmov v5;
	v5 =	vor.u32 $0x3440, v16  }
0xe2: {  	v4 =	vld.idx.msk [tilespmem:v4+s29+$0x0], $0xffff;
	v46 =	vmov v5;
	v56 =	vor.u32 v5, v3;
	v5 =	vor.u32 $0x450, v16  }
0xe3: {  	v2 =	vld.idx.msk [tilespmem:v2+s29+$0x0], $0xffff;
	v47 =	vmov v5;
	v58 =	vor.u32 v5, v3;
	v5 =	vor.u32 $0x1450, v16  }
0xe4: {  	[tilespmem:v51+s2+$0x0] =	vst.idx.msk $0xffff, v48;
	v51 =	vor.u32 $0x2450, v16;
	v59 =	vor.u32 v5, v3  }
0xe5: {  	[tilespmem:v52+s2+$0x0] =	vst.idx.msk $0xffff, v49;
	v60 =	vor.u32 v51, v3;
	v49 =	vor.u32 $0x3450, v16  }
0xe6: {  	[tilespmem:v54+s2+$0x0] =	vst.idx.msk $0xffff, v50;
	v61 =	vor.u32 v49, v3;
	v50 =	vor.u32 $0x3800, v1  }
0xe7: {  	v52 =	vor.u32 $0x3810, v1;
	[tilespmem:v56+s2+$0x0] =	vst.idx.msk $0xffff, v4;
	v4 =	vor.u32 v50, v0  }
0xe8: {  	v54 =	vor.u32 $0x3820, v1;
	[tilespmem:v58+s2+$0x0] =	vst.idx.msk $0xffff, v2;
	v2 =	vor.u32 v52, v0  }
0xe9: {  	v58 =	vor.u32 v54, v0;
	[tilespmem:v59+s2+$0x0] =	vst.idx.msk $0xffff, v53;
	v53 =	vor.u32 $0x3830, v1  }
0xea: {  	[tilespmem:v60+s2+$0x0] =	vst.idx.msk $0xffff, v55;
	v59 =	vor.u32 v53, v0;
	v55 =	vor.u32 $0x3C00, v1  }
0xeb: {  	v56 =	vor.u32 $0x3C10, v1;
	[tilespmem:v61+s2+$0x0] =	vst.idx.msk $0xffff, v57;
	v60 =	vor.u32 v55, v0  }
0xec: {  	v61 =	vor.u32 v56, v0;
	v57 =	vor.u32 $0x3C20, v1;
	v4 =	vld.idx.msk [tilespmem:v4+s29+$0x0], $0xffff  }
0xed: {  	[tilespmem:$0x1FBC0] =	vst v6;
	v6 =	vor.u32 $0x3C30, v1;
	v62 =	vor.u32 v57, v0;
	v2 =	vld.idx.msk [tilespmem:v2+s29+$0x0], $0xffff  }
0xee: {  	v7 =	vor.u32 $0x460, v16;
	v48 =	vmov v5;
	v0 =	vor.u32 v6, v0;
	v5 =	vld.idx.msk [tilespmem:v58+s29+$0x0], $0xffff  }
0xef: {  	v9 =	vor.u32 $0x1460, v16;
	v58 =	vmovc v6;
	v6 =	vld.idx.msk [tilespmem:v59+s29+$0x0], $0xffff;
	v59 =	vmov v7;
	v7 =	vor.u32 v7, v3  }
0xf0: {  	v11 =	vor.u32 $0x2460, v16;
	v8 =	vld.idx.msk [tilespmem:v60+s29+$0x0], $0xffff;
	v60 =	vmov v9;
	v9 =	vor.u32 v9, v3  }
0xf1: {  	v13 =	vor.u32 $0x3460, v16;
	v10 =	vld.idx.msk [tilespmem:v61+s29+$0x0], $0xffff;
	v61 =	vmov v11;
	v11 =	vor.u32 v11, v3  }
0xf2: {  	v15 =	vor.u32 $0x470, v16;
	v12 =	vld.idx.msk [tilespmem:v62+s29+$0x0], $0xffff;
	v62 =	vmov v13;
	v13 =	vor.u32 v13, v3  }
0xf3: {  	v21 =	vor.u32 $0x1470, v16;
	v14 =	vld.idx.msk [tilespmem:v0+s29+$0x0], $0xffff;
	v0 =	vmov v15;
	v15 =	vor.u32 v15, v3  }
0xf4: {  	v17 =	vld [tilespmem:$0x1FCE0];
	[tilespmem:v7+s2+$0x0] =	vst.idx.msk $0xffff, v4;
	v4 =	vor.u32 v21, v3;
	v7 =	vor.u32 $0x2470, v16  }
0xf5: {  	v18 =	vor.u32 $0x3470, v16;
	[tilespmem:v9+s2+$0x0] =	vst.idx.msk $0xffff, v2;
	v2 =	vmov v7;
	v9 =	vld [tilespmem:$0x1FC90];
	v7 =	vor.u32 v7, v3  }
0xf6: {  	p0 =	sne.s32 s22, $0xF;
	v3 =	vor.u32 v18, v3;
	[tilespmem:v11+s2+$0x0] =	vst.idx.msk $0xffff, v5;
	v11 =	vld [tilespmem:$0x1FCA0]  }
.Ltmp0:
0xf7: {  	v5 =	vld [tilespmem:$0x1FC70];
	[tilespmem:v13+s2+$0x0] =	vst.idx.msk $0xffff, v6;
	(pc) =	sbr.rel @p0 .LBB2_2-.Ltmp0, $4  }
0xf8: {  	v13 =	vld [tilespmem:$0x1FCC0];
	[tilespmem:v15+s2+$0x0] =	vst.idx.msk $0xffff, v8  }
0xf9: {  	v6 =	vld [tilespmem:$0x1FC80];
	[tilespmem:v4+s2+$0x0] =	vst.idx.msk $0xffff, v10  }
0xfa: {  	v15 =	vld [tilespmem:$0x1FCD0];
	[tilespmem:v7+s2+$0x0] =	vst.idx.msk $0xffff, v12  }
0xfb: {  	s22 =	sadd.s32 $0x1, s22;
	v12 =	vld [tilespmem:$0x1FCB0];
	[tilespmem:v3+s2+$0x0] =	vst.idx.msk $0xffff, v14  }
0xfc: {  	[tilespmem:$0x1F810] =	vst v18  }
0xfd: {  	[tilespmem:$0x1F820] =	vst v2  }
0xfe: {  	[tilespmem:$0x1F830] =	vst v21  }
0xff: {  	[tilespmem:$0x1F840] =	vst v0  }
0x100: {  	[tilespmem:$0x1F850] =	vst v62  }
0x101: {  	[tilespmem:$0x1F860] =	vst v61  }
0x102: {  	[tilespmem:$0x1F870] =	vst v60  }
0x103: {  	[tilespmem:$0x1F880] =	vst v59  }
0x104: {  	[tilespmem:$0x1F890] =	vst v58  }
0x105: {  	[tilespmem:$0x1F8A0] =	vst v57  }
0x106: {  	[tilespmem:$0x1F8B0] =	vst v56  }
0x107: {  	[tilespmem:$0x1F8C0] =	vst v55  }
0x108: {  	[tilespmem:$0x1F8D0] =	vst v53  }
0x109: {  	[tilespmem:$0x1F8E0] =	vst v54  }
0x10a: {  	[tilespmem:$0x1F8F0] =	vst v52  }
0x10b: {  	[tilespmem:$0x1F900] =	vst v50  }
0x10c: {  	[tilespmem:$0x1F910] =	vst v49  }
0x10d: {  	[tilespmem:$0x1F920] =	vst v51  }
0x10e: {  	[tilespmem:$0x1F930] =	vst v48  }
0x10f: {  	[tilespmem:$0x1F940] =	vst v47  }
0x110: {  	[tilespmem:$0x1F950] =	vst v46  }
0x111: {  	[tilespmem:$0x1F960] =	vst v45  }
0x112: {  	[tilespmem:$0x1F970] =	vst v20  }
0x113: {  	[tilespmem:$0x1F980] =	vst v43  }
0x114: {  	[tilespmem:$0x1F990] =	vst v42  }
0x115: {  	[tilespmem:$0x1F9A0] =	vst v40  }
0x116: {  	[tilespmem:$0x1F9B0] =	vst v41  }
0x117: {  	[tilespmem:$0x1F9C0] =	vst v39  }
0x118: {  	[tilespmem:$0x1F9D0] =	vst v37  }
0x119: {  	[tilespmem:$0x1F9E0] =	vst v36  }
0x11a: {  	[tilespmem:$0x1F9F0] =	vst v35  }
0x11b: {  	[tilespmem:$0x1FA00] =	vst v38  }
0x11c: {  	[tilespmem:$0x1FA10] =	vst v34  }
0x11d: {  	[tilespmem:$0x1FA20] =	vst v33  }
0x11e: {  	[tilespmem:$0x1FA30] =	vst v32  }
0x11f: {  	[tilespmem:$0x1FA40] =	vst v31  }
0x120: {  	[tilespmem:$0x1FA50] =	vst v30  }
0x121: {  	[tilespmem:$0x1FA60] =	vst v29  }
0x122: {  	[tilespmem:$0x1FA70] =	vst v28  }
0x123: {  	[tilespmem:$0x1FA80] =	vst v27;
	s9 =	rddreg [dreg:$0x6]  }
0x124: {  	[tilespmem:$0x1FA90] =	vst v44;
	s25 =	rddreg [dreg:$0x8]  }
0x125: {  	[hbm4b:s9+s3] =	stream.linear.scatter [tilespmem:s2], [sflag:$0x5], $0x800, $0x38;
	[tilespmem:$0x10200] =	vst v63  }
0x126: {  	[tilespmem:$0x1FAA0] =	vst v25;
	s10 =	simm.s32 $0x8A00;
	s22 =	rddreg [dreg:$0x10]  }
0x127: {  	[hbm4b:s25+s3] =	stream.linear.scatter [tilespmem:s10], [sflag:$0x5], $0x800, $0x38;
	[tilespmem:$0x10200] =	vst v63  }
0x128: {  	[tilespmem:$0x1FAB0] =	vst v26;
	s17 =	simm.s32 $0x9200;
	s10 =	rddreg [dreg:$0xd]  }
0x129: {  	[hbm4b:s10+s3] =	stream.linear.scatter [tilespmem:s17], [sflag:$0x5], $0x800, $0x38;
	[tilespmem:$0x10200] =	vst v63  }
0x12a: {  	[tilespmem:$0x1FAC0] =	vst v23;
	s23 =	simm.s32 $0x9A00;
	s24 =	rddreg [dreg:$0x13]  }
0x12b: {  	[hbm4b:s22+s3] =	stream.linear.scatter [tilespmem:s23], [sflag:$0x5], $0x800, $0x38;
	[tilespmem:$0x10200] =	vst v63  }
0x12c: {  	[tilespmem:$0x1FAD0] =	vst v24;
	s25 =	simm.s32 $0xA200;
	s10 =	rddreg [dreg:$0x1f]  }
0x12d: {  	[hbm4b:s24+s3] =	stream.linear.scatter [tilespmem:s25], [sflag:$0x5], $0x800, $0x38;
	[tilespmem:$0x10200] =	vst v63  }
0x12e: {  	[tilespmem:$0x1FAE0] =	vst v22;
	s17 =	simm.s32 $0xAA00;
	s22 =	sld [smem:$0x7F7]  }
0x12f: {  	[hbm4b:s10+s3] =	stream.linear.scatter [tilespmem:s17], [sflag:$0x5], $0x800, $0x38;
	[tilespmem:$0x10200] =	vst v63  }
0x130: {  	[tilespmem:$0x1FAF0] =	vst v63;
	s23 =	simm.s32 $0xB200;
	s24 =	sld [smem:$0x7FA]  }
0x131: {  	[hbm4b:s22+s3] =	stream.linear.scatter [tilespmem:s23], [sflag:$0x5], $0x800, $0x38;
	[tilespmem:$0x10200] =	vst v63  }
0x132: {  	[tilespmem:$0x1FB00] =	vst v19;
	s25 =	simm.s32 $0xBA00;
	s22 =	simm.s32 $0x1  }
0x133: {  	[hbm4b:s24+s3] =	stream.linear.scatter [tilespmem:s25], [sflag:$0x5], $0x800, $0x38;
	[tilespmem:$0x10200] =	vst v63  }
.LBB2_4:
0x134: {  	_ =	swait.ge [sflag:s26], $0x100  }
0x135: {  	[sflag:s26] =	ssyncset.done $0x0  }
0x136: {  	[sflag:s26] =	ssyncadd.s32 $0xFFFFFF00  }
0x137: {  	_ =	swait.ge [sflag:s7], $0x800  }
0x138: {  	[sflag:s7] =	ssyncset.done $0x0  }
0x139: {  	[sflag:s7] =	ssyncadd.s32 $0xFFFFF800  }
0x13a: {  	_ =	swait.ge [sflag:s7], $0x800  }
0x13b: {  	[sflag:s7] =	ssyncset.done $0x0  }
0x13c: {  	[sflag:s7] =	ssyncadd.s32 $0xFFFFF800  }
0x13d: {  	_ =	swait.ge [sflag:s7], $0x800  }
0x13e: {  	[sflag:s7] =	ssyncset.done $0x0  }
0x13f: {  	[sflag:s7] =	ssyncadd.s32 $0xFFFFF800  }
0x140: {  	_ =	swait.ge [sflag:s7], $0x800  }
0x141: {  	[sflag:s7] =	ssyncset.done $0x0  }
0x142: {  	[sflag:s7] =	ssyncadd.s32 $0xFFFFF800  }
0x143: {  	_ =	swait.ge [sflag:s7], $0x800  }
0x144: {  	[sflag:s7] =	ssyncset.done $0x0  }
0x145: {  	[sflag:s7] =	ssyncadd.s32 $0xFFFFF800  }
0x146: {  	_ =	swait.ge [sflag:s7], $0x800  }
0x147: {  	[sflag:s7] =	ssyncset.done $0x0  }
0x148: {  	[sflag:s7] =	ssyncadd.s32 $0xFFFFF800  }
0x149: {  	_ =	swait.ge [sflag:s7], $0x800  }
0x14a: {  	[sflag:s7] =	ssyncset.done $0x0  }
0x14b: {  	[sflag:s7] =	ssyncadd.s32 $0xFFFFF800  }
0x14c: {  	_ =	swait.ge [sflag:s7], $0x800  }
0x14d: {  	[sflag:s7] =	ssyncset.done $0x0  }
0x14e: {  	s24 =	simm.s32 $0x0;
	[sflag:s7] =	ssyncadd.s32 $0xFFFFF800  }
0x14f: {  	[tilespmem:s29], [sflag:$0x3] =	stream.indirect.gather [hbm4b:s5+s28], $0x40, s24, s28, $0xb8;
	[tilespmem:$0x10200] =	vst v63  }
0x150: {  	_ =	swait.ge [sflag:s11], $0x4000  }
0x151: {  	v8 =	vld [tilespmem:$0x1FDD0]  }
0x152: {  	v14 =	vld [tilespmem:$0x1FE00]  }
0x153: {  	v5 =	vld [tilespmem:$0x1FFF0]  }
0x154: {  	v46 =	vld [tilespmem:$0x1FAE0]  }
0x155: {  	v42 =	vld [tilespmem:$0x1FAD0]  }
0x156: {  	v47 =	vld [tilespmem:$0x1FAC0]  }
0x157: {  	v54 =	vld [tilespmem:$0x1FAB0]  }
0x158: {  	v50 =	vld [tilespmem:$0x1FAA0]  }
0x159: {  	v55 =	vld [tilespmem:$0x1FA90]  }
0x15a: {  	v41 =	vld [tilespmem:$0x1FA80]  }
0x15b: {  	v51 =	vld [tilespmem:$0x1FA70]  }
0x15c: {  	v43 =	vld [tilespmem:$0x1FA60]  }
0x15d: {  	v56 =	vld [tilespmem:$0x1FA50]  }
0x15e: {  	v48 =	vld [tilespmem:$0x1FA40]  }
0x15f: {  	v57 =	vld [tilespmem:$0x1FA30]  }
0x160: {  	v44 =	vld [tilespmem:$0x1FA20]  }
0x161: {  	v52 =	vld [tilespmem:$0x1FA10]  }
0x162: {  	v49 =	vld [tilespmem:$0x1FA00]  }
0x163: {  	v58 =	vld [tilespmem:$0x1F9F0]  }
0x164: {  	v53 =	vld [tilespmem:$0x1F9E0]  }
0x165: {  	v59 =	vld [tilespmem:$0x1F9D0]  }
0x166: {  	v60 =	vld [tilespmem:$0x1F9C0]  }
0x167: {  	v61 =	vld [tilespmem:$0x1F9B0]  }
0x168: {  	v62 =	vld [tilespmem:$0x1F9A0]  }
0x169: {  	v63 =	vld [tilespmem:$0x1F990]  }
0x16a: {  	v0 =	vld [tilespmem:$0x1F980]  }
0x16b: {  	v2 =	vld [tilespmem:$0x1F970]  }
0x16c: {  	v1 =	vld [tilespmem:$0x1F960]  }
0x16d: {  	v18 =	vld [tilespmem:$0x1F950]  }
0x16e: {  	v19 =	vld [tilespmem:$0x1F940]  }
0x16f: {  	v20 =	vld [tilespmem:$0x1F930]  }
0x170: {  	v21 =	vld [tilespmem:$0x1F920]  }
0x171: {  	v22 =	vld [tilespmem:$0x1F910]  }
0x172: {  	v23 =	vld [tilespmem:$0x1F900]  }
0x173: {  	v24 =	vld [tilespmem:$0x1F8F0]  }
0x174: {  	v25 =	vld [tilespmem:$0x1F8E0]  }
0x175: {  	v26 =	vld [tilespmem:$0x1F8D0]  }
0x176: {  	v27 =	vld [tilespmem:$0x1F8C0]  }
0x177: {  	v28 =	vld [tilespmem:$0x1F8B0]  }
0x178: {  	v29 =	vld [tilespmem:$0x1F8A0]  }
0x179: {  	v30 =	vld [tilespmem:$0x1F890]  }
0x17a: {  	v31 =	vld [tilespmem:$0x1F880]  }
0x17b: {  	v32 =	vld [tilespmem:$0x1F870]  }
0x17c: {  	s23 =	sshll.u32 s22, $0xE;
	v33 =	vld [tilespmem:$0x1F860]  }
0x17d: {  	s25 =	sor.u32 s23, s21;
	v34 =	vld [tilespmem:$0x1F850]  }
0x17e: {  	s25 =	sshrl.u32 s25, $0x3;
	v35 =	vld [tilespmem:$0x1F840]  }
0x17f: {  	s25 =	sadd.s32 s25, s4;
	[sflag:s11] =	ssyncset.done $0x0;
	v36 =	vld [tilespmem:$0x1F830]  }
0x180: {  	s25 =	sadd.s32 $0x20, s25;
	v37 =	vld [tilespmem:$0x1F820];
	[sflag:s11] =	ssyncadd.s32 $0xFFFFC000  }
0x181: {  	v38 =	vld [tilespmem:$0x1F810];
	[tilespmem:s28], [sflag:$0x2] =	stream.linear.gather [hbm4b:s25+s24], $0x100, $0x38  }
.LBB2_5:
0x182: {  	v3 =	vadd.s32 s24, v16;
	v6 =	vld [tilespmem:$0x1FC70]  }
0x183: {  	v7 =	vld [tilespmem:$0x1FC80];
	v4 =	vand.u32 $0xF, v3  }
0x184: {  	v45 =	vmovc v5;
	v9 =	vld [tilespmem:$0x1FC90];
	v10 =	vshll.u32 v3, $0x8;
	v3 =	vshll.u32 v3, $0x7;
	v5 =	vor.u32 v5, v4  }
0x185: {  	v39 =	vmovc v8;
	v11 =	vld [tilespmem:$0x1FCA0];
	v8 =	vor.u32 v8, v4;
	v10 =	vand.u32 $0x800, v10;
	v3 =	vand.u32 $0x380, v3  }
0x186: {  	v12 =	vld [tilespmem:$0x1FCB0];
	v3 =	vor.u32 v3, v10;
	v10 =	vor.u32 v13, v4  }
0x187: {  	v15 =	vld [tilespmem:$0x1FCD0];
	v6 =	vor.u32 v6, v4  }
0x188: {  	v13 =	vor.u32 v16, v3;
	v16 =	vor.u32 v17, v3;
	v17 =	vld [tilespmem:$0x1FC10];
	v7 =	vor.u32 v7, v4  }
0x189: {  	v9 =	vor.u32 v9, v4;
	v5 =	vld.idx.msk [tilespmem:v5+s31+$0x0], $0xffff  }
0x18a: {  	v11 =	vor.u32 v11, v4;
	v8 =	vld.idx.msk [tilespmem:v8+s31+$0x0], $0xffff  }
0x18b: {  	v12 =	vor.u32 v12, v4;
	v10 =	vld.idx.msk [tilespmem:v10+s31+$0x0], $0xffff  }
0x18c: {  	v6 =	vld.idx.msk [tilespmem:v6+s31+$0x0], $0xffff  }
0x18d: {  	v7 =	vld.idx.msk [tilespmem:v7+s31+$0x0], $0xffff  }
0x18e: {  	v40 =	vmov v14;
	v14 =	vor.u32 v14, v3;
	v9 =	vld.idx.msk [tilespmem:v9+s31+$0x0], $0xffff  }
0x18f: {  	v11 =	vld.idx.msk [tilespmem:v11+s31+$0x0], $0xffff  }
0x190: {  	v15 =	vor.u32 v15, v3;
	v12 =	vld.idx.msk [tilespmem:v12+s31+$0x0], $0xffff  }
0x191: {  	[tilespmem:v13+s8+$0x0] =	vst.idx.msk $0xffff, v5;
	v5 =	vld [tilespmem:$0x1FCF0];
	_ =	sdelay $0x1  }
0x192: {  	[tilespmem:v14+s8+$0x0] =	vst.idx.msk $0xffff, v6;
	v6 =	vld [tilespmem:$0x1FD00];
	_ =	sdelay $0x1  }
0x193: {  	v17 =	vor.u32 v17, v3;
	[tilespmem:v15+s8+$0x0] =	vst.idx.msk $0xffff, v7;
	v7 =	vld [tilespmem:$0x1FD10]  }
0x194: {  	v13 =	vld [tilespmem:$0x1FDA0];
	v5 =	vor.u32 v5, v3  }
0x195: {  	v14 =	vld [tilespmem:$0x1FE30]  }
0x196: {  	v15 =	vld [tilespmem:$0x1FDB0];
	v6 =	vor.u32 v6, v3  }
0x197: {  	[tilespmem:v16+s8+$0x0] =	vst.idx.msk $0xffff, v8;
	v8 =	vld [tilespmem:$0x1FD20]  }
0x198: {  	[tilespmem:v17+s8+$0x0] =	vst.idx.msk $0xffff, v9;
	v9 =	vld [tilespmem:$0x1FD30];
	v7 =	vor.u32 v7, v3  }
0x199: {  	[tilespmem:v5+s8+$0x0] =	vst.idx.msk $0xffff, v11;
	v5 =	vld [tilespmem:$0x1FD40]  }
0x19a: {  	v11 =	vld [tilespmem:$0x1FD80]  }
0x19b: {  	[tilespmem:v6+s8+$0x0] =	vst.idx.msk $0xffff, v12;
	v6 =	vld [tilespmem:$0x1FD50]  }
0x19c: {  	v8 =	vor.u32 v8, v4;
	v12 =	vld [tilespmem:$0x1FD90]  }
0x19d: {  	v9 =	vor.u32 v9, v4;
	[tilespmem:v7+s8+$0x0] =	vst.idx.msk $0xffff, v10;
	v7 =	vld [tilespmem:$0x1FD60]  }
0x19e: {  	v10 =	vld [tilespmem:$0x1FD70];
	v5 =	vor.u32 v5, v4  }
0x19f: {  	v16 =	vld [tilespmem:$0x1FDC0];
	v11 =	vor.u32 v11, v4  }
0x1a0: {  	v17 =	vld [tilespmem:$0x1FDE0];
	v6 =	vor.u32 v6, v4  }
0x1a1: {  	v8 =	vld.idx.msk [tilespmem:v8+s31+$0x0], $0xffff;
	v12 =	vor.u32 v12, v4  }
0x1a2: {  	v9 =	vld.idx.msk [tilespmem:v9+s31+$0x0], $0xffff;
	v7 =	vor.u32 v7, v4  }
0x1a3: {  	v10 =	vor.u32 v10, v4;
	v5 =	vld.idx.msk [tilespmem:v5+s31+$0x0], $0xffff  }
0x1a4: {  	v13 =	vor.u32 v13, v3;
	v11 =	vld.idx.msk [tilespmem:v11+s31+$0x0], $0xffff  }
0x1a5: {  	v6 =	vld.idx.msk [tilespmem:v6+s31+$0x0], $0xffff  }
0x1a6: {  	v14 =	vor.u32 v14, v3;
	v12 =	vld.idx.msk [tilespmem:v12+s31+$0x0], $0xffff  }
0x1a7: {  	v7 =	vld.idx.msk [tilespmem:v7+s31+$0x0], $0xffff  }
0x1a8: {  	v15 =	vor.u32 v15, v3;
	v10 =	vld.idx.msk [tilespmem:v10+s31+$0x0], $0xffff  }
0x1a9: {  	[tilespmem:v13+s8+$0x0] =	vst.idx.msk $0xffff, v8;
	v8 =	vld [tilespmem:$0x1FE60];
	_ =	sdelay $0x1  }
0x1aa: {  	[tilespmem:v14+s8+$0x0] =	vst.idx.msk $0xffff, v9;
	v9 =	vld [tilespmem:$0x1FDF0]  }
0x1ab: {  	v16 =	vor.u32 v16, v3  }
0x1ac: {  	v17 =	vor.u32 v17, v3;
	[tilespmem:v15+s8+$0x0] =	vst.idx.msk $0xffff, v5;
	v5 =	vld [tilespmem:$0x1FE10]  }
0x1ad: {  	v13 =	vld [tilespmem:$0x1FEC0];
	v8 =	vor.u32 v8, v3  }
0x1ae: {  	v14 =	vld [tilespmem:$0x1FED0]  }
0x1af: {  	v15 =	vld [tilespmem:$0x1FEE0];
	v9 =	vor.u32 v9, v3  }
0x1b0: {  	[tilespmem:v16+s8+$0x0] =	vst.idx.msk $0xffff, v6;
	v6 =	vld [tilespmem:$0x1FE20]  }
0x1b1: {  	[tilespmem:v17+s8+$0x0] =	vst.idx.msk $0xffff, v7;
	v7 =	vld [tilespmem:$0x1FE40];
	v5 =	vor.u32 v5, v3  }
0x1b2: {  	[tilespmem:v8+s8+$0x0] =	vst.idx.msk $0xffff, v10;
	v8 =	vld [tilespmem:$0x1FE50]  }
0x1b3: {  	v10 =	vld [tilespmem:$0x1FE90]  }
0x1b4: {  	[tilespmem:v9+s8+$0x0] =	vst.idx.msk $0xffff, v11;
	v9 =	vld [tilespmem:$0x1FE70]  }
0x1b5: {  	v6 =	vor.u32 v6, v4;
	v11 =	vld [tilespmem:$0x1FEA0]  }
0x1b6: {  	v7 =	vor.u32 v7, v4;
	[tilespmem:v5+s8+$0x0] =	vst.idx.msk $0xffff, v12;
	v5 =	vld [tilespmem:$0x1FE80]  }
0x1b7: {  	v12 =	vld [tilespmem:$0x1FEB0];
	v8 =	vor.u32 v8, v4  }
0x1b8: {  	v16 =	vld [tilespmem:$0x1FEF0];
	v10 =	vor.u32 v10, v4  }
0x1b9: {  	v17 =	vld [tilespmem:$0x1FF00];
	v9 =	vor.u32 v9, v4  }
0x1ba: {  	v6 =	vld.idx.msk [tilespmem:v6+s31+$0x0], $0xffff;
	v11 =	vor.u32 v11, v4  }
0x1bb: {  	v7 =	vld.idx.msk [tilespmem:v7+s31+$0x0], $0xffff;
	v5 =	vor.u32 v5, v4  }
0x1bc: {  	v12 =	vor.u32 v12, v4;
	v8 =	vld.idx.msk [tilespmem:v8+s31+$0x0], $0xffff  }
0x1bd: {  	v13 =	vor.u32 v13, v3;
	v10 =	vld.idx.msk [tilespmem:v10+s31+$0x0], $0xffff  }
0x1be: {  	v9 =	vld.idx.msk [tilespmem:v9+s31+$0x0], $0xffff  }
0x1bf: {  	v14 =	vor.u32 v14, v3;
	v11 =	vld.idx.msk [tilespmem:v11+s31+$0x0], $0xffff  }
0x1c0: {  	v5 =	vld.idx.msk [tilespmem:v5+s31+$0x0], $0xffff  }
0x1c1: {  	v15 =	vor.u32 v15, v3;
	v12 =	vld.idx.msk [tilespmem:v12+s31+$0x0], $0xffff  }
0x1c2: {  	[tilespmem:v13+s8+$0x0] =	vst.idx.msk $0xffff, v6;
	v6 =	vld [tilespmem:$0x1FF10];
	_ =	sdelay $0x1  }
0x1c3: {  	[tilespmem:v14+s8+$0x0] =	vst.idx.msk $0xffff, v7;
	v7 =	vld [tilespmem:$0x1FF20]  }
0x1c4: {  	v16 =	vor.u32 v16, v3  }
0x1c5: {  	v17 =	vor.u32 v17, v3;
	[tilespmem:v15+s8+$0x0] =	vst.idx.msk $0xffff, v8;
	v8 =	vld [tilespmem:$0x1FF30]  }
0x1c6: {  	v13 =	vld [tilespmem:$0x1FFC0];
	v6 =	vor.u32 v6, v3  }
0x1c7: {  	v14 =	vld [tilespmem:$0x1FFD0]  }
0x1c8: {  	v15 =	vld [tilespmem:$0x1FFE0];
	v7 =	vor.u32 v7, v3  }
0x1c9: {  	[tilespmem:v16+s8+$0x0] =	vst.idx.msk $0xffff, v9;
	v9 =	vld [tilespmem:$0x1FF40]  }
0x1ca: {  	[tilespmem:v17+s8+$0x0] =	vst.idx.msk $0xffff, v5;
	v5 =	vld [tilespmem:$0x1FF50];
	v8 =	vor.u32 v8, v3  }
0x1cb: {  	[tilespmem:v6+s8+$0x0] =	vst.idx.msk $0xffff, v10;
	v6 =	vld [tilespmem:$0x1FF60]  }
0x1cc: {  	v10 =	vld [tilespmem:$0x1FF90]  }
0x1cd: {  	[tilespmem:v7+s8+$0x0] =	vst.idx.msk $0xffff, v11;
	v7 =	vld [tilespmem:$0x1FF70]  }
0x1ce: {  	v9 =	vor.u32 v9, v4;
	v11 =	vld [tilespmem:$0x1FFA0]  }
0x1cf: {  	v5 =	vor.u32 v5, v4;
	[tilespmem:v8+s8+$0x0] =	vst.idx.msk $0xffff, v12;
	v8 =	vld [tilespmem:$0x1FF80]  }
0x1d0: {  	v12 =	vld [tilespmem:$0x1FFB0];
	v6 =	vor.u32 v6, v4  }
0x1d1: {  	v16 =	vld [tilespmem:$0x1FC20];
	v10 =	vor.u32 v10, v4  }
0x1d2: {  	v17 =	vld [tilespmem:$0x1FC30];
	v7 =	vor.u32 v7, v4  }
0x1d3: {  	v9 =	vld.idx.msk [tilespmem:v9+s31+$0x0], $0xffff;
	v11 =	vor.u32 v11, v4  }
0x1d4: {  	v5 =	vld.idx.msk [tilespmem:v5+s31+$0x0], $0xffff;
	v8 =	vor.u32 v8, v4  }
0x1d5: {  	v12 =	vor.u32 v12, v4;
	v6 =	vld.idx.msk [tilespmem:v6+s31+$0x0], $0xffff  }
0x1d6: {  	v13 =	vor.u32 v13, v3;
	v10 =	vld.idx.msk [tilespmem:v10+s31+$0x0], $0xffff  }
0x1d7: {  	v7 =	vld.idx.msk [tilespmem:v7+s31+$0x0], $0xffff  }
0x1d8: {  	v14 =	vor.u32 v14, v3;
	v11 =	vld.idx.msk [tilespmem:v11+s31+$0x0], $0xffff  }
0x1d9: {  	v8 =	vld.idx.msk [tilespmem:v8+s31+$0x0], $0xffff  }
0x1da: {  	v15 =	vor.u32 v15, v3;
	v12 =	vld.idx.msk [tilespmem:v12+s31+$0x0], $0xffff  }
0x1db: {  	[tilespmem:v13+s8+$0x0] =	vst.idx.msk $0xffff, v9;
	v9 =	vld [tilespmem:$0x1FC40];
	_ =	sdelay $0x1  }
0x1dc: {  	[tilespmem:v14+s8+$0x0] =	vst.idx.msk $0xffff, v5;
	v5 =	vld [tilespmem:$0x1FC50]  }
0x1dd: {  	v16 =	vor.u32 v16, v3  }
0x1de: {  	v17 =	vor.u32 v17, v3;
	[tilespmem:v15+s8+$0x0] =	vst.idx.msk $0xffff, v6;
	v6 =	vld [tilespmem:$0x1FC60]  }
0x1df: {  	v13 =	vld [tilespmem:$0x1FB90];
	v9 =	vor.u32 v9, v3  }
0x1e0: {  	v14 =	vld [tilespmem:$0x1FBA0]  }
0x1e1: {  	v15 =	vld [tilespmem:$0x1FBB0];
	v5 =	vor.u32 v5, v3  }
0x1e2: {  	[tilespmem:v16+s8+$0x0] =	vst.idx.msk $0xffff, v7;
	v7 =	vld [tilespmem:$0x1FB10]  }
0x1e3: {  	[tilespmem:v17+s8+$0x0] =	vst.idx.msk $0xffff, v8;
	v8 =	vld [tilespmem:$0x1FB20];
	v6 =	vor.u32 v6, v3  }
0x1e4: {  	[tilespmem:v9+s8+$0x0] =	vst.idx.msk $0xffff, v10;
	v9 =	vld [tilespmem:$0x1FB30]  }
0x1e5: {  	v10 =	vld [tilespmem:$0x1FB60]  }
0x1e6: {  	[tilespmem:v5+s8+$0x0] =	vst.idx.msk $0xffff, v11;
	v5 =	vld [tilespmem:$0x1FB40]  }
0x1e7: {  	v7 =	vor.u32 v7, v4;
	v11 =	vld [tilespmem:$0x1FB70]  }
0x1e8: {  	v8 =	vor.u32 v8, v4;
	[tilespmem:v6+s8+$0x0] =	vst.idx.msk $0xffff, v12;
	v6 =	vld [tilespmem:$0x1FB50]  }
0x1e9: {  	v12 =	vld [tilespmem:$0x1FB80];
	v9 =	vor.u32 v9, v4  }
0x1ea: {  	v16 =	vld [tilespmem:$0x1FBC0];
	v10 =	vor.u32 v10, v4  }
0x1eb: {  	v17 =	vld [tilespmem:$0x1FBD0];
	v5 =	vor.u32 v5, v4  }
0x1ec: {  	v7 =	vld.idx.msk [tilespmem:v7+s31+$0x0], $0xffff;
	v11 =	vor.u32 v11, v4  }
0x1ed: {  	v8 =	vld.idx.msk [tilespmem:v8+s31+$0x0], $0xffff;
	v6 =	vor.u32 v6, v4  }
0x1ee: {  	v12 =	vor.u32 v12, v4;
	v9 =	vld.idx.msk [tilespmem:v9+s31+$0x0], $0xffff  }
0x1ef: {  	v13 =	vor.u32 v13, v3;
	v10 =	vld.idx.msk [tilespmem:v10+s31+$0x0], $0xffff  }
0x1f0: {  	v14 =	vor.u32 v14, v3;
	v5 =	vld.idx.msk [tilespmem:v5+s31+$0x0], $0xffff  }
0x1f1: {  	v15 =	vor.u32 v15, v3;
	v11 =	vld.idx.msk [tilespmem:v11+s31+$0x0], $0xffff  }
0x1f2: {  	v16 =	vor.u32 v16, v3;
	v6 =	vld.idx.msk [tilespmem:v6+s31+$0x0], $0xffff  }
0x1f3: {  	v17 =	vor.u32 v17, v3;
	v12 =	vld.idx.msk [tilespmem:v12+s31+$0x0], $0xffff  }
0x1f4: {  	[tilespmem:v13+s8+$0x0] =	vst.idx.msk $0xffff, v7;
	v7 =	vld [tilespmem:$0x1FBE0]  }
0x1f5: {  	[tilespmem:v14+s8+$0x0] =	vst.idx.msk $0xffff, v8;
	v8 =	vld [tilespmem:$0x1FBF0]  }
0x1f6: {  	[tilespmem:v15+s8+$0x0] =	vst.idx.msk $0xffff, v9;
	v9 =	vld [tilespmem:$0x1FC00]  }
0x1f7: {  	[tilespmem:v16+s8+$0x0] =	vst.idx.msk $0xffff, v5;
	v5 =	vld [tilespmem:$0x1FB00]  }
0x1f8: {  	[tilespmem:v17+s8+$0x0] =	vst.idx.msk $0xffff, v6;
	v6 =	vld [tilespmem:$0x1FAF0]  }
0x1f9: {  	v7 =	vor.u32 v7, v3  }
0x1fa: {  	v8 =	vor.u32 v8, v3  }
0x1fb: {  	v9 =	vor.u32 v9, v3  }
0x1fc: {  	v5 =	vor.u32 v5, v4  }
0x1fd: {  	v6 =	vor.u32 v6, v4  }
0x1fe: {  	[tilespmem:v7+s8+$0x0] =	vst.idx.msk $0xffff, v10;
	v7 =	vor.u32 v46, v4  }
0x1ff: {  	v10 =	vor.u32 v54, v4;
	[tilespmem:v8+s8+$0x0] =	vst.idx.msk $0xffff, v11  }
0x200: {  	v8 =	vor.u32 v42, v4;
	[tilespmem:v9+s8+$0x0] =	vst.idx.msk $0xffff, v12  }
0x201: {  	v11 =	vor.u32 v50, v4;
	v5 =	vld.idx.msk [tilespmem:v5+s31+$0x0], $0xffff  }
0x202: {  	v9 =	vor.u32 v47, v4;
	v6 =	vld.idx.msk [tilespmem:v6+s31+$0x0], $0xffff  }
0x203: {  	v13 =	vor.u32 v41, v3;
	v12 =	vor.u32 v55, v4;
	v7 =	vld.idx.msk [tilespmem:v7+s31+$0x0], $0xffff  }
0x204: {  	v14 =	vor.u32 v51, v3;
	v10 =	vld.idx.msk [tilespmem:v10+s31+$0x0], $0xffff  }
0x205: {  	v15 =	vor.u32 v43, v3;
	v8 =	vld.idx.msk [tilespmem:v8+s31+$0x0], $0xffff  }
0x206: {  	v16 =	vor.u32 v56, v3;
	v11 =	vld.idx.msk [tilespmem:v11+s31+$0x0], $0xffff  }
0x207: {  	v17 =	vor.u32 v48, v3;
	v9 =	vld.idx.msk [tilespmem:v9+s31+$0x0], $0xffff  }
0x208: {  	v12 =	vld.idx.msk [tilespmem:v12+s31+$0x0], $0xffff;
	[tilespmem:v13+s8+$0x0] =	vst.idx.msk $0xffff, v5;
	v5 =	vor.u32 v57, v3  }
0x209: {  	[tilespmem:v14+s8+$0x0] =	vst.idx.msk $0xffff, v6;
	v6 =	vor.u32 v44, v3  }
0x20a: {  	[tilespmem:v15+s8+$0x0] =	vst.idx.msk $0xffff, v7;
	v7 =	vor.u32 v52, v3  }
0x20b: {  	[tilespmem:v16+s8+$0x0] =	vst.idx.msk $0xffff, v8;
	v8 =	vor.u32 v49, v4  }
0x20c: {  	[tilespmem:v17+s8+$0x0] =	vst.idx.msk $0xffff, v9;
	v9 =	vor.u32 v58, v4  }
0x20d: {  	[tilespmem:v5+s8+$0x0] =	vst.idx.msk $0xffff, v10;
	v5 =	vor.u32 v53, v4  }
0x20e: {  	v10 =	vor.u32 v61, v4;
	[tilespmem:v6+s8+$0x0] =	vst.idx.msk $0xffff, v11  }
0x20f: {  	v6 =	vor.u32 v59, v4;
	[tilespmem:v7+s8+$0x0] =	vst.idx.msk $0xffff, v12  }
0x210: {  	v11 =	vor.u32 v62, v4;
	v8 =	vld.idx.msk [tilespmem:v8+s31+$0x0], $0xffff  }
0x211: {  	v7 =	vor.u32 v60, v4;
	v9 =	vld.idx.msk [tilespmem:v9+s31+$0x0], $0xffff  }
0x212: {  	v13 =	vor.u32 v0, v3;
	v12 =	vor.u32 v63, v4;
	v5 =	vld.idx.msk [tilespmem:v5+s31+$0x0], $0xffff  }
0x213: {  	v14 =	vor.u32 v2, v3;
	v10 =	vld.idx.msk [tilespmem:v10+s31+$0x0], $0xffff  }
0x214: {  	v15 =	vor.u32 v1, v3;
	v6 =	vld.idx.msk [tilespmem:v6+s31+$0x0], $0xffff  }
0x215: {  	v16 =	vor.u32 v18, v3;
	v11 =	vld.idx.msk [tilespmem:v11+s31+$0x0], $0xffff  }
0x216: {  	v17 =	vor.u32 v19, v3;
	v7 =	vld.idx.msk [tilespmem:v7+s31+$0x0], $0xffff  }
0x217: {  	v12 =	vld.idx.msk [tilespmem:v12+s31+$0x0], $0xffff;
	[tilespmem:v13+s8+$0x0] =	vst.idx.msk $0xffff, v8;
	v8 =	vor.u32 v20, v3  }
0x218: {  	[tilespmem:v14+s8+$0x0] =	vst.idx.msk $0xffff, v9;
	v9 =	vor.u32 v21, v3  }
0x219: {  	[tilespmem:v15+s8+$0x0] =	vst.idx.msk $0xffff, v5;
	v5 =	vor.u32 v22, v3  }
0x21a: {  	[tilespmem:v16+s8+$0x0] =	vst.idx.msk $0xffff, v6;
	v6 =	vor.u32 v23, v4  }
0x21b: {  	[tilespmem:v17+s8+$0x0] =	vst.idx.msk $0xffff, v7;
	v7 =	vor.u32 v24, v4  }
0x21c: {  	[tilespmem:v8+s8+$0x0] =	vst.idx.msk $0xffff, v10;
	v8 =	vor.u32 v25, v4  }
0x21d: {  	v10 =	vor.u32 v28, v4;
	[tilespmem:v9+s8+$0x0] =	vst.idx.msk $0xffff, v11  }
0x21e: {  	v9 =	vor.u32 v26, v4;
	[tilespmem:v5+s8+$0x0] =	vst.idx.msk $0xffff, v12  }
0x21f: {  	v11 =	vor.u32 v29, v4;
	v6 =	vld.idx.msk [tilespmem:v6+s31+$0x0], $0xffff  }
0x220: {  	v5 =	vor.u32 v27, v4;
	v7 =	vld.idx.msk [tilespmem:v7+s31+$0x0], $0xffff  }
0x221: {  	v4 =	vor.u32 v30, v4;
	v12 =	vor.u32 v31, v3;
	v8 =	vld.idx.msk [tilespmem:v8+s31+$0x0], $0xffff  }
0x222: {  	v13 =	vor.u32 v32, v3;
	v10 =	vld.idx.msk [tilespmem:v10+s31+$0x0], $0xffff  }
0x223: {  	v14 =	vor.u32 v33, v3;
	v9 =	vld.idx.msk [tilespmem:v9+s31+$0x0], $0xffff  }
0x224: {  	v15 =	vor.u32 v34, v3;
	v11 =	vld.idx.msk [tilespmem:v11+s31+$0x0], $0xffff  }
0x225: {  	v16 =	vor.u32 v35, v3;
	v5 =	vld.idx.msk [tilespmem:v5+s31+$0x0], $0xffff  }
0x226: {  	v4 =	vld.idx.msk [tilespmem:v4+s31+$0x0], $0xffff;
	[tilespmem:v12+s8+$0x0] =	vst.idx.msk $0xffff, v6;
	v6 =	vor.u32 v36, v3  }
0x227: {  	[tilespmem:v13+s8+$0x0] =	vst.idx.msk $0xffff, v7;
	v7 =	vor.u32 v37, v3  }
0x228: {  	p0 =	sne.s32 s24, $0xF;
	v3 =	vor.u32 v38, v3;
	[tilespmem:v14+s8+$0x0] =	vst.idx.msk $0xffff, v8  }
.Ltmp1:
0x229: {  	[tilespmem:v15+s8+$0x0] =	vst.idx.msk $0xffff, v9;
	(pc) =	sbr.rel @p0 .LBB2_5-.Ltmp1, $4  }
0x22a: {  	[tilespmem:v16+s8+$0x0] =	vst.idx.msk $0xffff, v5  }
0x22b: {  	[tilespmem:v6+s8+$0x0] =	vst.idx.msk $0xffff, v10  }
0x22c: {  	v17 =	vld [tilespmem:$0x1FCE0];
	[tilespmem:v7+s8+$0x0] =	vst.idx.msk $0xffff, v11  }
0x22d: {  	s24 =	sadd.s32 $0x1, s24;
	v13 =	vld [tilespmem:$0x1FCC0];
	v14 =	vmovc v40;
	v8 =	vmov v39;
	v5 =	vmov v45;
	v16 =	vlaneseq.u32;
	[tilespmem:v3+s8+$0x0] =	vst.idx.msk $0xffff, v4  }
0x22e: {  	s9 =	sld [smem:$0x7F4];
	_ =	sdelay $0x1  }
0x22f: {  	s24 =	sshll.u32 s22, $0x14  }
0x230: {  	s25 =	sadd.s32 s9, s24  }
0x231: {  	s9 =	sshrl.u32 s25, $0x3  }
0x232: {  	s25 =	simm.s32 $0x0;
	s10 =	sadd.s32 s1, s9;
	s17 =	sor.u32 $0x4000, s9  }
0x233: {  	[hbm4b:s10+s25] =	stream.linear.scatter [tilespmem:s8], [sflag:$0x6], $0x800, $0x38;
	[tilespmem:$0x10200] =	vst v63  }
0x234: {  	s10 =	sadd.s32 s1, s17;
	s17 =	simm.s32 $0xCA00  }
0x235: {  	[hbm4b:s10+s25] =	stream.linear.scatter [tilespmem:s17], [sflag:$0x6], $0x800, $0x38;
	[tilespmem:$0x10200] =	vst v63  }
0x236: {  	s17 =	sor.u32 $0x8000, s9  }
0x237: {  	s10 =	sadd.s32 s1, s17;
	s17 =	simm.s32 $0xD200  }
0x238: {  	[hbm4b:s10+s25] =	stream.linear.scatter [tilespmem:s17], [sflag:$0x6], $0x800, $0x38;
	[tilespmem:$0x10200] =	vst v63  }
0x239: {  	s17 =	sor.u32 $0xC000, s9  }
0x23a: {  	s10 =	sadd.s32 s1, s17;
	s17 =	simm.s32 $0xDA00  }
0x23b: {  	[hbm4b:s10+s25] =	stream.linear.scatter [tilespmem:s17], [sflag:$0x6], $0x800, $0x38;
	[tilespmem:$0x10200] =	vst v63  }
0x23c: {  	s17 =	sor.u32 $0x10000, s9  }
0x23d: {  	s10 =	sadd.s32 s1, s17;
	s17 =	simm.s32 $0xE200  }
0x23e: {  	[hbm4b:s10+s25] =	stream.linear.scatter [tilespmem:s17], [sflag:$0x6], $0x800, $0x38;
	[tilespmem:$0x10200] =	vst v63  }
0x23f: {  	s17 =	sor.u32 $0x14000, s9  }
0x240: {  	s10 =	sadd.s32 s1, s17;
	s17 =	simm.s32 $0xEA00  }
0x241: {  	[hbm4b:s10+s25] =	stream.linear.scatter [tilespmem:s17], [sflag:$0x6], $0x800, $0x38;
	[tilespmem:$0x10200] =	vst v63  }
0x242: {  	s17 =	sor.u32 $0x18000, s9  }
0x243: {  	s9 =	sor.u32 $0x1C000, s9;
	s10 =	sadd.s32 s1, s17;
	s17 =	simm.s32 $0xF200  }
0x244: {  	[hbm4b:s10+s25] =	stream.linear.scatter [tilespmem:s17], [sflag:$0x6], $0x800, $0x38;
	[tilespmem:$0x10200] =	vst v63  }
0x245: {  	s9 =	sadd.s32 s1, s9;
	s17 =	simm.s32 $0xFA00  }
0x246: {  	[hbm4b:s9+s25] =	stream.linear.scatter [tilespmem:s17], [sflag:$0x6], $0x800, $0x38;
	[tilespmem:$0x10200] =	vst v63  }
0x247: {  	_ =	swait.ge [sflag:s30], $0x100  }
0x248: {  	[sflag:s30] =	ssyncset.done $0x0  }
0x249: {  	[sflag:s30] =	ssyncadd.s32 $0xFFFFFF00  }
0x24a: {  	_ =	swait.ge [sflag:s20], $0x800  }
0x24b: {  	[sflag:s20] =	ssyncset.done $0x0  }
0x24c: {  	[sflag:s20] =	ssyncadd.s32 $0xFFFFF800  }
0x24d: {  	_ =	swait.ge [sflag:s20], $0x800  }
0x24e: {  	[sflag:s20] =	ssyncset.done $0x0  }
0x24f: {  	[sflag:s20] =	ssyncadd.s32 $0xFFFFF800  }
0x250: {  	_ =	swait.ge [sflag:s20], $0x800  }
0x251: {  	[sflag:s20] =	ssyncset.done $0x0  }
0x252: {  	[sflag:s20] =	ssyncadd.s32 $0xFFFFF800  }
0x253: {  	_ =	swait.ge [sflag:s20], $0x800  }
0x254: {  	[sflag:s20] =	ssyncset.done $0x0  }
0x255: {  	[sflag:s20] =	ssyncadd.s32 $0xFFFFF800  }
0x256: {  	_ =	swait.ge [sflag:s20], $0x800  }
0x257: {  	[sflag:s20] =	ssyncset.done $0x0  }
0x258: {  	[sflag:s20] =	ssyncadd.s32 $0xFFFFF800  }
0x259: {  	_ =	swait.ge [sflag:s20], $0x800  }
0x25a: {  	[sflag:s20] =	ssyncset.done $0x0  }
0x25b: {  	[sflag:s20] =	ssyncadd.s32 $0xFFFFF800  }
0x25c: {  	_ =	swait.ge [sflag:s20], $0x800  }
0x25d: {  	[sflag:s20] =	ssyncset.done $0x0  }
0x25e: {  	[sflag:s20] =	ssyncadd.s32 $0xFFFFF800  }
0x25f: {  	_ =	swait.ge [sflag:s20], $0x800  }
0x260: {  	[sflag:s20] =	ssyncset.done $0x0  }
0x261: {  	[sflag:s20] =	ssyncadd.s32 $0xFFFFF800  }
0x262: {  	[tilespmem:s31], [sflag:$0x4] =	stream.indirect.gather [hbm4b:s5+s28], $0x40, s28, s28, $0xb8;
	[tilespmem:$0x10200] =	vst v63  }
0x263: {  	_ =	swait.ge [sflag:s0], $0x4000  }
0x264: {  	s17 =	rddreg [dreg:$0x7]  }
0x265: {  	s9 =	sadd.s32 s17, s23  }
0x266: {  	[sflag:s0] =	ssyncset.done $0x0;
	s9 =	sshrl.u32 s9, $0x3  }
0x267: {  	[sflag:s0] =	ssyncadd.s32 $0xFFFFC000;
	s9 =	sadd.s32 s4, s9  }
0x268: {  	[tilespmem:s25], [sflag:$0x1] =	stream.linear.gather [hbm4b:s9+s25], $0x100, $0x38;
	[tilespmem:$0x10200] =	vst v63  }
.LBB2_7:
0x269: {  	v3 =	vadd.s32 s25, v16;
	v6 =	vld [tilespmem:$0x1FC70]  }
0x26a: {  	v7 =	vld [tilespmem:$0x1FC80];
	v4 =	vand.u32 $0xF, v3  }
0x26b: {  	v9 =	vld [tilespmem:$0x1FC90];
	v10 =	vshll.u32 v3, $0x8;
	v3 =	vshll.u32 v3, $0x7;
	v5 =	vor.u32 v45, v4  }
0x26c: {  	v11 =	vld [tilespmem:$0x1FCA0];
	v8 =	vor.u32 v39, v4;
	v10 =	vand.u32 $0x800, v10;
	v3 =	vand.u32 $0x380, v3  }
0x26d: {  	v12 =	vld [tilespmem:$0x1FCB0];
	v3 =	vor.u32 v3, v10;
	v10 =	vor.u32 v13, v4  }
0x26e: {  	v15 =	vld [tilespmem:$0x1FCD0];
	v6 =	vor.u32 v6, v4  }
0x26f: {  	v13 =	vor.u32 v16, v3;
	v16 =	vor.u32 v17, v3;
	v17 =	vld [tilespmem:$0x1FC10];
	v7 =	vor.u32 v7, v4  }
0x270: {  	v9 =	vor.u32 v9, v4;
	v5 =	vld.idx.msk [tilespmem:v5+s29+$0x0], $0xffff  }
0x271: {  	v11 =	vor.u32 v11, v4;
	v8 =	vld.idx.msk [tilespmem:v8+s29+$0x0], $0xffff  }
0x272: {  	v12 =	vor.u32 v12, v4;
	v10 =	vld.idx.msk [tilespmem:v10+s29+$0x0], $0xffff  }
0x273: {  	v6 =	vld.idx.msk [tilespmem:v6+s29+$0x0], $0xffff  }
0x274: {  	v7 =	vld.idx.msk [tilespmem:v7+s29+$0x0], $0xffff  }
0x275: {  	v9 =	vld.idx.msk [tilespmem:v9+s29+$0x0], $0xffff  }
0x276: {  	v14 =	vor.u32 v40, v3;
	v11 =	vld.idx.msk [tilespmem:v11+s29+$0x0], $0xffff  }
0x277: {  	v15 =	vor.u32 v15, v3;
	v12 =	vld.idx.msk [tilespmem:v12+s29+$0x0], $0xffff  }
0x278: {  	[tilespmem:v13+s2+$0x0] =	vst.idx.msk $0xffff, v5;
	v5 =	vld [tilespmem:$0x1FCF0];
	_ =	sdelay $0x2  }
0x279: {  	[tilespmem:v14+s2+$0x0] =	vst.idx.msk $0xffff, v6;
	v6 =	vld [tilespmem:$0x1FD00]  }
0x27a: {  	v17 =	vor.u32 v17, v3;
	[tilespmem:v15+s2+$0x0] =	vst.idx.msk $0xffff, v7;
	v7 =	vld [tilespmem:$0x1FD10]  }
0x27b: {  	v5 =	vor.u32 v5, v3;
	_ =	sdelay $0x2  }
0x27c: {  	[tilespmem:v16+s2+$0x0] =	vst.idx.msk $0xffff, v8;
	v6 =	vor.u32 v6, v3  }
0x27d: {  	[tilespmem:v17+s2+$0x0] =	vst.idx.msk $0xffff, v9;
	v7 =	vor.u32 v7, v3  }
0x27e: {  	[tilespmem:v5+s2+$0x0] =	vst.idx.msk $0xffff, v11;
	v11 =	vld [tilespmem:$0x1FD40]  }
0x27f: {  	v13 =	vld [tilespmem:$0x1FDA0]  }
0x280: {  	v8 =	vld [tilespmem:$0x1FD20]  }
0x281: {  	v9 =	vld [tilespmem:$0x1FD30];
	[tilespmem:v6+s2+$0x0] =	vst.idx.msk $0xffff, v12  }
0x282: {  	[tilespmem:v7+s2+$0x0] =	vst.idx.msk $0xffff, v10;
	v10 =	vld [tilespmem:$0x1FD60]  }
0x283: {  	v5 =	vor.u32 v11, v4;
	v11 =	vld [tilespmem:$0x1FD50]  }
0x284: {  	v12 =	vld [tilespmem:$0x1FD90]  }
0x285: {  	v14 =	vld [tilespmem:$0x1FE30]  }
0x286: {  	v15 =	vld [tilespmem:$0x1FDB0];
	v8 =	vor.u32 v8, v4  }
0x287: {  	v9 =	vor.u32 v9, v4;
	v7 =	vor.u32 v10, v4;
	v10 =	vld [tilespmem:$0x1FD70]  }
0x288: {  	v6 =	vor.u32 v11, v4;
	v11 =	vld [tilespmem:$0x1FD80]  }
0x289: {  	v16 =	vld [tilespmem:$0x1FDC0];
	v12 =	vor.u32 v12, v4  }
0x28a: {  	v17 =	vld [tilespmem:$0x1FDE0]  }
0x28b: {  	v8 =	vld.idx.msk [tilespmem:v8+s29+$0x0], $0xffff  }
0x28c: {  	v9 =	vld.idx.msk [tilespmem:v9+s29+$0x0], $0xffff;
	v10 =	vor.u32 v10, v4  }
0x28d: {  	v5 =	vld.idx.msk [tilespmem:v5+s29+$0x0], $0xffff;
	v11 =	vor.u32 v11, v4  }
0x28e: {  	v13 =	vor.u32 v13, v3;
	v12 =	vld.idx.msk [tilespmem:v12+s29+$0x0], $0xffff  }
0x28f: {  	v14 =	vor.u32 v14, v3;
	v7 =	vld.idx.msk [tilespmem:v7+s29+$0x0], $0xffff  }
0x290: {  	v6 =	vld.idx.msk [tilespmem:v6+s29+$0x0], $0xffff  }
0x291: {  	v10 =	vld.idx.msk [tilespmem:v10+s29+$0x0], $0xffff  }
0x292: {  	v11 =	vld.idx.msk [tilespmem:v11+s29+$0x0], $0xffff  }
0x293: {  	v15 =	vor.u32 v15, v3;
	[tilespmem:v13+s2+$0x0] =	vst.idx.msk $0xffff, v8;
	v8 =	vld [tilespmem:$0x1FE60]  }
0x294: {  	[tilespmem:v14+s2+$0x0] =	vst.idx.msk $0xffff, v9;
	v9 =	vld [tilespmem:$0x1FDF0];
	_ =	sdelay $0x1  }
0x295: {  	v16 =	vor.u32 v16, v3  }
0x296: {  	v17 =	vor.u32 v17, v3  }
0x297: {  	[tilespmem:v15+s2+$0x0] =	vst.idx.msk $0xffff, v5;
	v5 =	vld [tilespmem:$0x1FE10];
	v8 =	vor.u32 v8, v3  }
0x298: {  	v13 =	vld [tilespmem:$0x1FEC0];
	v9 =	vor.u32 v9, v3  }
0x299: {  	v14 =	vld [tilespmem:$0x1FED0]  }
0x29a: {  	[tilespmem:v16+s2+$0x0] =	vst.idx.msk $0xffff, v6;
	v6 =	vld [tilespmem:$0x1FE20]  }
0x29b: {  	[tilespmem:v17+s2+$0x0] =	vst.idx.msk $0xffff, v7;
	v7 =	vld [tilespmem:$0x1FE40]  }
0x29c: {  	v5 =	vor.u32 v5, v3;
	[tilespmem:v8+s2+$0x0] =	vst.idx.msk $0xffff, v10;
	v8 =	vld [tilespmem:$0x1FE50]  }
0x29d: {  	[tilespmem:v9+s2+$0x0] =	vst.idx.msk $0xffff, v11;
	v11 =	vld [tilespmem:$0x1FE80]  }
0x29e: {  	v10 =	vld [tilespmem:$0x1FE90]  }
0x29f: {  	v9 =	vld [tilespmem:$0x1FE70]  }
0x2a0: {  	v15 =	vld [tilespmem:$0x1FEE0];
	v6 =	vor.u32 v6, v4  }
0x2a1: {  	v7 =	vor.u32 v7, v4;
	[tilespmem:v5+s2+$0x0] =	vst.idx.msk $0xffff, v12;
	v12 =	vld [tilespmem:$0x1FEB0]  }
0x2a2: {  	v8 =	vor.u32 v8, v4;
	v5 =	vor.u32 v11, v4;
	v11 =	vld [tilespmem:$0x1FEA0]  }
0x2a3: {  	v16 =	vld [tilespmem:$0x1FEF0];
	v10 =	vor.u32 v10, v4  }
0x2a4: {  	v17 =	vld [tilespmem:$0x1FF00];
	v9 =	vor.u32 v9, v4  }
0x2a5: {  	v6 =	vld.idx.msk [tilespmem:v6+s29+$0x0], $0xffff  }
0x2a6: {  	v7 =	vld.idx.msk [tilespmem:v7+s29+$0x0], $0xffff;
	v12 =	vor.u32 v12, v4  }
0x2a7: {  	v8 =	vld.idx.msk [tilespmem:v8+s29+$0x0], $0xffff;
	v11 =	vor.u32 v11, v4  }
0x2a8: {  	v13 =	vor.u32 v13, v3;
	v10 =	vld.idx.msk [tilespmem:v10+s29+$0x0], $0xffff  }
0x2a9: {  	v14 =	vor.u32 v14, v3;
	v9 =	vld.idx.msk [tilespmem:v9+s29+$0x0], $0xffff  }
0x2aa: {  	v5 =	vld.idx.msk [tilespmem:v5+s29+$0x0], $0xffff  }
0x2ab: {  	v15 =	vor.u32 v15, v3;
	v12 =	vld.idx.msk [tilespmem:v12+s29+$0x0], $0xffff  }
0x2ac: {  	v11 =	vld.idx.msk [tilespmem:v11+s29+$0x0], $0xffff  }
0x2ad: {  	[tilespmem:v13+s2+$0x0] =	vst.idx.msk $0xffff, v6;
	v6 =	vld [tilespmem:$0x1FF10]  }
0x2ae: {  	[tilespmem:v14+s2+$0x0] =	vst.idx.msk $0xffff, v7;
	v7 =	vld [tilespmem:$0x1FF20];
	_ =	sdelay $0x1  }
0x2af: {  	v16 =	vor.u32 v16, v3;
	[tilespmem:v15+s2+$0x0] =	vst.idx.msk $0xffff, v8;
	v8 =	vld [tilespmem:$0x1FF30]  }
0x2b0: {  	v17 =	vor.u32 v17, v3  }
0x2b1: {  	v6 =	vor.u32 v6, v3  }
0x2b2: {  	v13 =	vld [tilespmem:$0x1FFC0];
	v7 =	vor.u32 v7, v3  }
0x2b3: {  	v14 =	vld [tilespmem:$0x1FFD0]  }
0x2b4: {  	[tilespmem:v16+s2+$0x0] =	vst.idx.msk $0xffff, v9;
	v9 =	vld [tilespmem:$0x1FF40];
	v8 =	vor.u32 v8, v3  }
0x2b5: {  	[tilespmem:v17+s2+$0x0] =	vst.idx.msk $0xffff, v5;
	v5 =	vld [tilespmem:$0x1FF50]  }
0x2b6: {  	[tilespmem:v6+s2+$0x0] =	vst.idx.msk $0xffff, v10;
	v10 =	vld [tilespmem:$0x1FF60]  }
0x2b7: {  	[tilespmem:v7+s2+$0x0] =	vst.idx.msk $0xffff, v11;
	v11 =	vld [tilespmem:$0x1FF70]  }
0x2b8: {  	v15 =	vld [tilespmem:$0x1FFE0]  }
0x2b9: {  	[tilespmem:v8+s2+$0x0] =	vst.idx.msk $0xffff, v12;
	v8 =	vld [tilespmem:$0x1FF80]  }
0x2ba: {  	v9 =	vor.u32 v9, v4;
	v12 =	vld [tilespmem:$0x1FFB0]  }
0x2bb: {  	v5 =	vor.u32 v5, v4;
	v6 =	vor.u32 v10, v4;
	v10 =	vld [tilespmem:$0x1FF90]  }
0x2bc: {  	v7 =	vor.u32 v11, v4;
	v11 =	vld [tilespmem:$0x1FFA0]  }
0x2bd: {  	v16 =	vld [tilespmem:$0x1FC20]  }
0x2be: {  	v17 =	vld [tilespmem:$0x1FC30];
	v8 =	vor.u32 v8, v4  }
0x2bf: {  	v9 =	vld.idx.msk [tilespmem:v9+s29+$0x0], $0xffff;
	v12 =	vor.u32 v12, v4  }
0x2c0: {  	v5 =	vld.idx.msk [tilespmem:v5+s29+$0x0], $0xffff;
	v10 =	vor.u32 v10, v4  }
0x2c1: {  	v6 =	vld.idx.msk [tilespmem:v6+s29+$0x0], $0xffff;
	v11 =	vor.u32 v11, v4  }
0x2c2: {  	v13 =	vor.u32 v13, v3;
	v7 =	vld.idx.msk [tilespmem:v7+s29+$0x0], $0xffff  }
0x2c3: {  	v8 =	vld.idx.msk [tilespmem:v8+s29+$0x0], $0xffff  }
0x2c4: {  	v14 =	vor.u32 v14, v3;
	v12 =	vld.idx.msk [tilespmem:v12+s29+$0x0], $0xffff  }
0x2c5: {  	v10 =	vld.idx.msk [tilespmem:v10+s29+$0x0], $0xffff  }
0x2c6: {  	v11 =	vld.idx.msk [tilespmem:v11+s29+$0x0], $0xffff  }
0x2c7: {  	v15 =	vor.u32 v15, v3;
	[tilespmem:v13+s2+$0x0] =	vst.idx.msk $0xffff, v9;
	v9 =	vld [tilespmem:$0x1FC40];
	_ =	sdelay $0x1  }
0x2c8: {  	[tilespmem:v14+s2+$0x0] =	vst.idx.msk $0xffff, v5;
	v5 =	vld [tilespmem:$0x1FC50]  }
0x2c9: {  	v16 =	vor.u32 v16, v3  }
0x2ca: {  	v17 =	vor.u32 v17, v3  }
0x2cb: {  	[tilespmem:v15+s2+$0x0] =	vst.idx.msk $0xffff, v6;
	v6 =	vld [tilespmem:$0x1FC60];
	v9 =	vor.u32 v9, v3;
	_ =	sdelay $0x1  }
0x2cc: {  	v13 =	vld [tilespmem:$0x1FB90];
	v5 =	vor.u32 v5, v3  }
0x2cd: {  	[tilespmem:v16+s2+$0x0] =	vst.idx.msk $0xffff, v7;
	v7 =	vld [tilespmem:$0x1FB10]  }
0x2ce: {  	[tilespmem:v17+s2+$0x0] =	vst.idx.msk $0xffff, v8;
	v8 =	vld [tilespmem:$0x1FB20]  }
0x2cf: {  	v6 =	vor.u32 v6, v3;
	[tilespmem:v9+s2+$0x0] =	vst.idx.msk $0xffff, v10;
	v9 =	vld [tilespmem:$0x1FB30]  }
0x2d0: {  	v10 =	vld [tilespmem:$0x1FB40]  }
0x2d1: {  	[tilespmem:v5+s2+$0x0] =	vst.idx.msk $0xffff, v11;
	v11 =	vld [tilespmem:$0x1FB50]  }
0x2d2: {  	v14 =	vld [tilespmem:$0x1FBA0]  }
0x2d3: {  	v15 =	vld [tilespmem:$0x1FBB0]  }
0x2d4: {  	v7 =	vor.u32 v7, v4;
	[tilespmem:v6+s2+$0x0] =	vst.idx.msk $0xffff, v12;
	v12 =	vld [tilespmem:$0x1FB80]  }
0x2d5: {  	v8 =	vor.u32 v8, v4;
	v5 =	vor.u32 v10, v4;
	v10 =	vld [tilespmem:$0x1FB60]  }
0x2d6: {  	v9 =	vor.u32 v9, v4;
	v6 =	vor.u32 v11, v4;
	v11 =	vld [tilespmem:$0x1FB70]  }
0x2d7: {  	v16 =	vld [tilespmem:$0x1FBC0]  }
0x2d8: {  	v17 =	vld [tilespmem:$0x1FBD0]  }
0x2d9: {  	v7 =	vld.idx.msk [tilespmem:v7+s29+$0x0], $0xffff;
	v12 =	vor.u32 v12, v4  }
0x2da: {  	v8 =	vld.idx.msk [tilespmem:v8+s29+$0x0], $0xffff;
	v10 =	vor.u32 v10, v4  }
0x2db: {  	v9 =	vld.idx.msk [tilespmem:v9+s29+$0x0], $0xffff;
	v11 =	vor.u32 v11, v4  }
0x2dc: {  	v13 =	vor.u32 v13, v3;
	v5 =	vld.idx.msk [tilespmem:v5+s29+$0x0], $0xffff  }
0x2dd: {  	v14 =	vor.u32 v14, v3;
	v6 =	vld.idx.msk [tilespmem:v6+s29+$0x0], $0xffff  }
0x2de: {  	v15 =	vor.u32 v15, v3;
	v12 =	vld.idx.msk [tilespmem:v12+s29+$0x0], $0xffff  }
0x2df: {  	v16 =	vor.u32 v16, v3;
	v10 =	vld.idx.msk [tilespmem:v10+s29+$0x0], $0xffff  }
0x2e0: {  	v17 =	vor.u32 v17, v3;
	v11 =	vld.idx.msk [tilespmem:v11+s29+$0x0], $0xffff  }
0x2e1: {  	[tilespmem:v13+s2+$0x0] =	vst.idx.msk $0xffff, v7;
	v7 =	vld [tilespmem:$0x1FBE0]  }
0x2e2: {  	[tilespmem:v14+s2+$0x0] =	vst.idx.msk $0xffff, v8;
	v8 =	vld [tilespmem:$0x1FBF0]  }
0x2e3: {  	[tilespmem:v15+s2+$0x0] =	vst.idx.msk $0xffff, v9;
	v9 =	vld [tilespmem:$0x1FC00]  }
0x2e4: {  	[tilespmem:v16+s2+$0x0] =	vst.idx.msk $0xffff, v5;
	v5 =	vld [tilespmem:$0x1FB00]  }
0x2e5: {  	[tilespmem:v17+s2+$0x0] =	vst.idx.msk $0xffff, v6;
	v6 =	vld [tilespmem:$0x1FAF0]  }
0x2e6: {  	v7 =	vor.u32 v7, v3  }
0x2e7: {  	v8 =	vor.u32 v8, v3  }
0x2e8: {  	v9 =	vor.u32 v9, v3  }
0x2e9: {  	v5 =	vor.u32 v5, v4  }
0x2ea: {  	v6 =	vor.u32 v6, v4  }
0x2eb: {  	[tilespmem:v7+s2+$0x0] =	vst.idx.msk $0xffff, v10;
	v7 =	vor.u32 v46, v4  }
0x2ec: {  	v10 =	vor.u32 v54, v4;
	[tilespmem:v8+s2+$0x0] =	vst.idx.msk $0xffff, v11  }
0x2ed: {  	v8 =	vor.u32 v42, v4;
	[tilespmem:v9+s2+$0x0] =	vst.idx.msk $0xffff, v12  }
0x2ee: {  	v11 =	vor.u32 v50, v4;
	v5 =	vld.idx.msk [tilespmem:v5+s29+$0x0], $0xffff  }
0x2ef: {  	v9 =	vor.u32 v47, v4;
	v6 =	vld.idx.msk [tilespmem:v6+s29+$0x0], $0xffff  }
0x2f0: {  	v13 =	vor.u32 v41, v3;
	v12 =	vor.u32 v55, v4;
	v7 =	vld.idx.msk [tilespmem:v7+s29+$0x0], $0xffff  }
0x2f1: {  	v14 =	vor.u32 v51, v3;
	v10 =	vld.idx.msk [tilespmem:v10+s29+$0x0], $0xffff  }
0x2f2: {  	v15 =	vor.u32 v43, v3;
	v8 =	vld.idx.msk [tilespmem:v8+s29+$0x0], $0xffff  }
0x2f3: {  	v16 =	vor.u32 v56, v3;
	v11 =	vld.idx.msk [tilespmem:v11+s29+$0x0], $0xffff  }
0x2f4: {  	v17 =	vor.u32 v48, v3;
	v9 =	vld.idx.msk [tilespmem:v9+s29+$0x0], $0xffff  }
0x2f5: {  	v12 =	vld.idx.msk [tilespmem:v12+s29+$0x0], $0xffff;
	[tilespmem:v13+s2+$0x0] =	vst.idx.msk $0xffff, v5;
	v5 =	vor.u32 v57, v3  }
0x2f6: {  	[tilespmem:v14+s2+$0x0] =	vst.idx.msk $0xffff, v6;
	v6 =	vor.u32 v44, v3  }
0x2f7: {  	[tilespmem:v15+s2+$0x0] =	vst.idx.msk $0xffff, v7;
	v7 =	vor.u32 v52, v3  }
0x2f8: {  	[tilespmem:v16+s2+$0x0] =	vst.idx.msk $0xffff, v8;
	v8 =	vor.u32 v49, v4  }
0x2f9: {  	[tilespmem:v17+s2+$0x0] =	vst.idx.msk $0xffff, v9;
	v9 =	vor.u32 v58, v4  }
0x2fa: {  	[tilespmem:v5+s2+$0x0] =	vst.idx.msk $0xffff, v10;
	v5 =	vor.u32 v53, v4  }
0x2fb: {  	v10 =	vor.u32 v61, v4;
	[tilespmem:v6+s2+$0x0] =	vst.idx.msk $0xffff, v11  }
0x2fc: {  	v6 =	vor.u32 v59, v4;
	[tilespmem:v7+s2+$0x0] =	vst.idx.msk $0xffff, v12  }
0x2fd: {  	v11 =	vor.u32 v62, v4;
	v8 =	vld.idx.msk [tilespmem:v8+s29+$0x0], $0xffff  }
0x2fe: {  	v7 =	vor.u32 v60, v4;
	v9 =	vld.idx.msk [tilespmem:v9+s29+$0x0], $0xffff  }
0x2ff: {  	v13 =	vor.u32 v0, v3;
	v12 =	vor.u32 v63, v4;
	v5 =	vld.idx.msk [tilespmem:v5+s29+$0x0], $0xffff  }
0x300: {  	v14 =	vor.u32 v2, v3;
	v10 =	vld.idx.msk [tilespmem:v10+s29+$0x0], $0xffff  }
0x301: {  	v15 =	vor.u32 v1, v3;
	v6 =	vld.idx.msk [tilespmem:v6+s29+$0x0], $0xffff  }
0x302: {  	v16 =	vor.u32 v18, v3;
	v11 =	vld.idx.msk [tilespmem:v11+s29+$0x0], $0xffff  }
0x303: {  	v17 =	vor.u32 v19, v3;
	v7 =	vld.idx.msk [tilespmem:v7+s29+$0x0], $0xffff  }
0x304: {  	v12 =	vld.idx.msk [tilespmem:v12+s29+$0x0], $0xffff;
	[tilespmem:v13+s2+$0x0] =	vst.idx.msk $0xffff, v8;
	v8 =	vor.u32 v20, v3  }
0x305: {  	[tilespmem:v14+s2+$0x0] =	vst.idx.msk $0xffff, v9;
	v9 =	vor.u32 v21, v3  }
0x306: {  	[tilespmem:v15+s2+$0x0] =	vst.idx.msk $0xffff, v5;
	v5 =	vor.u32 v22, v3  }
0x307: {  	[tilespmem:v16+s2+$0x0] =	vst.idx.msk $0xffff, v6;
	v6 =	vor.u32 v23, v4  }
0x308: {  	[tilespmem:v17+s2+$0x0] =	vst.idx.msk $0xffff, v7;
	v7 =	vor.u32 v24, v4  }
0x309: {  	[tilespmem:v8+s2+$0x0] =	vst.idx.msk $0xffff, v10;
	v8 =	vor.u32 v25, v4  }
0x30a: {  	v10 =	vor.u32 v28, v4;
	[tilespmem:v9+s2+$0x0] =	vst.idx.msk $0xffff, v11  }
0x30b: {  	v9 =	vor.u32 v26, v4;
	[tilespmem:v5+s2+$0x0] =	vst.idx.msk $0xffff, v12  }
0x30c: {  	v11 =	vor.u32 v29, v4;
	v6 =	vld.idx.msk [tilespmem:v6+s29+$0x0], $0xffff  }
0x30d: {  	v5 =	vor.u32 v27, v4;
	v7 =	vld.idx.msk [tilespmem:v7+s29+$0x0], $0xffff  }
0x30e: {  	v4 =	vor.u32 v30, v4;
	v12 =	vor.u32 v31, v3;
	v8 =	vld.idx.msk [tilespmem:v8+s29+$0x0], $0xffff  }
0x30f: {  	v13 =	vor.u32 v32, v3;
	v10 =	vld.idx.msk [tilespmem:v10+s29+$0x0], $0xffff  }
0x310: {  	v14 =	vor.u32 v33, v3;
	v9 =	vld.idx.msk [tilespmem:v9+s29+$0x0], $0xffff  }
0x311: {  	v15 =	vor.u32 v34, v3;
	v11 =	vld.idx.msk [tilespmem:v11+s29+$0x0], $0xffff  }
0x312: {  	v16 =	vor.u32 v35, v3;
	v5 =	vld.idx.msk [tilespmem:v5+s29+$0x0], $0xffff  }
0x313: {  	v4 =	vld.idx.msk [tilespmem:v4+s29+$0x0], $0xffff;
	[tilespmem:v12+s2+$0x0] =	vst.idx.msk $0xffff, v6;
	v6 =	vor.u32 v36, v3  }
0x314: {  	[tilespmem:v13+s2+$0x0] =	vst.idx.msk $0xffff, v7;
	v7 =	vor.u32 v37, v3  }
0x315: {  	p0 =	sne.s32 s25, $0xF;
	v3 =	vor.u32 v38, v3;
	[tilespmem:v14+s2+$0x0] =	vst.idx.msk $0xffff, v8  }
.Ltmp2:
0x316: {  	[tilespmem:v15+s2+$0x0] =	vst.idx.msk $0xffff, v9;
	(pc) =	sbr.rel @p0 .LBB2_7-.Ltmp2, $4  }
0x317: {  	[tilespmem:v16+s2+$0x0] =	vst.idx.msk $0xffff, v5  }
0x318: {  	[tilespmem:v6+s2+$0x0] =	vst.idx.msk $0xffff, v10  }
0x319: {  	v17 =	vld [tilespmem:$0x1FCE0];
	[tilespmem:v7+s2+$0x0] =	vst.idx.msk $0xffff, v11  }
0x31a: {  	s25 =	sadd.s32 $0x1, s25;
	v13 =	vld [tilespmem:$0x1FCC0];
	v16 =	vlaneseq.u32;
	[tilespmem:v3+s2+$0x0] =	vst.idx.msk $0xffff, v4  }
0x31b: {  	s9 =	sor.u32 s12, s24  }
0x31c: {  	s9 =	sshrl.u32 s9, $0x3  }
0x31d: {  	s10 =	sadd.s32 s1, s9  }
0x31e: {  	[hbm4b:s10+s3] =	stream.linear.scatter [tilespmem:s2], [sflag:$0x5], $0x800, $0x38;
	[tilespmem:$0x10200] =	vst v63  }
0x31f: {  	s23 =	simm.s32 $0x8A00;
	s17 =	sadd.s32 s9, s13  }
0x320: {  	[hbm4b:s17+s3] =	stream.linear.scatter [tilespmem:s23], [sflag:$0x5], $0x800, $0x38;
	[tilespmem:$0x10200] =	vst v63  }
0x321: {  	s24 =	simm.s32 $0x9200;
	s23 =	sadd.s32 s9, s14  }
0x322: {  	[hbm4b:s23+s3] =	stream.linear.scatter [tilespmem:s24], [sflag:$0x5], $0x800, $0x38;
	[tilespmem:$0x10200] =	vst v63  }
0x323: {  	s25 =	sadd.s32 s9, s15;
	s17 =	simm.s32 $0x9A00  }
0x324: {  	[hbm4b:s25+s3] =	stream.linear.scatter [tilespmem:s17], [sflag:$0x5], $0x800, $0x38;
	[tilespmem:$0x10200] =	vst v63  }
0x325: {  	s22 =	sadd.s32 $0x1, s22;
	s23 =	sadd.s32 s9, s16;
	s24 =	simm.s32 $0xA200  }
0x326: {  	[hbm4b:s23+s3] =	stream.linear.scatter [tilespmem:s24], [sflag:$0x5], $0x800, $0x38;
	[tilespmem:$0x10200] =	vst v63  }
0x327: {  	p0 =	sne.s32 s22, $0xC7;
	s25 =	sadd.s32 s9, s19;
	s17 =	simm.s32 $0xAA00  }
0x328: {  	[hbm4b:s25+s3] =	stream.linear.scatter [tilespmem:s17], [sflag:$0x5], $0x800, $0x38;
	[tilespmem:$0x10200] =	vst v63  }
.Ltmp3:
0x329: {  	_ = 	snop;
	(pc) =	sbr.rel @p0 .LBB2_4-.Ltmp3, $4  }
0x32a: {  	s23 =	sadd.s32 s9, s18;
	s24 =	simm.s32 $0xB200  }
0x32b: {  	[hbm4b:s23+s3] =	stream.linear.scatter [tilespmem:s24], [sflag:$0x5], $0x800, $0x38;
	[tilespmem:$0x10200] =	vst v63  }
0x32c: {  	s9 =	sadd.s32 s9, s6;
	s25 =	simm.s32 $0xBA00  }
0x32d: {  	[hbm4b:s9+s3] =	stream.linear.scatter [tilespmem:s25], [sflag:$0x5], $0x800, $0x38;
	[tilespmem:$0x10200] =	vst v63  }
0x32e: {  	_ =	swait.ge [sflag:s26], $0x100  }
0x32f: {  	[sflag:s26] =	ssyncset.done $0x0  }
0x330: {  	[sflag:s26] =	ssyncadd.s32 $0xFFFFFF00  }
0x331: {  	_ =	swait.ge [sflag:s7], $0x800  }
0x332: {  	[sflag:s7] =	ssyncset.done $0x0  }
0x333: {  	[sflag:s7] =	ssyncadd.s32 $0xFFFFF800  }
0x334: {  	_ =	swait.ge [sflag:s7], $0x800  }
0x335: {  	[sflag:s7] =	ssyncset.done $0x0  }
0x336: {  	[sflag:s7] =	ssyncadd.s32 $0xFFFFF800  }
0x337: {  	_ =	swait.ge [sflag:s7], $0x800  }
0x338: {  	[sflag:s7] =	ssyncset.done $0x0  }
0x339: {  	[sflag:s7] =	ssyncadd.s32 $0xFFFFF800  }
0x33a: {  	_ =	swait.ge [sflag:s7], $0x800  }
0x33b: {  	[sflag:s7] =	ssyncset.done $0x0  }
0x33c: {  	[sflag:s7] =	ssyncadd.s32 $0xFFFFF800  }
0x33d: {  	_ =	swait.ge [sflag:s7], $0x800  }
0x33e: {  	[sflag:s7] =	ssyncset.done $0x0  }
0x33f: {  	[sflag:s7] =	ssyncadd.s32 $0xFFFFF800  }
0x340: {  	_ =	swait.ge [sflag:s7], $0x800  }
0x341: {  	[sflag:s7] =	ssyncset.done $0x0  }
0x342: {  	[sflag:s7] =	ssyncadd.s32 $0xFFFFF800  }
0x343: {  	_ =	swait.ge [sflag:s7], $0x800  }
0x344: {  	[sflag:s7] =	ssyncset.done $0x0  }
0x345: {  	[sflag:s7] =	ssyncadd.s32 $0xFFFFF800  }
0x346: {  	_ =	swait.ge [sflag:s7], $0x800  }
0x347: {  	[sflag:s7] =	ssyncset.done $0x0  }
0x348: {  	s22 =	simm.s32 $0x0;
	[sflag:s7] =	ssyncadd.s32 $0xFFFFF800  }
0x349: {  	[tilespmem:s29], [sflag:$0x3] =	stream.indirect.gather [hbm4b:s5+s28], $0x40, s22, s28, $0xb8;
	[tilespmem:$0x10200] =	vst v63  }
0x34a: {  	_ =	swait.ge [sflag:s11], $0x4000  }
0x34b: {  	v8 =	vld [tilespmem:$0x1FDD0]  }
0x34c: {  	v14 =	vld [tilespmem:$0x1FE00]  }
0x34d: {  	v7 =	vld [tilespmem:$0x1FFF0]  }
0x34e: {  	v50 =	vld [tilespmem:$0x1FAE0]  }
0x34f: {  	v41 =	vld [tilespmem:$0x1FAD0]  }
0x350: {  	v42 =	vld [tilespmem:$0x1FAC0]  }
0x351: {  	v47 =	vld [tilespmem:$0x1FAB0]  }
0x352: {  	v51 =	vld [tilespmem:$0x1FAA0]  }
0x353: {  	v43 =	vld [tilespmem:$0x1FA90]  }
0x354: {  	v52 =	vld [tilespmem:$0x1FA80]  }
0x355: {  	v48 =	vld [tilespmem:$0x1FA70]  }
0x356: {  	v45 =	vld [tilespmem:$0x1FA60]  }
0x357: {  	v40 =	vld [tilespmem:$0x1FA50]  }
0x358: {  	v53 =	vld [tilespmem:$0x1FA40]  }
0x359: {  	v46 =	vld [tilespmem:$0x1FA30]  }
0x35a: {  	v54 =	vld [tilespmem:$0x1FA20]  }
0x35b: {  	v49 =	vld [tilespmem:$0x1FA10]  }
0x35c: {  	v44 =	vld [tilespmem:$0x1FA00]  }
0x35d: {  	v55 =	vld [tilespmem:$0x1F9F0]  }
0x35e: {  	v56 =	vld [tilespmem:$0x1F9E0]  }
0x35f: {  	v57 =	vld [tilespmem:$0x1F9D0]  }
0x360: {  	v58 =	vld [tilespmem:$0x1F9C0]  }
0x361: {  	v59 =	vld [tilespmem:$0x1F9B0]  }
0x362: {  	v60 =	vld [tilespmem:$0x1F9A0]  }
0x363: {  	v61 =	vld [tilespmem:$0x1F990]  }
0x364: {  	v62 =	vld [tilespmem:$0x1F980]  }
0x365: {  	v63 =	vld [tilespmem:$0x1F970]  }
0x366: {  	v0 =	vld [tilespmem:$0x1F960]  }
0x367: {  	v2 =	vld [tilespmem:$0x1F950]  }
0x368: {  	v1 =	vld [tilespmem:$0x1F940]  }
0x369: {  	v18 =	vld [tilespmem:$0x1F930]  }
0x36a: {  	v19 =	vld [tilespmem:$0x1F920]  }
0x36b: {  	v20 =	vld [tilespmem:$0x1F910]  }
0x36c: {  	v21 =	vld [tilespmem:$0x1F900]  }
0x36d: {  	v22 =	vld [tilespmem:$0x1F8F0]  }
0x36e: {  	v23 =	vld [tilespmem:$0x1F8E0]  }
0x36f: {  	v24 =	vld [tilespmem:$0x1F8D0]  }
0x370: {  	v25 =	vld [tilespmem:$0x1F8C0]  }
0x371: {  	v26 =	vld [tilespmem:$0x1F8B0]  }
0x372: {  	v27 =	vld [tilespmem:$0x1F8A0]  }
0x373: {  	v28 =	vld [tilespmem:$0x1F890]  }
0x374: {  	v29 =	vld [tilespmem:$0x1F880]  }
0x375: {  	v30 =	vld [tilespmem:$0x1F870]  }
0x376: {  	v31 =	vld [tilespmem:$0x1F860]  }
0x377: {  	v32 =	vld [tilespmem:$0x1F850]  }
0x378: {  	v33 =	vld [tilespmem:$0x1F840]  }
0x379: {  	[sflag:s11] =	ssyncset.done $0x0;
	v34 =	vld [tilespmem:$0x1F830]  }
0x37a: {  	s9 =	rddreg [dreg:$0xa];
	v35 =	vld [tilespmem:$0x1F820];
	[sflag:s11] =	ssyncadd.s32 $0xFFFFC000  }
0x37b: {  	v36 =	vld [tilespmem:$0x1F810];
	[tilespmem:s28], [sflag:$0x2] =	stream.linear.gather [hbm4b:s9+s22], $0x100, $0x38  }
.LBB2_10:
0x37c: {  	v3 =	vadd.s32 s22, v16;
	v6 =	vld [tilespmem:$0x1FC70]  }
0x37d: {  	v9 =	vld [tilespmem:$0x1FC90];
	v4 =	vand.u32 $0xF, v3  }
0x37e: {  	v11 =	vld [tilespmem:$0x1FCA0];
	v10 =	vshll.u32 v3, $0x8;
	v3 =	vshll.u32 v3, $0x7;
	v5 =	vor.u32 v7, v4  }
0x37f: {  	v38 =	vmovc v8;
	v12 =	vld [tilespmem:$0x1FCB0];
	v8 =	vor.u32 v8, v4;
	v10 =	vand.u32 $0x800, v10;
	v3 =	vand.u32 $0x380, v3  }
0x380: {  	v37 =	vmov v7;
	v7 =	vld [tilespmem:$0x1FC80];
	v3 =	vor.u32 v3, v10;
	v10 =	vor.u32 v13, v4  }
0x381: {  	v15 =	vld [tilespmem:$0x1FCD0];
	v6 =	vor.u32 v6, v4  }
0x382: {  	v13 =	vor.u32 v16, v3;
	v16 =	vor.u32 v17, v3;
	v17 =	vld [tilespmem:$0x1FC10];
	v9 =	vor.u32 v9, v4  }
0x383: {  	v11 =	vor.u32 v11, v4;
	v5 =	vld.idx.msk [tilespmem:v5+s31+$0x0], $0xffff  }
0x384: {  	v12 =	vor.u32 v12, v4;
	v8 =	vld.idx.msk [tilespmem:v8+s31+$0x0], $0xffff  }
0x385: {  	v7 =	vor.u32 v7, v4;
	v10 =	vld.idx.msk [tilespmem:v10+s31+$0x0], $0xffff  }
0x386: {  	v6 =	vld.idx.msk [tilespmem:v6+s31+$0x0], $0xffff  }
0x387: {  	v9 =	vld.idx.msk [tilespmem:v9+s31+$0x0], $0xffff  }
0x388: {  	v39 =	vmov v14;
	v14 =	vor.u32 v14, v3;
	v11 =	vld.idx.msk [tilespmem:v11+s31+$0x0], $0xffff  }
0x389: {  	v12 =	vld.idx.msk [tilespmem:v12+s31+$0x0], $0xffff  }
0x38a: {  	v15 =	vor.u32 v15, v3;
	v7 =	vld.idx.msk [tilespmem:v7+s31+$0x0], $0xffff  }
0x38b: {  	[tilespmem:v13+s8+$0x0] =	vst.idx.msk $0xffff, v5;
	v5 =	vld [tilespmem:$0x1FCF0];
	_ =	sdelay $0x1  }
0x38c: {  	[tilespmem:v14+s8+$0x0] =	vst.idx.msk $0xffff, v6;
	v6 =	vld [tilespmem:$0x1FD00];
	_ =	sdelay $0x1  }
0x38d: {  	v17 =	vor.u32 v17, v3;
	[tilespmem:v15+s8+$0x0] =	vst.idx.msk $0xffff, v7;
	v7 =	vld [tilespmem:$0x1FD10]  }
0x38e: {  	v13 =	vld [tilespmem:$0x1FDA0];
	v5 =	vor.u32 v5, v3  }
0x38f: {  	v14 =	vld [tilespmem:$0x1FE30]  }
0x390: {  	v15 =	vld [tilespmem:$0x1FDB0];
	v6 =	vor.u32 v6, v3  }
0x391: {  	[tilespmem:v16+s8+$0x0] =	vst.idx.msk $0xffff, v8;
	v8 =	vld [tilespmem:$0x1FD20]  }
0x392: {  	[tilespmem:v17+s8+$0x0] =	vst.idx.msk $0xffff, v9;
	v9 =	vld [tilespmem:$0x1FD30];
	v7 =	vor.u32 v7, v3  }
0x393: {  	[tilespmem:v5+s8+$0x0] =	vst.idx.msk $0xffff, v11;
	v5 =	vld [tilespmem:$0x1FD40]  }
0x394: {  	v11 =	vld [tilespmem:$0x1FD80]  }
0x395: {  	[tilespmem:v6+s8+$0x0] =	vst.idx.msk $0xffff, v12;
	v6 =	vld [tilespmem:$0x1FD50]  }
0x396: {  	v8 =	vor.u32 v8, v4;
	v12 =	vld [tilespmem:$0x1FD90]  }
0x397: {  	v9 =	vor.u32 v9, v4;
	[tilespmem:v7+s8+$0x0] =	vst.idx.msk $0xffff, v10;
	v7 =	vld [tilespmem:$0x1FD60]  }
0x398: {  	v5 =	vor.u32 v5, v4;
	v10 =	vld [tilespmem:$0x1FD70]  }
0x399: {  	v16 =	vld [tilespmem:$0x1FDC0];
	v11 =	vor.u32 v11, v4  }
0x39a: {  	v17 =	vld [tilespmem:$0x1FDE0];
	v6 =	vor.u32 v6, v4  }
0x39b: {  	v8 =	vld.idx.msk [tilespmem:v8+s31+$0x0], $0xffff;
	v12 =	vor.u32 v12, v4  }
0x39c: {  	v9 =	vld.idx.msk [tilespmem:v9+s31+$0x0], $0xffff;
	v7 =	vor.u32 v7, v4  }
0x39d: {  	v10 =	vor.u32 v10, v4;
	v5 =	vld.idx.msk [tilespmem:v5+s31+$0x0], $0xffff  }
0x39e: {  	v13 =	vor.u32 v13, v3;
	v11 =	vld.idx.msk [tilespmem:v11+s31+$0x0], $0xffff  }
0x39f: {  	v6 =	vld.idx.msk [tilespmem:v6+s31+$0x0], $0xffff  }
0x3a0: {  	v14 =	vor.u32 v14, v3;
	v12 =	vld.idx.msk [tilespmem:v12+s31+$0x0], $0xffff  }
0x3a1: {  	v7 =	vld.idx.msk [tilespmem:v7+s31+$0x0], $0xffff  }
0x3a2: {  	v15 =	vor.u32 v15, v3;
	v10 =	vld.idx.msk [tilespmem:v10+s31+$0x0], $0xffff  }
0x3a3: {  	[tilespmem:v13+s8+$0x0] =	vst.idx.msk $0xffff, v8;
	v8 =	vld [tilespmem:$0x1FE60];
	_ =	sdelay $0x1  }
0x3a4: {  	[tilespmem:v14+s8+$0x0] =	vst.idx.msk $0xffff, v9;
	v9 =	vld [tilespmem:$0x1FDF0]  }
0x3a5: {  	v16 =	vor.u32 v16, v3  }
0x3a6: {  	v17 =	vor.u32 v17, v3;
	[tilespmem:v15+s8+$0x0] =	vst.idx.msk $0xffff, v5;
	v5 =	vld [tilespmem:$0x1FE10]  }
0x3a7: {  	v13 =	vld [tilespmem:$0x1FEC0];
	v8 =	vor.u32 v8, v3  }
0x3a8: {  	v14 =	vld [tilespmem:$0x1FED0]  }
0x3a9: {  	v15 =	vld [tilespmem:$0x1FEE0];
	v9 =	vor.u32 v9, v3  }
0x3aa: {  	[tilespmem:v16+s8+$0x0] =	vst.idx.msk $0xffff, v6;
	v6 =	vld [tilespmem:$0x1FE20]  }
0x3ab: {  	[tilespmem:v17+s8+$0x0] =	vst.idx.msk $0xffff, v7;
	v7 =	vld [tilespmem:$0x1FE40];
	v5 =	vor.u32 v5, v3  }
0x3ac: {  	[tilespmem:v8+s8+$0x0] =	vst.idx.msk $0xffff, v10;
	v8 =	vld [tilespmem:$0x1FE50]  }
0x3ad: {  	v10 =	vld [tilespmem:$0x1FE90]  }
0x3ae: {  	[tilespmem:v9+s8+$0x0] =	vst.idx.msk $0xffff, v11;
	v9 =	vld [tilespmem:$0x1FE70]  }
0x3af: {  	v6 =	vor.u32 v6, v4;
	v11 =	vld [tilespmem:$0x1FEA0]  }
0x3b0: {  	v7 =	vor.u32 v7, v4;
	[tilespmem:v5+s8+$0x0] =	vst.idx.msk $0xffff, v12;
	v5 =	vld [tilespmem:$0x1FE80]  }
0x3b1: {  	v12 =	vld [tilespmem:$0x1FEB0];
	v8 =	vor.u32 v8, v4  }
0x3b2: {  	v16 =	vld [tilespmem:$0x1FEF0];
	v10 =	vor.u32 v10, v4  }
0x3b3: {  	v17 =	vld [tilespmem:$0x1FF00];
	v9 =	vor.u32 v9, v4  }
0x3b4: {  	v6 =	vld.idx.msk [tilespmem:v6+s31+$0x0], $0xffff;
	v11 =	vor.u32 v11, v4  }
0x3b5: {  	v7 =	vld.idx.msk [tilespmem:v7+s31+$0x0], $0xffff;
	v5 =	vor.u32 v5, v4  }
0x3b6: {  	v12 =	vor.u32 v12, v4;
	v8 =	vld.idx.msk [tilespmem:v8+s31+$0x0], $0xffff  }
0x3b7: {  	v13 =	vor.u32 v13, v3;
	v10 =	vld.idx.msk [tilespmem:v10+s31+$0x0], $0xffff  }
0x3b8: {  	v9 =	vld.idx.msk [tilespmem:v9+s31+$0x0], $0xffff  }
0x3b9: {  	v14 =	vor.u32 v14, v3;
	v11 =	vld.idx.msk [tilespmem:v11+s31+$0x0], $0xffff  }
0x3ba: {  	v5 =	vld.idx.msk [tilespmem:v5+s31+$0x0], $0xffff  }
0x3bb: {  	v15 =	vor.u32 v15, v3;
	v12 =	vld.idx.msk [tilespmem:v12+s31+$0x0], $0xffff  }
0x3bc: {  	[tilespmem:v13+s8+$0x0] =	vst.idx.msk $0xffff, v6;
	v6 =	vld [tilespmem:$0x1FF10];
	_ =	sdelay $0x1  }
0x3bd: {  	[tilespmem:v14+s8+$0x0] =	vst.idx.msk $0xffff, v7;
	v7 =	vld [tilespmem:$0x1FF20]  }
0x3be: {  	v16 =	vor.u32 v16, v3  }
0x3bf: {  	v17 =	vor.u32 v17, v3;
	[tilespmem:v15+s8+$0x0] =	vst.idx.msk $0xffff, v8;
	v8 =	vld [tilespmem:$0x1FF30]  }
0x3c0: {  	v13 =	vld [tilespmem:$0x1FFC0];
	v6 =	vor.u32 v6, v3  }
0x3c1: {  	v14 =	vld [tilespmem:$0x1FFD0]  }
0x3c2: {  	v15 =	vld [tilespmem:$0x1FFE0];
	v7 =	vor.u32 v7, v3  }
0x3c3: {  	[tilespmem:v16+s8+$0x0] =	vst.idx.msk $0xffff, v9;
	v9 =	vld [tilespmem:$0x1FF40]  }
0x3c4: {  	[tilespmem:v17+s8+$0x0] =	vst.idx.msk $0xffff, v5;
	v5 =	vld [tilespmem:$0x1FF50];
	v8 =	vor.u32 v8, v3  }
0x3c5: {  	[tilespmem:v6+s8+$0x0] =	vst.idx.msk $0xffff, v10;
	v6 =	vld [tilespmem:$0x1FF60]  }
0x3c6: {  	v10 =	vld [tilespmem:$0x1FF90]  }
0x3c7: {  	[tilespmem:v7+s8+$0x0] =	vst.idx.msk $0xffff, v11;
	v7 =	vld [tilespmem:$0x1FF70]  }
0x3c8: {  	v9 =	vor.u32 v9, v4;
	v11 =	vld [tilespmem:$0x1FFA0]  }
0x3c9: {  	v5 =	vor.u32 v5, v4;
	[tilespmem:v8+s8+$0x0] =	vst.idx.msk $0xffff, v12;
	v8 =	vld [tilespmem:$0x1FF80]  }
0x3ca: {  	v12 =	vld [tilespmem:$0x1FFB0];
	v6 =	vor.u32 v6, v4  }
0x3cb: {  	v16 =	vld [tilespmem:$0x1FC20];
	v10 =	vor.u32 v10, v4  }
0x3cc: {  	v17 =	vld [tilespmem:$0x1FC30];
	v7 =	vor.u32 v7, v4  }
0x3cd: {  	v9 =	vld.idx.msk [tilespmem:v9+s31+$0x0], $0xffff;
	v11 =	vor.u32 v11, v4  }
0x3ce: {  	v5 =	vld.idx.msk [tilespmem:v5+s31+$0x0], $0xffff;
	v8 =	vor.u32 v8, v4  }
0x3cf: {  	v12 =	vor.u32 v12, v4;
	v6 =	vld.idx.msk [tilespmem:v6+s31+$0x0], $0xffff  }
0x3d0: {  	v13 =	vor.u32 v13, v3;
	v10 =	vld.idx.msk [tilespmem:v10+s31+$0x0], $0xffff  }
0x3d1: {  	v7 =	vld.idx.msk [tilespmem:v7+s31+$0x0], $0xffff  }
0x3d2: {  	v14 =	vor.u32 v14, v3;
	v11 =	vld.idx.msk [tilespmem:v11+s31+$0x0], $0xffff  }
0x3d3: {  	v8 =	vld.idx.msk [tilespmem:v8+s31+$0x0], $0xffff  }
0x3d4: {  	v15 =	vor.u32 v15, v3;
	v12 =	vld.idx.msk [tilespmem:v12+s31+$0x0], $0xffff  }
0x3d5: {  	[tilespmem:v13+s8+$0x0] =	vst.idx.msk $0xffff, v9;
	v9 =	vld [tilespmem:$0x1FC40];
	_ =	sdelay $0x1  }
0x3d6: {  	[tilespmem:v14+s8+$0x0] =	vst.idx.msk $0xffff, v5;
	v5 =	vld [tilespmem:$0x1FC50]  }
0x3d7: {  	v16 =	vor.u32 v16, v3  }
0x3d8: {  	v17 =	vor.u32 v17, v3;
	[tilespmem:v15+s8+$0x0] =	vst.idx.msk $0xffff, v6;
	v6 =	vld [tilespmem:$0x1FC60]  }
0x3d9: {  	v13 =	vld [tilespmem:$0x1FB90];
	v9 =	vor.u32 v9, v3  }
0x3da: {  	v14 =	vld [tilespmem:$0x1FBA0]  }
0x3db: {  	v15 =	vld [tilespmem:$0x1FBB0];
	v5 =	vor.u32 v5, v3  }
0x3dc: {  	[tilespmem:v16+s8+$0x0] =	vst.idx.msk $0xffff, v7;
	v7 =	vld [tilespmem:$0x1FB10]  }
0x3dd: {  	[tilespmem:v17+s8+$0x0] =	vst.idx.msk $0xffff, v8;
	v8 =	vld [tilespmem:$0x1FB20];
	v6 =	vor.u32 v6, v3  }
0x3de: {  	[tilespmem:v9+s8+$0x0] =	vst.idx.msk $0xffff, v10;
	v9 =	vld [tilespmem:$0x1FB30]  }
0x3df: {  	v10 =	vld [tilespmem:$0x1FB60]  }
0x3e0: {  	[tilespmem:v5+s8+$0x0] =	vst.idx.msk $0xffff, v11;
	v5 =	vld [tilespmem:$0x1FB40]  }
0x3e1: {  	v7 =	vor.u32 v7, v4;
	v11 =	vld [tilespmem:$0x1FB70]  }
0x3e2: {  	v8 =	vor.u32 v8, v4;
	[tilespmem:v6+s8+$0x0] =	vst.idx.msk $0xffff, v12;
	v6 =	vld [tilespmem:$0x1FB50]  }
0x3e3: {  	v12 =	vld [tilespmem:$0x1FB80];
	v9 =	vor.u32 v9, v4  }
0x3e4: {  	v16 =	vld [tilespmem:$0x1FBC0];
	v10 =	vor.u32 v10, v4  }
0x3e5: {  	v17 =	vld [tilespmem:$0x1FBD0];
	v5 =	vor.u32 v5, v4  }
0x3e6: {  	v7 =	vld.idx.msk [tilespmem:v7+s31+$0x0], $0xffff;
	v11 =	vor.u32 v11, v4  }
0x3e7: {  	v8 =	vld.idx.msk [tilespmem:v8+s31+$0x0], $0xffff;
	v6 =	vor.u32 v6, v4  }
0x3e8: {  	v12 =	vor.u32 v12, v4;
	v9 =	vld.idx.msk [tilespmem:v9+s31+$0x0], $0xffff  }
0x3e9: {  	v13 =	vor.u32 v13, v3;
	v10 =	vld.idx.msk [tilespmem:v10+s31+$0x0], $0xffff  }
0x3ea: {  	v14 =	vor.u32 v14, v3;
	v5 =	vld.idx.msk [tilespmem:v5+s31+$0x0], $0xffff  }
0x3eb: {  	v15 =	vor.u32 v15, v3;
	v11 =	vld.idx.msk [tilespmem:v11+s31+$0x0], $0xffff  }
0x3ec: {  	v16 =	vor.u32 v16, v3;
	v6 =	vld.idx.msk [tilespmem:v6+s31+$0x0], $0xffff  }
0x3ed: {  	v17 =	vor.u32 v17, v3;
	v12 =	vld.idx.msk [tilespmem:v12+s31+$0x0], $0xffff  }
0x3ee: {  	[tilespmem:v13+s8+$0x0] =	vst.idx.msk $0xffff, v7;
	v7 =	vld [tilespmem:$0x1FBE0]  }
0x3ef: {  	[tilespmem:v14+s8+$0x0] =	vst.idx.msk $0xffff, v8;
	v8 =	vld [tilespmem:$0x1FBF0]  }
0x3f0: {  	[tilespmem:v15+s8+$0x0] =	vst.idx.msk $0xffff, v9;
	v9 =	vld [tilespmem:$0x1FC00]  }
0x3f1: {  	[tilespmem:v16+s8+$0x0] =	vst.idx.msk $0xffff, v5;
	v5 =	vld [tilespmem:$0x1FB00]  }
0x3f2: {  	[tilespmem:v17+s8+$0x0] =	vst.idx.msk $0xffff, v6;
	v6 =	vld [tilespmem:$0x1FAF0]  }
0x3f3: {  	v7 =	vor.u32 v7, v3  }
0x3f4: {  	v8 =	vor.u32 v8, v3  }
0x3f5: {  	v9 =	vor.u32 v9, v3  }
0x3f6: {  	v5 =	vor.u32 v5, v4  }
0x3f7: {  	v6 =	vor.u32 v6, v4  }
0x3f8: {  	[tilespmem:v7+s8+$0x0] =	vst.idx.msk $0xffff, v10;
	v7 =	vor.u32 v50, v4  }
0x3f9: {  	v10 =	vor.u32 v47, v4;
	[tilespmem:v8+s8+$0x0] =	vst.idx.msk $0xffff, v11  }
0x3fa: {  	v8 =	vor.u32 v41, v4;
	[tilespmem:v9+s8+$0x0] =	vst.idx.msk $0xffff, v12  }
0x3fb: {  	v11 =	vor.u32 v51, v4;
	v5 =	vld.idx.msk [tilespmem:v5+s31+$0x0], $0xffff  }
0x3fc: {  	v9 =	vor.u32 v42, v4;
	v6 =	vld.idx.msk [tilespmem:v6+s31+$0x0], $0xffff  }
0x3fd: {  	v13 =	vor.u32 v52, v3;
	v12 =	vor.u32 v43, v4;
	v7 =	vld.idx.msk [tilespmem:v7+s31+$0x0], $0xffff  }
0x3fe: {  	v14 =	vor.u32 v48, v3;
	v10 =	vld.idx.msk [tilespmem:v10+s31+$0x0], $0xffff  }
0x3ff: {  	v15 =	vor.u32 v45, v3;
	v8 =	vld.idx.msk [tilespmem:v8+s31+$0x0], $0xffff  }
0x400: {  	v16 =	vor.u32 v40, v3;
	v11 =	vld.idx.msk [tilespmem:v11+s31+$0x0], $0xffff  }
0x401: {  	v17 =	vor.u32 v53, v3;
	v9 =	vld.idx.msk [tilespmem:v9+s31+$0x0], $0xffff  }
0x402: {  	v12 =	vld.idx.msk [tilespmem:v12+s31+$0x0], $0xffff;
	[tilespmem:v13+s8+$0x0] =	vst.idx.msk $0xffff, v5;
	v5 =	vor.u32 v46, v3  }
0x403: {  	[tilespmem:v14+s8+$0x0] =	vst.idx.msk $0xffff, v6;
	v6 =	vor.u32 v54, v3  }
0x404: {  	[tilespmem:v15+s8+$0x0] =	vst.idx.msk $0xffff, v7;
	v7 =	vor.u32 v49, v3  }
0x405: {  	[tilespmem:v16+s8+$0x0] =	vst.idx.msk $0xffff, v8;
	v8 =	vor.u32 v44, v4  }
0x406: {  	[tilespmem:v17+s8+$0x0] =	vst.idx.msk $0xffff, v9;
	v9 =	vor.u32 v55, v4  }
0x407: {  	[tilespmem:v5+s8+$0x0] =	vst.idx.msk $0xffff, v10;
	v5 =	vor.u32 v56, v4  }
0x408: {  	v10 =	vor.u32 v59, v4;
	[tilespmem:v6+s8+$0x0] =	vst.idx.msk $0xffff, v11  }
0x409: {  	v6 =	vor.u32 v57, v4;
	[tilespmem:v7+s8+$0x0] =	vst.idx.msk $0xffff, v12  }
0x40a: {  	v11 =	vor.u32 v60, v4;
	v8 =	vld.idx.msk [tilespmem:v8+s31+$0x0], $0xffff  }
0x40b: {  	v7 =	vor.u32 v58, v4;
	v9 =	vld.idx.msk [tilespmem:v9+s31+$0x0], $0xffff  }
0x40c: {  	v13 =	vor.u32 v62, v3;
	v12 =	vor.u32 v61, v4;
	v5 =	vld.idx.msk [tilespmem:v5+s31+$0x0], $0xffff  }
0x40d: {  	v14 =	vor.u32 v63, v3;
	v10 =	vld.idx.msk [tilespmem:v10+s31+$0x0], $0xffff  }
0x40e: {  	v15 =	vor.u32 v0, v3;
	v6 =	vld.idx.msk [tilespmem:v6+s31+$0x0], $0xffff  }
0x40f: {  	v16 =	vor.u32 v2, v3;
	v11 =	vld.idx.msk [tilespmem:v11+s31+$0x0], $0xffff  }
0x410: {  	v17 =	vor.u32 v1, v3;
	v7 =	vld.idx.msk [tilespmem:v7+s31+$0x0], $0xffff  }
0x411: {  	v12 =	vld.idx.msk [tilespmem:v12+s31+$0x0], $0xffff;
	[tilespmem:v13+s8+$0x0] =	vst.idx.msk $0xffff, v8;
	v8 =	vor.u32 v18, v3  }
0x412: {  	[tilespmem:v14+s8+$0x0] =	vst.idx.msk $0xffff, v9;
	v9 =	vor.u32 v19, v3  }
0x413: {  	[tilespmem:v15+s8+$0x0] =	vst.idx.msk $0xffff, v5;
	v5 =	vor.u32 v20, v3  }
0x414: {  	[tilespmem:v16+s8+$0x0] =	vst.idx.msk $0xffff, v6;
	v6 =	vor.u32 v21, v4  }
0x415: {  	[tilespmem:v17+s8+$0x0] =	vst.idx.msk $0xffff, v7;
	v7 =	vor.u32 v22, v4  }
0x416: {  	[tilespmem:v8+s8+$0x0] =	vst.idx.msk $0xffff, v10;
	v8 =	vor.u32 v23, v4  }
0x417: {  	v10 =	vor.u32 v26, v4;
	[tilespmem:v9+s8+$0x0] =	vst.idx.msk $0xffff, v11  }
0x418: {  	v9 =	vor.u32 v24, v4;
	[tilespmem:v5+s8+$0x0] =	vst.idx.msk $0xffff, v12  }
0x419: {  	v11 =	vor.u32 v27, v4;
	v6 =	vld.idx.msk [tilespmem:v6+s31+$0x0], $0xffff  }
0x41a: {  	v5 =	vor.u32 v25, v4;
	v7 =	vld.idx.msk [tilespmem:v7+s31+$0x0], $0xffff  }
0x41b: {  	v4 =	vor.u32 v28, v4;
	v12 =	vor.u32 v29, v3;
	v8 =	vld.idx.msk [tilespmem:v8+s31+$0x0], $0xffff  }
0x41c: {  	v13 =	vor.u32 v30, v3;
	v10 =	vld.idx.msk [tilespmem:v10+s31+$0x0], $0xffff  }
0x41d: {  	v14 =	vor.u32 v31, v3;
	v9 =	vld.idx.msk [tilespmem:v9+s31+$0x0], $0xffff  }
0x41e: {  	v15 =	vor.u32 v32, v3;
	v11 =	vld.idx.msk [tilespmem:v11+s31+$0x0], $0xffff  }
0x41f: {  	v16 =	vor.u32 v33, v3;
	v5 =	vld.idx.msk [tilespmem:v5+s31+$0x0], $0xffff  }
0x420: {  	v4 =	vld.idx.msk [tilespmem:v4+s31+$0x0], $0xffff;
	[tilespmem:v12+s8+$0x0] =	vst.idx.msk $0xffff, v6;
	v6 =	vor.u32 v34, v3  }
0x421: {  	[tilespmem:v13+s8+$0x0] =	vst.idx.msk $0xffff, v7;
	v7 =	vor.u32 v35, v3  }
0x422: {  	p0 =	sne.s32 s22, $0xF;
	v3 =	vor.u32 v36, v3;
	[tilespmem:v14+s8+$0x0] =	vst.idx.msk $0xffff, v8  }
.Ltmp4:
0x423: {  	[tilespmem:v15+s8+$0x0] =	vst.idx.msk $0xffff, v9;
	(pc) =	sbr.rel @p0 .LBB2_10-.Ltmp4, $4  }
0x424: {  	[tilespmem:v16+s8+$0x0] =	vst.idx.msk $0xffff, v5  }
0x425: {  	[tilespmem:v6+s8+$0x0] =	vst.idx.msk $0xffff, v10  }
0x426: {  	v17 =	vld [tilespmem:$0x1FCE0];
	[tilespmem:v7+s8+$0x0] =	vst.idx.msk $0xffff, v11  }
0x427: {  	s22 =	sadd.s32 $0x1, s22;
	v13 =	vld [tilespmem:$0x1FCC0];
	v14 =	vmovc v39;
	v8 =	vmov v38;
	v16 =	vlaneseq.u32;
	v7 =	vmov v37;
	[tilespmem:v3+s8+$0x0] =	vst.idx.msk $0xffff, v4  }
0x428: {  	s22 =	simm.s32 $0x0;
	s9 =	rddreg [dreg:$0x9]  }
0x429: {  	[hbm4b:s9+s22] =	stream.linear.scatter [tilespmem:s8], [sflag:$0x6], $0x800, $0x38;
	[tilespmem:$0x10200] =	vst v63  }
0x42a: {  	s25 =	rddreg [dreg:$0xb];
	s10 =	simm.s32 $0xCA00  }
0x42b: {  	[hbm4b:s25+s22] =	stream.linear.scatter [tilespmem:s10], [sflag:$0x6], $0x800, $0x38;
	[tilespmem:$0x10200] =	vst v63  }
0x42c: {  	s17 =	rddreg [dreg:$0xe];
	s23 =	simm.s32 $0xD200  }
0x42d: {  	[hbm4b:s17+s22] =	stream.linear.scatter [tilespmem:s23], [sflag:$0x6], $0x800, $0x38;
	[tilespmem:$0x10200] =	vst v63  }
0x42e: {  	s24 =	rddreg [dreg:$0xf];
	s25 =	simm.s32 $0xDA00  }
0x42f: {  	[hbm4b:s24+s22] =	stream.linear.scatter [tilespmem:s25], [sflag:$0x6], $0x800, $0x38;
	[tilespmem:$0x10200] =	vst v63  }
0x430: {  	s17 =	rddreg [dreg:$0x11];
	s23 =	simm.s32 $0xE200  }
0x431: {  	[hbm4b:s17+s22] =	stream.linear.scatter [tilespmem:s23], [sflag:$0x6], $0x800, $0x38;
	[tilespmem:$0x10200] =	vst v63  }
0x432: {  	s24 =	rddreg [dreg:$0x12];
	s25 =	simm.s32 $0xEA00  }
0x433: {  	[hbm4b:s24+s22] =	stream.linear.scatter [tilespmem:s25], [sflag:$0x6], $0x800, $0x38;
	[tilespmem:$0x10200] =	vst v63  }
0x434: {  	s17 =	rddreg [dreg:$0x14];
	s23 =	simm.s32 $0xF200  }
0x435: {  	[hbm4b:s17+s22] =	stream.linear.scatter [tilespmem:s23], [sflag:$0x6], $0x800, $0x38;
	[tilespmem:$0x10200] =	vst v63  }
0x436: {  	s24 =	rddreg [dreg:$0x15];
	s25 =	simm.s32 $0xFA00  }
0x437: {  	[hbm4b:s24+s22] =	stream.linear.scatter [tilespmem:s25], [sflag:$0x6], $0x800, $0x38;
	[tilespmem:$0x10200] =	vst v63  }
0x438: {  	_ =	swait.ge [sflag:s30], $0x100  }
0x439: {  	[sflag:s30] =	ssyncset.done $0x0  }
0x43a: {  	[sflag:s30] =	ssyncadd.s32 $0xFFFFFF00  }
0x43b: {  	_ =	swait.ge [sflag:s20], $0x800  }
0x43c: {  	[sflag:s20] =	ssyncset.done $0x0  }
0x43d: {  	[sflag:s20] =	ssyncadd.s32 $0xFFFFF800  }
0x43e: {  	_ =	swait.ge [sflag:s20], $0x800  }
0x43f: {  	[sflag:s20] =	ssyncset.done $0x0  }
0x440: {  	[sflag:s20] =	ssyncadd.s32 $0xFFFFF800  }
0x441: {  	_ =	swait.ge [sflag:s20], $0x800  }
0x442: {  	[sflag:s20] =	ssyncset.done $0x0  }
0x443: {  	[sflag:s20] =	ssyncadd.s32 $0xFFFFF800  }
0x444: {  	_ =	swait.ge [sflag:s20], $0x800  }
0x445: {  	[sflag:s20] =	ssyncset.done $0x0  }
0x446: {  	[sflag:s20] =	ssyncadd.s32 $0xFFFFF800  }
0x447: {  	_ =	swait.ge [sflag:s20], $0x800  }
0x448: {  	[sflag:s20] =	ssyncset.done $0x0  }
0x449: {  	[sflag:s20] =	ssyncadd.s32 $0xFFFFF800  }
0x44a: {  	_ =	swait.ge [sflag:s20], $0x800  }
0x44b: {  	[sflag:s20] =	ssyncset.done $0x0  }
0x44c: {  	[sflag:s20] =	ssyncadd.s32 $0xFFFFF800  }
0x44d: {  	_ =	swait.ge [sflag:s20], $0x800  }
0x44e: {  	[sflag:s20] =	ssyncset.done $0x0  }
0x44f: {  	[sflag:s20] =	ssyncadd.s32 $0xFFFFF800  }
0x450: {  	_ =	swait.ge [sflag:s20], $0x800  }
0x451: {  	[sflag:s20] =	ssyncset.done $0x0  }
0x452: {  	[sflag:s20] =	ssyncadd.s32 $0xFFFFF800  }
0x453: {  	[tilespmem:s31], [sflag:$0x4] =	stream.indirect.gather [hbm4b:s5+s28], $0x40, s28, s28, $0xb8;
	[tilespmem:$0x10200] =	vst v63  }
0x454: {  	_ =	swait.ge [sflag:s0], $0x4000  }
0x455: {  	[sflag:s0] =	ssyncset.done $0x0  }
0x456: {  	[sflag:s0] =	ssyncadd.s32 $0xFFFFC000  }
.LBB2_12:
0x457: {  	v3 =	vadd.s32 s22, v16;
	v6 =	vld [tilespmem:$0x1FC70]  }
0x458: {  	v9 =	vld [tilespmem:$0x1FC90];
	v4 =	vand.u32 $0xF, v3  }
0x459: {  	v11 =	vld [tilespmem:$0x1FCA0];
	v10 =	vshll.u32 v3, $0x8;
	v3 =	vshll.u32 v3, $0x7;
	v5 =	vor.u32 v7, v4  }
0x45a: {  	v12 =	vld [tilespmem:$0x1FCB0];
	v8 =	vor.u32 v38, v4;
	v10 =	vand.u32 $0x800, v10;
	v3 =	vand.u32 $0x380, v3  }
0x45b: {  	v7 =	vld [tilespmem:$0x1FC80];
	v3 =	vor.u32 v3, v10;
	v10 =	vor.u32 v13, v4  }
0x45c: {  	v15 =	vld [tilespmem:$0x1FCD0];
	v6 =	vor.u32 v6, v4  }
0x45d: {  	v13 =	vor.u32 v16, v3;
	v16 =	vor.u32 v17, v3;
	v17 =	vld [tilespmem:$0x1FC10];
	v9 =	vor.u32 v9, v4  }
0x45e: {  	v11 =	vor.u32 v11, v4;
	v5 =	vld.idx.msk [tilespmem:v5+s29+$0x0], $0xffff  }
0x45f: {  	v12 =	vor.u32 v12, v4;
	v8 =	vld.idx.msk [tilespmem:v8+s29+$0x0], $0xffff  }
0x460: {  	v7 =	vor.u32 v7, v4;
	v10 =	vld.idx.msk [tilespmem:v10+s29+$0x0], $0xffff  }
0x461: {  	v6 =	vld.idx.msk [tilespmem:v6+s29+$0x0], $0xffff  }
0x462: {  	v9 =	vld.idx.msk [tilespmem:v9+s29+$0x0], $0xffff  }
0x463: {  	v14 =	vor.u32 v39, v3;
	v11 =	vld.idx.msk [tilespmem:v11+s29+$0x0], $0xffff  }
0x464: {  	v12 =	vld.idx.msk [tilespmem:v12+s29+$0x0], $0xffff  }
0x465: {  	v15 =	vor.u32 v15, v3;
	v7 =	vld.idx.msk [tilespmem:v7+s29+$0x0], $0xffff  }
0x466: {  	[tilespmem:v13+s2+$0x0] =	vst.idx.msk $0xffff, v5;
	v5 =	vld [tilespmem:$0x1FCF0];
	_ =	sdelay $0x1  }
0x467: {  	[tilespmem:v14+s2+$0x0] =	vst.idx.msk $0xffff, v6;
	v6 =	vld [tilespmem:$0x1FD00];
	_ =	sdelay $0x1  }
0x468: {  	v17 =	vor.u32 v17, v3;
	[tilespmem:v15+s2+$0x0] =	vst.idx.msk $0xffff, v7;
	v7 =	vld [tilespmem:$0x1FD10]  }
0x469: {  	v13 =	vld [tilespmem:$0x1FDA0];
	v5 =	vor.u32 v5, v3  }
0x46a: {  	v14 =	vld [tilespmem:$0x1FE30]  }
0x46b: {  	v15 =	vld [tilespmem:$0x1FDB0];
	v6 =	vor.u32 v6, v3  }
0x46c: {  	[tilespmem:v16+s2+$0x0] =	vst.idx.msk $0xffff, v8;
	v8 =	vld [tilespmem:$0x1FD20]  }
0x46d: {  	[tilespmem:v17+s2+$0x0] =	vst.idx.msk $0xffff, v9;
	v9 =	vld [tilespmem:$0x1FD30];
	v7 =	vor.u32 v7, v3  }
0x46e: {  	[tilespmem:v5+s2+$0x0] =	vst.idx.msk $0xffff, v11;
	v5 =	vld [tilespmem:$0x1FD40]  }
0x46f: {  	v11 =	vld [tilespmem:$0x1FD80]  }
0x470: {  	[tilespmem:v6+s2+$0x0] =	vst.idx.msk $0xffff, v12;
	v6 =	vld [tilespmem:$0x1FD50]  }
0x471: {  	v8 =	vor.u32 v8, v4;
	v12 =	vld [tilespmem:$0x1FD90]  }
0x472: {  	v9 =	vor.u32 v9, v4;
	[tilespmem:v7+s2+$0x0] =	vst.idx.msk $0xffff, v10;
	v7 =	vld [tilespmem:$0x1FD60]  }
0x473: {  	v5 =	vor.u32 v5, v4;
	v10 =	vld [tilespmem:$0x1FD70]  }
0x474: {  	v16 =	vld [tilespmem:$0x1FDC0];
	v11 =	vor.u32 v11, v4  }
0x475: {  	v17 =	vld [tilespmem:$0x1FDE0];
	v6 =	vor.u32 v6, v4  }
0x476: {  	v8 =	vld.idx.msk [tilespmem:v8+s29+$0x0], $0xffff;
	v12 =	vor.u32 v12, v4  }
0x477: {  	v9 =	vld.idx.msk [tilespmem:v9+s29+$0x0], $0xffff;
	v7 =	vor.u32 v7, v4  }
0x478: {  	v10 =	vor.u32 v10, v4;
	v5 =	vld.idx.msk [tilespmem:v5+s29+$0x0], $0xffff  }
0x479: {  	v13 =	vor.u32 v13, v3;
	v11 =	vld.idx.msk [tilespmem:v11+s29+$0x0], $0xffff  }
0x47a: {  	v6 =	vld.idx.msk [tilespmem:v6+s29+$0x0], $0xffff  }
0x47b: {  	v14 =	vor.u32 v14, v3;
	v12 =	vld.idx.msk [tilespmem:v12+s29+$0x0], $0xffff  }
0x47c: {  	v7 =	vld.idx.msk [tilespmem:v7+s29+$0x0], $0xffff  }
0x47d: {  	v15 =	vor.u32 v15, v3;
	v10 =	vld.idx.msk [tilespmem:v10+s29+$0x0], $0xffff  }
0x47e: {  	[tilespmem:v13+s2+$0x0] =	vst.idx.msk $0xffff, v8;
	v8 =	vld [tilespmem:$0x1FE60];
	_ =	sdelay $0x1  }
0x47f: {  	[tilespmem:v14+s2+$0x0] =	vst.idx.msk $0xffff, v9;
	v9 =	vld [tilespmem:$0x1FDF0]  }
0x480: {  	v16 =	vor.u32 v16, v3  }
0x481: {  	v17 =	vor.u32 v17, v3;
	[tilespmem:v15+s2+$0x0] =	vst.idx.msk $0xffff, v5;
	v5 =	vld [tilespmem:$0x1FE10]  }
0x482: {  	v13 =	vld [tilespmem:$0x1FEC0];
	v8 =	vor.u32 v8, v3  }
0x483: {  	v14 =	vld [tilespmem:$0x1FED0]  }
0x484: {  	v15 =	vld [tilespmem:$0x1FEE0];
	v9 =	vor.u32 v9, v3  }
0x485: {  	[tilespmem:v16+s2+$0x0] =	vst.idx.msk $0xffff, v6;
	v6 =	vld [tilespmem:$0x1FE20]  }
0x486: {  	[tilespmem:v17+s2+$0x0] =	vst.idx.msk $0xffff, v7;
	v7 =	vld [tilespmem:$0x1FE40];
	v5 =	vor.u32 v5, v3  }
0x487: {  	[tilespmem:v8+s2+$0x0] =	vst.idx.msk $0xffff, v10;
	v8 =	vld [tilespmem:$0x1FE50]  }
0x488: {  	v10 =	vld [tilespmem:$0x1FE90]  }
0x489: {  	[tilespmem:v9+s2+$0x0] =	vst.idx.msk $0xffff, v11;
	v9 =	vld [tilespmem:$0x1FE70]  }
0x48a: {  	v6 =	vor.u32 v6, v4;
	v11 =	vld [tilespmem:$0x1FEA0]  }
0x48b: {  	v7 =	vor.u32 v7, v4;
	[tilespmem:v5+s2+$0x0] =	vst.idx.msk $0xffff, v12;
	v5 =	vld [tilespmem:$0x1FE80]  }
0x48c: {  	v12 =	vld [tilespmem:$0x1FEB0];
	v8 =	vor.u32 v8, v4  }
0x48d: {  	v16 =	vld [tilespmem:$0x1FEF0];
	v10 =	vor.u32 v10, v4  }
0x48e: {  	v17 =	vld [tilespmem:$0x1FF00];
	v9 =	vor.u32 v9, v4  }
0x48f: {  	v6 =	vld.idx.msk [tilespmem:v6+s29+$0x0], $0xffff;
	v11 =	vor.u32 v11, v4  }
0x490: {  	v7 =	vld.idx.msk [tilespmem:v7+s29+$0x0], $0xffff;
	v5 =	vor.u32 v5, v4  }
0x491: {  	v12 =	vor.u32 v12, v4;
	v8 =	vld.idx.msk [tilespmem:v8+s29+$0x0], $0xffff  }
0x492: {  	v13 =	vor.u32 v13, v3;
	v10 =	vld.idx.msk [tilespmem:v10+s29+$0x0], $0xffff  }
0x493: {  	v9 =	vld.idx.msk [tilespmem:v9+s29+$0x0], $0xffff  }
0x494: {  	v14 =	vor.u32 v14, v3;
	v11 =	vld.idx.msk [tilespmem:v11+s29+$0x0], $0xffff  }
0x495: {  	v5 =	vld.idx.msk [tilespmem:v5+s29+$0x0], $0xffff  }
0x496: {  	v15 =	vor.u32 v15, v3;
	v12 =	vld.idx.msk [tilespmem:v12+s29+$0x0], $0xffff  }
0x497: {  	[tilespmem:v13+s2+$0x0] =	vst.idx.msk $0xffff, v6;
	v6 =	vld [tilespmem:$0x1FF10];
	_ =	sdelay $0x1  }
0x498: {  	[tilespmem:v14+s2+$0x0] =	vst.idx.msk $0xffff, v7;
	v7 =	vld [tilespmem:$0x1FF20]  }
0x499: {  	v16 =	vor.u32 v16, v3  }
0x49a: {  	v17 =	vor.u32 v17, v3;
	[tilespmem:v15+s2+$0x0] =	vst.idx.msk $0xffff, v8;
	v8 =	vld [tilespmem:$0x1FF30]  }
0x49b: {  	v13 =	vld [tilespmem:$0x1FFC0];
	v6 =	vor.u32 v6, v3  }
0x49c: {  	v14 =	vld [tilespmem:$0x1FFD0]  }
0x49d: {  	v15 =	vld [tilespmem:$0x1FFE0];
	v7 =	vor.u32 v7, v3  }
0x49e: {  	[tilespmem:v16+s2+$0x0] =	vst.idx.msk $0xffff, v9;
	v9 =	vld [tilespmem:$0x1FF40]  }
0x49f: {  	[tilespmem:v17+s2+$0x0] =	vst.idx.msk $0xffff, v5;
	v5 =	vld [tilespmem:$0x1FF50];
	v8 =	vor.u32 v8, v3  }
0x4a0: {  	[tilespmem:v6+s2+$0x0] =	vst.idx.msk $0xffff, v10;
	v6 =	vld [tilespmem:$0x1FF60]  }
0x4a1: {  	v10 =	vld [tilespmem:$0x1FF90]  }
0x4a2: {  	[tilespmem:v7+s2+$0x0] =	vst.idx.msk $0xffff, v11;
	v7 =	vld [tilespmem:$0x1FF70]  }
0x4a3: {  	v9 =	vor.u32 v9, v4;
	v11 =	vld [tilespmem:$0x1FFA0]  }
0x4a4: {  	v5 =	vor.u32 v5, v4;
	[tilespmem:v8+s2+$0x0] =	vst.idx.msk $0xffff, v12;
	v8 =	vld [tilespmem:$0x1FF80]  }
0x4a5: {  	v12 =	vld [tilespmem:$0x1FFB0];
	v6 =	vor.u32 v6, v4  }
0x4a6: {  	v16 =	vld [tilespmem:$0x1FC20];
	v10 =	vor.u32 v10, v4  }
0x4a7: {  	v17 =	vld [tilespmem:$0x1FC30];
	v7 =	vor.u32 v7, v4  }
0x4a8: {  	v9 =	vld.idx.msk [tilespmem:v9+s29+$0x0], $0xffff;
	v11 =	vor.u32 v11, v4  }
0x4a9: {  	v5 =	vld.idx.msk [tilespmem:v5+s29+$0x0], $0xffff;
	v8 =	vor.u32 v8, v4  }
0x4aa: {  	v12 =	vor.u32 v12, v4;
	v6 =	vld.idx.msk [tilespmem:v6+s29+$0x0], $0xffff  }
0x4ab: {  	v13 =	vor.u32 v13, v3;
	v10 =	vld.idx.msk [tilespmem:v10+s29+$0x0], $0xffff  }
0x4ac: {  	v7 =	vld.idx.msk [tilespmem:v7+s29+$0x0], $0xffff  }
0x4ad: {  	v14 =	vor.u32 v14, v3;
	v11 =	vld.idx.msk [tilespmem:v11+s29+$0x0], $0xffff  }
0x4ae: {  	v8 =	vld.idx.msk [tilespmem:v8+s29+$0x0], $0xffff  }
0x4af: {  	v15 =	vor.u32 v15, v3;
	v12 =	vld.idx.msk [tilespmem:v12+s29+$0x0], $0xffff  }
0x4b0: {  	[tilespmem:v13+s2+$0x0] =	vst.idx.msk $0xffff, v9;
	v9 =	vld [tilespmem:$0x1FC40];
	_ =	sdelay $0x1  }
0x4b1: {  	[tilespmem:v14+s2+$0x0] =	vst.idx.msk $0xffff, v5;
	v5 =	vld [tilespmem:$0x1FC50]  }
0x4b2: {  	v16 =	vor.u32 v16, v3  }
0x4b3: {  	v17 =	vor.u32 v17, v3;
	[tilespmem:v15+s2+$0x0] =	vst.idx.msk $0xffff, v6;
	v6 =	vld [tilespmem:$0x1FC60]  }
0x4b4: {  	v13 =	vld [tilespmem:$0x1FB90];
	v9 =	vor.u32 v9, v3  }
0x4b5: {  	v14 =	vld [tilespmem:$0x1FBA0]  }
0x4b6: {  	v15 =	vld [tilespmem:$0x1FBB0];
	v5 =	vor.u32 v5, v3  }
0x4b7: {  	[tilespmem:v16+s2+$0x0] =	vst.idx.msk $0xffff, v7;
	v7 =	vld [tilespmem:$0x1FB10]  }
0x4b8: {  	[tilespmem:v17+s2+$0x0] =	vst.idx.msk $0xffff, v8;
	v8 =	vld [tilespmem:$0x1FB20];
	v6 =	vor.u32 v6, v3  }
0x4b9: {  	[tilespmem:v9+s2+$0x0] =	vst.idx.msk $0xffff, v10;
	v9 =	vld [tilespmem:$0x1FB30]  }
0x4ba: {  	v10 =	vld [tilespmem:$0x1FB60]  }
0x4bb: {  	[tilespmem:v5+s2+$0x0] =	vst.idx.msk $0xffff, v11;
	v5 =	vld [tilespmem:$0x1FB40]  }
0x4bc: {  	v7 =	vor.u32 v7, v4;
	v11 =	vld [tilespmem:$0x1FB70]  }
0x4bd: {  	v8 =	vor.u32 v8, v4;
	[tilespmem:v6+s2+$0x0] =	vst.idx.msk $0xffff, v12;
	v6 =	vld [tilespmem:$0x1FB50]  }
0x4be: {  	v12 =	vld [tilespmem:$0x1FB80];
	v9 =	vor.u32 v9, v4  }
0x4bf: {  	v16 =	vld [tilespmem:$0x1FBC0];
	v10 =	vor.u32 v10, v4  }
0x4c0: {  	v17 =	vld [tilespmem:$0x1FBD0];
	v5 =	vor.u32 v5, v4  }
0x4c1: {  	v7 =	vld.idx.msk [tilespmem:v7+s29+$0x0], $0xffff;
	v11 =	vor.u32 v11, v4  }
0x4c2: {  	v8 =	vld.idx.msk [tilespmem:v8+s29+$0x0], $0xffff;
	v6 =	vor.u32 v6, v4  }
0x4c3: {  	v12 =	vor.u32 v12, v4;
	v9 =	vld.idx.msk [tilespmem:v9+s29+$0x0], $0xffff  }
0x4c4: {  	v13 =	vor.u32 v13, v3;
	v10 =	vld.idx.msk [tilespmem:v10+s29+$0x0], $0xffff  }
0x4c5: {  	v14 =	vor.u32 v14, v3;
	v5 =	vld.idx.msk [tilespmem:v5+s29+$0x0], $0xffff  }
0x4c6: {  	v15 =	vor.u32 v15, v3;
	v11 =	vld.idx.msk [tilespmem:v11+s29+$0x0], $0xffff  }
0x4c7: {  	v16 =	vor.u32 v16, v3;
	v6 =	vld.idx.msk [tilespmem:v6+s29+$0x0], $0xffff  }
0x4c8: {  	v17 =	vor.u32 v17, v3;
	v12 =	vld.idx.msk [tilespmem:v12+s29+$0x0], $0xffff  }
0x4c9: {  	[tilespmem:v13+s2+$0x0] =	vst.idx.msk $0xffff, v7;
	v7 =	vld [tilespmem:$0x1FBE0]  }
0x4ca: {  	[tilespmem:v14+s2+$0x0] =	vst.idx.msk $0xffff, v8;
	v8 =	vld [tilespmem:$0x1FBF0]  }
0x4cb: {  	[tilespmem:v15+s2+$0x0] =	vst.idx.msk $0xffff, v9;
	v9 =	vld [tilespmem:$0x1FC00]  }
0x4cc: {  	[tilespmem:v16+s2+$0x0] =	vst.idx.msk $0xffff, v5;
	v5 =	vld [tilespmem:$0x1FB00]  }
0x4cd: {  	[tilespmem:v17+s2+$0x0] =	vst.idx.msk $0xffff, v6;
	v6 =	vld [tilespmem:$0x1FAF0]  }
0x4ce: {  	v7 =	vor.u32 v7, v3  }
0x4cf: {  	v8 =	vor.u32 v8, v3  }
0x4d0: {  	v9 =	vor.u32 v9, v3  }
0x4d1: {  	v5 =	vor.u32 v5, v4  }
0x4d2: {  	v6 =	vor.u32 v6, v4  }
0x4d3: {  	[tilespmem:v7+s2+$0x0] =	vst.idx.msk $0xffff, v10;
	v7 =	vor.u32 v50, v4  }
0x4d4: {  	v10 =	vor.u32 v47, v4;
	[tilespmem:v8+s2+$0x0] =	vst.idx.msk $0xffff, v11  }
0x4d5: {  	v8 =	vor.u32 v41, v4;
	[tilespmem:v9+s2+$0x0] =	vst.idx.msk $0xffff, v12  }
0x4d6: {  	v11 =	vor.u32 v51, v4;
	v5 =	vld.idx.msk [tilespmem:v5+s29+$0x0], $0xffff  }
0x4d7: {  	v9 =	vor.u32 v42, v4;
	v6 =	vld.idx.msk [tilespmem:v6+s29+$0x0], $0xffff  }
0x4d8: {  	v13 =	vor.u32 v52, v3;
	v12 =	vor.u32 v43, v4;
	v7 =	vld.idx.msk [tilespmem:v7+s29+$0x0], $0xffff  }
0x4d9: {  	v14 =	vor.u32 v48, v3;
	v10 =	vld.idx.msk [tilespmem:v10+s29+$0x0], $0xffff  }
0x4da: {  	v15 =	vor.u32 v45, v3;
	v8 =	vld.idx.msk [tilespmem:v8+s29+$0x0], $0xffff  }
0x4db: {  	v16 =	vor.u32 v40, v3;
	v11 =	vld.idx.msk [tilespmem:v11+s29+$0x0], $0xffff  }
0x4dc: {  	v17 =	vor.u32 v53, v3;
	v9 =	vld.idx.msk [tilespmem:v9+s29+$0x0], $0xffff  }
0x4dd: {  	v12 =	vld.idx.msk [tilespmem:v12+s29+$0x0], $0xffff;
	[tilespmem:v13+s2+$0x0] =	vst.idx.msk $0xffff, v5;
	v5 =	vor.u32 v46, v3  }
0x4de: {  	[tilespmem:v14+s2+$0x0] =	vst.idx.msk $0xffff, v6;
	v6 =	vor.u32 v54, v3  }
0x4df: {  	[tilespmem:v15+s2+$0x0] =	vst.idx.msk $0xffff, v7;
	v7 =	vor.u32 v49, v3  }
0x4e0: {  	[tilespmem:v16+s2+$0x0] =	vst.idx.msk $0xffff, v8;
	v8 =	vor.u32 v44, v4  }
0x4e1: {  	[tilespmem:v17+s2+$0x0] =	vst.idx.msk $0xffff, v9;
	v9 =	vor.u32 v55, v4  }
0x4e2: {  	[tilespmem:v5+s2+$0x0] =	vst.idx.msk $0xffff, v10;
	v5 =	vor.u32 v56, v4  }
0x4e3: {  	v10 =	vor.u32 v59, v4;
	[tilespmem:v6+s2+$0x0] =	vst.idx.msk $0xffff, v11  }
0x4e4: {  	v6 =	vor.u32 v57, v4;
	[tilespmem:v7+s2+$0x0] =	vst.idx.msk $0xffff, v12  }
0x4e5: {  	v11 =	vor.u32 v60, v4;
	v8 =	vld.idx.msk [tilespmem:v8+s29+$0x0], $0xffff  }
0x4e6: {  	v7 =	vor.u32 v58, v4;
	v9 =	vld.idx.msk [tilespmem:v9+s29+$0x0], $0xffff  }
0x4e7: {  	v13 =	vor.u32 v62, v3;
	v12 =	vor.u32 v61, v4;
	v5 =	vld.idx.msk [tilespmem:v5+s29+$0x0], $0xffff  }
0x4e8: {  	v14 =	vor.u32 v63, v3;
	v10 =	vld.idx.msk [tilespmem:v10+s29+$0x0], $0xffff  }
0x4e9: {  	v15 =	vor.u32 v0, v3;
	v6 =	vld.idx.msk [tilespmem:v6+s29+$0x0], $0xffff  }
0x4ea: {  	v16 =	vor.u32 v2, v3;
	v11 =	vld.idx.msk [tilespmem:v11+s29+$0x0], $0xffff  }
0x4eb: {  	v17 =	vor.u32 v1, v3;
	v7 =	vld.idx.msk [tilespmem:v7+s29+$0x0], $0xffff  }
0x4ec: {  	v12 =	vld.idx.msk [tilespmem:v12+s29+$0x0], $0xffff;
	[tilespmem:v13+s2+$0x0] =	vst.idx.msk $0xffff, v8;
	v8 =	vor.u32 v18, v3  }
0x4ed: {  	[tilespmem:v14+s2+$0x0] =	vst.idx.msk $0xffff, v9;
	v9 =	vor.u32 v19, v3  }
0x4ee: {  	[tilespmem:v15+s2+$0x0] =	vst.idx.msk $0xffff, v5;
	v5 =	vor.u32 v20, v3  }
0x4ef: {  	[tilespmem:v16+s2+$0x0] =	vst.idx.msk $0xffff, v6;
	v6 =	vor.u32 v21, v4  }
0x4f0: {  	[tilespmem:v17+s2+$0x0] =	vst.idx.msk $0xffff, v7;
	v7 =	vor.u32 v22, v4  }
0x4f1: {  	[tilespmem:v8+s2+$0x0] =	vst.idx.msk $0xffff, v10;
	v8 =	vor.u32 v23, v4  }
0x4f2: {  	v10 =	vor.u32 v26, v4;
	[tilespmem:v9+s2+$0x0] =	vst.idx.msk $0xffff, v11  }
0x4f3: {  	v9 =	vor.u32 v24, v4;
	[tilespmem:v5+s2+$0x0] =	vst.idx.msk $0xffff, v12  }
0x4f4: {  	v11 =	vor.u32 v27, v4;
	v6 =	vld.idx.msk [tilespmem:v6+s29+$0x0], $0xffff  }
0x4f5: {  	v5 =	vor.u32 v25, v4;
	v7 =	vld.idx.msk [tilespmem:v7+s29+$0x0], $0xffff  }
0x4f6: {  	v4 =	vor.u32 v28, v4;
	v12 =	vor.u32 v29, v3;
	v8 =	vld.idx.msk [tilespmem:v8+s29+$0x0], $0xffff  }
0x4f7: {  	v13 =	vor.u32 v30, v3;
	v10 =	vld.idx.msk [tilespmem:v10+s29+$0x0], $0xffff  }
0x4f8: {  	v14 =	vor.u32 v31, v3;
	v9 =	vld.idx.msk [tilespmem:v9+s29+$0x0], $0xffff  }
0x4f9: {  	v15 =	vor.u32 v32, v3;
	v11 =	vld.idx.msk [tilespmem:v11+s29+$0x0], $0xffff  }
0x4fa: {  	v16 =	vor.u32 v33, v3;
	v5 =	vld.idx.msk [tilespmem:v5+s29+$0x0], $0xffff  }
0x4fb: {  	v4 =	vld.idx.msk [tilespmem:v4+s29+$0x0], $0xffff;
	[tilespmem:v12+s2+$0x0] =	vst.idx.msk $0xffff, v6;
	v6 =	vor.u32 v34, v3  }
0x4fc: {  	[tilespmem:v13+s2+$0x0] =	vst.idx.msk $0xffff, v7;
	v7 =	vor.u32 v35, v3  }
0x4fd: {  	p0 =	sne.s32 s22, $0xF;
	v3 =	vor.u32 v36, v3;
	[tilespmem:v14+s2+$0x0] =	vst.idx.msk $0xffff, v8  }
.Ltmp5:
0x4fe: {  	[tilespmem:v15+s2+$0x0] =	vst.idx.msk $0xffff, v9;
	(pc) =	sbr.rel @p0 .LBB2_12-.Ltmp5, $4  }
0x4ff: {  	[tilespmem:v16+s2+$0x0] =	vst.idx.msk $0xffff, v5  }
0x500: {  	[tilespmem:v6+s2+$0x0] =	vst.idx.msk $0xffff, v10  }
0x501: {  	v17 =	vld [tilespmem:$0x1FCE0];
	[tilespmem:v7+s2+$0x0] =	vst.idx.msk $0xffff, v11  }
0x502: {  	s22 =	sadd.s32 $0x1, s22;
	v13 =	vld [tilespmem:$0x1FCC0];
	v16 =	vlaneseq.u32;
	v7 =	vmov v37;
	[tilespmem:v3+s2+$0x0] =	vst.idx.msk $0xffff, v4  }
0x503: {  	s22 =	simm.s32 $0x0;
	s9 =	rddreg [dreg:$0x16]  }
0x504: {  	[hbm4b:s9+s22] =	stream.linear.scatter [tilespmem:s2], [sflag:$0x5], $0x800, $0x38;
	[tilespmem:$0x10200] =	vst v63  }
0x505: {  	s25 =	rddreg [dreg:$0x17];
	s10 =	simm.s32 $0x8A00  }
0x506: {  	[hbm4b:s25+s22] =	stream.linear.scatter [tilespmem:s10], [sflag:$0x5], $0x800, $0x38;
	[tilespmem:$0x10200] =	vst v63  }
0x507: {  	s17 =	rddreg [dreg:$0x18];
	s23 =	simm.s32 $0x9200  }
0x508: {  	[hbm4b:s17+s22] =	stream.linear.scatter [tilespmem:s23], [sflag:$0x5], $0x800, $0x38;
	[tilespmem:$0x10200] =	vst v63  }
0x509: {  	s24 =	rddreg [dreg:$0x19];
	s25 =	simm.s32 $0x9A00  }
0x50a: {  	[hbm4b:s24+s22] =	stream.linear.scatter [tilespmem:s25], [sflag:$0x5], $0x800, $0x38;
	[tilespmem:$0x10200] =	vst v63  }
0x50b: {  	s17 =	rddreg [dreg:$0x1a];
	s23 =	simm.s32 $0xA200  }
0x50c: {  	[hbm4b:s17+s22] =	stream.linear.scatter [tilespmem:s23], [sflag:$0x5], $0x800, $0x38;
	[tilespmem:$0x10200] =	vst v63  }
0x50d: {  	s24 =	rddreg [dreg:$0x1b];
	s25 =	simm.s32 $0xAA00  }
0x50e: {  	[hbm4b:s24+s22] =	stream.linear.scatter [tilespmem:s25], [sflag:$0x5], $0x800, $0x38;
	[tilespmem:$0x10200] =	vst v63  }
0x50f: {  	s17 =	rddreg [dreg:$0x1c];
	s23 =	simm.s32 $0xB200  }
0x510: {  	[hbm4b:s17+s22] =	stream.linear.scatter [tilespmem:s23], [sflag:$0x5], $0x800, $0x38;
	[tilespmem:$0x10200] =	vst v63  }
0x511: {  	s24 =	rddreg [dreg:$0x1d];
	s25 =	simm.s32 $0xBA00  }
0x512: {  	[hbm4b:s24+s22] =	stream.linear.scatter [tilespmem:s25], [sflag:$0x5], $0x800, $0x38;
	[tilespmem:$0x10200] =	vst v63  }
0x513: {  	_ =	swait.ge [sflag:s11], $0x4000  }
0x514: {  	[sflag:s11] =	ssyncset.done $0x0;
	v38 =	vld [tilespmem:$0x1FDE0]  }
0x515: {  	v39 =	vld [tilespmem:$0x1FE10];
	[sflag:s11] =	ssyncadd.s32 $0xFFFFC000  }
.LBB2_14:
0x516: {  	v6 =	vld [tilespmem:$0x1FC70]  }
0x517: {  	v8 =	vld [tilespmem:$0x1FDD0]  }
0x518: {  	v3 =	vadd.s32 s22, v16;
	v9 =	vld [tilespmem:$0x1FC90]  }
0x519: {  	v11 =	vld [tilespmem:$0x1FCA0];
	v4 =	vand.u32 $0xF, v3;
	v10 =	vshll.u32 v3, $0x8;
	v3 =	vshll.u32 v3, $0x7  }
0x51a: {  	v12 =	vld [tilespmem:$0x1FCB0];
	v5 =	vor.u32 v7, v4;
	v10 =	vand.u32 $0x800, v10;
	v3 =	vand.u32 $0x380, v3  }
0x51b: {  	v14 =	vld [tilespmem:$0x1FE00];
	v3 =	vor.u32 v3, v10;
	v10 =	vor.u32 v13, v4  }
0x51c: {  	v7 =	vld [tilespmem:$0x1FC80];
	v6 =	vor.u32 v6, v4  }
0x51d: {  	v15 =	vld [tilespmem:$0x1FCD0];
	v8 =	vor.u32 v8, v4  }
0x51e: {  	v13 =	vor.u32 v16, v3;
	v16 =	vor.u32 v17, v3;
	v17 =	vld [tilespmem:$0x1FC10];
	v9 =	vor.u32 v9, v4  }
0x51f: {  	v11 =	vor.u32 v11, v4;
	v5 =	vld.idx.msk [tilespmem:v5+s31+$0x0], $0xffff  }
0x520: {  	v12 =	vor.u32 v12, v4;
	v10 =	vld.idx.msk [tilespmem:v10+s31+$0x0], $0xffff  }
0x521: {  	v7 =	vor.u32 v7, v4;
	v6 =	vld.idx.msk [tilespmem:v6+s31+$0x0], $0xffff  }
0x522: {  	v8 =	vld.idx.msk [tilespmem:v8+s31+$0x0], $0xffff  }
0x523: {  	v9 =	vld.idx.msk [tilespmem:v9+s31+$0x0], $0xffff  }
0x524: {  	v14 =	vor.u32 v14, v3;
	v11 =	vld.idx.msk [tilespmem:v11+s31+$0x0], $0xffff  }
0x525: {  	v12 =	vld.idx.msk [tilespmem:v12+s31+$0x0], $0xffff  }
0x526: {  	v15 =	vor.u32 v15, v3;
	v7 =	vld.idx.msk [tilespmem:v7+s31+$0x0], $0xffff  }
0x527: {  	[tilespmem:v13+s8+$0x0] =	vst.idx.msk $0xffff, v5;
	v5 =	vld [tilespmem:$0x1FCF0];
	_ =	sdelay $0x1  }
0x528: {  	[tilespmem:v14+s8+$0x0] =	vst.idx.msk $0xffff, v6;
	v6 =	vld [tilespmem:$0x1FD00];
	_ =	sdelay $0x1  }
0x529: {  	v17 =	vor.u32 v17, v3;
	[tilespmem:v15+s8+$0x0] =	vst.idx.msk $0xffff, v7;
	v7 =	vld [tilespmem:$0x1FD10]  }
0x52a: {  	v5 =	vor.u32 v5, v3  }
0x52b: {  	v13 =	vld [tilespmem:$0x1FDA0]  }
0x52c: {  	v14 =	vld [tilespmem:$0x1FE30];
	v6 =	vor.u32 v6, v3  }
0x52d: {  	[tilespmem:v16+s8+$0x0] =	vst.idx.msk $0xffff, v8;
	v8 =	vld [tilespmem:$0x1FD20]  }
0x52e: {  	[tilespmem:v17+s8+$0x0] =	vst.idx.msk $0xffff, v9;
	v9 =	vld [tilespmem:$0x1FD30];
	v7 =	vor.u32 v7, v3  }
0x52f: {  	[tilespmem:v5+s8+$0x0] =	vst.idx.msk $0xffff, v11;
	v5 =	vld [tilespmem:$0x1FD40]  }
0x530: {  	v11 =	vld [tilespmem:$0x1FD80]  }
0x531: {  	[tilespmem:v6+s8+$0x0] =	vst.idx.msk $0xffff, v12;
	v6 =	vld [tilespmem:$0x1FD50]  }
0x532: {  	v8 =	vor.u32 v8, v4;
	v12 =	vld [tilespmem:$0x1FD90]  }
0x533: {  	v9 =	vor.u32 v9, v4;
	[tilespmem:v7+s8+$0x0] =	vst.idx.msk $0xffff, v10;
	v7 =	vld [tilespmem:$0x1FD60]  }
0x534: {  	v5 =	vor.u32 v5, v4;
	v10 =	vld [tilespmem:$0x1FD70]  }
0x535: {  	v15 =	vld [tilespmem:$0x1FDB0];
	v11 =	vor.u32 v11, v4  }
0x536: {  	v16 =	vld [tilespmem:$0x1FDC0];
	v6 =	vor.u32 v6, v4  }
0x537: {  	v8 =	vld.idx.msk [tilespmem:v8+s31+$0x0], $0xffff;
	v12 =	vor.u32 v12, v4  }
0x538: {  	v9 =	vld.idx.msk [tilespmem:v9+s31+$0x0], $0xffff;
	v7 =	vor.u32 v7, v4  }
0x539: {  	v10 =	vor.u32 v10, v4;
	v5 =	vld.idx.msk [tilespmem:v5+s31+$0x0], $0xffff  }
0x53a: {  	v13 =	vor.u32 v13, v3;
	v11 =	vld.idx.msk [tilespmem:v11+s31+$0x0], $0xffff  }
0x53b: {  	v6 =	vld.idx.msk [tilespmem:v6+s31+$0x0], $0xffff  }
0x53c: {  	v14 =	vor.u32 v14, v3;
	v12 =	vld.idx.msk [tilespmem:v12+s31+$0x0], $0xffff  }
0x53d: {  	v7 =	vld.idx.msk [tilespmem:v7+s31+$0x0], $0xffff  }
0x53e: {  	v10 =	vld.idx.msk [tilespmem:v10+s31+$0x0], $0xffff  }
0x53f: {  	[tilespmem:v13+s8+$0x0] =	vst.idx.msk $0xffff, v8;
	v8 =	vld [tilespmem:$0x1FE60];
	_ =	sdelay $0x1  }
0x540: {  	v15 =	vor.u32 v15, v3;
	[tilespmem:v14+s8+$0x0] =	vst.idx.msk $0xffff, v9;
	v9 =	vld [tilespmem:$0x1FDF0]  }
0x541: {  	v16 =	vor.u32 v16, v3  }
0x542: {  	v17 =	vor.u32 v38, v3  }
0x543: {  	v13 =	vld [tilespmem:$0x1FEC0];
	v8 =	vor.u32 v8, v3  }
0x544: {  	v14 =	vld [tilespmem:$0x1FED0]  }
0x545: {  	[tilespmem:v15+s8+$0x0] =	vst.idx.msk $0xffff, v5;
	v15 =	vld [tilespmem:$0x1FEE0];
	v9 =	vor.u32 v9, v3  }
0x546: {  	[tilespmem:v16+s8+$0x0] =	vst.idx.msk $0xffff, v6;
	v6 =	vld [tilespmem:$0x1FE20]  }
0x547: {  	v5 =	vor.u32 v39, v3;
	[tilespmem:v17+s8+$0x0] =	vst.idx.msk $0xffff, v7;
	v7 =	vld [tilespmem:$0x1FE40]  }
0x548: {  	[tilespmem:v8+s8+$0x0] =	vst.idx.msk $0xffff, v10;
	v8 =	vld [tilespmem:$0x1FE50]  }
0x549: {  	v10 =	vld [tilespmem:$0x1FE90]  }
0x54a: {  	[tilespmem:v9+s8+$0x0] =	vst.idx.msk $0xffff, v11;
	v9 =	vld [tilespmem:$0x1FE70]  }
0x54b: {  	v6 =	vor.u32 v6, v4;
	v11 =	vld [tilespmem:$0x1FEA0]  }
0x54c: {  	v7 =	vor.u32 v7, v4;
	[tilespmem:v5+s8+$0x0] =	vst.idx.msk $0xffff, v12;
	v5 =	vld [tilespmem:$0x1FE80]  }
0x54d: {  	v12 =	vld [tilespmem:$0x1FEB0];
	v8 =	vor.u32 v8, v4  }
0x54e: {  	v16 =	vld [tilespmem:$0x1FEF0];
	v10 =	vor.u32 v10, v4  }
0x54f: {  	v17 =	vld [tilespmem:$0x1FF00];
	v9 =	vor.u32 v9, v4  }
0x550: {  	v6 =	vld.idx.msk [tilespmem:v6+s31+$0x0], $0xffff;
	v11 =	vor.u32 v11, v4  }
0x551: {  	v7 =	vld.idx.msk [tilespmem:v7+s31+$0x0], $0xffff;
	v5 =	vor.u32 v5, v4  }
0x552: {  	v12 =	vor.u32 v12, v4;
	v8 =	vld.idx.msk [tilespmem:v8+s31+$0x0], $0xffff  }
0x553: {  	v13 =	vor.u32 v13, v3;
	v10 =	vld.idx.msk [tilespmem:v10+s31+$0x0], $0xffff  }
0x554: {  	v9 =	vld.idx.msk [tilespmem:v9+s31+$0x0], $0xffff  }
0x555: {  	v14 =	vor.u32 v14, v3;
	v11 =	vld.idx.msk [tilespmem:v11+s31+$0x0], $0xffff  }
0x556: {  	v5 =	vld.idx.msk [tilespmem:v5+s31+$0x0], $0xffff  }
0x557: {  	v15 =	vor.u32 v15, v3;
	v12 =	vld.idx.msk [tilespmem:v12+s31+$0x0], $0xffff  }
0x558: {  	[tilespmem:v13+s8+$0x0] =	vst.idx.msk $0xffff, v6;
	v6 =	vld [tilespmem:$0x1FF10];
	_ =	sdelay $0x1  }
0x559: {  	[tilespmem:v14+s8+$0x0] =	vst.idx.msk $0xffff, v7;
	v7 =	vld [tilespmem:$0x1FF20]  }
0x55a: {  	v16 =	vor.u32 v16, v3  }
0x55b: {  	v17 =	vor.u32 v17, v3;
	[tilespmem:v15+s8+$0x0] =	vst.idx.msk $0xffff, v8;
	v8 =	vld [tilespmem:$0x1FF30]  }
0x55c: {  	v13 =	vld [tilespmem:$0x1FFC0];
	v6 =	vor.u32 v6, v3  }
0x55d: {  	v14 =	vld [tilespmem:$0x1FFD0]  }
0x55e: {  	v15 =	vld [tilespmem:$0x1FFE0];
	v7 =	vor.u32 v7, v3  }
0x55f: {  	[tilespmem:v16+s8+$0x0] =	vst.idx.msk $0xffff, v9;
	v9 =	vld [tilespmem:$0x1FF40]  }
0x560: {  	[tilespmem:v17+s8+$0x0] =	vst.idx.msk $0xffff, v5;
	v5 =	vld [tilespmem:$0x1FF50];
	v8 =	vor.u32 v8, v3  }
0x561: {  	[tilespmem:v6+s8+$0x0] =	vst.idx.msk $0xffff, v10;
	v6 =	vld [tilespmem:$0x1FF60]  }
0x562: {  	v10 =	vld [tilespmem:$0x1FF90]  }
0x563: {  	[tilespmem:v7+s8+$0x0] =	vst.idx.msk $0xffff, v11;
	v7 =	vld [tilespmem:$0x1FF70]  }
0x564: {  	v9 =	vor.u32 v9, v4;
	v11 =	vld [tilespmem:$0x1FFA0]  }
0x565: {  	v5 =	vor.u32 v5, v4;
	[tilespmem:v8+s8+$0x0] =	vst.idx.msk $0xffff, v12;
	v8 =	vld [tilespmem:$0x1FF80]  }
0x566: {  	v12 =	vld [tilespmem:$0x1FFB0];
	v6 =	vor.u32 v6, v4  }
0x567: {  	v16 =	vld [tilespmem:$0x1FC20];
	v10 =	vor.u32 v10, v4  }
0x568: {  	v17 =	vld [tilespmem:$0x1FC30];
	v7 =	vor.u32 v7, v4  }
0x569: {  	v9 =	vld.idx.msk [tilespmem:v9+s31+$0x0], $0xffff;
	v11 =	vor.u32 v11, v4  }
0x56a: {  	v5 =	vld.idx.msk [tilespmem:v5+s31+$0x0], $0xffff;
	v8 =	vor.u32 v8, v4  }
0x56b: {  	v12 =	vor.u32 v12, v4;
	v6 =	vld.idx.msk [tilespmem:v6+s31+$0x0], $0xffff  }
0x56c: {  	v13 =	vor.u32 v13, v3;
	v10 =	vld.idx.msk [tilespmem:v10+s31+$0x0], $0xffff  }
0x56d: {  	v7 =	vld.idx.msk [tilespmem:v7+s31+$0x0], $0xffff  }
0x56e: {  	v14 =	vor.u32 v14, v3;
	v11 =	vld.idx.msk [tilespmem:v11+s31+$0x0], $0xffff  }
0x56f: {  	v8 =	vld.idx.msk [tilespmem:v8+s31+$0x0], $0xffff  }
0x570: {  	v15 =	vor.u32 v15, v3;
	v12 =	vld.idx.msk [tilespmem:v12+s31+$0x0], $0xffff  }
0x571: {  	[tilespmem:v13+s8+$0x0] =	vst.idx.msk $0xffff, v9;
	v9 =	vld [tilespmem:$0x1FC40];
	_ =	sdelay $0x1  }
0x572: {  	[tilespmem:v14+s8+$0x0] =	vst.idx.msk $0xffff, v5;
	v5 =	vld [tilespmem:$0x1FC50]  }
0x573: {  	v16 =	vor.u32 v16, v3  }
0x574: {  	v17 =	vor.u32 v17, v3;
	[tilespmem:v15+s8+$0x0] =	vst.idx.msk $0xffff, v6;
	v6 =	vld [tilespmem:$0x1FC60]  }
0x575: {  	v13 =	vld [tilespmem:$0x1FB90];
	v9 =	vor.u32 v9, v3  }
0x576: {  	v14 =	vld [tilespmem:$0x1FBA0]  }
0x577: {  	v15 =	vld [tilespmem:$0x1FBB0];
	v5 =	vor.u32 v5, v3  }
0x578: {  	[tilespmem:v16+s8+$0x0] =	vst.idx.msk $0xffff, v7;
	v7 =	vld [tilespmem:$0x1FB10]  }
0x579: {  	[tilespmem:v17+s8+$0x0] =	vst.idx.msk $0xffff, v8;
	v8 =	vld [tilespmem:$0x1FB20];
	v6 =	vor.u32 v6, v3  }
0x57a: {  	[tilespmem:v9+s8+$0x0] =	vst.idx.msk $0xffff, v10;
	v9 =	vld [tilespmem:$0x1FB30]  }
0x57b: {  	v10 =	vld [tilespmem:$0x1FB60]  }
0x57c: {  	[tilespmem:v5+s8+$0x0] =	vst.idx.msk $0xffff, v11;
	v5 =	vld [tilespmem:$0x1FB40]  }
0x57d: {  	v7 =	vor.u32 v7, v4;
	v11 =	vld [tilespmem:$0x1FB70]  }
0x57e: {  	v8 =	vor.u32 v8, v4;
	[tilespmem:v6+s8+$0x0] =	vst.idx.msk $0xffff, v12;
	v6 =	vld [tilespmem:$0x1FB50]  }
0x57f: {  	v12 =	vld [tilespmem:$0x1FB80];
	v9 =	vor.u32 v9, v4  }
0x580: {  	v16 =	vld [tilespmem:$0x1FBC0];
	v10 =	vor.u32 v10, v4  }
0x581: {  	v17 =	vld [tilespmem:$0x1FBD0];
	v5 =	vor.u32 v5, v4  }
0x582: {  	v7 =	vld.idx.msk [tilespmem:v7+s31+$0x0], $0xffff;
	v11 =	vor.u32 v11, v4  }
0x583: {  	v8 =	vld.idx.msk [tilespmem:v8+s31+$0x0], $0xffff;
	v6 =	vor.u32 v6, v4  }
0x584: {  	v12 =	vor.u32 v12, v4;
	v9 =	vld.idx.msk [tilespmem:v9+s31+$0x0], $0xffff  }
0x585: {  	v13 =	vor.u32 v13, v3;
	v10 =	vld.idx.msk [tilespmem:v10+s31+$0x0], $0xffff  }
0x586: {  	v14 =	vor.u32 v14, v3;
	v5 =	vld.idx.msk [tilespmem:v5+s31+$0x0], $0xffff  }
0x587: {  	v15 =	vor.u32 v15, v3;
	v11 =	vld.idx.msk [tilespmem:v11+s31+$0x0], $0xffff  }
0x588: {  	v16 =	vor.u32 v16, v3;
	v6 =	vld.idx.msk [tilespmem:v6+s31+$0x0], $0xffff  }
0x589: {  	v17 =	vor.u32 v17, v3;
	v12 =	vld.idx.msk [tilespmem:v12+s31+$0x0], $0xffff  }
0x58a: {  	[tilespmem:v13+s8+$0x0] =	vst.idx.msk $0xffff, v7;
	v7 =	vld [tilespmem:$0x1FBE0]  }
0x58b: {  	[tilespmem:v14+s8+$0x0] =	vst.idx.msk $0xffff, v8;
	v8 =	vld [tilespmem:$0x1FBF0]  }
0x58c: {  	[tilespmem:v15+s8+$0x0] =	vst.idx.msk $0xffff, v9;
	v9 =	vld [tilespmem:$0x1FC00]  }
0x58d: {  	[tilespmem:v16+s8+$0x0] =	vst.idx.msk $0xffff, v5;
	v5 =	vld [tilespmem:$0x1FB00]  }
0x58e: {  	[tilespmem:v17+s8+$0x0] =	vst.idx.msk $0xffff, v6;
	v6 =	vld [tilespmem:$0x1FAF0]  }
0x58f: {  	v7 =	vor.u32 v7, v3  }
0x590: {  	v8 =	vor.u32 v8, v3  }
0x591: {  	v9 =	vor.u32 v9, v3  }
0x592: {  	v5 =	vor.u32 v5, v4  }
0x593: {  	v6 =	vor.u32 v6, v4  }
0x594: {  	[tilespmem:v7+s8+$0x0] =	vst.idx.msk $0xffff, v10;
	v7 =	vor.u32 v50, v4  }
0x595: {  	v10 =	vor.u32 v47, v4;
	[tilespmem:v8+s8+$0x0] =	vst.idx.msk $0xffff, v11  }
0x596: {  	v8 =	vor.u32 v41, v4;
	[tilespmem:v9+s8+$0x0] =	vst.idx.msk $0xffff, v12  }
0x597: {  	v11 =	vor.u32 v51, v4;
	v5 =	vld.idx.msk [tilespmem:v5+s31+$0x0], $0xffff  }
0x598: {  	v9 =	vor.u32 v42, v4;
	v6 =	vld.idx.msk [tilespmem:v6+s31+$0x0], $0xffff  }
0x599: {  	v13 =	vor.u32 v52, v3;
	v12 =	vor.u32 v43, v4;
	v7 =	vld.idx.msk [tilespmem:v7+s31+$0x0], $0xffff  }
0x59a: {  	v14 =	vor.u32 v48, v3;
	v10 =	vld.idx.msk [tilespmem:v10+s31+$0x0], $0xffff  }
0x59b: {  	v15 =	vor.u32 v45, v3;
	v8 =	vld.idx.msk [tilespmem:v8+s31+$0x0], $0xffff  }
0x59c: {  	v16 =	vor.u32 v40, v3;
	v11 =	vld.idx.msk [tilespmem:v11+s31+$0x0], $0xffff  }
0x59d: {  	v17 =	vor.u32 v53, v3;
	v9 =	vld.idx.msk [tilespmem:v9+s31+$0x0], $0xffff  }
0x59e: {  	v12 =	vld.idx.msk [tilespmem:v12+s31+$0x0], $0xffff;
	[tilespmem:v13+s8+$0x0] =	vst.idx.msk $0xffff, v5;
	v5 =	vor.u32 v46, v3  }
0x59f: {  	[tilespmem:v14+s8+$0x0] =	vst.idx.msk $0xffff, v6;
	v6 =	vor.u32 v54, v3  }
0x5a0: {  	[tilespmem:v15+s8+$0x0] =	vst.idx.msk $0xffff, v7;
	v7 =	vor.u32 v49, v3  }
0x5a1: {  	[tilespmem:v16+s8+$0x0] =	vst.idx.msk $0xffff, v8;
	v8 =	vor.u32 v44, v4  }
0x5a2: {  	[tilespmem:v17+s8+$0x0] =	vst.idx.msk $0xffff, v9;
	v9 =	vor.u32 v55, v4  }
0x5a3: {  	[tilespmem:v5+s8+$0x0] =	vst.idx.msk $0xffff, v10;
	v5 =	vor.u32 v56, v4  }
0x5a4: {  	v10 =	vor.u32 v59, v4;
	[tilespmem:v6+s8+$0x0] =	vst.idx.msk $0xffff, v11  }
0x5a5: {  	v6 =	vor.u32 v57, v4;
	[tilespmem:v7+s8+$0x0] =	vst.idx.msk $0xffff, v12  }
0x5a6: {  	v11 =	vor.u32 v60, v4;
	v8 =	vld.idx.msk [tilespmem:v8+s31+$0x0], $0xffff  }
0x5a7: {  	v7 =	vor.u32 v58, v4;
	v9 =	vld.idx.msk [tilespmem:v9+s31+$0x0], $0xffff  }
0x5a8: {  	v13 =	vor.u32 v62, v3;
	v12 =	vor.u32 v61, v4;
	v5 =	vld.idx.msk [tilespmem:v5+s31+$0x0], $0xffff  }
0x5a9: {  	v14 =	vor.u32 v63, v3;
	v10 =	vld.idx.msk [tilespmem:v10+s31+$0x0], $0xffff  }
0x5aa: {  	v15 =	vor.u32 v0, v3;
	v6 =	vld.idx.msk [tilespmem:v6+s31+$0x0], $0xffff  }
0x5ab: {  	v16 =	vor.u32 v2, v3;
	v11 =	vld.idx.msk [tilespmem:v11+s31+$0x0], $0xffff  }
0x5ac: {  	v17 =	vor.u32 v1, v3;
	v7 =	vld.idx.msk [tilespmem:v7+s31+$0x0], $0xffff  }
0x5ad: {  	v12 =	vld.idx.msk [tilespmem:v12+s31+$0x0], $0xffff;
	[tilespmem:v13+s8+$0x0] =	vst.idx.msk $0xffff, v8;
	v8 =	vor.u32 v18, v3  }
0x5ae: {  	[tilespmem:v14+s8+$0x0] =	vst.idx.msk $0xffff, v9;
	v9 =	vor.u32 v19, v3  }
0x5af: {  	[tilespmem:v15+s8+$0x0] =	vst.idx.msk $0xffff, v5;
	v5 =	vor.u32 v20, v3  }
0x5b0: {  	[tilespmem:v16+s8+$0x0] =	vst.idx.msk $0xffff, v6;
	v6 =	vor.u32 v21, v4  }
0x5b1: {  	[tilespmem:v17+s8+$0x0] =	vst.idx.msk $0xffff, v7;
	v7 =	vor.u32 v22, v4  }
0x5b2: {  	[tilespmem:v8+s8+$0x0] =	vst.idx.msk $0xffff, v10;
	v8 =	vor.u32 v23, v4  }
0x5b3: {  	v10 =	vor.u32 v26, v4;
	[tilespmem:v9+s8+$0x0] =	vst.idx.msk $0xffff, v11  }
0x5b4: {  	v17 =	vld [tilespmem:$0x1FCE0];
	v9 =	vor.u32 v24, v4;
	[tilespmem:v5+s8+$0x0] =	vst.idx.msk $0xffff, v12  }
0x5b5: {  	v11 =	vor.u32 v27, v4;
	v6 =	vld.idx.msk [tilespmem:v6+s31+$0x0], $0xffff  }
0x5b6: {  	v5 =	vor.u32 v25, v4;
	v7 =	vld.idx.msk [tilespmem:v7+s31+$0x0], $0xffff  }
0x5b7: {  	v4 =	vor.u32 v28, v4;
	v12 =	vor.u32 v29, v3;
	v8 =	vld.idx.msk [tilespmem:v8+s31+$0x0], $0xffff  }
0x5b8: {  	v13 =	vor.u32 v30, v3;
	v10 =	vld.idx.msk [tilespmem:v10+s31+$0x0], $0xffff  }
0x5b9: {  	v14 =	vor.u32 v31, v3;
	v9 =	vld.idx.msk [tilespmem:v9+s31+$0x0], $0xffff  }
0x5ba: {  	v15 =	vor.u32 v32, v3;
	v11 =	vld.idx.msk [tilespmem:v11+s31+$0x0], $0xffff  }
0x5bb: {  	v16 =	vor.u32 v33, v3;
	v5 =	vld.idx.msk [tilespmem:v5+s31+$0x0], $0xffff  }
0x5bc: {  	v4 =	vld.idx.msk [tilespmem:v4+s31+$0x0], $0xffff;
	[tilespmem:v12+s8+$0x0] =	vst.idx.msk $0xffff, v6;
	v6 =	vor.u32 v34, v3  }
0x5bd: {  	v12 =	vld [tilespmem:$0x1FCB0];
	[tilespmem:v13+s8+$0x0] =	vst.idx.msk $0xffff, v7;
	v7 =	vor.u32 v35, v3  }
0x5be: {  	p0 =	sne.s32 s22, $0xF;
	v13 =	vld [tilespmem:$0x1FCC0];
	v3 =	vor.u32 v36, v3;
	[tilespmem:v14+s8+$0x0] =	vst.idx.msk $0xffff, v8  }
.Ltmp6:
0x5bf: {  	[tilespmem:v15+s8+$0x0] =	vst.idx.msk $0xffff, v9;
	v15 =	vld [tilespmem:$0x1FCD0];
	(pc) =	sbr.rel @p0 .LBB2_14-.Ltmp6, $4  }
0x5c0: {  	v9 =	vld [tilespmem:$0x1FC90];
	[tilespmem:v16+s8+$0x0] =	vst.idx.msk $0xffff, v5  }
0x5c1: {  	v5 =	vld [tilespmem:$0x1FC70];
	[tilespmem:v6+s8+$0x0] =	vst.idx.msk $0xffff, v10  }
0x5c2: {  	v6 =	vld [tilespmem:$0x1FC80];
	[tilespmem:v7+s8+$0x0] =	vst.idx.msk $0xffff, v11  }
0x5c3: {  	s22 =	sadd.s32 $0x1, s22;
	v16 =	vlaneseq.u32;
	v7 =	vmov v37;
	v11 =	vld [tilespmem:$0x1FCA0];
	[tilespmem:v3+s8+$0x0] =	vst.idx.msk $0xffff, v4  }
0x5c4: {  	s9 =	rddreg [dreg:$0x1e]  }
0x5c5: {  	s23 =	sld [smem:$0x7F5]  }
0x5c6: {  	[hbm4b:s9+s3] =	stream.linear.scatter [tilespmem:s8], [sflag:$0x6], $0x800, $0x38;
	[tilespmem:$0x10200] =	vst v63  }
0x5c7: {  	s10 =	simm.s32 $0xCA00;
	s24 =	sld [smem:$0x7F6]  }
0x5c8: {  	[hbm4b:s23+s3] =	stream.linear.scatter [tilespmem:s10], [sflag:$0x6], $0x800, $0x38;
	[tilespmem:$0x10200] =	vst v63  }
0x5c9: {  	s25 =	simm.s32 $0xD200;
	s10 =	sld [smem:$0x7F8]  }
0x5ca: {  	[hbm4b:s24+s3] =	stream.linear.scatter [tilespmem:s25], [sflag:$0x6], $0x800, $0x38;
	[tilespmem:$0x10200] =	vst v63  }
0x5cb: {  	s17 =	simm.s32 $0xDA00;
	s22 =	sld [smem:$0x7F9]  }
0x5cc: {  	[hbm4b:s10+s3] =	stream.linear.scatter [tilespmem:s17], [sflag:$0x6], $0x800, $0x38;
	[tilespmem:$0x10200] =	vst v63  }
0x5cd: {  	s23 =	simm.s32 $0xE200;
	s24 =	sld [smem:$0x7FB]  }
0x5ce: {  	[hbm4b:s22+s3] =	stream.linear.scatter [tilespmem:s23], [sflag:$0x6], $0x800, $0x38;
	[tilespmem:$0x10200] =	vst v63  }
0x5cf: {  	s25 =	simm.s32 $0xEA00;
	s10 =	sld [smem:$0x7FC]  }
0x5d0: {  	[hbm4b:s24+s3] =	stream.linear.scatter [tilespmem:s25], [sflag:$0x6], $0x800, $0x38;
	[tilespmem:$0x10200] =	vst v63  }
0x5d1: {  	s17 =	simm.s32 $0xF200;
	s22 =	sld [smem:$0x7FD]  }
0x5d2: {  	[hbm4b:s10+s3] =	stream.linear.scatter [tilespmem:s17], [sflag:$0x6], $0x800, $0x38;
	[tilespmem:$0x10200] =	vst v63  }
0x5d3: {  	s23 =	simm.s32 $0xFA00  }
0x5d4: {  	[hbm4b:s22+s3] =	stream.linear.scatter [tilespmem:s23], [sflag:$0x6], $0x800, $0x38;
	[tilespmem:$0x10200] =	vst v63  }
0x5d5: {  	_ =	swait.ge [sflag:s7], $0x800  }
0x5d6: {  	[sflag:s7] =	ssyncset.done $0x0  }
0x5d7: {  	[sflag:s7] =	ssyncadd.s32 $0xFFFFF800  }
0x5d8: {  	_ =	swait.ge [sflag:s7], $0x800  }
0x5d9: {  	[sflag:s7] =	ssyncset.done $0x0  }
0x5da: {  	[sflag:s7] =	ssyncadd.s32 $0xFFFFF800  }
0x5db: {  	_ =	swait.ge [sflag:s7], $0x800  }
0x5dc: {  	[sflag:s7] =	ssyncset.done $0x0  }
0x5dd: {  	[sflag:s7] =	ssyncadd.s32 $0xFFFFF800  }
0x5de: {  	_ =	swait.ge [sflag:s7], $0x800  }
0x5df: {  	[sflag:s7] =	ssyncset.done $0x0  }
0x5e0: {  	[sflag:s7] =	ssyncadd.s32 $0xFFFFF800  }
0x5e1: {  	_ =	swait.ge [sflag:s7], $0x800  }
0x5e2: {  	[sflag:s7] =	ssyncset.done $0x0  }
0x5e3: {  	[sflag:s7] =	ssyncadd.s32 $0xFFFFF800  }
0x5e4: {  	_ =	swait.ge [sflag:s7], $0x800  }
0x5e5: {  	[sflag:s7] =	ssyncset.done $0x0  }
0x5e6: {  	[sflag:s7] =	ssyncadd.s32 $0xFFFFF800  }
0x5e7: {  	_ =	swait.ge [sflag:s7], $0x800  }
0x5e8: {  	[sflag:s7] =	ssyncset.done $0x0  }
0x5e9: {  	[sflag:s7] =	ssyncadd.s32 $0xFFFFF800  }
0x5ea: {  	_ =	swait.ge [sflag:s7], $0x800  }
0x5eb: {  	[sflag:s7] =	ssyncset.done $0x0  }
0x5ec: {  	[sflag:s7] =	ssyncadd.s32 $0xFFFFF800  }
0x5ed: {  	_ =	swait.ge [sflag:s20], $0x800  }
0x5ee: {  	[sflag:s20] =	ssyncset.done $0x0  }
0x5ef: {  	[sflag:s20] =	ssyncadd.s32 $0xFFFFF800  }
0x5f0: {  	_ =	swait.ge [sflag:s20], $0x800  }
0x5f1: {  	[sflag:s20] =	ssyncset.done $0x0  }
0x5f2: {  	[sflag:s20] =	ssyncadd.s32 $0xFFFFF800  }
0x5f3: {  	_ =	swait.ge [sflag:s20], $0x800  }
0x5f4: {  	[sflag:s20] =	ssyncset.done $0x0  }
0x5f5: {  	[sflag:s20] =	ssyncadd.s32 $0xFFFFF800  }
0x5f6: {  	_ =	swait.ge [sflag:s20], $0x800  }
0x5f7: {  	[sflag:s20] =	ssyncset.done $0x0  }
0x5f8: {  	[sflag:s20] =	ssyncadd.s32 $0xFFFFF800  }
0x5f9: {  	_ =	swait.ge [sflag:s20], $0x800  }
0x5fa: {  	[sflag:s20] =	ssyncset.done $0x0  }
0x5fb: {  	[sflag:s20] =	ssyncadd.s32 $0xFFFFF800  }
0x5fc: {  	_ =	swait.ge [sflag:s20], $0x800  }
0x5fd: {  	[sflag:s20] =	ssyncset.done $0x0  }
0x5fe: {  	[sflag:s20] =	ssyncadd.s32 $0xFFFFF800  }
0x5ff: {  	_ =	swait.ge [sflag:s20], $0x800  }
0x600: {  	[sflag:s20] =	ssyncset.done $0x0  }
0x601: {  	[sflag:s20] =	ssyncadd.s32 $0xFFFFF800  }
0x602: {  	_ =	swait.ge [sflag:s20], $0x800  }
0x603: {  	s24 =	sld [smem:$0x7F3];
	_ =	sdelay $0x2  }
0x604: {  	s25 =	rddreg [dreg:$0xc];
	s10 =	sadd.s32 $0x1, s24  }
0x605: {  	p0 =	sne.s32 s10, s25  }
.Ltmp7:
0x606: {  	_ = 	snop;
	(pc) =	sbr.rel @p0 .LBB2_1-.Ltmp7, $3  }
0x607: {  	_ =	sdelay $0x1  }
0x608: {  	[sflag:s20] =	ssyncset.done $0x0  }
0x609: {  	[sflag:s20] =	ssyncadd.s32 $0xFFFFF800  }
0x60a: {  	_ =	sfence.sel $0x180000  }
0x60b: {  	[bflag:$0x0] =	sbarrier.arrive $0xFFFF  }
0x60c: {  	_ =	strace $0x90000047  }
0x60d: {  	s0 =	stileid.u32;
	[bflag:$0x2] =	sbarrier.arrive $0xFFFF  }
0x60e: {  	p0 =	sne.s32 s0, $0x0;
	s0 =	rddreg [dreg:$0x2]  }
0x60f: {  	s0 =	sadd.s32 @!p0 $0x100000, s0  }
0x610: {  	[sflag:s0] =	ssyncadd.tile.s32 @!p0 $0x1;
	_ =	shalt  }
.Lfunc_end2:
_tile_overlayer_lowered:
.L_overlay_start_2:
0x611: {  	(tag) =	ssettag $0x2  }
0x612: {  	s0 =	rddreg [dreg:$0x0];
	s2 =	stileid.u32  }
0x613: {  	s1 =	rddreg [dreg:$0x1];
	p0 =	sne.s32 s2, $0x0  }
0x614: {  	s3 =	rddreg [dreg:$0x2];
	[bflag:$0x3] =	sbarrier.arrive $0xFFFF;
	s2 =	simm.s32 @!p0 $0x1C07  }
0x615: {  	[timem:s3], [sflag:s2] =	dma.local @!p0 [hbm:s0], s1  }
0x616: {  	s0 =	simm.s32 @!p0 $0x7  }
0x617: {  	_ =	swait.ge @!p0 [sflag:s0], s1  }
0x618: {  	s1 =	ssub.s32 @!p0 $0x0, s1;
	[sflag:s0] =	ssyncset.done @!p0 $0x0  }
0x619: {  	[sflag:s0] =	ssyncadd.s32 @!p0 s1  }
0x61a: {  	[bflag:$0x3] =	sbarrier.arrive $0xFFFF  }
0x61b: {  	_ =	shalt  }

</sc_bundles>
